<compile_context>
chip_gen: v7x
topology: tpu7x:2x2x1
jax: 0.10.2.dev20260603
libtpu: 0.0.44.dev20260713+nightly
codegen_flags: <defaults>
</compile_context>

<pallas_src>
import jax
import jax.numpy as jnp
from jax import lax
from jax.experimental import pallas as pl
from jax.experimental.pallas import tpu as pltpu
from jax.experimental.pallas import tpu_sc as plsc

N = 10000
E = 320000
HID = 128
NPAD = 10112
NW = 32
EPW = 10240
WIN = 80
NWIN = EPW // WIN
RPT = NPAD // 16
NDEG = 10240
DPT = NDEG // 16

_mesh = plsc.VectorSubcoreMesh(core_axis_name="c", subcore_axis_name="s")


def _sc_deg_body(dstp, zdeg, deg_out, idx_d2, ones_v, deg_sh, sem):
    c = lax.axis_index("c")
    s = lax.axis_index("s")
    wid = s * 2 + c

    def fill_ones(i, carry):
        ones_v[pl.ds(i * 16, 16)] = jnp.ones((16,), jnp.float32)
        return carry

    lax.fori_loop(0, WIN // 16, fill_ones, 0)
    pltpu.sync_copy(dstp.at[wid], idx_d2)
    pltpu.sync_copy(zdeg.at[pl.ds(s * DPT, DPT)], deg_sh.at[pl.ds(s * DPT, DPT)])
    plsc.subcore_barrier()

    def chunk(i, carry):
        for j in range(8):
            pltpu.async_copy(ones_v, deg_sh.at[idx_d2.at[i * 8 + j]], sem,
                             add=True)
        for j in range(8):
            pltpu.make_async_copy(ones_v, deg_sh.at[idx_d2.at[i * 8 + j]],
                                  sem).wait()
        return carry

    lax.fori_loop(0, NWIN // 8, chunk, 0)
    plsc.subcore_barrier()
    pltpu.sync_copy(deg_sh.at[pl.ds(s * DPT, DPT)],
                    deg_out.at[pl.ds(c * NDEG + s * DPT, DPT)])


_sc_deg = pl.kernel(
    _sc_deg_body,
    out_type=jax.ShapeDtypeStruct((2 * NDEG,), jnp.float32),
    mesh=_mesh,
    scratch_types=[
        pltpu.VMEM((NWIN, WIN), jnp.int32),
        pltpu.VMEM((WIN,), jnp.float32),
        pltpu.VMEM_SHARED((NDEG,), jnp.float32),
        pltpu.SemaphoreType.DMA,
    ],
)

_NB = 4


def _sc_prop_body(srcp, dstp, h, zrows, out,
                  idx_s, idx_d, rows, acc_sh, gsem, isem):
    c = lax.axis_index("c")
    s = lax.axis_index("s")
    wid = s * 2 + c

    def fetch_idx(w, q):
        pltpu.async_copy(srcp.at[wid, w], idx_s.at[q], isem)
        pltpu.async_copy(dstp.at[wid, w], idx_d.at[q], isem)

    def wait_idx(q):
        pltpu.make_async_copy(srcp.at[wid, 0], idx_s.at[q], isem).wait()
        pltpu.make_async_copy(dstp.at[wid, 0], idx_d.at[q], isem).wait()

    def start_gather(q):
        pltpu.async_copy(h.at[idx_s.at[q]], rows.at[q], gsem)

    def wait_gather(q):
        pltpu.make_async_copy(h.at[idx_s.at[q]], rows.at[q], gsem).wait()

    def scatter(q):
        pltpu.sync_copy(rows.at[q], acc_sh.at[idx_d.at[q]], add=True)

    pltpu.sync_copy(zrows.at[pl.ds(s * RPT, RPT), :],
                    acc_sh.at[pl.ds(s * RPT, RPT), :])
    for q in range(_NB):
        fetch_idx(q, q)
    for q in range(_NB - 1):
        wait_idx(q)
        start_gather(q)
    plsc.subcore_barrier()

    def step(i, carry):
        for u in range(_NB):
            w = i * _NB + u

            @pl.when(w + _NB - 1 < NWIN)
            def _():
                qn = (u + _NB - 1) % _NB

                @pl.when(w >= 1)
                def _():
                    fetch_idx(w + _NB - 1, qn)
                wait_idx(qn)
                start_gather(qn)

            wait_gather(u)
            scatter(u)
        return carry

    lax.fori_loop(0, NWIN // _NB, step, 0)
    plsc.subcore_barrier()
    pltpu.sync_copy(acc_sh.at[pl.ds(s * RPT, RPT), :],
                    out.at[pl.ds(c * NPAD + s * RPT, RPT), :])


_sc_prop = pl.kernel(
    _sc_prop_body,
    out_type=jax.ShapeDtypeStruct((2 * NPAD, HID), jnp.float32),
    mesh=_mesh,
    scratch_types=[
        pltpu.VMEM((_NB, WIN), jnp.int32),
        pltpu.VMEM((_NB, WIN), jnp.int32),
        pltpu.VMEM((_NB, WIN, HID), jnp.float32),
        pltpu.VMEM_SHARED((NPAD, HID), jnp.float32),
        pltpu.SemaphoreType.DMA,
        pltpu.SemaphoreType.DMA,
    ],
)


def _tc_b_body(x_ref, w_ref, deg_ref, dis_ref, hs_ref):
    deg = deg_ref[0, :] + deg_ref[1, :] + 1.0
    dis = lax.rsqrt(deg)
    hl = lax.dot_general(x_ref[...], w_ref[...], (((1,), (1,)), ((), ())),
                         preferred_element_type=jnp.float32)
    dis_ref[...] = dis
    hs_ref[...] = hl * dis[:, None]


def _tc_c_body(acc_ref, hs1_ref, dis_ref, b_ref, a_ref, hg_ref, hs2_ref):
    dis = dis_ref[...]
    ssum = acc_ref[0] + acc_ref[1] + hs1_ref[...]
    h = ssum * dis[:, None] + b_ref[...][None, :]
    a = a_ref[0, 0]
    hg = jnp.where(h >= 0, h, a * h)
    hg_ref[...] = hg
    hs2_ref[...] = hg * dis[:, None]


def _tc_d_body(acc_ref, hs2_ref, dis_ref, wc_ref, bc_ref, al_ref, eps_ref,
               rm_ref, rb_ref, mu_ref, lv_ref, hk_ref, r_ref):
    dis = dis_ref[...]
    g = (acc_ref[0] + acc_ref[1] + hs2_ref[...]) * dis[:, None]
    z = lax.dot_general(g, wc_ref[...], (((1,), (1,)), ((), ())),
                        preferred_element_type=jnp.float32)
    z = z + bc_ref[...][None, :]
    p = jnp.where(z >= 0, z, al_ref[...][None, :] * z)
    m = p[:, :256]
    lv = jax.nn.sigmoid(p[:, 256:])
    std = jnp.exp(0.5 * lv)
    hk = eps_ref[...] * std + m
    mu_ref[...] = m
    lv_ref[...] = lv
    hk_ref[...] = hk
    rlog = jnp.dot(hk, rm_ref[...], preferred_element_type=jnp.float32)
    r_ref[...] = jax.nn.sigmoid(rlog + rb_ref[...])


_BR = 128
_GRID = NPAD // _BR


def _tc_b(x_p, w1, deg2):
    return pl.pallas_call(
        _tc_b_body,
        grid=(_GRID,),
        in_specs=[
            pl.BlockSpec((_BR, HID), lambda i: (i, 0)),
            pl.BlockSpec((HID, HID), lambda i: (0, 0)),
            pl.BlockSpec((2, _BR), lambda i: (0, i)),
        ],
        out_specs=[
            pl.BlockSpec((_BR,), lambda i: (i,)),
            pl.BlockSpec((_BR, HID), lambda i: (i, 0)),
        ],
        out_shape=[
            jax.ShapeDtypeStruct((NPAD,), jnp.float32),
            jax.ShapeDtypeStruct((NPAD, HID), jnp.float32),
        ],
    )(x_p, w1, deg2)


def _tc_c(acc1, hs1, dis, b1, a1):
    return pl.pallas_call(
        _tc_c_body,
        grid=(_GRID,),
        in_specs=[
            pl.BlockSpec((2, _BR, HID), lambda i: (0, i, 0)),
            pl.BlockSpec((_BR, HID), lambda i: (i, 0)),
            pl.BlockSpec((_BR,), lambda i: (i,)),
            pl.BlockSpec((HID,), lambda i: (0,)),
            pl.BlockSpec((1, 1), lambda i: (0, 0)),
        ],
        out_specs=[
            pl.BlockSpec((_BR, HID), lambda i: (i, 0)),
            pl.BlockSpec((_BR, HID), lambda i: (i, 0)),
        ],
        out_shape=[
            jax.ShapeDtypeStruct((NPAD, HID), jnp.float32),
            jax.ShapeDtypeStruct((NPAD, HID), jnp.float32),
        ],
    )(acc1, hs1, dis, b1, a1)


def _tc_d(acc2, hs2, dis, wcat, bcat, alpha, eps, rmask, rb):
    return pl.pallas_call(
        _tc_d_body,
        grid=(_GRID,),
        in_specs=[
            pl.BlockSpec((2, _BR, HID), lambda i: (0, i, 0)),
            pl.BlockSpec((_BR, HID), lambda i: (i, 0)),
            pl.BlockSpec((_BR,), lambda i: (i,)),
            pl.BlockSpec((512, HID), lambda i: (0, 0)),
            pl.BlockSpec((512,), lambda i: (0,)),
            pl.BlockSpec((512,), lambda i: (0,)),
            pl.BlockSpec((_BR, 256), lambda i: (i, 0)),
            pl.BlockSpec((256, 4), lambda i: (0, 0)),
            pl.BlockSpec((1, 4), lambda i: (0, 0)),
        ],
        out_specs=[
            pl.BlockSpec((_BR, 256), lambda i: (i, 0)),
            pl.BlockSpec((_BR, 256), lambda i: (i, 0)),
            pl.BlockSpec((_BR, 256), lambda i: (i, 0)),
            pl.BlockSpec((_BR, 4), lambda i: (i, 0)),
        ],
        out_shape=[
            jax.ShapeDtypeStruct((NPAD, 256), jnp.float32),
            jax.ShapeDtypeStruct((NPAD, 256), jnp.float32),
            jax.ShapeDtypeStruct((NPAD, 256), jnp.float32),
            jax.ShapeDtypeStruct((NPAD, 4), jnp.float32),
        ],
    )(acc2, hs2, dis, wcat, bcat, alpha, eps, rmask, rb)


def kernel(x, edge_index, W1, b1, a1, mu_W, mu_b, mu_a, lv_W, lv_b, lv_a,
           r_W, r_b):
    src = edge_index[0]
    dst = edge_index[1]
    pad_per = EPW - E // NW
    pad_dst = jnp.broadcast_to(
        N + jnp.arange(pad_per, dtype=jnp.int32) % (NPAD - N), (NW, pad_per))
    srcp = jnp.concatenate(
        [src.reshape(NW, E // NW),
         jnp.zeros((NW, pad_per), jnp.int32)], axis=1).reshape(NW, NWIN, WIN)
    dstp = jnp.concatenate(
        [dst.reshape(NW, E // NW), pad_dst], axis=1).reshape(NW, NWIN, WIN)

    zdeg = jnp.zeros((NDEG,), jnp.float32)
    zrows = jnp.zeros((NPAD, HID), jnp.float32)
    x_p = jnp.pad(x, ((0, NPAD - N), (0, 0)))

    deg2 = _sc_deg(dstp, zdeg).reshape(2, NDEG)[:, :NPAD]
    dis, hs1 = _tc_b(x_p, W1, deg2)
    acc1 = _sc_prop(srcp, dstp, hs1, zrows).reshape(2, NPAD, HID)
    hgcn_p, hs2 = _tc_c(acc1, hs1, dis, b1, jnp.reshape(a1, (1, 1)))
    acc2 = _sc_prop(srcp, dstp, hs2, zrows).reshape(2, NPAD, HID)

    wcat = jnp.concatenate([mu_W.reshape(256, HID), lv_W.reshape(256, HID)])
    bcat = jnp.concatenate([mu_b.reshape(256), lv_b.reshape(256)])
    alpha = jnp.concatenate([jnp.repeat(mu_a, 64), jnp.repeat(lv_a, 64)])
    rmask = (jnp.eye(4, dtype=jnp.float32)[:, None, :]
             * r_W[:, :, None]).reshape(256, 4)
    rb = r_b.reshape(1, 4)

    base = jax.random.key(42)
    eps = jnp.concatenate(
        [jax.random.normal(jax.random.fold_in(base, k), (N, 64), jnp.float32)
         for k in range(4)], axis=1)
    eps = jnp.pad(eps, ((0, NPAD - N), (0, 0)))

    mu_p, lv_p, hk_p, r_p = _tc_d(acc2, hs2, dis, wcat, bcat, alpha, eps,
                                  rmask, rb)

    return (hgcn_p[:N], lv_p[:N], mu_p[:N], hk_p[:N], r_p[:N])

# --- scband reference (transcript-rebuilt; emitter-appended) ---
"""Pipeline reference for scband-ocdib-25434796327373 (READ-ONLY COPY).

The authoritative reference and input builder live on the scoring server;
editing this copy changes nothing except your own understanding.
"""

import jax, jax.numpy as jnp
import numpy as np

N = 10000
E = 320000
IN_DIM = 128
HID = 128
OUT_D = 64
K = 4


def setup_inputs(seed: int = 0) -> dict:
    key = jax.random.key(seed)
    ks = jax.random.split(key, 12)
    x = jax.random.normal(ks[0], (N, IN_DIM), dtype=jnp.float32)
    edge_index = jax.random.randint(ks[1], (2, E), 0, N).astype(jnp.int32)
    s = 0.05
    W1 = jax.random.normal(ks[2], (HID, IN_DIM), dtype=jnp.float32) * s
    b1 = jnp.zeros((HID,), dtype=jnp.float32)
    a1 = jnp.asarray(0.25, dtype=jnp.float32)
    mu_W = jax.random.normal(ks[3], (K, OUT_D, HID), dtype=jnp.float32) * s
    mu_b = jnp.zeros((K, OUT_D), dtype=jnp.float32)
    mu_a = jnp.full((K,), 0.25, dtype=jnp.float32)
    lv_W = jax.random.normal(ks[4], (K, OUT_D, HID), dtype=jnp.float32) * s
    lv_b = jnp.zeros((K, OUT_D), dtype=jnp.float32)
    lv_a = jnp.full((K,), 0.25, dtype=jnp.float32)
    r_W = jax.random.normal(ks[5], (K, OUT_D), dtype=jnp.float32) * s
    r_b = jnp.zeros((K,), dtype=jnp.float32)
    return {"x": x, "edge_index": edge_index, "W1": W1, "b1": b1, "a1": a1,
            "mu_W": mu_W, "mu_b": mu_b, "mu_a": mu_a,
            "lv_W": lv_W, "lv_b": lv_b, "lv_a": lv_a,
            "r_W": r_W, "r_b": r_b}


def _prelu(h, a):
    return jnp.where(h >= 0, h, a * h)


def reference(x, edge_index, W1, b1, a1, mu_W, mu_b, mu_a, lv_W, lv_b, lv_a, r_W, r_b):
    n = x.shape[0]
    # GCNConv: add self-loops, symmetric normalization deg^-1/2 A_hat deg^-1/2
    loop = jnp.arange(n, dtype=edge_index.dtype)
    src = jnp.concatenate([edge_index[0], loop])
    dst = jnp.concatenate([edge_index[1], loop])
    deg = jnp.zeros((n,), dtype=x.dtype).at[dst].add(1.0)
    dis = deg ** -0.5
    norm = dis[src] * dis[dst]

    def gcn(h, W, b):
        hl = h @ W.T
        msg = hl[src] * norm[:, None]
        agg = jnp.zeros((n, W.shape[0]), dtype=h.dtype).at[dst].add(msg)
        return agg + b

    hgcn = _prelu(gcn(x, W1, b1), a1)

    base = jax.random.key(42)
    mus, lvs, hks, rs = [], [], [], []
    for k in range(K):
        m = _prelu(gcn(hgcn, mu_W[k], mu_b[k]), mu_a[k])
        lv = jax.nn.sigmoid(_prelu(gcn(hgcn, lv_W[k], lv_b[k]), lv_a[k]))
        std = jnp.exp(0.5 * lv)
        eps = jax.random.normal(jax.random.fold_in(base, k), std.shape, dtype=std.dtype)
        hk = eps * std + m
        rk = hk @ r_W[k] + r_b[k]
        mus.append(m)
        lvs.append(lv)
        hks.append(hk)
        rs.append(rk)

    mu = jnp.concatenate(mus, axis=1)
    logvar = jnp.concatenate(lvs, axis=1)
    hk_all = jnp.concatenate(hks, axis=1)
    r = jax.nn.sigmoid(jnp.stack(rs, axis=1))
    return (hgcn, logvar, mu, hk_all, r)

if __name__ == "__main__":
    import jax
    _d = setup_inputs()
    print(jax.jit(kernel)(*tuple(_d.values())))

</pallas_src>

<mosaic_0001>
#map = affine_map<(d0, d1) -> (0, 0, 0)>
#map1 = affine_map<(d0, d1) -> (0, 0)>
module attributes {stable_mosaic.version = 14 : i64} {
  func.func @_sc_prop_body(%arg0: i32, %arg1: i32, %arg2: memref<32x128x80xi32, #tpu.memory_space<hbm>>, %arg3: memref<32x128x80xi32, #tpu.memory_space<hbm>>, %arg4: memref<10112x128xf32, #tpu.memory_space<hbm>>, %arg5: memref<10112x128xf32, #tpu.memory_space<hbm>>, %arg6: memref<20224x128xf32, #tpu.memory_space<hbm>>, %arg7: memref<4x80xi32, #tpu.memory_space<vmem>>, %arg8: memref<4x80xi32, #tpu.memory_space<vmem>>, %arg9: memref<4x80x128xf32, #tpu.memory_space<vmem>>, %arg10: memref<10112x128xf32, #tpu.memory_space<vmem_shared>>, %arg11: memref<!tpu.dma_semaphore, #tpu.memory_space<semaphore_mem>>, %arg12: memref<!tpu.dma_semaphore, #tpu.memory_space<semaphore_mem>>) attributes {dimension_semantics = [#tpu.dimension_semantics<core_parallel>, #tpu.dimension_semantics<subcore_parallel>], iteration_bounds = array<i64: 2, 16>, scalar_prefetch = 0 : i64, scratch_operands = 6 : i64, tpu.core_type = #tpu.core_type<sc_vector_subcore>, window_params = [{transform_indices = #map}, {transform_indices = #map}, {transform_indices = #map1}, {transform_indices = #map1}, {transform_indices = #map1}]} {
    %mul3A = arith.constant 2 : i32
    %mul3A_0 = arith.muli %arg1, %mul3A : i32
    %add3A = arith.addi %mul3A_0, %arg0 : i32
    %mul3A_1 = arith.constant 632 : i32
    %mul3A_2 = arith.muli %arg1, %mul3A_1 : i32
    %mul3A_3 = arith.constant 632 : i32
    %mul3A_4 = arith.muli %arg1, %mul3A_3 : i32
    "tpu.region"() ({
      %run_scoped3A = tpu.sem_alloc : memref<!tpu.dma_semaphore, #tpu.memory_space<semaphore_mem>>
      %dma_start3A_248 = arith.constant 0 : i32
      %dma_start3A_249 = tpu.memref_slice %arg10[%mul3A_4, %dma_start3A_248] : memref<10112x128xf32, #tpu.memory_space<vmem_shared>> -> memref<632x128xf32, #tpu.memory_space<vmem_shared>>
      %dma_start3A_250 = arith.constant 0 : i32
      %dma_start3A_251 = tpu.memref_slice %arg5[%mul3A_2, %dma_start3A_250] : memref<10112x128xf32, #tpu.memory_space<hbm>> -> memref<632x128xf32, #tpu.memory_space<hbm>>
      tpu.enqueue_dma source(%dma_start3A_251 : memref<632x128xf32, #tpu.memory_space<hbm>>) target(%dma_start3A_249 : memref<632x128xf32, #tpu.memory_space<vmem_shared>>) target_semaphore(%run_scoped3A : memref<!tpu.dma_semaphore, #tpu.memory_space<semaphore_mem>>)
      %dma_wait3A_252 = arith.constant 0 : i32
      %dma_wait3A_253 = tpu.memref_slice %arg10[%mul3A_4, %dma_wait3A_252] : memref<10112x128xf32, #tpu.memory_space<vmem_shared>> -> memref<632x128xf32, #tpu.memory_space<vmem_shared>>
      %dma_wait3A_254 = arith.constant 0 : i32
      %dma_wait3A_255 = tpu.memref_slice %arg5[%mul3A_2, %dma_wait3A_254] : memref<10112x128xf32, #tpu.memory_space<hbm>> -> memref<632x128xf32, #tpu.memory_space<hbm>>
      tpu.wait_dma2 semaphore(%run_scoped3A : memref<!tpu.dma_semaphore, #tpu.memory_space<semaphore_mem>>) src(%dma_wait3A_255 : memref<632x128xf32, #tpu.memory_space<hbm>>) dst(%dma_wait3A_253 : memref<632x128xf32, #tpu.memory_space<vmem_shared>>)
      tpu.yield
    }) : () -> ()
    %dma_start3A = arith.constant 0 : i32
    %dma_start3A_5 = arith.constant 0 : i32
    %dma_start3A_6 = arith.constant 0 : i32
    %dma_start3A_7 = tpu.memref_slice %arg7[%dma_start3A_5, %dma_start3A_6] : memref<4x80xi32, #tpu.memory_space<vmem>> -> memref<1x80xi32, #tpu.memory_space<vmem>>
    %dma_start3A_8 = tpu.memref_squeeze %dma_start3A_7 : memref<1x80xi32, #tpu.memory_space<vmem>> -> memref<80xi32, #tpu.memory_space<vmem>>
    %dma_start3A_9 = arith.constant 0 : i32
    %dma_start3A_10 = tpu.memref_slice %arg2[%add3A, %dma_start3A, %dma_start3A_9] : memref<32x128x80xi32, #tpu.memory_space<hbm>> -> memref<1x1x80xi32, #tpu.memory_space<hbm>>
    %dma_start3A_11 = tpu.memref_squeeze %dma_start3A_10 : memref<1x1x80xi32, #tpu.memory_space<hbm>> -> memref<80xi32, #tpu.memory_space<hbm>>
    %dma_start3A_12 = arith.constant 0 : i32
    %dma_start3A_13 = tpu.memref_slice %arg7[%dma_start3A_5, %dma_start3A_12] : memref<4x80xi32, #tpu.memory_space<vmem>> -> memref<1x80xi32, #tpu.memory_space<vmem>>
    %dma_start3A_14 = tpu.memref_squeeze %dma_start3A_13 : memref<1x80xi32, #tpu.memory_space<vmem>> -> memref<80xi32, #tpu.memory_space<vmem>>
    %dma_start3A_15 = arith.constant 0 : i32
    %dma_start3A_16 = tpu.memref_slice %arg2[%add3A, %dma_start3A, %dma_start3A_15] : memref<32x128x80xi32, #tpu.memory_space<hbm>> -> memref<1x1x80xi32, #tpu.memory_space<hbm>>
    %dma_start3A_17 = tpu.memref_squeeze %dma_start3A_16 : memref<1x1x80xi32, #tpu.memory_space<hbm>> -> memref<80xi32, #tpu.memory_space<hbm>>
    tpu.enqueue_dma source(%dma_start3A_17 : memref<80xi32, #tpu.memory_space<hbm>>) target(%dma_start3A_14 : memref<80xi32, #tpu.memory_space<vmem>>) target_semaphore(%arg12 : memref<!tpu.dma_semaphore, #tpu.memory_space<semaphore_mem>>)
    %dma_start3A_18 = arith.constant 0 : i32
    %dma_start3A_19 = arith.constant 0 : i32
    %dma_start3A_20 = arith.constant 0 : i32
    %dma_start3A_21 = tpu.memref_slice %arg8[%dma_start3A_19, %dma_start3A_20] : memref<4x80xi32, #tpu.memory_space<vmem>> -> memref<1x80xi32, #tpu.memory_space<vmem>>
    %dma_start3A_22 = tpu.memref_squeeze %dma_start3A_21 : memref<1x80xi32, #tpu.memory_space<vmem>> -> memref<80xi32, #tpu.memory_space<vmem>>
    %dma_start3A_23 = arith.constant 0 : i32
    %dma_start3A_24 = tpu.memref_slice %arg3[%add3A, %dma_start3A_18, %dma_start3A_23] : memref<32x128x80xi32, #tpu.memory_space<hbm>> -> memref<1x1x80xi32, #tpu.memory_space<hbm>>
    %dma_start3A_25 = tpu.memref_squeeze %dma_start3A_24 : memref<1x1x80xi32, #tpu.memory_space<hbm>> -> memref<80xi32, #tpu.memory_space<hbm>>
    %dma_start3A_26 = arith.constant 0 : i32
    %dma_start3A_27 = tpu.memref_slice %arg8[%dma_start3A_19, %dma_start3A_26] : memref<4x80xi32, #tpu.memory_space<vmem>> -> memref<1x80xi32, #tpu.memory_space<vmem>>
    %dma_start3A_28 = tpu.memref_squeeze %dma_start3A_27 : memref<1x80xi32, #tpu.memory_space<vmem>> -> memref<80xi32, #tpu.memory_space<vmem>>
    %dma_start3A_29 = arith.constant 0 : i32
    %dma_start3A_30 = tpu.memref_slice %arg3[%add3A, %dma_start3A_18, %dma_start3A_29] : memref<32x128x80xi32, #tpu.memory_space<hbm>> -> memref<1x1x80xi32, #tpu.memory_space<hbm>>
    %dma_start3A_31 = tpu.memref_squeeze %dma_start3A_30 : memref<1x1x80xi32, #tpu.memory_space<hbm>> -> memref<80xi32, #tpu.memory_space<hbm>>
    tpu.enqueue_dma source(%dma_start3A_31 : memref<80xi32, #tpu.memory_space<hbm>>) target(%dma_start3A_28 : memref<80xi32, #tpu.memory_space<vmem>>) target_semaphore(%arg12 : memref<!tpu.dma_semaphore, #tpu.memory_space<semaphore_mem>>)
    %dma_start3A_32 = arith.constant 1 : i32
    %dma_start3A_33 = arith.constant 1 : i32
    %dma_start3A_34 = arith.constant 0 : i32
    %dma_start3A_35 = tpu.memref_slice %arg7[%dma_start3A_33, %dma_start3A_34] : memref<4x80xi32, #tpu.memory_space<vmem>> -> memref<1x80xi32, #tpu.memory_space<vmem>>
    %dma_start3A_36 = tpu.memref_squeeze %dma_start3A_35 : memref<1x80xi32, #tpu.memory_space<vmem>> -> memref<80xi32, #tpu.memory_space<vmem>>
    %dma_start3A_37 = arith.constant 0 : i32
    %dma_start3A_38 = tpu.memref_slice %arg2[%add3A, %dma_start3A_32, %dma_start3A_37] : memref<32x128x80xi32, #tpu.memory_space<hbm>> -> memref<1x1x80xi32, #tpu.memory_space<hbm>>
    %dma_start3A_39 = tpu.memref_squeeze %dma_start3A_38 : memref<1x1x80xi32, #tpu.memory_space<hbm>> -> memref<80xi32, #tpu.memory_space<hbm>>
    %dma_start3A_40 = arith.constant 0 : i32
    %dma_start3A_41 = tpu.memref_slice %arg7[%dma_start3A_33, %dma_start3A_40] : memref<4x80xi32, #tpu.memory_space<vmem>> -> memref<1x80xi32, #tpu.memory_space<vmem>>
    %dma_start3A_42 = tpu.memref_squeeze %dma_start3A_41 : memref<1x80xi32, #tpu.memory_space<vmem>> -> memref<80xi32, #tpu.memory_space<vmem>>
    %dma_start3A_43 = arith.constant 0 : i32
    %dma_start3A_44 = tpu.memref_slice %arg2[%add3A, %dma_start3A_32, %dma_start3A_43] : memref<32x128x80xi32, #tpu.memory_space<hbm>> -> memref<1x1x80xi32, #tpu.memory_space<hbm>>
    %dma_start3A_45 = tpu.memref_squeeze %dma_start3A_44 : memref<1x1x80xi32, #tpu.memory_space<hbm>> -> memref<80xi32, #tpu.memory_space<hbm>>
    tpu.enqueue_dma source(%dma_start3A_45 : memref<80xi32, #tpu.memory_space<hbm>>) target(%dma_start3A_42 : memref<80xi32, #tpu.memory_space<vmem>>) target_semaphore(%arg12 : memref<!tpu.dma_semaphore, #tpu.memory_space<semaphore_mem>>)
    %dma_start3A_46 = arith.constant 1 : i32
    %dma_start3A_47 = arith.constant 1 : i32
    %dma_start3A_48 = arith.constant 0 : i32
    %dma_start3A_49 = tpu.memref_slice %arg8[%dma_start3A_47, %dma_start3A_48] : memref<4x80xi32, #tpu.memory_space<vmem>> -> memref<1x80xi32, #tpu.memory_space<vmem>>
    %dma_start3A_50 = tpu.memref_squeeze %dma_start3A_49 : memref<1x80xi32, #tpu.memory_space<vmem>> -> memref<80xi32, #tpu.memory_space<vmem>>
    %dma_start3A_51 = arith.constant 0 : i32
    %dma_start3A_52 = tpu.memref_slice %arg3[%add3A, %dma_start3A_46, %dma_start3A_51] : memref<32x128x80xi32, #tpu.memory_space<hbm>> -> memref<1x1x80xi32, #tpu.memory_space<hbm>>
    %dma_start3A_53 = tpu.memref_squeeze %dma_start3A_52 : memref<1x1x80xi32, #tpu.memory_space<hbm>> -> memref<80xi32, #tpu.memory_space<hbm>>
    %dma_start3A_54 = arith.constant 0 : i32
    %dma_start3A_55 = tpu.memref_slice %arg8[%dma_start3A_47, %dma_start3A_54] : memref<4x80xi32, #tpu.memory_space<vmem>> -> memref<1x80xi32, #tpu.memory_space<vmem>>
    %dma_start3A_56 = tpu.memref_squeeze %dma_start3A_55 : memref<1x80xi32, #tpu.memory_space<vmem>> -> memref<80xi32, #tpu.memory_space<vmem>>
    %dma_start3A_57 = arith.constant 0 : i32
    %dma_start3A_58 = tpu.memref_slice %arg3[%add3A, %dma_start3A_46, %dma_start3A_57] : memref<32x128x80xi32, #tpu.memory_space<hbm>> -> memref<1x1x80xi32, #tpu.memory_space<hbm>>
    %dma_start3A_59 = tpu.memref_squeeze %dma_start3A_58 : memref<1x1x80xi32, #tpu.memory_space<hbm>> -> memref<80xi32, #tpu.memory_space<hbm>>
    tpu.enqueue_dma source(%dma_start3A_59 : memref<80xi32, #tpu.memory_space<hbm>>) target(%dma_start3A_56 : memref<80xi32, #tpu.memory_space<vmem>>) target_semaphore(%arg12 : memref<!tpu.dma_semaphore, #tpu.memory_space<semaphore_mem>>)
    %dma_start3A_60 = arith.constant 2 : i32
    %dma_start3A_61 = arith.constant 2 : i32
    %dma_start3A_62 = arith.constant 0 : i32
    %dma_start3A_63 = tpu.memref_slice %arg7[%dma_start3A_61, %dma_start3A_62] : memref<4x80xi32, #tpu.memory_space<vmem>> -> memref<1x80xi32, #tpu.memory_space<vmem>>
    %dma_start3A_64 = tpu.memref_squeeze %dma_start3A_63 : memref<1x80xi32, #tpu.memory_space<vmem>> -> memref<80xi32, #tpu.memory_space<vmem>>
    %dma_start3A_65 = arith.constant 0 : i32
    %dma_start3A_66 = tpu.memref_slice %arg2[%add3A, %dma_start3A_60, %dma_start3A_65] : memref<32x128x80xi32, #tpu.memory_space<hbm>> -> memref<1x1x80xi32, #tpu.memory_space<hbm>>
    %dma_start3A_67 = tpu.memref_squeeze %dma_start3A_66 : memref<1x1x80xi32, #tpu.memory_space<hbm>> -> memref<80xi32, #tpu.memory_space<hbm>>
    %dma_start3A_68 = arith.constant 0 : i32
    %dma_start3A_69 = tpu.memref_slice %arg7[%dma_start3A_61, %dma_start3A_68] : memref<4x80xi32, #tpu.memory_space<vmem>> -> memref<1x80xi32, #tpu.memory_space<vmem>>
    %dma_start3A_70 = tpu.memref_squeeze %dma_start3A_69 : memref<1x80xi32, #tpu.memory_space<vmem>> -> memref<80xi32, #tpu.memory_space<vmem>>
    %dma_start3A_71 = arith.constant 0 : i32
    %dma_start3A_72 = tpu.memref_slice %arg2[%add3A, %dma_start3A_60, %dma_start3A_71] : memref<32x128x80xi32, #tpu.memory_space<hbm>> -> memref<1x1x80xi32, #tpu.memory_space<hbm>>
    %dma_start3A_73 = tpu.memref_squeeze %dma_start3A_72 : memref<1x1x80xi32, #tpu.memory_space<hbm>> -> memref<80xi32, #tpu.memory_space<hbm>>
    tpu.enqueue_dma source(%dma_start3A_73 : memref<80xi32, #tpu.memory_space<hbm>>) target(%dma_start3A_70 : memref<80xi32, #tpu.memory_space<vmem>>) target_semaphore(%arg12 : memref<!tpu.dma_semaphore, #tpu.memory_space<semaphore_mem>>)
    %dma_start3A_74 = arith.constant 2 : i32
    %dma_start3A_75 = arith.constant 2 : i32
    %dma_start3A_76 = arith.constant 0 : i32
    %dma_start3A_77 = tpu.memref_slice %arg8[%dma_start3A_75, %dma_start3A_76] : memref<4x80xi32, #tpu.memory_space<vmem>> -> memref<1x80xi32, #tpu.memory_space<vmem>>
    %dma_start3A_78 = tpu.memref_squeeze %dma_start3A_77 : memref<1x80xi32, #tpu.memory_space<vmem>> -> memref<80xi32, #tpu.memory_space<vmem>>
    %dma_start3A_79 = arith.constant 0 : i32
    %dma_start3A_80 = tpu.memref_slice %arg3[%add3A, %dma_start3A_74, %dma_start3A_79] : memref<32x128x80xi32, #tpu.memory_space<hbm>> -> memref<1x1x80xi32, #tpu.memory_space<hbm>>
    %dma_start3A_81 = tpu.memref_squeeze %dma_start3A_80 : memref<1x1x80xi32, #tpu.memory_space<hbm>> -> memref<80xi32, #tpu.memory_space<hbm>>
    %dma_start3A_82 = arith.constant 0 : i32
    %dma_start3A_83 = tpu.memref_slice %arg8[%dma_start3A_75, %dma_start3A_82] : memref<4x80xi32, #tpu.memory_space<vmem>> -> memref<1x80xi32, #tpu.memory_space<vmem>>
    %dma_start3A_84 = tpu.memref_squeeze %dma_start3A_83 : memref<1x80xi32, #tpu.memory_space<vmem>> -> memref<80xi32, #tpu.memory_space<vmem>>
    %dma_start3A_85 = arith.constant 0 : i32
    %dma_start3A_86 = tpu.memref_slice %arg3[%add3A, %dma_start3A_74, %dma_start3A_85] : memref<32x128x80xi32, #tpu.memory_space<hbm>> -> memref<1x1x80xi32, #tpu.memory_space<hbm>>
    %dma_start3A_87 = tpu.memref_squeeze %dma_start3A_86 : memref<1x1x80xi32, #tpu.memory_space<hbm>> -> memref<80xi32, #tpu.memory_space<hbm>>
    tpu.enqueue_dma source(%dma_start3A_87 : memref<80xi32, #tpu.memory_space<hbm>>) target(%dma_start3A_84 : memref<80xi32, #tpu.memory_space<vmem>>) target_semaphore(%arg12 : memref<!tpu.dma_semaphore, #tpu.memory_space<semaphore_mem>>)
    %dma_start3A_88 = arith.constant 3 : i32
    %dma_start3A_89 = arith.constant 3 : i32
    %dma_start3A_90 = arith.constant 0 : i32
    %dma_start3A_91 = tpu.memref_slice %arg7[%dma_start3A_89, %dma_start3A_90] : memref<4x80xi32, #tpu.memory_space<vmem>> -> memref<1x80xi32, #tpu.memory_space<vmem>>
    %dma_start3A_92 = tpu.memref_squeeze %dma_start3A_91 : memref<1x80xi32, #tpu.memory_space<vmem>> -> memref<80xi32, #tpu.memory_space<vmem>>
    %dma_start3A_93 = arith.constant 0 : i32
    %dma_start3A_94 = tpu.memref_slice %arg2[%add3A, %dma_start3A_88, %dma_start3A_93] : memref<32x128x80xi32, #tpu.memory_space<hbm>> -> memref<1x1x80xi32, #tpu.memory_space<hbm>>
    %dma_start3A_95 = tpu.memref_squeeze %dma_start3A_94 : memref<1x1x80xi32, #tpu.memory_space<hbm>> -> memref<80xi32, #tpu.memory_space<hbm>>
    %dma_start3A_96 = arith.constant 0 : i32
    %dma_start3A_97 = tpu.memref_slice %arg7[%dma_start3A_89, %dma_start3A_96] : memref<4x80xi32, #tpu.memory_space<vmem>> -> memref<1x80xi32, #tpu.memory_space<vmem>>
    %dma_start3A_98 = tpu.memref_squeeze %dma_start3A_97 : memref<1x80xi32, #tpu.memory_space<vmem>> -> memref<80xi32, #tpu.memory_space<vmem>>
    %dma_start3A_99 = arith.constant 0 : i32
    %dma_start3A_100 = tpu.memref_slice %arg2[%add3A, %dma_start3A_88, %dma_start3A_99] : memref<32x128x80xi32, #tpu.memory_space<hbm>> -> memref<1x1x80xi32, #tpu.memory_space<hbm>>
    %dma_start3A_101 = tpu.memref_squeeze %dma_start3A_100 : memref<1x1x80xi32, #tpu.memory_space<hbm>> -> memref<80xi32, #tpu.memory_space<hbm>>
    tpu.enqueue_dma source(%dma_start3A_101 : memref<80xi32, #tpu.memory_space<hbm>>) target(%dma_start3A_98 : memref<80xi32, #tpu.memory_space<vmem>>) target_semaphore(%arg12 : memref<!tpu.dma_semaphore, #tpu.memory_space<semaphore_mem>>)
    %dma_start3A_102 = arith.constant 3 : i32
    %dma_start3A_103 = arith.constant 3 : i32
    %dma_start3A_104 = arith.constant 0 : i32
    %dma_start3A_105 = tpu.memref_slice %arg8[%dma_start3A_103, %dma_start3A_104] : memref<4x80xi32, #tpu.memory_space<vmem>> -> memref<1x80xi32, #tpu.memory_space<vmem>>
    %dma_start3A_106 = tpu.memref_squeeze %dma_start3A_105 : memref<1x80xi32, #tpu.memory_space<vmem>> -> memref<80xi32, #tpu.memory_space<vmem>>
    %dma_start3A_107 = arith.constant 0 : i32
    %dma_start3A_108 = tpu.memref_slice %arg3[%add3A, %dma_start3A_102, %dma_start3A_107] : memref<32x128x80xi32, #tpu.memory_space<hbm>> -> memref<1x1x80xi32, #tpu.memory_space<hbm>>
    %dma_start3A_109 = tpu.memref_squeeze %dma_start3A_108 : memref<1x1x80xi32, #tpu.memory_space<hbm>> -> memref<80xi32, #tpu.memory_space<hbm>>
    %dma_start3A_110 = arith.constant 0 : i32
    %dma_start3A_111 = tpu.memref_slice %arg8[%dma_start3A_103, %dma_start3A_110] : memref<4x80xi32, #tpu.memory_space<vmem>> -> memref<1x80xi32, #tpu.memory_space<vmem>>
    %dma_start3A_112 = tpu.memref_squeeze %dma_start3A_111 : memref<1x80xi32, #tpu.memory_space<vmem>> -> memref<80xi32, #tpu.memory_space<vmem>>
    %dma_start3A_113 = arith.constant 0 : i32
    %dma_start3A_114 = tpu.memref_slice %arg3[%add3A, %dma_start3A_102, %dma_start3A_113] : memref<32x128x80xi32, #tpu.memory_space<hbm>> -> memref<1x1x80xi32, #tpu.memory_space<hbm>>
    %dma_start3A_115 = tpu.memref_squeeze %dma_start3A_114 : memref<1x1x80xi32, #tpu.memory_space<hbm>> -> memref<80xi32, #tpu.memory_space<hbm>>
    tpu.enqueue_dma source(%dma_start3A_115 : memref<80xi32, #tpu.memory_space<hbm>>) target(%dma_start3A_112 : memref<80xi32, #tpu.memory_space<vmem>>) target_semaphore(%arg12 : memref<!tpu.dma_semaphore, #tpu.memory_space<semaphore_mem>>)
    %dma_wait3A = arith.constant 0 : i32
    %dma_wait3A_116 = arith.constant 0 : i32
    %dma_wait3A_117 = arith.constant 0 : i32
    %dma_wait3A_118 = tpu.memref_slice %arg7[%dma_wait3A_116, %dma_wait3A_117] : memref<4x80xi32, #tpu.memory_space<vmem>> -> memref<1x80xi32, #tpu.memory_space<vmem>>
    %dma_wait3A_119 = tpu.memref_squeeze %dma_wait3A_118 : memref<1x80xi32, #tpu.memory_space<vmem>> -> memref<80xi32, #tpu.memory_space<vmem>>
    %dma_wait3A_120 = arith.constant 0 : i32
    %dma_wait3A_121 = tpu.memref_slice %arg2[%add3A, %dma_wait3A, %dma_wait3A_120] : memref<32x128x80xi32, #tpu.memory_space<hbm>> -> memref<1x1x80xi32, #tpu.memory_space<hbm>>
    %dma_wait3A_122 = tpu.memref_squeeze %dma_wait3A_121 : memref<1x1x80xi32, #tpu.memory_space<hbm>> -> memref<80xi32, #tpu.memory_space<hbm>>
    %dma_wait3A_123 = arith.constant 0 : i32
    %dma_wait3A_124 = tpu.memref_slice %arg7[%dma_wait3A_116, %dma_wait3A_123] : memref<4x80xi32, #tpu.memory_space<vmem>> -> memref<1x80xi32, #tpu.memory_space<vmem>>
    %dma_wait3A_125 = tpu.memref_squeeze %dma_wait3A_124 : memref<1x80xi32, #tpu.memory_space<vmem>> -> memref<80xi32, #tpu.memory_space<vmem>>
    %dma_wait3A_126 = arith.constant 0 : i32
    %dma_wait3A_127 = tpu.memref_slice %arg2[%add3A, %dma_wait3A, %dma_wait3A_126] : memref<32x128x80xi32, #tpu.memory_space<hbm>> -> memref<1x1x80xi32, #tpu.memory_space<hbm>>
    %dma_wait3A_128 = tpu.memref_squeeze %dma_wait3A_127 : memref<1x1x80xi32, #tpu.memory_space<hbm>> -> memref<80xi32, #tpu.memory_space<hbm>>
    tpu.wait_dma2 semaphore(%arg12 : memref<!tpu.dma_semaphore, #tpu.memory_space<semaphore_mem>>) src(%dma_wait3A_128 : memref<80xi32, #tpu.memory_space<hbm>>) dst(%dma_wait3A_125 : memref<80xi32, #tpu.memory_space<vmem>>)
    %dma_wait3A_129 = arith.constant 0 : i32
    %dma_wait3A_130 = arith.constant 0 : i32
    %dma_wait3A_131 = arith.constant 0 : i32
    %dma_wait3A_132 = tpu.memref_slice %arg8[%dma_wait3A_130, %dma_wait3A_131] : memref<4x80xi32, #tpu.memory_space<vmem>> -> memref<1x80xi32, #tpu.memory_space<vmem>>
    %dma_wait3A_133 = tpu.memref_squeeze %dma_wait3A_132 : memref<1x80xi32, #tpu.memory_space<vmem>> -> memref<80xi32, #tpu.memory_space<vmem>>
    %dma_wait3A_134 = arith.constant 0 : i32
    %dma_wait3A_135 = tpu.memref_slice %arg3[%add3A, %dma_wait3A_129, %dma_wait3A_134] : memref<32x128x80xi32, #tpu.memory_space<hbm>> -> memref<1x1x80xi32, #tpu.memory_space<hbm>>
    %dma_wait3A_136 = tpu.memref_squeeze %dma_wait3A_135 : memref<1x1x80xi32, #tpu.memory_space<hbm>> -> memref<80xi32, #tpu.memory_space<hbm>>
    %dma_wait3A_137 = arith.constant 0 : i32
    %dma_wait3A_138 = tpu.memref_slice %arg8[%dma_wait3A_130, %dma_wait3A_137] : memref<4x80xi32, #tpu.memory_space<vmem>> -> memref<1x80xi32, #tpu.memory_space<vmem>>
    %dma_wait3A_139 = tpu.memref_squeeze %dma_wait3A_138 : memref<1x80xi32, #tpu.memory_space<vmem>> -> memref<80xi32, #tpu.memory_space<vmem>>
    %dma_wait3A_140 = arith.constant 0 : i32
    %dma_wait3A_141 = tpu.memref_slice %arg3[%add3A, %dma_wait3A_129, %dma_wait3A_140] : memref<32x128x80xi32, #tpu.memory_space<hbm>> -> memref<1x1x80xi32, #tpu.memory_space<hbm>>
    %dma_wait3A_142 = tpu.memref_squeeze %dma_wait3A_141 : memref<1x1x80xi32, #tpu.memory_space<hbm>> -> memref<80xi32, #tpu.memory_space<hbm>>
    tpu.wait_dma2 semaphore(%arg12 : memref<!tpu.dma_semaphore, #tpu.memory_space<semaphore_mem>>) src(%dma_wait3A_142 : memref<80xi32, #tpu.memory_space<hbm>>) dst(%dma_wait3A_139 : memref<80xi32, #tpu.memory_space<vmem>>)
    %dma_start3A_143 = arith.constant 0 : i32
    %dma_start3A_144 = arith.constant 0 : i32
    %dma_start3A_145 = arith.constant 0 : i32
    %dma_start3A_146 = arith.constant 0 : i32
    %dma_start3A_147 = tpu.memref_slice %arg9[%dma_start3A_144, %dma_start3A_145, %dma_start3A_146] : memref<4x80x128xf32, #tpu.memory_space<vmem>> -> memref<1x80x128xf32, #tpu.memory_space<vmem>>
    %dma_start3A_148 = tpu.memref_squeeze %dma_start3A_147 : memref<1x80x128xf32, #tpu.memory_space<vmem>> -> memref<80x128xf32, #tpu.memory_space<vmem>>
    %dma_start3A_149 = arith.constant 0 : i32
    %dma_start3A_150 = tpu.memref_slice %arg7[%dma_start3A_143, %dma_start3A_149] : memref<4x80xi32, #tpu.memory_space<vmem>> -> memref<1x80xi32, #tpu.memory_space<vmem>>
    %dma_start3A_151 = tpu.memref_squeeze %dma_start3A_150 : memref<1x80xi32, #tpu.memory_space<vmem>> -> memref<80xi32, #tpu.memory_space<vmem>>
    %dma_start3A_152 = arith.constant 0 : i32
    %dma_start3A_153 = arith.constant 0 : i32
    %dma_start3A_154 = tpu.memref_slice %arg4[%dma_start3A_152, %dma_start3A_153] : memref<10112x128xf32, #tpu.memory_space<hbm>> -> memref<10112x128xf32, #tpu.memory_space<hbm>>
    tpu.enqueue_indirect_dma source(%dma_start3A_154 : memref<10112x128xf32, #tpu.memory_space<hbm>>) target(%dma_start3A_148 : memref<80x128xf32, #tpu.memory_space<vmem>>) offsets(%dma_start3A_151 : memref<80xi32, #tpu.memory_space<vmem>>) semaphore(%arg11 : memref<!tpu.dma_semaphore, #tpu.memory_space<semaphore_mem>>)
    %dma_wait3A_155 = arith.constant 0 : i32
    %dma_wait3A_156 = arith.constant 1 : i32
    %dma_wait3A_157 = arith.constant 0 : i32
    %dma_wait3A_158 = tpu.memref_slice %arg7[%dma_wait3A_156, %dma_wait3A_157] : memref<4x80xi32, #tpu.memory_space<vmem>> -> memref<1x80xi32, #tpu.memory_space<vmem>>
    %dma_wait3A_159 = tpu.memref_squeeze %dma_wait3A_158 : memref<1x80xi32, #tpu.memory_space<vmem>> -> memref<80xi32, #tpu.memory_space<vmem>>
    %dma_wait3A_160 = arith.constant 0 : i32
    %dma_wait3A_161 = tpu.memref_slice %arg2[%add3A, %dma_wait3A_155, %dma_wait3A_160] : memref<32x128x80xi32, #tpu.memory_space<hbm>> -> memref<1x1x80xi32, #tpu.memory_space<hbm>>
    %dma_wait3A_162 = tpu.memref_squeeze %dma_wait3A_161 : memref<1x1x80xi32, #tpu.memory_space<hbm>> -> memref<80xi32, #tpu.memory_space<hbm>>
    %dma_wait3A_163 = arith.constant 0 : i32
    %dma_wait3A_164 = tpu.memref_slice %arg7[%dma_wait3A_156, %dma_wait3A_163] : memref<4x80xi32, #tpu.memory_space<vmem>> -> memref<1x80xi32, #tpu.memory_space<vmem>>
    %dma_wait3A_165 = tpu.memref_squeeze %dma_wait3A_164 : memref<1x80xi32, #tpu.memory_space<vmem>> -> memref<80xi32, #tpu.memory_space<vmem>>
    %dma_wait3A_166 = arith.constant 0 : i32
    %dma_wait3A_167 = tpu.memref_slice %arg2[%add3A, %dma_wait3A_155, %dma_wait3A_166] : memref<32x128x80xi32, #tpu.memory_space<hbm>> -> memref<1x1x80xi32, #tpu.memory_space<hbm>>
    %dma_wait3A_168 = tpu.memref_squeeze %dma_wait3A_167 : memref<1x1x80xi32, #tpu.memory_space<hbm>> -> memref<80xi32, #tpu.memory_space<hbm>>
    tpu.wait_dma2 semaphore(%arg12 : memref<!tpu.dma_semaphore, #tpu.memory_space<semaphore_mem>>) src(%dma_wait3A_168 : memref<80xi32, #tpu.memory_space<hbm>>) dst(%dma_wait3A_165 : memref<80xi32, #tpu.memory_space<vmem>>)
    %dma_wait3A_169 = arith.constant 0 : i32
    %dma_wait3A_170 = arith.constant 1 : i32
    %dma_wait3A_171 = arith.constant 0 : i32
    %dma_wait3A_172 = tpu.memref_slice %arg8[%dma_wait3A_170, %dma_wait3A_171] : memref<4x80xi32, #tpu.memory_space<vmem>> -> memref<1x80xi32, #tpu.memory_space<vmem>>
    %dma_wait3A_173 = tpu.memref_squeeze %dma_wait3A_172 : memref<1x80xi32, #tpu.memory_space<vmem>> -> memref<80xi32, #tpu.memory_space<vmem>>
    %dma_wait3A_174 = arith.constant 0 : i32
    %dma_wait3A_175 = tpu.memref_slice %arg3[%add3A, %dma_wait3A_169, %dma_wait3A_174] : memref<32x128x80xi32, #tpu.memory_space<hbm>> -> memref<1x1x80xi32, #tpu.memory_space<hbm>>
    %dma_wait3A_176 = tpu.memref_squeeze %dma_wait3A_175 : memref<1x1x80xi32, #tpu.memory_space<hbm>> -> memref<80xi32, #tpu.memory_space<hbm>>
    %dma_wait3A_177 = arith.constant 0 : i32
    %dma_wait3A_178 = tpu.memref_slice %arg8[%dma_wait3A_170, %dma_wait3A_177] : memref<4x80xi32, #tpu.memory_space<vmem>> -> memref<1x80xi32, #tpu.memory_space<vmem>>
    %dma_wait3A_179 = tpu.memref_squeeze %dma_wait3A_178 : memref<1x80xi32, #tpu.memory_space<vmem>> -> memref<80xi32, #tpu.memory_space<vmem>>
    %dma_wait3A_180 = arith.constant 0 : i32
    %dma_wait3A_181 = tpu.memref_slice %arg3[%add3A, %dma_wait3A_169, %dma_wait3A_180] : memref<32x128x80xi32, #tpu.memory_space<hbm>> -> memref<1x1x80xi32, #tpu.memory_space<hbm>>
    %dma_wait3A_182 = tpu.memref_squeeze %dma_wait3A_181 : memref<1x1x80xi32, #tpu.memory_space<hbm>> -> memref<80xi32, #tpu.memory_space<hbm>>
    tpu.wait_dma2 semaphore(%arg12 : memref<!tpu.dma_semaphore, #tpu.memory_space<semaphore_mem>>) src(%dma_wait3A_182 : memref<80xi32, #tpu.memory_space<hbm>>) dst(%dma_wait3A_179 : memref<80xi32, #tpu.memory_space<vmem>>)
    %dma_start3A_183 = arith.constant 1 : i32
    %dma_start3A_184 = arith.constant 1 : i32
    %dma_start3A_185 = arith.constant 0 : i32
    %dma_start3A_186 = arith.constant 0 : i32
    %dma_start3A_187 = tpu.memref_slice %arg9[%dma_start3A_184, %dma_start3A_185, %dma_start3A_186] : memref<4x80x128xf32, #tpu.memory_space<vmem>> -> memref<1x80x128xf32, #tpu.memory_space<vmem>>
    %dma_start3A_188 = tpu.memref_squeeze %dma_start3A_187 : memref<1x80x128xf32, #tpu.memory_space<vmem>> -> memref<80x128xf32, #tpu.memory_space<vmem>>
    %dma_start3A_189 = arith.constant 0 : i32
    %dma_start3A_190 = tpu.memref_slice %arg7[%dma_start3A_183, %dma_start3A_189] : memref<4x80xi32, #tpu.memory_space<vmem>> -> memref<1x80xi32, #tpu.memory_space<vmem>>
    %dma_start3A_191 = tpu.memref_squeeze %dma_start3A_190 : memref<1x80xi32, #tpu.memory_space<vmem>> -> memref<80xi32, #tpu.memory_space<vmem>>
    %dma_start3A_192 = arith.constant 0 : i32
    %dma_start3A_193 = arith.constant 0 : i32
    %dma_start3A_194 = tpu.memref_slice %arg4[%dma_start3A_192, %dma_start3A_193] : memref<10112x128xf32, #tpu.memory_space<hbm>> -> memref<10112x128xf32, #tpu.memory_space<hbm>>
    tpu.enqueue_indirect_dma source(%dma_start3A_194 : memref<10112x128xf32, #tpu.memory_space<hbm>>) target(%dma_start3A_188 : memref<80x128xf32, #tpu.memory_space<vmem>>) offsets(%dma_start3A_191 : memref<80xi32, #tpu.memory_space<vmem>>) semaphore(%arg11 : memref<!tpu.dma_semaphore, #tpu.memory_space<semaphore_mem>>)
    %dma_wait3A_195 = arith.constant 0 : i32
    %dma_wait3A_196 = arith.constant 2 : i32
    %dma_wait3A_197 = arith.constant 0 : i32
    %dma_wait3A_198 = tpu.memref_slice %arg7[%dma_wait3A_196, %dma_wait3A_197] : memref<4x80xi32, #tpu.memory_space<vmem>> -> memref<1x80xi32, #tpu.memory_space<vmem>>
    %dma_wait3A_199 = tpu.memref_squeeze %dma_wait3A_198 : memref<1x80xi32, #tpu.memory_space<vmem>> -> memref<80xi32, #tpu.memory_space<vmem>>
    %dma_wait3A_200 = arith.constant 0 : i32
    %dma_wait3A_201 = tpu.memref_slice %arg2[%add3A, %dma_wait3A_195, %dma_wait3A_200] : memref<32x128x80xi32, #tpu.memory_space<hbm>> -> memref<1x1x80xi32, #tpu.memory_space<hbm>>
    %dma_wait3A_202 = tpu.memref_squeeze %dma_wait3A_201 : memref<1x1x80xi32, #tpu.memory_space<hbm>> -> memref<80xi32, #tpu.memory_space<hbm>>
    %dma_wait3A_203 = arith.constant 0 : i32
    %dma_wait3A_204 = tpu.memref_slice %arg7[%dma_wait3A_196, %dma_wait3A_203] : memref<4x80xi32, #tpu.memory_space<vmem>> -> memref<1x80xi32, #tpu.memory_space<vmem>>
    %dma_wait3A_205 = tpu.memref_squeeze %dma_wait3A_204 : memref<1x80xi32, #tpu.memory_space<vmem>> -> memref<80xi32, #tpu.memory_space<vmem>>
    %dma_wait3A_206 = arith.constant 0 : i32
    %dma_wait3A_207 = tpu.memref_slice %arg2[%add3A, %dma_wait3A_195, %dma_wait3A_206] : memref<32x128x80xi32, #tpu.memory_space<hbm>> -> memref<1x1x80xi32, #tpu.memory_space<hbm>>
    %dma_wait3A_208 = tpu.memref_squeeze %dma_wait3A_207 : memref<1x1x80xi32, #tpu.memory_space<hbm>> -> memref<80xi32, #tpu.memory_space<hbm>>
    tpu.wait_dma2 semaphore(%arg12 : memref<!tpu.dma_semaphore, #tpu.memory_space<semaphore_mem>>) src(%dma_wait3A_208 : memref<80xi32, #tpu.memory_space<hbm>>) dst(%dma_wait3A_205 : memref<80xi32, #tpu.memory_space<vmem>>)
    %dma_wait3A_209 = arith.constant 0 : i32
    %dma_wait3A_210 = arith.constant 2 : i32
    %dma_wait3A_211 = arith.constant 0 : i32
    %dma_wait3A_212 = tpu.memref_slice %arg8[%dma_wait3A_210, %dma_wait3A_211] : memref<4x80xi32, #tpu.memory_space<vmem>> -> memref<1x80xi32, #tpu.memory_space<vmem>>
    %dma_wait3A_213 = tpu.memref_squeeze %dma_wait3A_212 : memref<1x80xi32, #tpu.memory_space<vmem>> -> memref<80xi32, #tpu.memory_space<vmem>>
    %dma_wait3A_214 = arith.constant 0 : i32
    %dma_wait3A_215 = tpu.memref_slice %arg3[%add3A, %dma_wait3A_209, %dma_wait3A_214] : memref<32x128x80xi32, #tpu.memory_space<hbm>> -> memref<1x1x80xi32, #tpu.memory_space<hbm>>
    %dma_wait3A_216 = tpu.memref_squeeze %dma_wait3A_215 : memref<1x1x80xi32, #tpu.memory_space<hbm>> -> memref<80xi32, #tpu.memory_space<hbm>>
    %dma_wait3A_217 = arith.constant 0 : i32
    %dma_wait3A_218 = tpu.memref_slice %arg8[%dma_wait3A_210, %dma_wait3A_217] : memref<4x80xi32, #tpu.memory_space<vmem>> -> memref<1x80xi32, #tpu.memory_space<vmem>>
    %dma_wait3A_219 = tpu.memref_squeeze %dma_wait3A_218 : memref<1x80xi32, #tpu.memory_space<vmem>> -> memref<80xi32, #tpu.memory_space<vmem>>
    %dma_wait3A_220 = arith.constant 0 : i32
    %dma_wait3A_221 = tpu.memref_slice %arg3[%add3A, %dma_wait3A_209, %dma_wait3A_220] : memref<32x128x80xi32, #tpu.memory_space<hbm>> -> memref<1x1x80xi32, #tpu.memory_space<hbm>>
    %dma_wait3A_222 = tpu.memref_squeeze %dma_wait3A_221 : memref<1x1x80xi32, #tpu.memory_space<hbm>> -> memref<80xi32, #tpu.memory_space<hbm>>
    tpu.wait_dma2 semaphore(%arg12 : memref<!tpu.dma_semaphore, #tpu.memory_space<semaphore_mem>>) src(%dma_wait3A_222 : memref<80xi32, #tpu.memory_space<hbm>>) dst(%dma_wait3A_219 : memref<80xi32, #tpu.memory_space<vmem>>)
    %dma_start3A_223 = arith.constant 2 : i32
    %dma_start3A_224 = arith.constant 2 : i32
    %dma_start3A_225 = arith.constant 0 : i32
    %dma_start3A_226 = arith.constant 0 : i32
    %dma_start3A_227 = tpu.memref_slice %arg9[%dma_start3A_224, %dma_start3A_225, %dma_start3A_226] : memref<4x80x128xf32, #tpu.memory_space<vmem>> -> memref<1x80x128xf32, #tpu.memory_space<vmem>>
    %dma_start3A_228 = tpu.memref_squeeze %dma_start3A_227 : memref<1x80x128xf32, #tpu.memory_space<vmem>> -> memref<80x128xf32, #tpu.memory_space<vmem>>
    %dma_start3A_229 = arith.constant 0 : i32
    %dma_start3A_230 = tpu.memref_slice %arg7[%dma_start3A_223, %dma_start3A_229] : memref<4x80xi32, #tpu.memory_space<vmem>> -> memref<1x80xi32, #tpu.memory_space<vmem>>
    %dma_start3A_231 = tpu.memref_squeeze %dma_start3A_230 : memref<1x80xi32, #tpu.memory_space<vmem>> -> memref<80xi32, #tpu.memory_space<vmem>>
    %dma_start3A_232 = arith.constant 0 : i32
    %dma_start3A_233 = arith.constant 0 : i32
    %dma_start3A_234 = tpu.memref_slice %arg4[%dma_start3A_232, %dma_start3A_233] : memref<10112x128xf32, #tpu.memory_space<hbm>> -> memref<10112x128xf32, #tpu.memory_space<hbm>>
    tpu.enqueue_indirect_dma source(%dma_start3A_234 : memref<10112x128xf32, #tpu.memory_space<hbm>>) target(%dma_start3A_228 : memref<80x128xf32, #tpu.memory_space<vmem>>) offsets(%dma_start3A_231 : memref<80xi32, #tpu.memory_space<vmem>>) semaphore(%arg11 : memref<!tpu.dma_semaphore, #tpu.memory_space<semaphore_mem>>)
    %barrier3A = arith.constant 0 : index
    tpu.barrier barrier_id(%barrier3A)
    %scan3A = arith.constant 0 : i32
    %scan3A_235 = arith.constant 0 : i32
    %scan3A_236 = arith.constant 32 : i32
    %scan3A_237 = arith.addi %scan3A_235, %scan3A_236 : i32
    %scan3A_238 = arith.constant 1 : i32
    scf.for %scan3A_248 = %scan3A_235 to %scan3A_237 step %scan3A_238  : i32 {
      %mul3A_249 = arith.constant 4 : i32
      %mul3A_250 = arith.muli %scan3A_248, %mul3A_249 : i32
      %add3A_251 = arith.constant 0 : i32
      %add3A_252 = arith.addi %mul3A_250, %add3A_251 : i32
      %add3A_253 = arith.constant 4 : i32
      %add3A_254 = arith.addi %add3A_252, %add3A_253 : i32
      %sub3A = arith.constant 1 : i32
      %sub3A_255 = arith.subi %add3A_254, %sub3A : i32
      %lt3A = arith.constant 128 : i32
      %lt3A_256 = arith.cmpi slt, %sub3A_255, %lt3A : i32
      %convert_element_type3A = arith.extui %lt3A_256 : i1 to i32
      %cond3A = arith.constant 0 : i32
      %cond3A_257 = arith.cmpi ne, %convert_element_type3A, %cond3A : i32
      scf.if %cond3A_257 {
        %ge3A = arith.constant 1 : i32
        %ge3A_352 = arith.cmpi sge, %add3A_252, %ge3A : i32
        %convert_element_type3A_353 = arith.extui %ge3A_352 : i1 to i32
        %cond3A_354 = arith.constant 0 : i32
        %cond3A_355 = arith.cmpi ne, %convert_element_type3A_353, %cond3A_354 : i32
        scf.if %cond3A_355 {
          %add3A_396 = arith.constant 4 : i32
          %add3A_397 = arith.addi %add3A_252, %add3A_396 : i32
          %sub3A_398 = arith.constant 1 : i32
          %sub3A_399 = arith.subi %add3A_397, %sub3A_398 : i32
          %dma_start3A_400 = arith.constant 3 : i32
          %dma_start3A_401 = arith.constant 0 : i32
          %dma_start3A_402 = tpu.memref_slice %arg7[%dma_start3A_400, %dma_start3A_401] : memref<4x80xi32, #tpu.memory_space<vmem>> -> memref<1x80xi32, #tpu.memory_space<vmem>>
          %dma_start3A_403 = tpu.memref_squeeze %dma_start3A_402 : memref<1x80xi32, #tpu.memory_space<vmem>> -> memref<80xi32, #tpu.memory_space<vmem>>
          %dma_start3A_404 = arith.constant 0 : i32
          %dma_start3A_405 = tpu.memref_slice %arg2[%add3A, %sub3A_399, %dma_start3A_404] : memref<32x128x80xi32, #tpu.memory_space<hbm>> -> memref<1x1x80xi32, #tpu.memory_space<hbm>>
          %dma_start3A_406 = tpu.memref_squeeze %dma_start3A_405 : memref<1x1x80xi32, #tpu.memory_space<hbm>> -> memref<80xi32, #tpu.memory_space<hbm>>
          %dma_start3A_407 = arith.constant 0 : i32
          %dma_start3A_408 = tpu.memref_slice %arg7[%dma_start3A_400, %dma_start3A_407] : memref<4x80xi32, #tpu.memory_space<vmem>> -> memref<1x80xi32, #tpu.memory_space<vmem>>
          %dma_start3A_409 = tpu.memref_squeeze %dma_start3A_408 : memref<1x80xi32, #tpu.memory_space<vmem>> -> memref<80xi32, #tpu.memory_space<vmem>>
          %dma_start3A_410 = arith.constant 0 : i32
          %dma_start3A_411 = tpu.memref_slice %arg2[%add3A, %sub3A_399, %dma_start3A_410] : memref<32x128x80xi32, #tpu.memory_space<hbm>> -> memref<1x1x80xi32, #tpu.memory_space<hbm>>
          %dma_start3A_412 = tpu.memref_squeeze %dma_start3A_411 : memref<1x1x80xi32, #tpu.memory_space<hbm>> -> memref<80xi32, #tpu.memory_space<hbm>>
          tpu.enqueue_dma source(%dma_start3A_412 : memref<80xi32, #tpu.memory_space<hbm>>) target(%dma_start3A_409 : memref<80xi32, #tpu.memory_space<vmem>>) target_semaphore(%arg12 : memref<!tpu.dma_semaphore, #tpu.memory_space<semaphore_mem>>)
          %dma_start3A_413 = arith.constant 3 : i32
          %dma_start3A_414 = arith.constant 0 : i32
          %dma_start3A_415 = tpu.memref_slice %arg8[%dma_start3A_413, %dma_start3A_414] : memref<4x80xi32, #tpu.memory_space<vmem>> -> memref<1x80xi32, #tpu.memory_space<vmem>>
          %dma_start3A_416 = tpu.memref_squeeze %dma_start3A_415 : memref<1x80xi32, #tpu.memory_space<vmem>> -> memref<80xi32, #tpu.memory_space<vmem>>
          %dma_start3A_417 = arith.constant 0 : i32
          %dma_start3A_418 = tpu.memref_slice %arg3[%add3A, %sub3A_399, %dma_start3A_417] : memref<32x128x80xi32, #tpu.memory_space<hbm>> -> memref<1x1x80xi32, #tpu.memory_space<hbm>>
          %dma_start3A_419 = tpu.memref_squeeze %dma_start3A_418 : memref<1x1x80xi32, #tpu.memory_space<hbm>> -> memref<80xi32, #tpu.memory_space<hbm>>
          %dma_start3A_420 = arith.constant 0 : i32
          %dma_start3A_421 = tpu.memref_slice %arg8[%dma_start3A_413, %dma_start3A_420] : memref<4x80xi32, #tpu.memory_space<vmem>> -> memref<1x80xi32, #tpu.memory_space<vmem>>
          %dma_start3A_422 = tpu.memref_squeeze %dma_start3A_421 : memref<1x80xi32, #tpu.memory_space<vmem>> -> memref<80xi32, #tpu.memory_space<vmem>>
          %dma_start3A_423 = arith.constant 0 : i32
          %dma_start3A_424 = tpu.memref_slice %arg3[%add3A, %sub3A_399, %dma_start3A_423] : memref<32x128x80xi32, #tpu.memory_space<hbm>> -> memref<1x1x80xi32, #tpu.memory_space<hbm>>
          %dma_start3A_425 = tpu.memref_squeeze %dma_start3A_424 : memref<1x1x80xi32, #tpu.memory_space<hbm>> -> memref<80xi32, #tpu.memory_space<hbm>>
          tpu.enqueue_dma source(%dma_start3A_425 : memref<80xi32, #tpu.memory_space<hbm>>) target(%dma_start3A_422 : memref<80xi32, #tpu.memory_space<vmem>>) target_semaphore(%arg12 : memref<!tpu.dma_semaphore, #tpu.memory_space<semaphore_mem>>)
        } else {
        }
        %dma_wait3A_356 = arith.constant 0 : i32
        %dma_wait3A_357 = arith.constant 3 : i32
        %dma_wait3A_358 = arith.constant 0 : i32
        %dma_wait3A_359 = tpu.memref_slice %arg7[%dma_wait3A_357, %dma_wait3A_358] : memref<4x80xi32, #tpu.memory_space<vmem>> -> memref<1x80xi32, #tpu.memory_space<vmem>>
        %dma_wait3A_360 = tpu.memref_squeeze %dma_wait3A_359 : memref<1x80xi32, #tpu.memory_space<vmem>> -> memref<80xi32, #tpu.memory_space<vmem>>
        %dma_wait3A_361 = arith.constant 0 : i32
        %dma_wait3A_362 = tpu.memref_slice %arg2[%add3A, %dma_wait3A_356, %dma_wait3A_361] : memref<32x128x80xi32, #tpu.memory_space<hbm>> -> memref<1x1x80xi32, #tpu.memory_space<hbm>>
        %dma_wait3A_363 = tpu.memref_squeeze %dma_wait3A_362 : memref<1x1x80xi32, #tpu.memory_space<hbm>> -> memref<80xi32, #tpu.memory_space<hbm>>
        %dma_wait3A_364 = arith.constant 0 : i32
        %dma_wait3A_365 = tpu.memref_slice %arg7[%dma_wait3A_357, %dma_wait3A_364] : memref<4x80xi32, #tpu.memory_space<vmem>> -> memref<1x80xi32, #tpu.memory_space<vmem>>
        %dma_wait3A_366 = tpu.memref_squeeze %dma_wait3A_365 : memref<1x80xi32, #tpu.memory_space<vmem>> -> memref<80xi32, #tpu.memory_space<vmem>>
        %dma_wait3A_367 = arith.constant 0 : i32
        %dma_wait3A_368 = tpu.memref_slice %arg2[%add3A, %dma_wait3A_356, %dma_wait3A_367] : memref<32x128x80xi32, #tpu.memory_space<hbm>> -> memref<1x1x80xi32, #tpu.memory_space<hbm>>
        %dma_wait3A_369 = tpu.memref_squeeze %dma_wait3A_368 : memref<1x1x80xi32, #tpu.memory_space<hbm>> -> memref<80xi32, #tpu.memory_space<hbm>>
        tpu.wait_dma2 semaphore(%arg12 : memref<!tpu.dma_semaphore, #tpu.memory_space<semaphore_mem>>) src(%dma_wait3A_369 : memref<80xi32, #tpu.memory_space<hbm>>) dst(%dma_wait3A_366 : memref<80xi32, #tpu.memory_space<vmem>>)
        %dma_wait3A_370 = arith.constant 0 : i32
        %dma_wait3A_371 = arith.constant 3 : i32
        %dma_wait3A_372 = arith.constant 0 : i32
        %dma_wait3A_373 = tpu.memref_slice %arg8[%dma_wait3A_371, %dma_wait3A_372] : memref<4x80xi32, #tpu.memory_space<vmem>> -> memref<1x80xi32, #tpu.memory_space<vmem>>
        %dma_wait3A_374 = tpu.memref_squeeze %dma_wait3A_373 : memref<1x80xi32, #tpu.memory_space<vmem>> -> memref<80xi32, #tpu.memory_space<vmem>>
        %dma_wait3A_375 = arith.constant 0 : i32
        %dma_wait3A_376 = tpu.memref_slice %arg3[%add3A, %dma_wait3A_370, %dma_wait3A_375] : memref<32x128x80xi32, #tpu.memory_space<hbm>> -> memref<1x1x80xi32, #tpu.memory_space<hbm>>
        %dma_wait3A_377 = tpu.memref_squeeze %dma_wait3A_376 : memref<1x1x80xi32, #tpu.memory_space<hbm>> -> memref<80xi32, #tpu.memory_space<hbm>>
        %dma_wait3A_378 = arith.constant 0 : i32
        %dma_wait3A_379 = tpu.memref_slice %arg8[%dma_wait3A_371, %dma_wait3A_378] : memref<4x80xi32, #tpu.memory_space<vmem>> -> memref<1x80xi32, #tpu.memory_space<vmem>>
        %dma_wait3A_380 = tpu.memref_squeeze %dma_wait3A_379 : memref<1x80xi32, #tpu.memory_space<vmem>> -> memref<80xi32, #tpu.memory_space<vmem>>
        %dma_wait3A_381 = arith.constant 0 : i32
        %dma_wait3A_382 = tpu.memref_slice %arg3[%add3A, %dma_wait3A_370, %dma_wait3A_381] : memref<32x128x80xi32, #tpu.memory_space<hbm>> -> memref<1x1x80xi32, #tpu.memory_space<hbm>>
        %dma_wait3A_383 = tpu.memref_squeeze %dma_wait3A_382 : memref<1x1x80xi32, #tpu.memory_space<hbm>> -> memref<80xi32, #tpu.memory_space<hbm>>
        tpu.wait_dma2 semaphore(%arg12 : memref<!tpu.dma_semaphore, #tpu.memory_space<semaphore_mem>>) src(%dma_wait3A_383 : memref<80xi32, #tpu.memory_space<hbm>>) dst(%dma_wait3A_380 : memref<80xi32, #tpu.memory_space<vmem>>)
        %dma_start3A_384 = arith.constant 3 : i32
        %dma_start3A_385 = arith.constant 3 : i32
        %dma_start3A_386 = arith.constant 0 : i32
        %dma_start3A_387 = arith.constant 0 : i32
        %dma_start3A_388 = tpu.memref_slice %arg9[%dma_start3A_385, %dma_start3A_386, %dma_start3A_387] : memref<4x80x128xf32, #tpu.memory_space<vmem>> -> memref<1x80x128xf32, #tpu.memory_space<vmem>>
        %dma_start3A_389 = tpu.memref_squeeze %dma_start3A_388 : memref<1x80x128xf32, #tpu.memory_space<vmem>> -> memref<80x128xf32, #tpu.memory_space<vmem>>
        %dma_start3A_390 = arith.constant 0 : i32
        %dma_start3A_391 = tpu.memref_slice %arg7[%dma_start3A_384, %dma_start3A_390] : memref<4x80xi32, #tpu.memory_space<vmem>> -> memref<1x80xi32, #tpu.memory_space<vmem>>
        %dma_start3A_392 = tpu.memref_squeeze %dma_start3A_391 : memref<1x80xi32, #tpu.memory_space<vmem>> -> memref<80xi32, #tpu.memory_space<vmem>>
        %dma_start3A_393 = arith.constant 0 : i32
        %dma_start3A_394 = arith.constant 0 : i32
        %dma_start3A_395 = tpu.memref_slice %arg4[%dma_start3A_393, %dma_start3A_394] : memref<10112x128xf32, #tpu.memory_space<hbm>> -> memref<10112x128xf32, #tpu.memory_space<hbm>>
        tpu.enqueue_indirect_dma source(%dma_start3A_395 : memref<10112x128xf32, #tpu.memory_space<hbm>>) target(%dma_start3A_389 : memref<80x128xf32, #tpu.memory_space<vmem>>) offsets(%dma_start3A_392 : memref<80xi32, #tpu.memory_space<vmem>>) semaphore(%arg11 : memref<!tpu.dma_semaphore, #tpu.memory_space<semaphore_mem>>)
      } else {
      }
      %dma_wait3A_258 = arith.constant 0 : i32
      %dma_wait3A_259 = arith.constant 0 : i32
      %dma_wait3A_260 = arith.constant 0 : i32
      %dma_wait3A_261 = arith.constant 0 : i32
      %dma_wait3A_262 = tpu.memref_slice %arg9[%dma_wait3A_259, %dma_wait3A_260, %dma_wait3A_261] : memref<4x80x128xf32, #tpu.memory_space<vmem>> -> memref<1x80x128xf32, #tpu.memory_space<vmem>>
      %dma_wait3A_263 = tpu.memref_squeeze %dma_wait3A_262 : memref<1x80x128xf32, #tpu.memory_space<vmem>> -> memref<80x128xf32, #tpu.memory_space<vmem>>
      %dma_wait3A_264 = arith.constant 0 : i32
      %dma_wait3A_265 = tpu.memref_slice %arg7[%dma_wait3A_258, %dma_wait3A_264] : memref<4x80xi32, #tpu.memory_space<vmem>> -> memref<1x80xi32, #tpu.memory_space<vmem>>
      %dma_wait3A_266 = tpu.memref_squeeze %dma_wait3A_265 : memref<1x80xi32, #tpu.memory_space<vmem>> -> memref<80xi32, #tpu.memory_space<vmem>>
      %dma_wait3A_267 = arith.constant 0 : i32
      %dma_wait3A_268 = arith.constant 0 : i32
      %dma_wait3A_269 = tpu.memref_slice %arg4[%dma_wait3A_267, %dma_wait3A_268] : memref<10112x128xf32, #tpu.memory_space<hbm>> -> memref<10112x128xf32, #tpu.memory_space<hbm>>
      tpu.wait_indirect_dma semaphore(%arg11 : memref<!tpu.dma_semaphore, #tpu.memory_space<semaphore_mem>>) src(%dma_wait3A_269 : memref<10112x128xf32, #tpu.memory_space<hbm>>) dst(%dma_wait3A_263 : memref<80x128xf32, #tpu.memory_space<vmem>>)
      %run_scoped3A = arith.constant 0 : i32
      %run_scoped3A_270 = arith.constant 0 : i32
      "tpu.region"() ({
        %run_scoped3A_352 = tpu.sem_alloc : memref<!tpu.dma_semaphore, #tpu.memory_space<semaphore_mem>>
        %dma_start3A_353 = arith.constant 0 : i32
        %dma_start3A_354 = arith.constant 0 : i32
        %dma_start3A_355 = tpu.memref_slice %arg9[%run_scoped3A, %dma_start3A_353, %dma_start3A_354] : memref<4x80x128xf32, #tpu.memory_space<vmem>> -> memref<1x80x128xf32, #tpu.memory_space<vmem>>
        %dma_start3A_356 = tpu.memref_squeeze %dma_start3A_355 : memref<1x80x128xf32, #tpu.memory_space<vmem>> -> memref<80x128xf32, #tpu.memory_space<vmem>>
        %dma_start3A_357 = arith.constant 0 : i32
        %dma_start3A_358 = tpu.memref_slice %arg8[%run_scoped3A_270, %dma_start3A_357] : memref<4x80xi32, #tpu.memory_space<vmem>> -> memref<1x80xi32, #tpu.memory_space<vmem>>
        %dma_start3A_359 = tpu.memref_squeeze %dma_start3A_358 : memref<1x80xi32, #tpu.memory_space<vmem>> -> memref<80xi32, #tpu.memory_space<vmem>>
        %dma_start3A_360 = arith.constant 0 : i32
        %dma_start3A_361 = arith.constant 0 : i32
        %dma_start3A_362 = tpu.memref_slice %arg10[%dma_start3A_360, %dma_start3A_361] : memref<10112x128xf32, #tpu.memory_space<vmem_shared>> -> memref<10112x128xf32, #tpu.memory_space<vmem_shared>>
        tpu.enqueue_indirect_dma source(%dma_start3A_356 : memref<80x128xf32, #tpu.memory_space<vmem>>) target(%dma_start3A_362 : memref<10112x128xf32, #tpu.memory_space<vmem_shared>>) offsets(%dma_start3A_359 : memref<80xi32, #tpu.memory_space<vmem>>) semaphore(%run_scoped3A_352 : memref<!tpu.dma_semaphore, #tpu.memory_space<semaphore_mem>>) {add = true}
        %dma_wait3A_363 = arith.constant 0 : i32
        %dma_wait3A_364 = arith.constant 0 : i32
        %dma_wait3A_365 = tpu.memref_slice %arg9[%run_scoped3A, %dma_wait3A_363, %dma_wait3A_364] : memref<4x80x128xf32, #tpu.memory_space<vmem>> -> memref<1x80x128xf32, #tpu.memory_space<vmem>>
        %dma_wait3A_366 = tpu.memref_squeeze %dma_wait3A_365 : memref<1x80x128xf32, #tpu.memory_space<vmem>> -> memref<80x128xf32, #tpu.memory_space<vmem>>
        %dma_wait3A_367 = arith.constant 0 : i32
        %dma_wait3A_368 = tpu.memref_slice %arg8[%run_scoped3A_270, %dma_wait3A_367] : memref<4x80xi32, #tpu.memory_space<vmem>> -> memref<1x80xi32, #tpu.memory_space<vmem>>
        %dma_wait3A_369 = tpu.memref_squeeze %dma_wait3A_368 : memref<1x80xi32, #tpu.memory_space<vmem>> -> memref<80xi32, #tpu.memory_space<vmem>>
        %dma_wait3A_370 = arith.constant 0 : i32
        %dma_wait3A_371 = arith.constant 0 : i32
        %dma_wait3A_372 = tpu.memref_slice %arg10[%dma_wait3A_370, %dma_wait3A_371] : memref<10112x128xf32, #tpu.memory_space<vmem_shared>> -> memref<10112x128xf32, #tpu.memory_space<vmem_shared>>
        tpu.wait_indirect_dma semaphore(%run_scoped3A_352 : memref<!tpu.dma_semaphore, #tpu.memory_space<semaphore_mem>>) src(%dma_wait3A_366 : memref<80x128xf32, #tpu.memory_space<vmem>>) dst(%dma_wait3A_372 : memref<10112x128xf32, #tpu.memory_space<vmem_shared>>)
        tpu.yield
      }) : () -> ()
      %mul3A_271 = arith.constant 4 : i32
      %mul3A_272 = arith.muli %scan3A_248, %mul3A_271 : i32
      %add3A_273 = arith.constant 1 : i32
      %add3A_274 = arith.addi %mul3A_272, %add3A_273 : i32
      %add3A_275 = arith.constant 4 : i32
      %add3A_276 = arith.addi %add3A_274, %add3A_275 : i32
      %sub3A_277 = arith.constant 1 : i32
      %sub3A_278 = arith.subi %add3A_276, %sub3A_277 : i32
      %lt3A_279 = arith.constant 128 : i32
      %lt3A_280 = arith.cmpi slt, %sub3A_278, %lt3A_279 : i32
      %convert_element_type3A_281 = arith.extui %lt3A_280 : i1 to i32
      %cond3A_282 = arith.constant 0 : i32
      %cond3A_283 = arith.cmpi ne, %convert_element_type3A_281, %cond3A_282 : i32
      scf.if %cond3A_283 {
        %ge3A = arith.constant 1 : i32
        %ge3A_352 = arith.cmpi sge, %add3A_274, %ge3A : i32
        %convert_element_type3A_353 = arith.extui %ge3A_352 : i1 to i32
        %cond3A_354 = arith.constant 0 : i32
        %cond3A_355 = arith.cmpi ne, %convert_element_type3A_353, %cond3A_354 : i32
        scf.if %cond3A_355 {
          %add3A_396 = arith.constant 4 : i32
          %add3A_397 = arith.addi %add3A_274, %add3A_396 : i32
          %sub3A_398 = arith.constant 1 : i32
          %sub3A_399 = arith.subi %add3A_397, %sub3A_398 : i32
          %dma_start3A_400 = arith.constant 0 : i32
          %dma_start3A_401 = arith.constant 0 : i32
          %dma_start3A_402 = tpu.memref_slice %arg7[%dma_start3A_400, %dma_start3A_401] : memref<4x80xi32, #tpu.memory_space<vmem>> -> memref<1x80xi32, #tpu.memory_space<vmem>>
          %dma_start3A_403 = tpu.memref_squeeze %dma_start3A_402 : memref<1x80xi32, #tpu.memory_space<vmem>> -> memref<80xi32, #tpu.memory_space<vmem>>
          %dma_start3A_404 = arith.constant 0 : i32
          %dma_start3A_405 = tpu.memref_slice %arg2[%add3A, %sub3A_399, %dma_start3A_404] : memref<32x128x80xi32, #tpu.memory_space<hbm>> -> memref<1x1x80xi32, #tpu.memory_space<hbm>>
          %dma_start3A_406 = tpu.memref_squeeze %dma_start3A_405 : memref<1x1x80xi32, #tpu.memory_space<hbm>> -> memref<80xi32, #tpu.memory_space<hbm>>
          %dma_start3A_407 = arith.constant 0 : i32
          %dma_start3A_408 = tpu.memref_slice %arg7[%dma_start3A_400, %dma_start3A_407] : memref<4x80xi32, #tpu.memory_space<vmem>> -> memref<1x80xi32, #tpu.memory_space<vmem>>
          %dma_start3A_409 = tpu.memref_squeeze %dma_start3A_408 : memref<1x80xi32, #tpu.memory_space<vmem>> -> memref<80xi32, #tpu.memory_space<vmem>>
          %dma_start3A_410 = arith.constant 0 : i32
          %dma_start3A_411 = tpu.memref_slice %arg2[%add3A, %sub3A_399, %dma_start3A_410] : memref<32x128x80xi32, #tpu.memory_space<hbm>> -> memref<1x1x80xi32, #tpu.memory_space<hbm>>
          %dma_start3A_412 = tpu.memref_squeeze %dma_start3A_411 : memref<1x1x80xi32, #tpu.memory_space<hbm>> -> memref<80xi32, #tpu.memory_space<hbm>>
          tpu.enqueue_dma source(%dma_start3A_412 : memref<80xi32, #tpu.memory_space<hbm>>) target(%dma_start3A_409 : memref<80xi32, #tpu.memory_space<vmem>>) target_semaphore(%arg12 : memref<!tpu.dma_semaphore, #tpu.memory_space<semaphore_mem>>)
          %dma_start3A_413 = arith.constant 0 : i32
          %dma_start3A_414 = arith.constant 0 : i32
          %dma_start3A_415 = tpu.memref_slice %arg8[%dma_start3A_413, %dma_start3A_414] : memref<4x80xi32, #tpu.memory_space<vmem>> -> memref<1x80xi32, #tpu.memory_space<vmem>>
          %dma_start3A_416 = tpu.memref_squeeze %dma_start3A_415 : memref<1x80xi32, #tpu.memory_space<vmem>> -> memref<80xi32, #tpu.memory_space<vmem>>
          %dma_start3A_417 = arith.constant 0 : i32
          %dma_start3A_418 = tpu.memref_slice %arg3[%add3A, %sub3A_399, %dma_start3A_417] : memref<32x128x80xi32, #tpu.memory_space<hbm>> -> memref<1x1x80xi32, #tpu.memory_space<hbm>>
          %dma_start3A_419 = tpu.memref_squeeze %dma_start3A_418 : memref<1x1x80xi32, #tpu.memory_space<hbm>> -> memref<80xi32, #tpu.memory_space<hbm>>
          %dma_start3A_420 = arith.constant 0 : i32
          %dma_start3A_421 = tpu.memref_slice %arg8[%dma_start3A_413, %dma_start3A_420] : memref<4x80xi32, #tpu.memory_space<vmem>> -> memref<1x80xi32, #tpu.memory_space<vmem>>
          %dma_start3A_422 = tpu.memref_squeeze %dma_start3A_421 : memref<1x80xi32, #tpu.memory_space<vmem>> -> memref<80xi32, #tpu.memory_space<vmem>>
          %dma_start3A_423 = arith.constant 0 : i32
          %dma_start3A_424 = tpu.memref_slice %arg3[%add3A, %sub3A_399, %dma_start3A_423] : memref<32x128x80xi32, #tpu.memory_space<hbm>> -> memref<1x1x80xi32, #tpu.memory_space<hbm>>
          %dma_start3A_425 = tpu.memref_squeeze %dma_start3A_424 : memref<1x1x80xi32, #tpu.memory_space<hbm>> -> memref<80xi32, #tpu.memory_space<hbm>>
          tpu.enqueue_dma source(%dma_start3A_425 : memref<80xi32, #tpu.memory_space<hbm>>) target(%dma_start3A_422 : memref<80xi32, #tpu.memory_space<vmem>>) target_semaphore(%arg12 : memref<!tpu.dma_semaphore, #tpu.memory_space<semaphore_mem>>)
        } else {
        }
        %dma_wait3A_356 = arith.constant 0 : i32
        %dma_wait3A_357 = arith.constant 0 : i32
        %dma_wait3A_358 = arith.constant 0 : i32
        %dma_wait3A_359 = tpu.memref_slice %arg7[%dma_wait3A_357, %dma_wait3A_358] : memref<4x80xi32, #tpu.memory_space<vmem>> -> memref<1x80xi32, #tpu.memory_space<vmem>>
        %dma_wait3A_360 = tpu.memref_squeeze %dma_wait3A_359 : memref<1x80xi32, #tpu.memory_space<vmem>> -> memref<80xi32, #tpu.memory_space<vmem>>
        %dma_wait3A_361 = arith.constant 0 : i32
        %dma_wait3A_362 = tpu.memref_slice %arg2[%add3A, %dma_wait3A_356, %dma_wait3A_361] : memref<32x128x80xi32, #tpu.memory_space<hbm>> -> memref<1x1x80xi32, #tpu.memory_space<hbm>>
        %dma_wait3A_363 = tpu.memref_squeeze %dma_wait3A_362 : memref<1x1x80xi32, #tpu.memory_space<hbm>> -> memref<80xi32, #tpu.memory_space<hbm>>
        %dma_wait3A_364 = arith.constant 0 : i32
        %dma_wait3A_365 = tpu.memref_slice %arg7[%dma_wait3A_357, %dma_wait3A_364] : memref<4x80xi32, #tpu.memory_space<vmem>> -> memref<1x80xi32, #tpu.memory_space<vmem>>
        %dma_wait3A_366 = tpu.memref_squeeze %dma_wait3A_365 : memref<1x80xi32, #tpu.memory_space<vmem>> -> memref<80xi32, #tpu.memory_space<vmem>>
        %dma_wait3A_367 = arith.constant 0 : i32
        %dma_wait3A_368 = tpu.memref_slice %arg2[%add3A, %dma_wait3A_356, %dma_wait3A_367] : memref<32x128x80xi32, #tpu.memory_space<hbm>> -> memref<1x1x80xi32, #tpu.memory_space<hbm>>
        %dma_wait3A_369 = tpu.memref_squeeze %dma_wait3A_368 : memref<1x1x80xi32, #tpu.memory_space<hbm>> -> memref<80xi32, #tpu.memory_space<hbm>>
        tpu.wait_dma2 semaphore(%arg12 : memref<!tpu.dma_semaphore, #tpu.memory_space<semaphore_mem>>) src(%dma_wait3A_369 : memref<80xi32, #tpu.memory_space<hbm>>) dst(%dma_wait3A_366 : memref<80xi32, #tpu.memory_space<vmem>>)
        %dma_wait3A_370 = arith.constant 0 : i32
        %dma_wait3A_371 = arith.constant 0 : i32
        %dma_wait3A_372 = arith.constant 0 : i32
        %dma_wait3A_373 = tpu.memref_slice %arg8[%dma_wait3A_371, %dma_wait3A_372] : memref<4x80xi32, #tpu.memory_space<vmem>> -> memref<1x80xi32, #tpu.memory_space<vmem>>
        %dma_wait3A_374 = tpu.memref_squeeze %dma_wait3A_373 : memref<1x80xi32, #tpu.memory_space<vmem>> -> memref<80xi32, #tpu.memory_space<vmem>>
        %dma_wait3A_375 = arith.constant 0 : i32
        %dma_wait3A_376 = tpu.memref_slice %arg3[%add3A, %dma_wait3A_370, %dma_wait3A_375] : memref<32x128x80xi32, #tpu.memory_space<hbm>> -> memref<1x1x80xi32, #tpu.memory_space<hbm>>
        %dma_wait3A_377 = tpu.memref_squeeze %dma_wait3A_376 : memref<1x1x80xi32, #tpu.memory_space<hbm>> -> memref<80xi32, #tpu.memory_space<hbm>>
        %dma_wait3A_378 = arith.constant 0 : i32
        %dma_wait3A_379 = tpu.memref_slice %arg8[%dma_wait3A_371, %dma_wait3A_378] : memref<4x80xi32, #tpu.memory_space<vmem>> -> memref<1x80xi32, #tpu.memory_space<vmem>>
        %dma_wait3A_380 = tpu.memref_squeeze %dma_wait3A_379 : memref<1x80xi32, #tpu.memory_space<vmem>> -> memref<80xi32, #tpu.memory_space<vmem>>
        %dma_wait3A_381 = arith.constant 0 : i32
        %dma_wait3A_382 = tpu.memref_slice %arg3[%add3A, %dma_wait3A_370, %dma_wait3A_381] : memref<32x128x80xi32, #tpu.memory_space<hbm>> -> memref<1x1x80xi32, #tpu.memory_space<hbm>>
        %dma_wait3A_383 = tpu.memref_squeeze %dma_wait3A_382 : memref<1x1x80xi32, #tpu.memory_space<hbm>> -> memref<80xi32, #tpu.memory_space<hbm>>
        tpu.wait_dma2 semaphore(%arg12 : memref<!tpu.dma_semaphore, #tpu.memory_space<semaphore_mem>>) src(%dma_wait3A_383 : memref<80xi32, #tpu.memory_space<hbm>>) dst(%dma_wait3A_380 : memref<80xi32, #tpu.memory_space<vmem>>)
        %dma_start3A_384 = arith.constant 0 : i32
        %dma_start3A_385 = arith.constant 0 : i32
        %dma_start3A_386 = arith.constant 0 : i32
        %dma_start3A_387 = arith.constant 0 : i32
        %dma_start3A_388 = tpu.memref_slice %arg9[%dma_start3A_385, %dma_start3A_386, %dma_start3A_387] : memref<4x80x128xf32, #tpu.memory_space<vmem>> -> memref<1x80x128xf32, #tpu.memory_space<vmem>>
        %dma_start3A_389 = tpu.memref_squeeze %dma_start3A_388 : memref<1x80x128xf32, #tpu.memory_space<vmem>> -> memref<80x128xf32, #tpu.memory_space<vmem>>
        %dma_start3A_390 = arith.constant 0 : i32
        %dma_start3A_391 = tpu.memref_slice %arg7[%dma_start3A_384, %dma_start3A_390] : memref<4x80xi32, #tpu.memory_space<vmem>> -> memref<1x80xi32, #tpu.memory_space<vmem>>
        %dma_start3A_392 = tpu.memref_squeeze %dma_start3A_391 : memref<1x80xi32, #tpu.memory_space<vmem>> -> memref<80xi32, #tpu.memory_space<vmem>>
        %dma_start3A_393 = arith.constant 0 : i32
        %dma_start3A_394 = arith.constant 0 : i32
        %dma_start3A_395 = tpu.memref_slice %arg4[%dma_start3A_393, %dma_start3A_394] : memref<10112x128xf32, #tpu.memory_space<hbm>> -> memref<10112x128xf32, #tpu.memory_space<hbm>>
        tpu.enqueue_indirect_dma source(%dma_start3A_395 : memref<10112x128xf32, #tpu.memory_space<hbm>>) target(%dma_start3A_389 : memref<80x128xf32, #tpu.memory_space<vmem>>) offsets(%dma_start3A_392 : memref<80xi32, #tpu.memory_space<vmem>>) semaphore(%arg11 : memref<!tpu.dma_semaphore, #tpu.memory_space<semaphore_mem>>)
      } else {
      }
      %dma_wait3A_284 = arith.constant 1 : i32
      %dma_wait3A_285 = arith.constant 1 : i32
      %dma_wait3A_286 = arith.constant 0 : i32
      %dma_wait3A_287 = arith.constant 0 : i32
      %dma_wait3A_288 = tpu.memref_slice %arg9[%dma_wait3A_285, %dma_wait3A_286, %dma_wait3A_287] : memref<4x80x128xf32, #tpu.memory_space<vmem>> -> memref<1x80x128xf32, #tpu.memory_space<vmem>>
      %dma_wait3A_289 = tpu.memref_squeeze %dma_wait3A_288 : memref<1x80x128xf32, #tpu.memory_space<vmem>> -> memref<80x128xf32, #tpu.memory_space<vmem>>
      %dma_wait3A_290 = arith.constant 0 : i32
      %dma_wait3A_291 = tpu.memref_slice %arg7[%dma_wait3A_284, %dma_wait3A_290] : memref<4x80xi32, #tpu.memory_space<vmem>> -> memref<1x80xi32, #tpu.memory_space<vmem>>
      %dma_wait3A_292 = tpu.memref_squeeze %dma_wait3A_291 : memref<1x80xi32, #tpu.memory_space<vmem>> -> memref<80xi32, #tpu.memory_space<vmem>>
      %dma_wait3A_293 = arith.constant 0 : i32
      %dma_wait3A_294 = arith.constant 0 : i32
      %dma_wait3A_295 = tpu.memref_slice %arg4[%dma_wait3A_293, %dma_wait3A_294] : memref<10112x128xf32, #tpu.memory_space<hbm>> -> memref<10112x128xf32, #tpu.memory_space<hbm>>
      tpu.wait_indirect_dma semaphore(%arg11 : memref<!tpu.dma_semaphore, #tpu.memory_space<semaphore_mem>>) src(%dma_wait3A_295 : memref<10112x128xf32, #tpu.memory_space<hbm>>) dst(%dma_wait3A_289 : memref<80x128xf32, #tpu.memory_space<vmem>>)
      %run_scoped3A_296 = arith.constant 1 : i32
      %run_scoped3A_297 = arith.constant 1 : i32
      "tpu.region"() ({
        %run_scoped3A_352 = tpu.sem_alloc : memref<!tpu.dma_semaphore, #tpu.memory_space<semaphore_mem>>
        %dma_start3A_353 = arith.constant 0 : i32
        %dma_start3A_354 = arith.constant 0 : i32
        %dma_start3A_355 = tpu.memref_slice %arg9[%run_scoped3A_296, %dma_start3A_353, %dma_start3A_354] : memref<4x80x128xf32, #tpu.memory_space<vmem>> -> memref<1x80x128xf32, #tpu.memory_space<vmem>>
        %dma_start3A_356 = tpu.memref_squeeze %dma_start3A_355 : memref<1x80x128xf32, #tpu.memory_space<vmem>> -> memref<80x128xf32, #tpu.memory_space<vmem>>
        %dma_start3A_357 = arith.constant 0 : i32
        %dma_start3A_358 = tpu.memref_slice %arg8[%run_scoped3A_297, %dma_start3A_357] : memref<4x80xi32, #tpu.memory_space<vmem>> -> memref<1x80xi32, #tpu.memory_space<vmem>>
        %dma_start3A_359 = tpu.memref_squeeze %dma_start3A_358 : memref<1x80xi32, #tpu.memory_space<vmem>> -> memref<80xi32, #tpu.memory_space<vmem>>
        %dma_start3A_360 = arith.constant 0 : i32
        %dma_start3A_361 = arith.constant 0 : i32
        %dma_start3A_362 = tpu.memref_slice %arg10[%dma_start3A_360, %dma_start3A_361] : memref<10112x128xf32, #tpu.memory_space<vmem_shared>> -> memref<10112x128xf32, #tpu.memory_space<vmem_shared>>
        tpu.enqueue_indirect_dma source(%dma_start3A_356 : memref<80x128xf32, #tpu.memory_space<vmem>>) target(%dma_start3A_362 : memref<10112x128xf32, #tpu.memory_space<vmem_shared>>) offsets(%dma_start3A_359 : memref<80xi32, #tpu.memory_space<vmem>>) semaphore(%run_scoped3A_352 : memref<!tpu.dma_semaphore, #tpu.memory_space<semaphore_mem>>) {add = true}
        %dma_wait3A_363 = arith.constant 0 : i32
        %dma_wait3A_364 = arith.constant 0 : i32
        %dma_wait3A_365 = tpu.memref_slice %arg9[%run_scoped3A_296, %dma_wait3A_363, %dma_wait3A_364] : memref<4x80x128xf32, #tpu.memory_space<vmem>> -> memref<1x80x128xf32, #tpu.memory_space<vmem>>
        %dma_wait3A_366 = tpu.memref_squeeze %dma_wait3A_365 : memref<1x80x128xf32, #tpu.memory_space<vmem>> -> memref<80x128xf32, #tpu.memory_space<vmem>>
        %dma_wait3A_367 = arith.constant 0 : i32
        %dma_wait3A_368 = tpu.memref_slice %arg8[%run_scoped3A_297, %dma_wait3A_367] : memref<4x80xi32, #tpu.memory_space<vmem>> -> memref<1x80xi32, #tpu.memory_space<vmem>>
        %dma_wait3A_369 = tpu.memref_squeeze %dma_wait3A_368 : memref<1x80xi32, #tpu.memory_space<vmem>> -> memref<80xi32, #tpu.memory_space<vmem>>
        %dma_wait3A_370 = arith.constant 0 : i32
        %dma_wait3A_371 = arith.constant 0 : i32
        %dma_wait3A_372 = tpu.memref_slice %arg10[%dma_wait3A_370, %dma_wait3A_371] : memref<10112x128xf32, #tpu.memory_space<vmem_shared>> -> memref<10112x128xf32, #tpu.memory_space<vmem_shared>>
        tpu.wait_indirect_dma semaphore(%run_scoped3A_352 : memref<!tpu.dma_semaphore, #tpu.memory_space<semaphore_mem>>) src(%dma_wait3A_366 : memref<80x128xf32, #tpu.memory_space<vmem>>) dst(%dma_wait3A_372 : memref<10112x128xf32, #tpu.memory_space<vmem_shared>>)
        tpu.yield
      }) : () -> ()
      %mul3A_298 = arith.constant 4 : i32
      %mul3A_299 = arith.muli %scan3A_248, %mul3A_298 : i32
      %add3A_300 = arith.constant 2 : i32
      %add3A_301 = arith.addi %mul3A_299, %add3A_300 : i32
      %add3A_302 = arith.constant 4 : i32
      %add3A_303 = arith.addi %add3A_301, %add3A_302 : i32
      %sub3A_304 = arith.constant 1 : i32
      %sub3A_305 = arith.subi %add3A_303, %sub3A_304 : i32
      %lt3A_306 = arith.constant 128 : i32
      %lt3A_307 = arith.cmpi slt, %sub3A_305, %lt3A_306 : i32
      %convert_element_type3A_308 = arith.extui %lt3A_307 : i1 to i32
      %cond3A_309 = arith.constant 0 : i32
      %cond3A_310 = arith.cmpi ne, %convert_element_type3A_308, %cond3A_309 : i32
      scf.if %cond3A_310 {
        %ge3A = arith.constant 1 : i32
        %ge3A_352 = arith.cmpi sge, %add3A_301, %ge3A : i32
        %convert_element_type3A_353 = arith.extui %ge3A_352 : i1 to i32
        %cond3A_354 = arith.constant 0 : i32
        %cond3A_355 = arith.cmpi ne, %convert_element_type3A_353, %cond3A_354 : i32
        scf.if %cond3A_355 {
          %add3A_396 = arith.constant 4 : i32
          %add3A_397 = arith.addi %add3A_301, %add3A_396 : i32
          %sub3A_398 = arith.constant 1 : i32
          %sub3A_399 = arith.subi %add3A_397, %sub3A_398 : i32
          %dma_start3A_400 = arith.constant 1 : i32
          %dma_start3A_401 = arith.constant 0 : i32
          %dma_start3A_402 = tpu.memref_slice %arg7[%dma_start3A_400, %dma_start3A_401] : memref<4x80xi32, #tpu.memory_space<vmem>> -> memref<1x80xi32, #tpu.memory_space<vmem>>
          %dma_start3A_403 = tpu.memref_squeeze %dma_start3A_402 : memref<1x80xi32, #tpu.memory_space<vmem>> -> memref<80xi32, #tpu.memory_space<vmem>>
          %dma_start3A_404 = arith.constant 0 : i32
          %dma_start3A_405 = tpu.memref_slice %arg2[%add3A, %sub3A_399, %dma_start3A_404] : memref<32x128x80xi32, #tpu.memory_space<hbm>> -> memref<1x1x80xi32, #tpu.memory_space<hbm>>
          %dma_start3A_406 = tpu.memref_squeeze %dma_start3A_405 : memref<1x1x80xi32, #tpu.memory_space<hbm>> -> memref<80xi32, #tpu.memory_space<hbm>>
          %dma_start3A_407 = arith.constant 0 : i32
          %dma_start3A_408 = tpu.memref_slice %arg7[%dma_start3A_400, %dma_start3A_407] : memref<4x80xi32, #tpu.memory_space<vmem>> -> memref<1x80xi32, #tpu.memory_space<vmem>>
          %dma_start3A_409 = tpu.memref_squeeze %dma_start3A_408 : memref<1x80xi32, #tpu.memory_space<vmem>> -> memref<80xi32, #tpu.memory_space<vmem>>
          %dma_start3A_410 = arith.constant 0 : i32
          %dma_start3A_411 = tpu.memref_slice %arg2[%add3A, %sub3A_399, %dma_start3A_410] : memref<32x128x80xi32, #tpu.memory_space<hbm>> -> memref<1x1x80xi32, #tpu.memory_space<hbm>>
          %dma_start3A_412 = tpu.memref_squeeze %dma_start3A_411 : memref<1x1x80xi32, #tpu.memory_space<hbm>> -> memref<80xi32, #tpu.memory_space<hbm>>
          tpu.enqueue_dma source(%dma_start3A_412 : memref<80xi32, #tpu.memory_space<hbm>>) target(%dma_start3A_409 : memref<80xi32, #tpu.memory_space<vmem>>) target_semaphore(%arg12 : memref<!tpu.dma_semaphore, #tpu.memory_space<semaphore_mem>>)
          %dma_start3A_413 = arith.constant 1 : i32
          %dma_start3A_414 = arith.constant 0 : i32
          %dma_start3A_415 = tpu.memref_slice %arg8[%dma_start3A_413, %dma_start3A_414] : memref<4x80xi32, #tpu.memory_space<vmem>> -> memref<1x80xi32, #tpu.memory_space<vmem>>
          %dma_start3A_416 = tpu.memref_squeeze %dma_start3A_415 : memref<1x80xi32, #tpu.memory_space<vmem>> -> memref<80xi32, #tpu.memory_space<vmem>>
          %dma_start3A_417 = arith.constant 0 : i32
          %dma_start3A_418 = tpu.memref_slice %arg3[%add3A, %sub3A_399, %dma_start3A_417] : memref<32x128x80xi32, #tpu.memory_space<hbm>> -> memref<1x1x80xi32, #tpu.memory_space<hbm>>
          %dma_start3A_419 = tpu.memref_squeeze %dma_start3A_418 : memref<1x1x80xi32, #tpu.memory_space<hbm>> -> memref<80xi32, #tpu.memory_space<hbm>>
          %dma_start3A_420 = arith.constant 0 : i32
          %dma_start3A_421 = tpu.memref_slice %arg8[%dma_start3A_413, %dma_start3A_420] : memref<4x80xi32, #tpu.memory_space<vmem>> -> memref<1x80xi32, #tpu.memory_space<vmem>>
          %dma_start3A_422 = tpu.memref_squeeze %dma_start3A_421 : memref<1x80xi32, #tpu.memory_space<vmem>> -> memref<80xi32, #tpu.memory_space<vmem>>
          %dma_start3A_423 = arith.constant 0 : i32
          %dma_start3A_424 = tpu.memref_slice %arg3[%add3A, %sub3A_399, %dma_start3A_423] : memref<32x128x80xi32, #tpu.memory_space<hbm>> -> memref<1x1x80xi32, #tpu.memory_space<hbm>>
          %dma_start3A_425 = tpu.memref_squeeze %dma_start3A_424 : memref<1x1x80xi32, #tpu.memory_space<hbm>> -> memref<80xi32, #tpu.memory_space<hbm>>
          tpu.enqueue_dma source(%dma_start3A_425 : memref<80xi32, #tpu.memory_space<hbm>>) target(%dma_start3A_422 : memref<80xi32, #tpu.memory_space<vmem>>) target_semaphore(%arg12 : memref<!tpu.dma_semaphore, #tpu.memory_space<semaphore_mem>>)
        } else {
        }
        %dma_wait3A_356 = arith.constant 0 : i32
        %dma_wait3A_357 = arith.constant 1 : i32
        %dma_wait3A_358 = arith.constant 0 : i32
        %dma_wait3A_359 = tpu.memref_slice %arg7[%dma_wait3A_357, %dma_wait3A_358] : memref<4x80xi32, #tpu.memory_space<vmem>> -> memref<1x80xi32, #tpu.memory_space<vmem>>
        %dma_wait3A_360 = tpu.memref_squeeze %dma_wait3A_359 : memref<1x80xi32, #tpu.memory_space<vmem>> -> memref<80xi32, #tpu.memory_space<vmem>>
        %dma_wait3A_361 = arith.constant 0 : i32
        %dma_wait3A_362 = tpu.memref_slice %arg2[%add3A, %dma_wait3A_356, %dma_wait3A_361] : memref<32x128x80xi32, #tpu.memory_space<hbm>> -> memref<1x1x80xi32, #tpu.memory_space<hbm>>
        %dma_wait3A_363 = tpu.memref_squeeze %dma_wait3A_362 : memref<1x1x80xi32, #tpu.memory_space<hbm>> -> memref<80xi32, #tpu.memory_space<hbm>>
        %dma_wait3A_364 = arith.constant 0 : i32
        %dma_wait3A_365 = tpu.memref_slice %arg7[%dma_wait3A_357, %dma_wait3A_364] : memref<4x80xi32, #tpu.memory_space<vmem>> -> memref<1x80xi32, #tpu.memory_space<vmem>>
        %dma_wait3A_366 = tpu.memref_squeeze %dma_wait3A_365 : memref<1x80xi32, #tpu.memory_space<vmem>> -> memref<80xi32, #tpu.memory_space<vmem>>
        %dma_wait3A_367 = arith.constant 0 : i32
        %dma_wait3A_368 = tpu.memref_slice %arg2[%add3A, %dma_wait3A_356, %dma_wait3A_367] : memref<32x128x80xi32, #tpu.memory_space<hbm>> -> memref<1x1x80xi32, #tpu.memory_space<hbm>>
        %dma_wait3A_369 = tpu.memref_squeeze %dma_wait3A_368 : memref<1x1x80xi32, #tpu.memory_space<hbm>> -> memref<80xi32, #tpu.memory_space<hbm>>
        tpu.wait_dma2 semaphore(%arg12 : memref<!tpu.dma_semaphore, #tpu.memory_space<semaphore_mem>>) src(%dma_wait3A_369 : memref<80xi32, #tpu.memory_space<hbm>>) dst(%dma_wait3A_366 : memref<80xi32, #tpu.memory_space<vmem>>)
        %dma_wait3A_370 = arith.constant 0 : i32
        %dma_wait3A_371 = arith.constant 1 : i32
        %dma_wait3A_372 = arith.constant 0 : i32
        %dma_wait3A_373 = tpu.memref_slice %arg8[%dma_wait3A_371, %dma_wait3A_372] : memref<4x80xi32, #tpu.memory_space<vmem>> -> memref<1x80xi32, #tpu.memory_space<vmem>>
        %dma_wait3A_374 = tpu.memref_squeeze %dma_wait3A_373 : memref<1x80xi32, #tpu.memory_space<vmem>> -> memref<80xi32, #tpu.memory_space<vmem>>
        %dma_wait3A_375 = arith.constant 0 : i32
        %dma_wait3A_376 = tpu.memref_slice %arg3[%add3A, %dma_wait3A_370, %dma_wait3A_375] : memref<32x128x80xi32, #tpu.memory_space<hbm>> -> memref<1x1x80xi32, #tpu.memory_space<hbm>>
        %dma_wait3A_377 = tpu.memref_squeeze %dma_wait3A_376 : memref<1x1x80xi32, #tpu.memory_space<hbm>> -> memref<80xi32, #tpu.memory_space<hbm>>
        %dma_wait3A_378 = arith.constant 0 : i32
        %dma_wait3A_379 = tpu.memref_slice %arg8[%dma_wait3A_371, %dma_wait3A_378] : memref<4x80xi32, #tpu.memory_space<vmem>> -> memref<1x80xi32, #tpu.memory_space<vmem>>
        %dma_wait3A_380 = tpu.memref_squeeze %dma_wait3A_379 : memref<1x80xi32, #tpu.memory_space<vmem>> -> memref<80xi32, #tpu.memory_space<vmem>>
        %dma_wait3A_381 = arith.constant 0 : i32
        %dma_wait3A_382 = tpu.memref_slice %arg3[%add3A, %dma_wait3A_370, %dma_wait3A_381] : memref<32x128x80xi32, #tpu.memory_space<hbm>> -> memref<1x1x80xi32, #tpu.memory_space<hbm>>
        %dma_wait3A_383 = tpu.memref_squeeze %dma_wait3A_382 : memref<1x1x80xi32, #tpu.memory_space<hbm>> -> memref<80xi32, #tpu.memory_space<hbm>>
        tpu.wait_dma2 semaphore(%arg12 : memref<!tpu.dma_semaphore, #tpu.memory_space<semaphore_mem>>) src(%dma_wait3A_383 : memref<80xi32, #tpu.memory_space<hbm>>) dst(%dma_wait3A_380 : memref<80xi32, #tpu.memory_space<vmem>>)
        %dma_start3A_384 = arith.constant 1 : i32
        %dma_start3A_385 = arith.constant 1 : i32
        %dma_start3A_386 = arith.constant 0 : i32
        %dma_start3A_387 = arith.constant 0 : i32
        %dma_start3A_388 = tpu.memref_slice %arg9[%dma_start3A_385, %dma_start3A_386, %dma_start3A_387] : memref<4x80x128xf32, #tpu.memory_space<vmem>> -> memref<1x80x128xf32, #tpu.memory_space<vmem>>
        %dma_start3A_389 = tpu.memref_squeeze %dma_start3A_388 : memref<1x80x128xf32, #tpu.memory_space<vmem>> -> memref<80x128xf32, #tpu.memory_space<vmem>>
        %dma_start3A_390 = arith.constant 0 : i32
        %dma_start3A_391 = tpu.memref_slice %arg7[%dma_start3A_384, %dma_start3A_390] : memref<4x80xi32, #tpu.memory_space<vmem>> -> memref<1x80xi32, #tpu.memory_space<vmem>>
        %dma_start3A_392 = tpu.memref_squeeze %dma_start3A_391 : memref<1x80xi32, #tpu.memory_space<vmem>> -> memref<80xi32, #tpu.memory_space<vmem>>
        %dma_start3A_393 = arith.constant 0 : i32
        %dma_start3A_394 = arith.constant 0 : i32
        %dma_start3A_395 = tpu.memref_slice %arg4[%dma_start3A_393, %dma_start3A_394] : memref<10112x128xf32, #tpu.memory_space<hbm>> -> memref<10112x128xf32, #tpu.memory_space<hbm>>
        tpu.enqueue_indirect_dma source(%dma_start3A_395 : memref<10112x128xf32, #tpu.memory_space<hbm>>) target(%dma_start3A_389 : memref<80x128xf32, #tpu.memory_space<vmem>>) offsets(%dma_start3A_392 : memref<80xi32, #tpu.memory_space<vmem>>) semaphore(%arg11 : memref<!tpu.dma_semaphore, #tpu.memory_space<semaphore_mem>>)
      } else {
      }
      %dma_wait3A_311 = arith.constant 2 : i32
      %dma_wait3A_312 = arith.constant 2 : i32
      %dma_wait3A_313 = arith.constant 0 : i32
      %dma_wait3A_314 = arith.constant 0 : i32
      %dma_wait3A_315 = tpu.memref_slice %arg9[%dma_wait3A_312, %dma_wait3A_313, %dma_wait3A_314] : memref<4x80x128xf32, #tpu.memory_space<vmem>> -> memref<1x80x128xf32, #tpu.memory_space<vmem>>
      %dma_wait3A_316 = tpu.memref_squeeze %dma_wait3A_315 : memref<1x80x128xf32, #tpu.memory_space<vmem>> -> memref<80x128xf32, #tpu.memory_space<vmem>>
      %dma_wait3A_317 = arith.constant 0 : i32
      %dma_wait3A_318 = tpu.memref_slice %arg7[%dma_wait3A_311, %dma_wait3A_317] : memref<4x80xi32, #tpu.memory_space<vmem>> -> memref<1x80xi32, #tpu.memory_space<vmem>>
      %dma_wait3A_319 = tpu.memref_squeeze %dma_wait3A_318 : memref<1x80xi32, #tpu.memory_space<vmem>> -> memref<80xi32, #tpu.memory_space<vmem>>
      %dma_wait3A_320 = arith.constant 0 : i32
      %dma_wait3A_321 = arith.constant 0 : i32
      %dma_wait3A_322 = tpu.memref_slice %arg4[%dma_wait3A_320, %dma_wait3A_321] : memref<10112x128xf32, #tpu.memory_space<hbm>> -> memref<10112x128xf32, #tpu.memory_space<hbm>>
      tpu.wait_indirect_dma semaphore(%arg11 : memref<!tpu.dma_semaphore, #tpu.memory_space<semaphore_mem>>) src(%dma_wait3A_322 : memref<10112x128xf32, #tpu.memory_space<hbm>>) dst(%dma_wait3A_316 : memref<80x128xf32, #tpu.memory_space<vmem>>)
      %run_scoped3A_323 = arith.constant 2 : i32
      %run_scoped3A_324 = arith.constant 2 : i32
      "tpu.region"() ({
        %run_scoped3A_352 = tpu.sem_alloc : memref<!tpu.dma_semaphore, #tpu.memory_space<semaphore_mem>>
        %dma_start3A_353 = arith.constant 0 : i32
        %dma_start3A_354 = arith.constant 0 : i32
        %dma_start3A_355 = tpu.memref_slice %arg9[%run_scoped3A_323, %dma_start3A_353, %dma_start3A_354] : memref<4x80x128xf32, #tpu.memory_space<vmem>> -> memref<1x80x128xf32, #tpu.memory_space<vmem>>
        %dma_start3A_356 = tpu.memref_squeeze %dma_start3A_355 : memref<1x80x128xf32, #tpu.memory_space<vmem>> -> memref<80x128xf32, #tpu.memory_space<vmem>>
        %dma_start3A_357 = arith.constant 0 : i32
        %dma_start3A_358 = tpu.memref_slice %arg8[%run_scoped3A_324, %dma_start3A_357] : memref<4x80xi32, #tpu.memory_space<vmem>> -> memref<1x80xi32, #tpu.memory_space<vmem>>
        %dma_start3A_359 = tpu.memref_squeeze %dma_start3A_358 : memref<1x80xi32, #tpu.memory_space<vmem>> -> memref<80xi32, #tpu.memory_space<vmem>>
        %dma_start3A_360 = arith.constant 0 : i32
        %dma_start3A_361 = arith.constant 0 : i32
        %dma_start3A_362 = tpu.memref_slice %arg10[%dma_start3A_360, %dma_start3A_361] : memref<10112x128xf32, #tpu.memory_space<vmem_shared>> -> memref<10112x128xf32, #tpu.memory_space<vmem_shared>>
        tpu.enqueue_indirect_dma source(%dma_start3A_356 : memref<80x128xf32, #tpu.memory_space<vmem>>) target(%dma_start3A_362 : memref<10112x128xf32, #tpu.memory_space<vmem_shared>>) offsets(%dma_start3A_359 : memref<80xi32, #tpu.memory_space<vmem>>) semaphore(%run_scoped3A_352 : memref<!tpu.dma_semaphore, #tpu.memory_space<semaphore_mem>>) {add = true}
        %dma_wait3A_363 = arith.constant 0 : i32
        %dma_wait3A_364 = arith.constant 0 : i32
        %dma_wait3A_365 = tpu.memref_slice %arg9[%run_scoped3A_323, %dma_wait3A_363, %dma_wait3A_364] : memref<4x80x128xf32, #tpu.memory_space<vmem>> -> memref<1x80x128xf32, #tpu.memory_space<vmem>>
        %dma_wait3A_366 = tpu.memref_squeeze %dma_wait3A_365 : memref<1x80x128xf32, #tpu.memory_space<vmem>> -> memref<80x128xf32, #tpu.memory_space<vmem>>
        %dma_wait3A_367 = arith.constant 0 : i32
        %dma_wait3A_368 = tpu.memref_slice %arg8[%run_scoped3A_324, %dma_wait3A_367] : memref<4x80xi32, #tpu.memory_space<vmem>> -> memref<1x80xi32, #tpu.memory_space<vmem>>
        %dma_wait3A_369 = tpu.memref_squeeze %dma_wait3A_368 : memref<1x80xi32, #tpu.memory_space<vmem>> -> memref<80xi32, #tpu.memory_space<vmem>>
        %dma_wait3A_370 = arith.constant 0 : i32
        %dma_wait3A_371 = arith.constant 0 : i32
        %dma_wait3A_372 = tpu.memref_slice %arg10[%dma_wait3A_370, %dma_wait3A_371] : memref<10112x128xf32, #tpu.memory_space<vmem_shared>> -> memref<10112x128xf32, #tpu.memory_space<vmem_shared>>
        tpu.wait_indirect_dma semaphore(%run_scoped3A_352 : memref<!tpu.dma_semaphore, #tpu.memory_space<semaphore_mem>>) src(%dma_wait3A_366 : memref<80x128xf32, #tpu.memory_space<vmem>>) dst(%dma_wait3A_372 : memref<10112x128xf32, #tpu.memory_space<vmem_shared>>)
        tpu.yield
      }) : () -> ()
      %mul3A_325 = arith.constant 4 : i32
      %mul3A_326 = arith.muli %scan3A_248, %mul3A_325 : i32
      %add3A_327 = arith.constant 3 : i32
      %add3A_328 = arith.addi %mul3A_326, %add3A_327 : i32
      %add3A_329 = arith.constant 4 : i32
      %add3A_330 = arith.addi %add3A_328, %add3A_329 : i32
      %sub3A_331 = arith.constant 1 : i32
      %sub3A_332 = arith.subi %add3A_330, %sub3A_331 : i32
      %lt3A_333 = arith.constant 128 : i32
      %lt3A_334 = arith.cmpi slt, %sub3A_332, %lt3A_333 : i32
      %convert_element_type3A_335 = arith.extui %lt3A_334 : i1 to i32
      %cond3A_336 = arith.constant 0 : i32
      %cond3A_337 = arith.cmpi ne, %convert_element_type3A_335, %cond3A_336 : i32
      scf.if %cond3A_337 {
        %ge3A = arith.constant 1 : i32
        %ge3A_352 = arith.cmpi sge, %add3A_328, %ge3A : i32
        %convert_element_type3A_353 = arith.extui %ge3A_352 : i1 to i32
        %cond3A_354 = arith.constant 0 : i32
        %cond3A_355 = arith.cmpi ne, %convert_element_type3A_353, %cond3A_354 : i32
        scf.if %cond3A_355 {
          %add3A_396 = arith.constant 4 : i32
          %add3A_397 = arith.addi %add3A_328, %add3A_396 : i32
          %sub3A_398 = arith.constant 1 : i32
          %sub3A_399 = arith.subi %add3A_397, %sub3A_398 : i32
          %dma_start3A_400 = arith.constant 2 : i32
          %dma_start3A_401 = arith.constant 0 : i32
          %dma_start3A_402 = tpu.memref_slice %arg7[%dma_start3A_400, %dma_start3A_401] : memref<4x80xi32, #tpu.memory_space<vmem>> -> memref<1x80xi32, #tpu.memory_space<vmem>>
          %dma_start3A_403 = tpu.memref_squeeze %dma_start3A_402 : memref<1x80xi32, #tpu.memory_space<vmem>> -> memref<80xi32, #tpu.memory_space<vmem>>
          %dma_start3A_404 = arith.constant 0 : i32
          %dma_start3A_405 = tpu.memref_slice %arg2[%add3A, %sub3A_399, %dma_start3A_404] : memref<32x128x80xi32, #tpu.memory_space<hbm>> -> memref<1x1x80xi32, #tpu.memory_space<hbm>>
          %dma_start3A_406 = tpu.memref_squeeze %dma_start3A_405 : memref<1x1x80xi32, #tpu.memory_space<hbm>> -> memref<80xi32, #tpu.memory_space<hbm>>
          %dma_start3A_407 = arith.constant 0 : i32
          %dma_start3A_408 = tpu.memref_slice %arg7[%dma_start3A_400, %dma_start3A_407] : memref<4x80xi32, #tpu.memory_space<vmem>> -> memref<1x80xi32, #tpu.memory_space<vmem>>
          %dma_start3A_409 = tpu.memref_squeeze %dma_start3A_408 : memref<1x80xi32, #tpu.memory_space<vmem>> -> memref<80xi32, #tpu.memory_space<vmem>>
          %dma_start3A_410 = arith.constant 0 : i32
          %dma_start3A_411 = tpu.memref_slice %arg2[%add3A, %sub3A_399, %dma_start3A_410] : memref<32x128x80xi32, #tpu.memory_space<hbm>> -> memref<1x1x80xi32, #tpu.memory_space<hbm>>
          %dma_start3A_412 = tpu.memref_squeeze %dma_start3A_411 : memref<1x1x80xi32, #tpu.memory_space<hbm>> -> memref<80xi32, #tpu.memory_space<hbm>>
          tpu.enqueue_dma source(%dma_start3A_412 : memref<80xi32, #tpu.memory_space<hbm>>) target(%dma_start3A_409 : memref<80xi32, #tpu.memory_space<vmem>>) target_semaphore(%arg12 : memref<!tpu.dma_semaphore, #tpu.memory_space<semaphore_mem>>)
          %dma_start3A_413 = arith.constant 2 : i32
          %dma_start3A_414 = arith.constant 0 : i32
          %dma_start3A_415 = tpu.memref_slice %arg8[%dma_start3A_413, %dma_start3A_414] : memref<4x80xi32, #tpu.memory_space<vmem>> -> memref<1x80xi32, #tpu.memory_space<vmem>>
          %dma_start3A_416 = tpu.memref_squeeze %dma_start3A_415 : memref<1x80xi32, #tpu.memory_space<vmem>> -> memref<80xi32, #tpu.memory_space<vmem>>
          %dma_start3A_417 = arith.constant 0 : i32
          %dma_start3A_418 = tpu.memref_slice %arg3[%add3A, %sub3A_399, %dma_start3A_417] : memref<32x128x80xi32, #tpu.memory_space<hbm>> -> memref<1x1x80xi32, #tpu.memory_space<hbm>>
          %dma_start3A_419 = tpu.memref_squeeze %dma_start3A_418 : memref<1x1x80xi32, #tpu.memory_space<hbm>> -> memref<80xi32, #tpu.memory_space<hbm>>
          %dma_start3A_420 = arith.constant 0 : i32
          %dma_start3A_421 = tpu.memref_slice %arg8[%dma_start3A_413, %dma_start3A_420] : memref<4x80xi32, #tpu.memory_space<vmem>> -> memref<1x80xi32, #tpu.memory_space<vmem>>
          %dma_start3A_422 = tpu.memref_squeeze %dma_start3A_421 : memref<1x80xi32, #tpu.memory_space<vmem>> -> memref<80xi32, #tpu.memory_space<vmem>>
          %dma_start3A_423 = arith.constant 0 : i32
          %dma_start3A_424 = tpu.memref_slice %arg3[%add3A, %sub3A_399, %dma_start3A_423] : memref<32x128x80xi32, #tpu.memory_space<hbm>> -> memref<1x1x80xi32, #tpu.memory_space<hbm>>
          %dma_start3A_425 = tpu.memref_squeeze %dma_start3A_424 : memref<1x1x80xi32, #tpu.memory_space<hbm>> -> memref<80xi32, #tpu.memory_space<hbm>>
          tpu.enqueue_dma source(%dma_start3A_425 : memref<80xi32, #tpu.memory_space<hbm>>) target(%dma_start3A_422 : memref<80xi32, #tpu.memory_space<vmem>>) target_semaphore(%arg12 : memref<!tpu.dma_semaphore, #tpu.memory_space<semaphore_mem>>)
        } else {
        }
        %dma_wait3A_356 = arith.constant 0 : i32
        %dma_wait3A_357 = arith.constant 2 : i32
        %dma_wait3A_358 = arith.constant 0 : i32
        %dma_wait3A_359 = tpu.memref_slice %arg7[%dma_wait3A_357, %dma_wait3A_358] : memref<4x80xi32, #tpu.memory_space<vmem>> -> memref<1x80xi32, #tpu.memory_space<vmem>>
        %dma_wait3A_360 = tpu.memref_squeeze %dma_wait3A_359 : memref<1x80xi32, #tpu.memory_space<vmem>> -> memref<80xi32, #tpu.memory_space<vmem>>
        %dma_wait3A_361 = arith.constant 0 : i32
        %dma_wait3A_362 = tpu.memref_slice %arg2[%add3A, %dma_wait3A_356, %dma_wait3A_361] : memref<32x128x80xi32, #tpu.memory_space<hbm>> -> memref<1x1x80xi32, #tpu.memory_space<hbm>>
        %dma_wait3A_363 = tpu.memref_squeeze %dma_wait3A_362 : memref<1x1x80xi32, #tpu.memory_space<hbm>> -> memref<80xi32, #tpu.memory_space<hbm>>
        %dma_wait3A_364 = arith.constant 0 : i32
        %dma_wait3A_365 = tpu.memref_slice %arg7[%dma_wait3A_357, %dma_wait3A_364] : memref<4x80xi32, #tpu.memory_space<vmem>> -> memref<1x80xi32, #tpu.memory_space<vmem>>
        %dma_wait3A_366 = tpu.memref_squeeze %dma_wait3A_365 : memref<1x80xi32, #tpu.memory_space<vmem>> -> memref<80xi32, #tpu.memory_space<vmem>>
        %dma_wait3A_367 = arith.constant 0 : i32
        %dma_wait3A_368 = tpu.memref_slice %arg2[%add3A, %dma_wait3A_356, %dma_wait3A_367] : memref<32x128x80xi32, #tpu.memory_space<hbm>> -> memref<1x1x80xi32, #tpu.memory_space<hbm>>
        %dma_wait3A_369 = tpu.memref_squeeze %dma_wait3A_368 : memref<1x1x80xi32, #tpu.memory_space<hbm>> -> memref<80xi32, #tpu.memory_space<hbm>>
        tpu.wait_dma2 semaphore(%arg12 : memref<!tpu.dma_semaphore, #tpu.memory_space<semaphore_mem>>) src(%dma_wait3A_369 : memref<80xi32, #tpu.memory_space<hbm>>) dst(%dma_wait3A_366 : memref<80xi32, #tpu.memory_space<vmem>>)
        %dma_wait3A_370 = arith.constant 0 : i32
        %dma_wait3A_371 = arith.constant 2 : i32
        %dma_wait3A_372 = arith.constant 0 : i32
        %dma_wait3A_373 = tpu.memref_slice %arg8[%dma_wait3A_371, %dma_wait3A_372] : memref<4x80xi32, #tpu.memory_space<vmem>> -> memref<1x80xi32, #tpu.memory_space<vmem>>
        %dma_wait3A_374 = tpu.memref_squeeze %dma_wait3A_373 : memref<1x80xi32, #tpu.memory_space<vmem>> -> memref<80xi32, #tpu.memory_space<vmem>>
        %dma_wait3A_375 = arith.constant 0 : i32
        %dma_wait3A_376 = tpu.memref_slice %arg3[%add3A, %dma_wait3A_370, %dma_wait3A_375] : memref<32x128x80xi32, #tpu.memory_space<hbm>> -> memref<1x1x80xi32, #tpu.memory_space<hbm>>
        %dma_wait3A_377 = tpu.memref_squeeze %dma_wait3A_376 : memref<1x1x80xi32, #tpu.memory_space<hbm>> -> memref<80xi32, #tpu.memory_space<hbm>>
        %dma_wait3A_378 = arith.constant 0 : i32
        %dma_wait3A_379 = tpu.memref_slice %arg8[%dma_wait3A_371, %dma_wait3A_378] : memref<4x80xi32, #tpu.memory_space<vmem>> -> memref<1x80xi32, #tpu.memory_space<vmem>>
        %dma_wait3A_380 = tpu.memref_squeeze %dma_wait3A_379 : memref<1x80xi32, #tpu.memory_space<vmem>> -> memref<80xi32, #tpu.memory_space<vmem>>
        %dma_wait3A_381 = arith.constant 0 : i32
        %dma_wait3A_382 = tpu.memref_slice %arg3[%add3A, %dma_wait3A_370, %dma_wait3A_381] : memref<32x128x80xi32, #tpu.memory_space<hbm>> -> memref<1x1x80xi32, #tpu.memory_space<hbm>>
        %dma_wait3A_383 = tpu.memref_squeeze %dma_wait3A_382 : memref<1x1x80xi32, #tpu.memory_space<hbm>> -> memref<80xi32, #tpu.memory_space<hbm>>
        tpu.wait_dma2 semaphore(%arg12 : memref<!tpu.dma_semaphore, #tpu.memory_space<semaphore_mem>>) src(%dma_wait3A_383 : memref<80xi32, #tpu.memory_space<hbm>>) dst(%dma_wait3A_380 : memref<80xi32, #tpu.memory_space<vmem>>)
        %dma_start3A_384 = arith.constant 2 : i32
        %dma_start3A_385 = arith.constant 2 : i32
        %dma_start3A_386 = arith.constant 0 : i32
        %dma_start3A_387 = arith.constant 0 : i32
        %dma_start3A_388 = tpu.memref_slice %arg9[%dma_start3A_385, %dma_start3A_386, %dma_start3A_387] : memref<4x80x128xf32, #tpu.memory_space<vmem>> -> memref<1x80x128xf32, #tpu.memory_space<vmem>>
        %dma_start3A_389 = tpu.memref_squeeze %dma_start3A_388 : memref<1x80x128xf32, #tpu.memory_space<vmem>> -> memref<80x128xf32, #tpu.memory_space<vmem>>
        %dma_start3A_390 = arith.constant 0 : i32
        %dma_start3A_391 = tpu.memref_slice %arg7[%dma_start3A_384, %dma_start3A_390] : memref<4x80xi32, #tpu.memory_space<vmem>> -> memref<1x80xi32, #tpu.memory_space<vmem>>
        %dma_start3A_392 = tpu.memref_squeeze %dma_start3A_391 : memref<1x80xi32, #tpu.memory_space<vmem>> -> memref<80xi32, #tpu.memory_space<vmem>>
        %dma_start3A_393 = arith.constant 0 : i32
        %dma_start3A_394 = arith.constant 0 : i32
        %dma_start3A_395 = tpu.memref_slice %arg4[%dma_start3A_393, %dma_start3A_394] : memref<10112x128xf32, #tpu.memory_space<hbm>> -> memref<10112x128xf32, #tpu.memory_space<hbm>>
        tpu.enqueue_indirect_dma source(%dma_start3A_395 : memref<10112x128xf32, #tpu.memory_space<hbm>>) target(%dma_start3A_389 : memref<80x128xf32, #tpu.memory_space<vmem>>) offsets(%dma_start3A_392 : memref<80xi32, #tpu.memory_space<vmem>>) semaphore(%arg11 : memref<!tpu.dma_semaphore, #tpu.memory_space<semaphore_mem>>)
      } else {
      }
      %dma_wait3A_338 = arith.constant 3 : i32
      %dma_wait3A_339 = arith.constant 3 : i32
      %dma_wait3A_340 = arith.constant 0 : i32
      %dma_wait3A_341 = arith.constant 0 : i32
      %dma_wait3A_342 = tpu.memref_slice %arg9[%dma_wait3A_339, %dma_wait3A_340, %dma_wait3A_341] : memref<4x80x128xf32, #tpu.memory_space<vmem>> -> memref<1x80x128xf32, #tpu.memory_space<vmem>>
      %dma_wait3A_343 = tpu.memref_squeeze %dma_wait3A_342 : memref<1x80x128xf32, #tpu.memory_space<vmem>> -> memref<80x128xf32, #tpu.memory_space<vmem>>
      %dma_wait3A_344 = arith.constant 0 : i32
      %dma_wait3A_345 = tpu.memref_slice %arg7[%dma_wait3A_338, %dma_wait3A_344] : memref<4x80xi32, #tpu.memory_space<vmem>> -> memref<1x80xi32, #tpu.memory_space<vmem>>
      %dma_wait3A_346 = tpu.memref_squeeze %dma_wait3A_345 : memref<1x80xi32, #tpu.memory_space<vmem>> -> memref<80xi32, #tpu.memory_space<vmem>>
      %dma_wait3A_347 = arith.constant 0 : i32
      %dma_wait3A_348 = arith.constant 0 : i32
      %dma_wait3A_349 = tpu.memref_slice %arg4[%dma_wait3A_347, %dma_wait3A_348] : memref<10112x128xf32, #tpu.memory_space<hbm>> -> memref<10112x128xf32, #tpu.memory_space<hbm>>
      tpu.wait_indirect_dma semaphore(%arg11 : memref<!tpu.dma_semaphore, #tpu.memory_space<semaphore_mem>>) src(%dma_wait3A_349 : memref<10112x128xf32, #tpu.memory_space<hbm>>) dst(%dma_wait3A_343 : memref<80x128xf32, #tpu.memory_space<vmem>>)
      %run_scoped3A_350 = arith.constant 3 : i32
      %run_scoped3A_351 = arith.constant 3 : i32
      "tpu.region"() ({
        %run_scoped3A_352 = tpu.sem_alloc : memref<!tpu.dma_semaphore, #tpu.memory_space<semaphore_mem>>
        %dma_start3A_353 = arith.constant 0 : i32
        %dma_start3A_354 = arith.constant 0 : i32
        %dma_start3A_355 = tpu.memref_slice %arg9[%run_scoped3A_350, %dma_start3A_353, %dma_start3A_354] : memref<4x80x128xf32, #tpu.memory_space<vmem>> -> memref<1x80x128xf32, #tpu.memory_space<vmem>>
        %dma_start3A_356 = tpu.memref_squeeze %dma_start3A_355 : memref<1x80x128xf32, #tpu.memory_space<vmem>> -> memref<80x128xf32, #tpu.memory_space<vmem>>
        %dma_start3A_357 = arith.constant 0 : i32
        %dma_start3A_358 = tpu.memref_slice %arg8[%run_scoped3A_351, %dma_start3A_357] : memref<4x80xi32, #tpu.memory_space<vmem>> -> memref<1x80xi32, #tpu.memory_space<vmem>>
        %dma_start3A_359 = tpu.memref_squeeze %dma_start3A_358 : memref<1x80xi32, #tpu.memory_space<vmem>> -> memref<80xi32, #tpu.memory_space<vmem>>
        %dma_start3A_360 = arith.constant 0 : i32
        %dma_start3A_361 = arith.constant 0 : i32
        %dma_start3A_362 = tpu.memref_slice %arg10[%dma_start3A_360, %dma_start3A_361] : memref<10112x128xf32, #tpu.memory_space<vmem_shared>> -> memref<10112x128xf32, #tpu.memory_space<vmem_shared>>
        tpu.enqueue_indirect_dma source(%dma_start3A_356 : memref<80x128xf32, #tpu.memory_space<vmem>>) target(%dma_start3A_362 : memref<10112x128xf32, #tpu.memory_space<vmem_shared>>) offsets(%dma_start3A_359 : memref<80xi32, #tpu.memory_space<vmem>>) semaphore(%run_scoped3A_352 : memref<!tpu.dma_semaphore, #tpu.memory_space<semaphore_mem>>) {add = true}
        %dma_wait3A_363 = arith.constant 0 : i32
        %dma_wait3A_364 = arith.constant 0 : i32
        %dma_wait3A_365 = tpu.memref_slice %arg9[%run_scoped3A_350, %dma_wait3A_363, %dma_wait3A_364] : memref<4x80x128xf32, #tpu.memory_space<vmem>> -> memref<1x80x128xf32, #tpu.memory_space<vmem>>
        %dma_wait3A_366 = tpu.memref_squeeze %dma_wait3A_365 : memref<1x80x128xf32, #tpu.memory_space<vmem>> -> memref<80x128xf32, #tpu.memory_space<vmem>>
        %dma_wait3A_367 = arith.constant 0 : i32
        %dma_wait3A_368 = tpu.memref_slice %arg8[%run_scoped3A_351, %dma_wait3A_367] : memref<4x80xi32, #tpu.memory_space<vmem>> -> memref<1x80xi32, #tpu.memory_space<vmem>>
        %dma_wait3A_369 = tpu.memref_squeeze %dma_wait3A_368 : memref<1x80xi32, #tpu.memory_space<vmem>> -> memref<80xi32, #tpu.memory_space<vmem>>
        %dma_wait3A_370 = arith.constant 0 : i32
        %dma_wait3A_371 = arith.constant 0 : i32
        %dma_wait3A_372 = tpu.memref_slice %arg10[%dma_wait3A_370, %dma_wait3A_371] : memref<10112x128xf32, #tpu.memory_space<vmem_shared>> -> memref<10112x128xf32, #tpu.memory_space<vmem_shared>>
        tpu.wait_indirect_dma semaphore(%run_scoped3A_352 : memref<!tpu.dma_semaphore, #tpu.memory_space<semaphore_mem>>) src(%dma_wait3A_366 : memref<80x128xf32, #tpu.memory_space<vmem>>) dst(%dma_wait3A_372 : memref<10112x128xf32, #tpu.memory_space<vmem_shared>>)
        tpu.yield
      }) : () -> ()
    }
    %scan3A_239 = arith.constant 32 : i32
    %barrier3A_240 = arith.constant 0 : index
    tpu.barrier barrier_id(%barrier3A_240)
    %mul3A_241 = arith.constant 632 : i32
    %mul3A_242 = arith.muli %arg1, %mul3A_241 : i32
    %mul3A_243 = arith.constant 10112 : i32
    %mul3A_244 = arith.muli %arg0, %mul3A_243 : i32
    %mul3A_245 = arith.constant 632 : i32
    %mul3A_246 = arith.muli %arg1, %mul3A_245 : i32
    %add3A_247 = arith.addi %mul3A_244, %mul3A_246 : i32
    "tpu.region"() ({
      %run_scoped3A = tpu.sem_alloc : memref<!tpu.dma_semaphore, #tpu.memory_space<semaphore_mem>>
      %dma_start3A_248 = arith.constant 0 : i32
      %dma_start3A_249 = tpu.memref_slice %arg6[%add3A_247, %dma_start3A_248] : memref<20224x128xf32, #tpu.memory_space<hbm>> -> memref<632x128xf32, #tpu.memory_space<hbm>>
      %dma_start3A_250 = arith.constant 0 : i32
      %dma_start3A_251 = tpu.memref_slice %arg10[%mul3A_242, %dma_start3A_250] : memref<10112x128xf32, #tpu.memory_space<vmem_shared>> -> memref<632x128xf32, #tpu.memory_space<vmem_shared>>
      tpu.enqueue_dma source(%dma_start3A_251 : memref<632x128xf32, #tpu.memory_space<vmem_shared>>) target(%dma_start3A_249 : memref<632x128xf32, #tpu.memory_space<hbm>>) target_semaphore(%run_scoped3A : memref<!tpu.dma_semaphore, #tpu.memory_space<semaphore_mem>>)
      %dma_wait3A_252 = arith.constant 0 : i32
      %dma_wait3A_253 = tpu.memref_slice %arg6[%add3A_247, %dma_wait3A_252] : memref<20224x128xf32, #tpu.memory_space<hbm>> -> memref<632x128xf32, #tpu.memory_space<hbm>>
      %dma_wait3A_254 = arith.constant 0 : i32
      %dma_wait3A_255 = tpu.memref_slice %arg10[%mul3A_242, %dma_wait3A_254] : memref<10112x128xf32, #tpu.memory_space<vmem_shared>> -> memref<632x128xf32, #tpu.memory_space<vmem_shared>>
      tpu.wait_dma2 semaphore(%run_scoped3A : memref<!tpu.dma_semaphore, #tpu.memory_space<semaphore_mem>>) src(%dma_wait3A_255 : memref<632x128xf32, #tpu.memory_space<vmem_shared>>) dst(%dma_wait3A_253 : memref<632x128xf32, #tpu.memory_space<hbm>>)
      tpu.yield
    }) : () -> ()
    return
  }
}

#map = affine_map<(d0, d1) -> (0, 0, 0)>
#map1 = affine_map<(d0, d1) -> (0)>
module attributes {stable_mosaic.version = 14 : i64} {
  func.func @_sc_deg_body(%arg0: i32, %arg1: i32, %arg2: memref<32x128x80xi32, #tpu.memory_space<hbm>>, %arg3: memref<10240xf32, #tpu.memory_space<hbm>>, %arg4: memref<20480xf32, #tpu.memory_space<hbm>>, %arg5: memref<128x80xi32, #tpu.memory_space<vmem>>, %arg6: memref<80xf32, #tpu.memory_space<vmem>>, %arg7: memref<10240xf32, #tpu.memory_space<vmem_shared>>, %arg8: memref<!tpu.dma_semaphore, #tpu.memory_space<semaphore_mem>>) attributes {dimension_semantics = [#tpu.dimension_semantics<core_parallel>, #tpu.dimension_semantics<subcore_parallel>], iteration_bounds = array<i64: 2, 16>, scalar_prefetch = 0 : i64, scratch_operands = 4 : i64, tpu.core_type = #tpu.core_type<sc_vector_subcore>, window_params = [{transform_indices = #map}, {transform_indices = #map1}, {transform_indices = #map1}]} {
    %mul3A = arith.constant 2 : i32
    %mul3A_0 = arith.muli %arg1, %mul3A : i32
    %add3A = arith.addi %mul3A_0, %arg0 : i32
    %scan3A = arith.constant 0 : i32
    %scan3A_1 = arith.constant 0 : i32
    %scan3A_2 = arith.constant 5 : i32
    %scan3A_3 = arith.addi %scan3A_1, %scan3A_2 : i32
    %scan3A_4 = arith.constant 1 : i32
    scf.for %scan3A_24 = %scan3A_1 to %scan3A_3 step %scan3A_4  : i32 {
      %broadcast_in_dim3A = arith.constant 1.000000e+00 : f32
      %broadcast_in_dim3A_25 = vector.broadcast %broadcast_in_dim3A : f32 to vector<16xf32>
      %mul3A_26 = arith.constant 16 : i32
      %mul3A_27 = arith.muli %scan3A_24, %mul3A_26 : i32
      %swap3A = arith.index_cast %mul3A_27 : i32 to index
      %swap3A_28 = tpu.vector_load %arg6[%swap3A] {strides = array<i32>} : memref<80xf32, #tpu.memory_space<vmem>>, vector<16xf32>,
      %swap3A_29 = vector.shape_cast %swap3A_28 : vector<16xf32> to vector<16xf32>
      %swap3A_30 = vector.shape_cast %broadcast_in_dim3A_25 : vector<16xf32> to vector<16xf32>
      tpu.vector_store %arg6[%swap3A], %swap3A_30 {strides = array<i32>} : memref<80xf32, #tpu.memory_space<vmem>>, vector<16xf32>,
    }
    %scan3A_5 = arith.constant 5 : i32
    "tpu.region"() ({
      %run_scoped3A = tpu.sem_alloc : memref<!tpu.dma_semaphore, #tpu.memory_space<semaphore_mem>>
      %dma_start3A = arith.constant 0 : i32
      %dma_start3A_24 = arith.constant 0 : i32
      %dma_start3A_25 = tpu.memref_slice %arg2[%add3A, %dma_start3A, %dma_start3A_24] : memref<32x128x80xi32, #tpu.memory_space<hbm>> -> memref<1x128x80xi32, #tpu.memory_space<hbm>>
      %dma_start3A_26 = tpu.memref_squeeze %dma_start3A_25 : memref<1x128x80xi32, #tpu.memory_space<hbm>> -> memref<128x80xi32, #tpu.memory_space<hbm>>
      %dma_start3A_27 = arith.constant 0 : i32
      %dma_start3A_28 = arith.constant 0 : i32
      %dma_start3A_29 = tpu.memref_slice %arg2[%add3A, %dma_start3A_27, %dma_start3A_28] : memref<32x128x80xi32, #tpu.memory_space<hbm>> -> memref<1x128x80xi32, #tpu.memory_space<hbm>>
      %dma_start3A_30 = tpu.memref_squeeze %dma_start3A_29 : memref<1x128x80xi32, #tpu.memory_space<hbm>> -> memref<128x80xi32, #tpu.memory_space<hbm>>
      tpu.enqueue_dma source(%dma_start3A_30 : memref<128x80xi32, #tpu.memory_space<hbm>>) target(%arg5 : memref<128x80xi32, #tpu.memory_space<vmem>>) target_semaphore(%run_scoped3A : memref<!tpu.dma_semaphore, #tpu.memory_space<semaphore_mem>>)
      %dma_wait3A = arith.constant 0 : i32
      %dma_wait3A_31 = arith.constant 0 : i32
      %dma_wait3A_32 = tpu.memref_slice %arg2[%add3A, %dma_wait3A, %dma_wait3A_31] : memref<32x128x80xi32, #tpu.memory_space<hbm>> -> memref<1x128x80xi32, #tpu.memory_space<hbm>>
      %dma_wait3A_33 = tpu.memref_squeeze %dma_wait3A_32 : memref<1x128x80xi32, #tpu.memory_space<hbm>> -> memref<128x80xi32, #tpu.memory_space<hbm>>
      %dma_wait3A_34 = arith.constant 0 : i32
      %dma_wait3A_35 = arith.constant 0 : i32
      %dma_wait3A_36 = tpu.memref_slice %arg2[%add3A, %dma_wait3A_34, %dma_wait3A_35] : memref<32x128x80xi32, #tpu.memory_space<hbm>> -> memref<1x128x80xi32, #tpu.memory_space<hbm>>
      %dma_wait3A_37 = tpu.memref_squeeze %dma_wait3A_36 : memref<1x128x80xi32, #tpu.memory_space<hbm>> -> memref<128x80xi32, #tpu.memory_space<hbm>>
      tpu.wait_dma2 semaphore(%run_scoped3A : memref<!tpu.dma_semaphore, #tpu.memory_space<semaphore_mem>>) src(%dma_wait3A_37 : memref<128x80xi32, #tpu.memory_space<hbm>>) dst(%arg5 : memref<128x80xi32, #tpu.memory_space<vmem>>)
      tpu.yield
    }) : () -> ()
    %mul3A_6 = arith.constant 640 : i32
    %mul3A_7 = arith.muli %arg1, %mul3A_6 : i32
    %mul3A_8 = arith.constant 640 : i32
    %mul3A_9 = arith.muli %arg1, %mul3A_8 : i32
    "tpu.region"() ({
      %run_scoped3A = tpu.sem_alloc : memref<!tpu.dma_semaphore, #tpu.memory_space<semaphore_mem>>
      %dma_start3A = tpu.memref_slice %arg7[%mul3A_9] : memref<10240xf32, #tpu.memory_space<vmem_shared>> -> memref<640xf32, #tpu.memory_space<vmem_shared>>
      %dma_start3A_24 = tpu.memref_slice %arg3[%mul3A_7] : memref<10240xf32, #tpu.memory_space<hbm>> -> memref<640xf32, #tpu.memory_space<hbm>>
      tpu.enqueue_dma source(%dma_start3A_24 : memref<640xf32, #tpu.memory_space<hbm>>) target(%dma_start3A : memref<640xf32, #tpu.memory_space<vmem_shared>>) target_semaphore(%run_scoped3A : memref<!tpu.dma_semaphore, #tpu.memory_space<semaphore_mem>>)
      %dma_wait3A = tpu.memref_slice %arg7[%mul3A_9] : memref<10240xf32, #tpu.memory_space<vmem_shared>> -> memref<640xf32, #tpu.memory_space<vmem_shared>>
      %dma_wait3A_25 = tpu.memref_slice %arg3[%mul3A_7] : memref<10240xf32, #tpu.memory_space<hbm>> -> memref<640xf32, #tpu.memory_space<hbm>>
      tpu.wait_dma2 semaphore(%run_scoped3A : memref<!tpu.dma_semaphore, #tpu.memory_space<semaphore_mem>>) src(%dma_wait3A_25 : memref<640xf32, #tpu.memory_space<hbm>>) dst(%dma_wait3A : memref<640xf32, #tpu.memory_space<vmem_shared>>)
      tpu.yield
    }) : () -> ()
    %barrier3A = arith.constant 0 : index
    tpu.barrier barrier_id(%barrier3A)
    %scan3A_10 = arith.constant 0 : i32
    %scan3A_11 = arith.constant 0 : i32
    %scan3A_12 = arith.constant 16 : i32
    %scan3A_13 = arith.addi %scan3A_11, %scan3A_12 : i32
    %scan3A_14 = arith.constant 1 : i32
    scf.for %scan3A_24 = %scan3A_11 to %scan3A_13 step %scan3A_14  : i32 {
      %mul3A_25 = arith.constant 8 : i32
      %mul3A_26 = arith.muli %scan3A_24, %mul3A_25 : i32
      %add3A_27 = arith.constant 0 : i32
      %add3A_28 = arith.addi %mul3A_26, %add3A_27 : i32
      %dma_start3A = arith.constant 0 : i32
      %dma_start3A_29 = tpu.memref_slice %arg5[%add3A_28, %dma_start3A] : memref<128x80xi32, #tpu.memory_space<vmem>> -> memref<1x80xi32, #tpu.memory_space<vmem>>
      %dma_start3A_30 = tpu.memref_squeeze %dma_start3A_29 : memref<1x80xi32, #tpu.memory_space<vmem>> -> memref<80xi32, #tpu.memory_space<vmem>>
      %dma_start3A_31 = arith.constant 0 : i32
      %dma_start3A_32 = tpu.memref_slice %arg7[%dma_start3A_31] : memref<10240xf32, #tpu.memory_space<vmem_shared>> -> memref<10240xf32, #tpu.memory_space<vmem_shared>>
      tpu.enqueue_indirect_dma source(%arg6 : memref<80xf32, #tpu.memory_space<vmem>>) target(%dma_start3A_32 : memref<10240xf32, #tpu.memory_space<vmem_shared>>) offsets(%dma_start3A_30 : memref<80xi32, #tpu.memory_space<vmem>>) semaphore(%arg8 : memref<!tpu.dma_semaphore, #tpu.memory_space<semaphore_mem>>) {add = true}
      %mul3A_33 = arith.constant 8 : i32
      %mul3A_34 = arith.muli %scan3A_24, %mul3A_33 : i32
      %add3A_35 = arith.constant 1 : i32
      %add3A_36 = arith.addi %mul3A_34, %add3A_35 : i32
      %dma_start3A_37 = arith.constant 0 : i32
      %dma_start3A_38 = tpu.memref_slice %arg5[%add3A_36, %dma_start3A_37] : memref<128x80xi32, #tpu.memory_space<vmem>> -> memref<1x80xi32, #tpu.memory_space<vmem>>
      %dma_start3A_39 = tpu.memref_squeeze %dma_start3A_38 : memref<1x80xi32, #tpu.memory_space<vmem>> -> memref<80xi32, #tpu.memory_space<vmem>>
      %dma_start3A_40 = arith.constant 0 : i32
      %dma_start3A_41 = tpu.memref_slice %arg7[%dma_start3A_40] : memref<10240xf32, #tpu.memory_space<vmem_shared>> -> memref<10240xf32, #tpu.memory_space<vmem_shared>>
      tpu.enqueue_indirect_dma source(%arg6 : memref<80xf32, #tpu.memory_space<vmem>>) target(%dma_start3A_41 : memref<10240xf32, #tpu.memory_space<vmem_shared>>) offsets(%dma_start3A_39 : memref<80xi32, #tpu.memory_space<vmem>>) semaphore(%arg8 : memref<!tpu.dma_semaphore, #tpu.memory_space<semaphore_mem>>) {add = true}
      %mul3A_42 = arith.constant 8 : i32
      %mul3A_43 = arith.muli %scan3A_24, %mul3A_42 : i32
      %add3A_44 = arith.constant 2 : i32
      %add3A_45 = arith.addi %mul3A_43, %add3A_44 : i32
      %dma_start3A_46 = arith.constant 0 : i32
      %dma_start3A_47 = tpu.memref_slice %arg5[%add3A_45, %dma_start3A_46] : memref<128x80xi32, #tpu.memory_space<vmem>> -> memref<1x80xi32, #tpu.memory_space<vmem>>
      %dma_start3A_48 = tpu.memref_squeeze %dma_start3A_47 : memref<1x80xi32, #tpu.memory_space<vmem>> -> memref<80xi32, #tpu.memory_space<vmem>>
      %dma_start3A_49 = arith.constant 0 : i32
      %dma_start3A_50 = tpu.memref_slice %arg7[%dma_start3A_49] : memref<10240xf32, #tpu.memory_space<vmem_shared>> -> memref<10240xf32, #tpu.memory_space<vmem_shared>>
      tpu.enqueue_indirect_dma source(%arg6 : memref<80xf32, #tpu.memory_space<vmem>>) target(%dma_start3A_50 : memref<10240xf32, #tpu.memory_space<vmem_shared>>) offsets(%dma_start3A_48 : memref<80xi32, #tpu.memory_space<vmem>>) semaphore(%arg8 : memref<!tpu.dma_semaphore, #tpu.memory_space<semaphore_mem>>) {add = true}
      %mul3A_51 = arith.constant 8 : i32
      %mul3A_52 = arith.muli %scan3A_24, %mul3A_51 : i32
      %add3A_53 = arith.constant 3 : i32
      %add3A_54 = arith.addi %mul3A_52, %add3A_53 : i32
      %dma_start3A_55 = arith.constant 0 : i32
      %dma_start3A_56 = tpu.memref_slice %arg5[%add3A_54, %dma_start3A_55] : memref<128x80xi32, #tpu.memory_space<vmem>> -> memref<1x80xi32, #tpu.memory_space<vmem>>
      %dma_start3A_57 = tpu.memref_squeeze %dma_start3A_56 : memref<1x80xi32, #tpu.memory_space<vmem>> -> memref<80xi32, #tpu.memory_space<vmem>>
      %dma_start3A_58 = arith.constant 0 : i32
      %dma_start3A_59 = tpu.memref_slice %arg7[%dma_start3A_58] : memref<10240xf32, #tpu.memory_space<vmem_shared>> -> memref<10240xf32, #tpu.memory_space<vmem_shared>>
      tpu.enqueue_indirect_dma source(%arg6 : memref<80xf32, #tpu.memory_space<vmem>>) target(%dma_start3A_59 : memref<10240xf32, #tpu.memory_space<vmem_shared>>) offsets(%dma_start3A_57 : memref<80xi32, #tpu.memory_space<vmem>>) semaphore(%arg8 : memref<!tpu.dma_semaphore, #tpu.memory_space<semaphore_mem>>) {add = true}
      %mul3A_60 = arith.constant 8 : i32
      %mul3A_61 = arith.muli %scan3A_24, %mul3A_60 : i32
      %add3A_62 = arith.constant 4 : i32
      %add3A_63 = arith.addi %mul3A_61, %add3A_62 : i32
      %dma_start3A_64 = arith.constant 0 : i32
      %dma_start3A_65 = tpu.memref_slice %arg5[%add3A_63, %dma_start3A_64] : memref<128x80xi32, #tpu.memory_space<vmem>> -> memref<1x80xi32, #tpu.memory_space<vmem>>
      %dma_start3A_66 = tpu.memref_squeeze %dma_start3A_65 : memref<1x80xi32, #tpu.memory_space<vmem>> -> memref<80xi32, #tpu.memory_space<vmem>>
      %dma_start3A_67 = arith.constant 0 : i32
      %dma_start3A_68 = tpu.memref_slice %arg7[%dma_start3A_67] : memref<10240xf32, #tpu.memory_space<vmem_shared>> -> memref<10240xf32, #tpu.memory_space<vmem_shared>>
      tpu.enqueue_indirect_dma source(%arg6 : memref<80xf32, #tpu.memory_space<vmem>>) target(%dma_start3A_68 : memref<10240xf32, #tpu.memory_space<vmem_shared>>) offsets(%dma_start3A_66 : memref<80xi32, #tpu.memory_space<vmem>>) semaphore(%arg8 : memref<!tpu.dma_semaphore, #tpu.memory_space<semaphore_mem>>) {add = true}
      %mul3A_69 = arith.constant 8 : i32
      %mul3A_70 = arith.muli %scan3A_24, %mul3A_69 : i32
      %add3A_71 = arith.constant 5 : i32
      %add3A_72 = arith.addi %mul3A_70, %add3A_71 : i32
      %dma_start3A_73 = arith.constant 0 : i32
      %dma_start3A_74 = tpu.memref_slice %arg5[%add3A_72, %dma_start3A_73] : memref<128x80xi32, #tpu.memory_space<vmem>> -> memref<1x80xi32, #tpu.memory_space<vmem>>
      %dma_start3A_75 = tpu.memref_squeeze %dma_start3A_74 : memref<1x80xi32, #tpu.memory_space<vmem>> -> memref<80xi32, #tpu.memory_space<vmem>>
      %dma_start3A_76 = arith.constant 0 : i32
      %dma_start3A_77 = tpu.memref_slice %arg7[%dma_start3A_76] : memref<10240xf32, #tpu.memory_space<vmem_shared>> -> memref<10240xf32, #tpu.memory_space<vmem_shared>>
      tpu.enqueue_indirect_dma source(%arg6 : memref<80xf32, #tpu.memory_space<vmem>>) target(%dma_start3A_77 : memref<10240xf32, #tpu.memory_space<vmem_shared>>) offsets(%dma_start3A_75 : memref<80xi32, #tpu.memory_space<vmem>>) semaphore(%arg8 : memref<!tpu.dma_semaphore, #tpu.memory_space<semaphore_mem>>) {add = true}
      %mul3A_78 = arith.constant 8 : i32
      %mul3A_79 = arith.muli %scan3A_24, %mul3A_78 : i32
      %add3A_80 = arith.constant 6 : i32
      %add3A_81 = arith.addi %mul3A_79, %add3A_80 : i32
      %dma_start3A_82 = arith.constant 0 : i32
      %dma_start3A_83 = tpu.memref_slice %arg5[%add3A_81, %dma_start3A_82] : memref<128x80xi32, #tpu.memory_space<vmem>> -> memref<1x80xi32, #tpu.memory_space<vmem>>
      %dma_start3A_84 = tpu.memref_squeeze %dma_start3A_83 : memref<1x80xi32, #tpu.memory_space<vmem>> -> memref<80xi32, #tpu.memory_space<vmem>>
      %dma_start3A_85 = arith.constant 0 : i32
      %dma_start3A_86 = tpu.memref_slice %arg7[%dma_start3A_85] : memref<10240xf32, #tpu.memory_space<vmem_shared>> -> memref<10240xf32, #tpu.memory_space<vmem_shared>>
      tpu.enqueue_indirect_dma source(%arg6 : memref<80xf32, #tpu.memory_space<vmem>>) target(%dma_start3A_86 : memref<10240xf32, #tpu.memory_space<vmem_shared>>) offsets(%dma_start3A_84 : memref<80xi32, #tpu.memory_space<vmem>>) semaphore(%arg8 : memref<!tpu.dma_semaphore, #tpu.memory_space<semaphore_mem>>) {add = true}
      %mul3A_87 = arith.constant 8 : i32
      %mul3A_88 = arith.muli %scan3A_24, %mul3A_87 : i32
      %add3A_89 = arith.constant 7 : i32
      %add3A_90 = arith.addi %mul3A_88, %add3A_89 : i32
      %dma_start3A_91 = arith.constant 0 : i32
      %dma_start3A_92 = tpu.memref_slice %arg5[%add3A_90, %dma_start3A_91] : memref<128x80xi32, #tpu.memory_space<vmem>> -> memref<1x80xi32, #tpu.memory_space<vmem>>
      %dma_start3A_93 = tpu.memref_squeeze %dma_start3A_92 : memref<1x80xi32, #tpu.memory_space<vmem>> -> memref<80xi32, #tpu.memory_space<vmem>>
      %dma_start3A_94 = arith.constant 0 : i32
      %dma_start3A_95 = tpu.memref_slice %arg7[%dma_start3A_94] : memref<10240xf32, #tpu.memory_space<vmem_shared>> -> memref<10240xf32, #tpu.memory_space<vmem_shared>>
      tpu.enqueue_indirect_dma source(%arg6 : memref<80xf32, #tpu.memory_space<vmem>>) target(%dma_start3A_95 : memref<10240xf32, #tpu.memory_space<vmem_shared>>) offsets(%dma_start3A_93 : memref<80xi32, #tpu.memory_space<vmem>>) semaphore(%arg8 : memref<!tpu.dma_semaphore, #tpu.memory_space<semaphore_mem>>) {add = true}
      %mul3A_96 = arith.constant 8 : i32
      %mul3A_97 = arith.muli %scan3A_24, %mul3A_96 : i32
      %add3A_98 = arith.constant 0 : i32
      %add3A_99 = arith.addi %mul3A_97, %add3A_98 : i32
      %dma_wait3A = arith.constant 0 : i32
      %dma_wait3A_100 = tpu.memref_slice %arg5[%add3A_99, %dma_wait3A] : memref<128x80xi32, #tpu.memory_space<vmem>> -> memref<1x80xi32, #tpu.memory_space<vmem>>
      %dma_wait3A_101 = tpu.memref_squeeze %dma_wait3A_100 : memref<1x80xi32, #tpu.memory_space<vmem>> -> memref<80xi32, #tpu.memory_space<vmem>>
      %dma_wait3A_102 = arith.constant 0 : i32
      %dma_wait3A_103 = tpu.memref_slice %arg7[%dma_wait3A_102] : memref<10240xf32, #tpu.memory_space<vmem_shared>> -> memref<10240xf32, #tpu.memory_space<vmem_shared>>
      tpu.wait_indirect_dma semaphore(%arg8 : memref<!tpu.dma_semaphore, #tpu.memory_space<semaphore_mem>>) src(%arg6 : memref<80xf32, #tpu.memory_space<vmem>>) dst(%dma_wait3A_103 : memref<10240xf32, #tpu.memory_space<vmem_shared>>)
      %mul3A_104 = arith.constant 8 : i32
      %mul3A_105 = arith.muli %scan3A_24, %mul3A_104 : i32
      %add3A_106 = arith.constant 1 : i32
      %add3A_107 = arith.addi %mul3A_105, %add3A_106 : i32
      %dma_wait3A_108 = arith.constant 0 : i32
      %dma_wait3A_109 = tpu.memref_slice %arg5[%add3A_107, %dma_wait3A_108] : memref<128x80xi32, #tpu.memory_space<vmem>> -> memref<1x80xi32, #tpu.memory_space<vmem>>
      %dma_wait3A_110 = tpu.memref_squeeze %dma_wait3A_109 : memref<1x80xi32, #tpu.memory_space<vmem>> -> memref<80xi32, #tpu.memory_space<vmem>>
      %dma_wait3A_111 = arith.constant 0 : i32
      %dma_wait3A_112 = tpu.memref_slice %arg7[%dma_wait3A_111] : memref<10240xf32, #tpu.memory_space<vmem_shared>> -> memref<10240xf32, #tpu.memory_space<vmem_shared>>
      tpu.wait_indirect_dma semaphore(%arg8 : memref<!tpu.dma_semaphore, #tpu.memory_space<semaphore_mem>>) src(%arg6 : memref<80xf32, #tpu.memory_space<vmem>>) dst(%dma_wait3A_112 : memref<10240xf32, #tpu.memory_space<vmem_shared>>)
      %mul3A_113 = arith.constant 8 : i32
      %mul3A_114 = arith.muli %scan3A_24, %mul3A_113 : i32
      %add3A_115 = arith.constant 2 : i32
      %add3A_116 = arith.addi %mul3A_114, %add3A_115 : i32
      %dma_wait3A_117 = arith.constant 0 : i32
      %dma_wait3A_118 = tpu.memref_slice %arg5[%add3A_116, %dma_wait3A_117] : memref<128x80xi32, #tpu.memory_space<vmem>> -> memref<1x80xi32, #tpu.memory_space<vmem>>
      %dma_wait3A_119 = tpu.memref_squeeze %dma_wait3A_118 : memref<1x80xi32, #tpu.memory_space<vmem>> -> memref<80xi32, #tpu.memory_space<vmem>>
      %dma_wait3A_120 = arith.constant 0 : i32
      %dma_wait3A_121 = tpu.memref_slice %arg7[%dma_wait3A_120] : memref<10240xf32, #tpu.memory_space<vmem_shared>> -> memref<10240xf32, #tpu.memory_space<vmem_shared>>
      tpu.wait_indirect_dma semaphore(%arg8 : memref<!tpu.dma_semaphore, #tpu.memory_space<semaphore_mem>>) src(%arg6 : memref<80xf32, #tpu.memory_space<vmem>>) dst(%dma_wait3A_121 : memref<10240xf32, #tpu.memory_space<vmem_shared>>)
      %mul3A_122 = arith.constant 8 : i32
      %mul3A_123 = arith.muli %scan3A_24, %mul3A_122 : i32
      %add3A_124 = arith.constant 3 : i32
      %add3A_125 = arith.addi %mul3A_123, %add3A_124 : i32
      %dma_wait3A_126 = arith.constant 0 : i32
      %dma_wait3A_127 = tpu.memref_slice %arg5[%add3A_125, %dma_wait3A_126] : memref<128x80xi32, #tpu.memory_space<vmem>> -> memref<1x80xi32, #tpu.memory_space<vmem>>
      %dma_wait3A_128 = tpu.memref_squeeze %dma_wait3A_127 : memref<1x80xi32, #tpu.memory_space<vmem>> -> memref<80xi32, #tpu.memory_space<vmem>>
      %dma_wait3A_129 = arith.constant 0 : i32
      %dma_wait3A_130 = tpu.memref_slice %arg7[%dma_wait3A_129] : memref<10240xf32, #tpu.memory_space<vmem_shared>> -> memref<10240xf32, #tpu.memory_space<vmem_shared>>
      tpu.wait_indirect_dma semaphore(%arg8 : memref<!tpu.dma_semaphore, #tpu.memory_space<semaphore_mem>>) src(%arg6 : memref<80xf32, #tpu.memory_space<vmem>>) dst(%dma_wait3A_130 : memref<10240xf32, #tpu.memory_space<vmem_shared>>)
      %mul3A_131 = arith.constant 8 : i32
      %mul3A_132 = arith.muli %scan3A_24, %mul3A_131 : i32
      %add3A_133 = arith.constant 4 : i32
      %add3A_134 = arith.addi %mul3A_132, %add3A_133 : i32
      %dma_wait3A_135 = arith.constant 0 : i32
      %dma_wait3A_136 = tpu.memref_slice %arg5[%add3A_134, %dma_wait3A_135] : memref<128x80xi32, #tpu.memory_space<vmem>> -> memref<1x80xi32, #tpu.memory_space<vmem>>
      %dma_wait3A_137 = tpu.memref_squeeze %dma_wait3A_136 : memref<1x80xi32, #tpu.memory_space<vmem>> -> memref<80xi32, #tpu.memory_space<vmem>>
      %dma_wait3A_138 = arith.constant 0 : i32
      %dma_wait3A_139 = tpu.memref_slice %arg7[%dma_wait3A_138] : memref<10240xf32, #tpu.memory_space<vmem_shared>> -> memref<10240xf32, #tpu.memory_space<vmem_shared>>
      tpu.wait_indirect_dma semaphore(%arg8 : memref<!tpu.dma_semaphore, #tpu.memory_space<semaphore_mem>>) src(%arg6 : memref<80xf32, #tpu.memory_space<vmem>>) dst(%dma_wait3A_139 : memref<10240xf32, #tpu.memory_space<vmem_shared>>)
      %mul3A_140 = arith.constant 8 : i32
      %mul3A_141 = arith.muli %scan3A_24, %mul3A_140 : i32
      %add3A_142 = arith.constant 5 : i32
      %add3A_143 = arith.addi %mul3A_141, %add3A_142 : i32
      %dma_wait3A_144 = arith.constant 0 : i32
      %dma_wait3A_145 = tpu.memref_slice %arg5[%add3A_143, %dma_wait3A_144] : memref<128x80xi32, #tpu.memory_space<vmem>> -> memref<1x80xi32, #tpu.memory_space<vmem>>
      %dma_wait3A_146 = tpu.memref_squeeze %dma_wait3A_145 : memref<1x80xi32, #tpu.memory_space<vmem>> -> memref<80xi32, #tpu.memory_space<vmem>>
      %dma_wait3A_147 = arith.constant 0 : i32
      %dma_wait3A_148 = tpu.memref_slice %arg7[%dma_wait3A_147] : memref<10240xf32, #tpu.memory_space<vmem_shared>> -> memref<10240xf32, #tpu.memory_space<vmem_shared>>
      tpu.wait_indirect_dma semaphore(%arg8 : memref<!tpu.dma_semaphore, #tpu.memory_space<semaphore_mem>>) src(%arg6 : memref<80xf32, #tpu.memory_space<vmem>>) dst(%dma_wait3A_148 : memref<10240xf32, #tpu.memory_space<vmem_shared>>)
      %mul3A_149 = arith.constant 8 : i32
      %mul3A_150 = arith.muli %scan3A_24, %mul3A_149 : i32
      %add3A_151 = arith.constant 6 : i32
      %add3A_152 = arith.addi %mul3A_150, %add3A_151 : i32
      %dma_wait3A_153 = arith.constant 0 : i32
      %dma_wait3A_154 = tpu.memref_slice %arg5[%add3A_152, %dma_wait3A_153] : memref<128x80xi32, #tpu.memory_space<vmem>> -> memref<1x80xi32, #tpu.memory_space<vmem>>
      %dma_wait3A_155 = tpu.memref_squeeze %dma_wait3A_154 : memref<1x80xi32, #tpu.memory_space<vmem>> -> memref<80xi32, #tpu.memory_space<vmem>>
      %dma_wait3A_156 = arith.constant 0 : i32
      %dma_wait3A_157 = tpu.memref_slice %arg7[%dma_wait3A_156] : memref<10240xf32, #tpu.memory_space<vmem_shared>> -> memref<10240xf32, #tpu.memory_space<vmem_shared>>
      tpu.wait_indirect_dma semaphore(%arg8 : memref<!tpu.dma_semaphore, #tpu.memory_space<semaphore_mem>>) src(%arg6 : memref<80xf32, #tpu.memory_space<vmem>>) dst(%dma_wait3A_157 : memref<10240xf32, #tpu.memory_space<vmem_shared>>)
      %mul3A_158 = arith.constant 8 : i32
      %mul3A_159 = arith.muli %scan3A_24, %mul3A_158 : i32
      %add3A_160 = arith.constant 7 : i32
      %add3A_161 = arith.addi %mul3A_159, %add3A_160 : i32
      %dma_wait3A_162 = arith.constant 0 : i32
      %dma_wait3A_163 = tpu.memref_slice %arg5[%add3A_161, %dma_wait3A_162] : memref<128x80xi32, #tpu.memory_space<vmem>> -> memref<1x80xi32, #tpu.memory_space<vmem>>
      %dma_wait3A_164 = tpu.memref_squeeze %dma_wait3A_163 : memref<1x80xi32, #tpu.memory_space<vmem>> -> memref<80xi32, #tpu.memory_space<vmem>>
      %dma_wait3A_165 = arith.constant 0 : i32
      %dma_wait3A_166 = tpu.memref_slice %arg7[%dma_wait3A_165] : memref<10240xf32, #tpu.memory_space<vmem_shared>> -> memref<10240xf32, #tpu.memory_space<vmem_shared>>
      tpu.wait_indirect_dma semaphore(%arg8 : memref<!tpu.dma_semaphore, #tpu.memory_space<semaphore_mem>>) src(%arg6 : memref<80xf32, #tpu.memory_space<vmem>>) dst(%dma_wait3A_166 : memref<10240xf32, #tpu.memory_space<vmem_shared>>)
    }
    %scan3A_15 = arith.constant 16 : i32
    %barrier3A_16 = arith.constant 0 : index
    tpu.barrier barrier_id(%barrier3A_16)
    %mul3A_17 = arith.constant 640 : i32
    %mul3A_18 = arith.muli %arg1, %mul3A_17 : i32
    %mul3A_19 = arith.constant 10240 : i32
    %mul3A_20 = arith.muli %arg0, %mul3A_19 : i32
    %mul3A_21 = arith.constant 640 : i32
    %mul3A_22 = arith.muli %arg1, %mul3A_21 : i32
    %add3A_23 = arith.addi %mul3A_20, %mul3A_22 : i32
    "tpu.region"() ({
      %run_scoped3A = tpu.sem_alloc : memref<!tpu.dma_semaphore, #tpu.memory_space<semaphore_mem>>
      %dma_start3A = tpu.memref_slice %arg4[%add3A_23] : memref<20480xf32, #tpu.memory_space<hbm>> -> memref<640xf32, #tpu.memory_space<hbm>>
      %dma_start3A_24 = tpu.memref_slice %arg7[%mul3A_18] : memref<10240xf32, #tpu.memory_space<vmem_shared>> -> memref<640xf32, #tpu.memory_space<vmem_shared>>
      tpu.enqueue_dma source(%dma_start3A_24 : memref<640xf32, #tpu.memory_space<vmem_shared>>) target(%dma_start3A : memref<640xf32, #tpu.memory_space<hbm>>) target_semaphore(%run_scoped3A : memref<!tpu.dma_semaphore, #tpu.memory_space<semaphore_mem>>)
      %dma_wait3A = tpu.memref_slice %arg4[%add3A_23] : memref<20480xf32, #tpu.memory_space<hbm>> -> memref<640xf32, #tpu.memory_space<hbm>>
      %dma_wait3A_25 = tpu.memref_slice %arg7[%mul3A_18] : memref<10240xf32, #tpu.memory_space<vmem_shared>> -> memref<640xf32, #tpu.memory_space<vmem_shared>>
      tpu.wait_dma2 semaphore(%run_scoped3A : memref<!tpu.dma_semaphore, #tpu.memory_space<semaphore_mem>>) src(%dma_wait3A_25 : memref<640xf32, #tpu.memory_space<vmem_shared>>) dst(%dma_wait3A : memref<640xf32, #tpu.memory_space<hbm>>)
      tpu.yield
    }) : () -> ()
    return
  }
}

#map = affine_map<(d0, d1) -> (0, 0, 0)>
#map1 = affine_map<(d0, d1) -> (0, 0)>
module attributes {stable_mosaic.version = 14 : i64} {
  func.func @_sc_prop_body(%arg0: i32, %arg1: i32, %arg2: memref<32x128x80xi32, #tpu.memory_space<hbm>>, %arg3: memref<32x128x80xi32, #tpu.memory_space<hbm>>, %arg4: memref<10112x128xf32, #tpu.memory_space<hbm>>, %arg5: memref<10112x128xf32, #tpu.memory_space<hbm>>, %arg6: memref<20224x128xf32, #tpu.memory_space<hbm>>, %arg7: memref<4x80xi32, #tpu.memory_space<vmem>>, %arg8: memref<4x80xi32, #tpu.memory_space<vmem>>, %arg9: memref<4x80x128xf32, #tpu.memory_space<vmem>>, %arg10: memref<10112x128xf32, #tpu.memory_space<vmem_shared>>, %arg11: memref<!tpu.dma_semaphore, #tpu.memory_space<semaphore_mem>>, %arg12: memref<!tpu.dma_semaphore, #tpu.memory_space<semaphore_mem>>) attributes {dimension_semantics = [#tpu.dimension_semantics<core_parallel>, #tpu.dimension_semantics<subcore_parallel>], iteration_bounds = array<i64: 2, 16>, scalar_prefetch = 0 : i64, scratch_operands = 6 : i64, tpu.core_type = #tpu.core_type<sc_vector_subcore>, window_params = [{transform_indices = #map}, {transform_indices = #map}, {transform_indices = #map1}, {transform_indices = #map1}, {transform_indices = #map1}]} {
    %mul3A = arith.constant 2 : i32
    %mul3A_0 = arith.muli %arg1, %mul3A : i32
    %add3A = arith.addi %mul3A_0, %arg0 : i32
    %mul3A_1 = arith.constant 632 : i32
    %mul3A_2 = arith.muli %arg1, %mul3A_1 : i32
    %mul3A_3 = arith.constant 632 : i32
    %mul3A_4 = arith.muli %arg1, %mul3A_3 : i32
    "tpu.region"() ({
      %run_scoped3A = tpu.sem_alloc : memref<!tpu.dma_semaphore, #tpu.memory_space<semaphore_mem>>
      %dma_start3A_248 = arith.constant 0 : i32
      %dma_start3A_249 = tpu.memref_slice %arg10[%mul3A_4, %dma_start3A_248] : memref<10112x128xf32, #tpu.memory_space<vmem_shared>> -> memref<632x128xf32, #tpu.memory_space<vmem_shared>>
      %dma_start3A_250 = arith.constant 0 : i32
      %dma_start3A_251 = tpu.memref_slice %arg5[%mul3A_2, %dma_start3A_250] : memref<10112x128xf32, #tpu.memory_space<hbm>> -> memref<632x128xf32, #tpu.memory_space<hbm>>
      tpu.enqueue_dma source(%dma_start3A_251 : memref<632x128xf32, #tpu.memory_space<hbm>>) target(%dma_start3A_249 : memref<632x128xf32, #tpu.memory_space<vmem_shared>>) target_semaphore(%run_scoped3A : memref<!tpu.dma_semaphore, #tpu.memory_space<semaphore_mem>>)
      %dma_wait3A_252 = arith.constant 0 : i32
      %dma_wait3A_253 = tpu.memref_slice %arg10[%mul3A_4, %dma_wait3A_252] : memref<10112x128xf32, #tpu.memory_space<vmem_shared>> -> memref<632x128xf32, #tpu.memory_space<vmem_shared>>
      %dma_wait3A_254 = arith.constant 0 : i32
      %dma_wait3A_255 = tpu.memref_slice %arg5[%mul3A_2, %dma_wait3A_254] : memref<10112x128xf32, #tpu.memory_space<hbm>> -> memref<632x128xf32, #tpu.memory_space<hbm>>
      tpu.wait_dma2 semaphore(%run_scoped3A : memref<!tpu.dma_semaphore, #tpu.memory_space<semaphore_mem>>) src(%dma_wait3A_255 : memref<632x128xf32, #tpu.memory_space<hbm>>) dst(%dma_wait3A_253 : memref<632x128xf32, #tpu.memory_space<vmem_shared>>)
      tpu.yield
    }) : () -> ()
    %dma_start3A = arith.constant 0 : i32
    %dma_start3A_5 = arith.constant 0 : i32
    %dma_start3A_6 = arith.constant 0 : i32
    %dma_start3A_7 = tpu.memref_slice %arg7[%dma_start3A_5, %dma_start3A_6] : memref<4x80xi32, #tpu.memory_space<vmem>> -> memref<1x80xi32, #tpu.memory_space<vmem>>
    %dma_start3A_8 = tpu.memref_squeeze %dma_start3A_7 : memref<1x80xi32, #tpu.memory_space<vmem>> -> memref<80xi32, #tpu.memory_space<vmem>>
    %dma_start3A_9 = arith.constant 0 : i32
    %dma_start3A_10 = tpu.memref_slice %arg2[%add3A, %dma_start3A, %dma_start3A_9] : memref<32x128x80xi32, #tpu.memory_space<hbm>> -> memref<1x1x80xi32, #tpu.memory_space<hbm>>
    %dma_start3A_11 = tpu.memref_squeeze %dma_start3A_10 : memref<1x1x80xi32, #tpu.memory_space<hbm>> -> memref<80xi32, #tpu.memory_space<hbm>>
    %dma_start3A_12 = arith.constant 0 : i32
    %dma_start3A_13 = tpu.memref_slice %arg7[%dma_start3A_5, %dma_start3A_12] : memref<4x80xi32, #tpu.memory_space<vmem>> -> memref<1x80xi32, #tpu.memory_space<vmem>>
    %dma_start3A_14 = tpu.memref_squeeze %dma_start3A_13 : memref<1x80xi32, #tpu.memory_space<vmem>> -> memref<80xi32, #tpu.memory_space<vmem>>
    %dma_start3A_15 = arith.constant 0 : i32
    %dma_start3A_16 = tpu.memref_slice %arg2[%add3A, %dma_start3A, %dma_start3A_15] : memref<32x128x80xi32, #tpu.memory_space<hbm>> -> memref<1x1x80xi32, #tpu.memory_space<hbm>>
    %dma_start3A_17 = tpu.memref_squeeze %dma_start3A_16 : memref<1x1x80xi32, #tpu.memory_space<hbm>> -> memref<80xi32, #tpu.memory_space<hbm>>
    tpu.enqueue_dma source(%dma_start3A_17 : memref<80xi32, #tpu.memory_space<hbm>>) target(%dma_start3A_14 : memref<80xi32, #tpu.memory_space<vmem>>) target_semaphore(%arg12 : memref<!tpu.dma_semaphore, #tpu.memory_space<semaphore_mem>>)
    %dma_start3A_18 = arith.constant 0 : i32
    %dma_start3A_19 = arith.constant 0 : i32
    %dma_start3A_20 = arith.constant 0 : i32
    %dma_start3A_21 = tpu.memref_slice %arg8[%dma_start3A_19, %dma_start3A_20] : memref<4x80xi32, #tpu.memory_space<vmem>> -> memref<1x80xi32, #tpu.memory_space<vmem>>
    %dma_start3A_22 = tpu.memref_squeeze %dma_start3A_21 : memref<1x80xi32, #tpu.memory_space<vmem>> -> memref<80xi32, #tpu.memory_space<vmem>>
    %dma_start3A_23 = arith.constant 0 : i32
    %dma_start3A_24 = tpu.memref_slice %arg3[%add3A, %dma_start3A_18, %dma_start3A_23] : memref<32x128x80xi32, #tpu.memory_space<hbm>> -> memref<1x1x80xi32, #tpu.memory_space<hbm>>
    %dma_start3A_25 = tpu.memref_squeeze %dma_start3A_24 : memref<1x1x80xi32, #tpu.memory_space<hbm>> -> memref<80xi32, #tpu.memory_space<hbm>>
    %dma_start3A_26 = arith.constant 0 : i32
    %dma_start3A_27 = tpu.memref_slice %arg8[%dma_start3A_19, %dma_start3A_26] : memref<4x80xi32, #tpu.memory_space<vmem>> -> memref<1x80xi32, #tpu.memory_space<vmem>>
    %dma_start3A_28 = tpu.memref_squeeze %dma_start3A_27 : memref<1x80xi32, #tpu.memory_space<vmem>> -> memref<80xi32, #tpu.memory_space<vmem>>
    %dma_start3A_29 = arith.constant 0 : i32
    %dma_start3A_30 = tpu.memref_slice %arg3[%add3A, %dma_start3A_18, %dma_start3A_29] : memref<32x128x80xi32, #tpu.memory_space<hbm>> -> memref<1x1x80xi32, #tpu.memory_space<hbm>>
    %dma_start3A_31 = tpu.memref_squeeze %dma_start3A_30 : memref<1x1x80xi32, #tpu.memory_space<hbm>> -> memref<80xi32, #tpu.memory_space<hbm>>
    tpu.enqueue_dma source(%dma_start3A_31 : memref<80xi32, #tpu.memory_space<hbm>>) target(%dma_start3A_28 : memref<80xi32, #tpu.memory_space<vmem>>) target_semaphore(%arg12 : memref<!tpu.dma_semaphore, #tpu.memory_space<semaphore_mem>>)
    %dma_start3A_32 = arith.constant 1 : i32
    %dma_start3A_33 = arith.constant 1 : i32
    %dma_start3A_34 = arith.constant 0 : i32
    %dma_start3A_35 = tpu.memref_slice %arg7[%dma_start3A_33, %dma_start3A_34] : memref<4x80xi32, #tpu.memory_space<vmem>> -> memref<1x80xi32, #tpu.memory_space<vmem>>
    %dma_start3A_36 = tpu.memref_squeeze %dma_start3A_35 : memref<1x80xi32, #tpu.memory_space<vmem>> -> memref<80xi32, #tpu.memory_space<vmem>>
    %dma_start3A_37 = arith.constant 0 : i32
    %dma_start3A_38 = tpu.memref_slice %arg2[%add3A, %dma_start3A_32, %dma_start3A_37] : memref<32x128x80xi32, #tpu.memory_space<hbm>> -> memref<1x1x80xi32, #tpu.memory_space<hbm>>
    %dma_start3A_39 = tpu.memref_squeeze %dma_start3A_38 : memref<1x1x80xi32, #tpu.memory_space<hbm>> -> memref<80xi32, #tpu.memory_space<hbm>>
    %dma_start3A_40 = arith.constant 0 : i32
    %dma_start3A_41 = tpu.memref_slice %arg7[%dma_start3A_33, %dma_start3A_40] : memref<4x80xi32, #tpu.memory_space<vmem>> -> memref<1x80xi32, #tpu.memory_space<vmem>>
    %dma_start3A_42 = tpu.memref_squeeze %dma_start3A_41 : memref<1x80xi32, #tpu.memory_space<vmem>> -> memref<80xi32, #tpu.memory_space<vmem>>
    %dma_start3A_43 = arith.constant 0 : i32
    %dma_start3A_44 = tpu.memref_slice %arg2[%add3A, %dma_start3A_32, %dma_start3A_43] : memref<32x128x80xi32, #tpu.memory_space<hbm>> -> memref<1x1x80xi32, #tpu.memory_space<hbm>>
    %dma_start3A_45 = tpu.memref_squeeze %dma_start3A_44 : memref<1x1x80xi32, #tpu.memory_space<hbm>> -> memref<80xi32, #tpu.memory_space<hbm>>
    tpu.enqueue_dma source(%dma_start3A_45 : memref<80xi32, #tpu.memory_space<hbm>>) target(%dma_start3A_42 : memref<80xi32, #tpu.memory_space<vmem>>) target_semaphore(%arg12 : memref<!tpu.dma_semaphore, #tpu.memory_space<semaphore_mem>>)
    %dma_start3A_46 = arith.constant 1 : i32
    %dma_start3A_47 = arith.constant 1 : i32
    %dma_start3A_48 = arith.constant 0 : i32
    %dma_start3A_49 = tpu.memref_slice %arg8[%dma_start3A_47, %dma_start3A_48] : memref<4x80xi32, #tpu.memory_space<vmem>> -> memref<1x80xi32, #tpu.memory_space<vmem>>
    %dma_start3A_50 = tpu.memref_squeeze %dma_start3A_49 : memref<1x80xi32, #tpu.memory_space<vmem>> -> memref<80xi32, #tpu.memory_space<vmem>>
    %dma_start3A_51 = arith.constant 0 : i32
    %dma_start3A_52 = tpu.memref_slice %arg3[%add3A, %dma_start3A_46, %dma_start3A_51] : memref<32x128x80xi32, #tpu.memory_space<hbm>> -> memref<1x1x80xi32, #tpu.memory_space<hbm>>
    %dma_start3A_53 = tpu.memref_squeeze %dma_start3A_52 : memref<1x1x80xi32, #tpu.memory_space<hbm>> -> memref<80xi32, #tpu.memory_space<hbm>>
    %dma_start3A_54 = arith.constant 0 : i32
    %dma_start3A_55 = tpu.memref_slice %arg8[%dma_start3A_47, %dma_start3A_54] : memref<4x80xi32, #tpu.memory_space<vmem>> -> memref<1x80xi32, #tpu.memory_space<vmem>>
    %dma_start3A_56 = tpu.memref_squeeze %dma_start3A_55 : memref<1x80xi32, #tpu.memory_space<vmem>> -> memref<80xi32, #tpu.memory_space<vmem>>
    %dma_start3A_57 = arith.constant 0 : i32
    %dma_start3A_58 = tpu.memref_slice %arg3[%add3A, %dma_start3A_46, %dma_start3A_57] : memref<32x128x80xi32, #tpu.memory_space<hbm>> -> memref<1x1x80xi32, #tpu.memory_space<hbm>>
    %dma_start3A_59 = tpu.memref_squeeze %dma_start3A_58 : memref<1x1x80xi32, #tpu.memory_space<hbm>> -> memref<80xi32, #tpu.memory_space<hbm>>
    tpu.enqueue_dma source(%dma_start3A_59 : memref<80xi32, #tpu.memory_space<hbm>>) target(%dma_start3A_56 : memref<80xi32, #tpu.memory_space<vmem>>) target_semaphore(%arg12 : memref<!tpu.dma_semaphore, #tpu.memory_space<semaphore_mem>>)
    %dma_start3A_60 = arith.constant 2 : i32
    %dma_start3A_61 = arith.constant 2 : i32
    %dma_start3A_62 = arith.constant 0 : i32
    %dma_start3A_63 = tpu.memref_slice %arg7[%dma_start3A_61, %dma_start3A_62] : memref<4x80xi32, #tpu.memory_space<vmem>> -> memref<1x80xi32, #tpu.memory_space<vmem>>
    %dma_start3A_64 = tpu.memref_squeeze %dma_start3A_63 : memref<1x80xi32, #tpu.memory_space<vmem>> -> memref<80xi32, #tpu.memory_space<vmem>>
    %dma_start3A_65 = arith.constant 0 : i32
    %dma_start3A_66 = tpu.memref_slice %arg2[%add3A, %dma_start3A_60, %dma_start3A_65] : memref<32x128x80xi32, #tpu.memory_space<hbm>> -> memref<1x1x80xi32, #tpu.memory_space<hbm>>
    %dma_start3A_67 = tpu.memref_squeeze %dma_start3A_66 : memref<1x1x80xi32, #tpu.memory_space<hbm>> -> memref<80xi32, #tpu.memory_space<hbm>>
    %dma_start3A_68 = arith.constant 0 : i32
    %dma_start3A_69 = tpu.memref_slice %arg7[%dma_start3A_61, %dma_start3A_68] : memref<4x80xi32, #tpu.memory_space<vmem>> -> memref<1x80xi32, #tpu.memory_space<vmem>>
    %dma_start3A_70 = tpu.memref_squeeze %dma_start3A_69 : memref<1x80xi32, #tpu.memory_space<vmem>> -> memref<80xi32, #tpu.memory_space<vmem>>
    %dma_start3A_71 = arith.constant 0 : i32
    %dma_start3A_72 = tpu.memref_slice %arg2[%add3A, %dma_start3A_60, %dma_start3A_71] : memref<32x128x80xi32, #tpu.memory_space<hbm>> -> memref<1x1x80xi32, #tpu.memory_space<hbm>>
    %dma_start3A_73 = tpu.memref_squeeze %dma_start3A_72 : memref<1x1x80xi32, #tpu.memory_space<hbm>> -> memref<80xi32, #tpu.memory_space<hbm>>
    tpu.enqueue_dma source(%dma_start3A_73 : memref<80xi32, #tpu.memory_space<hbm>>) target(%dma_start3A_70 : memref<80xi32, #tpu.memory_space<vmem>>) target_semaphore(%arg12 : memref<!tpu.dma_semaphore, #tpu.memory_space<semaphore_mem>>)
    %dma_start3A_74 = arith.constant 2 : i32
    %dma_start3A_75 = arith.constant 2 : i32
    %dma_start3A_76 = arith.constant 0 : i32
    %dma_start3A_77 = tpu.memref_slice %arg8[%dma_start3A_75, %dma_start3A_76] : memref<4x80xi32, #tpu.memory_space<vmem>> -> memref<1x80xi32, #tpu.memory_space<vmem>>
    %dma_start3A_78 = tpu.memref_squeeze %dma_start3A_77 : memref<1x80xi32, #tpu.memory_space<vmem>> -> memref<80xi32, #tpu.memory_space<vmem>>
    %dma_start3A_79 = arith.constant 0 : i32
    %dma_start3A_80 = tpu.memref_slice %arg3[%add3A, %dma_start3A_74, %dma_start3A_79] : memref<32x128x80xi32, #tpu.memory_space<hbm>> -> memref<1x1x80xi32, #tpu.memory_space<hbm>>
    %dma_start3A_81 = tpu.memref_squeeze %dma_start3A_80 : memref<1x1x80xi32, #tpu.memory_space<hbm>> -> memref<80xi32, #tpu.memory_space<hbm>>
    %dma_start3A_82 = arith.constant 0 : i32
    %dma_start3A_83 = tpu.memref_slice %arg8[%dma_start3A_75, %dma_start3A_82] : memref<4x80xi32, #tpu.memory_space<vmem>> -> memref<1x80xi32, #tpu.memory_space<vmem>>
    %dma_start3A_84 = tpu.memref_squeeze %dma_start3A_83 : memref<1x80xi32, #tpu.memory_space<vmem>> -> memref<80xi32, #tpu.memory_space<vmem>>
    %dma_start3A_85 = arith.constant 0 : i32
    %dma_start3A_86 = tpu.memref_slice %arg3[%add3A, %dma_start3A_74, %dma_start3A_85] : memref<32x128x80xi32, #tpu.memory_space<hbm>> -> memref<1x1x80xi32, #tpu.memory_space<hbm>>
    %dma_start3A_87 = tpu.memref_squeeze %dma_start3A_86 : memref<1x1x80xi32, #tpu.memory_space<hbm>> -> memref<80xi32, #tpu.memory_space<hbm>>
    tpu.enqueue_dma source(%dma_start3A_87 : memref<80xi32, #tpu.memory_space<hbm>>) target(%dma_start3A_84 : memref<80xi32, #tpu.memory_space<vmem>>) target_semaphore(%arg12 : memref<!tpu.dma_semaphore, #tpu.memory_space<semaphore_mem>>)
    %dma_start3A_88 = arith.constant 3 : i32
    %dma_start3A_89 = arith.constant 3 : i32
    %dma_start3A_90 = arith.constant 0 : i32
    %dma_start3A_91 = tpu.memref_slice %arg7[%dma_start3A_89, %dma_start3A_90] : memref<4x80xi32, #tpu.memory_space<vmem>> -> memref<1x80xi32, #tpu.memory_space<vmem>>
    %dma_start3A_92 = tpu.memref_squeeze %dma_start3A_91 : memref<1x80xi32, #tpu.memory_space<vmem>> -> memref<80xi32, #tpu.memory_space<vmem>>
    %dma_start3A_93 = arith.constant 0 : i32
    %dma_start3A_94 = tpu.memref_slice %arg2[%add3A, %dma_start3A_88, %dma_start3A_93] : memref<32x128x80xi32, #tpu.memory_space<hbm>> -> memref<1x1x80xi32, #tpu.memory_space<hbm>>
    %dma_start3A_95 = tpu.memref_squeeze %dma_start3A_94 : memref<1x1x80xi32, #tpu.memory_space<hbm>> -> memref<80xi32, #tpu.memory_space<hbm>>
    %dma_start3A_96 = arith.constant 0 : i32
    %dma_start3A_97 = tpu.memref_slice %arg7[%dma_start3A_89, %dma_start3A_96] : memref<4x80xi32, #tpu.memory_space<vmem>> -> memref<1x80xi32, #tpu.memory_space<vmem>>
    %dma_start3A_98 = tpu.memref_squeeze %dma_start3A_97 : memref<1x80xi32, #tpu.memory_space<vmem>> -> memref<80xi32, #tpu.memory_space<vmem>>
    %dma_start3A_99 = arith.constant 0 : i32
    %dma_start3A_100 = tpu.memref_slice %arg2[%add3A, %dma_start3A_88, %dma_start3A_99] : memref<32x128x80xi32, #tpu.memory_space<hbm>> -> memref<1x1x80xi32, #tpu.memory_space<hbm>>
    %dma_start3A_101 = tpu.memref_squeeze %dma_start3A_100 : memref<1x1x80xi32, #tpu.memory_space<hbm>> -> memref<80xi32, #tpu.memory_space<hbm>>
    tpu.enqueue_dma source(%dma_start3A_101 : memref<80xi32, #tpu.memory_space<hbm>>) target(%dma_start3A_98 : memref<80xi32, #tpu.memory_space<vmem>>) target_semaphore(%arg12 : memref<!tpu.dma_semaphore, #tpu.memory_space<semaphore_mem>>)
    %dma_start3A_102 = arith.constant 3 : i32
    %dma_start3A_103 = arith.constant 3 : i32
    %dma_start3A_104 = arith.constant 0 : i32
    %dma_start3A_105 = tpu.memref_slice %arg8[%dma_start3A_103, %dma_start3A_104] : memref<4x80xi32, #tpu.memory_space<vmem>> -> memref<1x80xi32, #tpu.memory_space<vmem>>
    %dma_start3A_106 = tpu.memref_squeeze %dma_start3A_105 : memref<1x80xi32, #tpu.memory_space<vmem>> -> memref<80xi32, #tpu.memory_space<vmem>>
    %dma_start3A_107 = arith.constant 0 : i32
    %dma_start3A_108 = tpu.memref_slice %arg3[%add3A, %dma_start3A_102, %dma_start3A_107] : memref<32x128x80xi32, #tpu.memory_space<hbm>> -> memref<1x1x80xi32, #tpu.memory_space<hbm>>
    %dma_start3A_109 = tpu.memref_squeeze %dma_start3A_108 : memref<1x1x80xi32, #tpu.memory_space<hbm>> -> memref<80xi32, #tpu.memory_space<hbm>>
    %dma_start3A_110 = arith.constant 0 : i32
    %dma_start3A_111 = tpu.memref_slice %arg8[%dma_start3A_103, %dma_start3A_110] : memref<4x80xi32, #tpu.memory_space<vmem>> -> memref<1x80xi32, #tpu.memory_space<vmem>>
    %dma_start3A_112 = tpu.memref_squeeze %dma_start3A_111 : memref<1x80xi32, #tpu.memory_space<vmem>> -> memref<80xi32, #tpu.memory_space<vmem>>
    %dma_start3A_113 = arith.constant 0 : i32
    %dma_start3A_114 = tpu.memref_slice %arg3[%add3A, %dma_start3A_102, %dma_start3A_113] : memref<32x128x80xi32, #tpu.memory_space<hbm>> -> memref<1x1x80xi32, #tpu.memory_space<hbm>>
    %dma_start3A_115 = tpu.memref_squeeze %dma_start3A_114 : memref<1x1x80xi32, #tpu.memory_space<hbm>> -> memref<80xi32, #tpu.memory_space<hbm>>
    tpu.enqueue_dma source(%dma_start3A_115 : memref<80xi32, #tpu.memory_space<hbm>>) target(%dma_start3A_112 : memref<80xi32, #tpu.memory_space<vmem>>) target_semaphore(%arg12 : memref<!tpu.dma_semaphore, #tpu.memory_space<semaphore_mem>>)
    %dma_wait3A = arith.constant 0 : i32
    %dma_wait3A_116 = arith.constant 0 : i32
    %dma_wait3A_117 = arith.constant 0 : i32
    %dma_wait3A_118 = tpu.memref_slice %arg7[%dma_wait3A_116, %dma_wait3A_117] : memref<4x80xi32, #tpu.memory_space<vmem>> -> memref<1x80xi32, #tpu.memory_space<vmem>>
    %dma_wait3A_119 = tpu.memref_squeeze %dma_wait3A_118 : memref<1x80xi32, #tpu.memory_space<vmem>> -> memref<80xi32, #tpu.memory_space<vmem>>
    %dma_wait3A_120 = arith.constant 0 : i32
    %dma_wait3A_121 = tpu.memref_slice %arg2[%add3A, %dma_wait3A, %dma_wait3A_120] : memref<32x128x80xi32, #tpu.memory_space<hbm>> -> memref<1x1x80xi32, #tpu.memory_space<hbm>>
    %dma_wait3A_122 = tpu.memref_squeeze %dma_wait3A_121 : memref<1x1x80xi32, #tpu.memory_space<hbm>> -> memref<80xi32, #tpu.memory_space<hbm>>
    %dma_wait3A_123 = arith.constant 0 : i32
    %dma_wait3A_124 = tpu.memref_slice %arg7[%dma_wait3A_116, %dma_wait3A_123] : memref<4x80xi32, #tpu.memory_space<vmem>> -> memref<1x80xi32, #tpu.memory_space<vmem>>
    %dma_wait3A_125 = tpu.memref_squeeze %dma_wait3A_124 : memref<1x80xi32, #tpu.memory_space<vmem>> -> memref<80xi32, #tpu.memory_space<vmem>>
    %dma_wait3A_126 = arith.constant 0 : i32
    %dma_wait3A_127 = tpu.memref_slice %arg2[%add3A, %dma_wait3A, %dma_wait3A_126] : memref<32x128x80xi32, #tpu.memory_space<hbm>> -> memref<1x1x80xi32, #tpu.memory_space<hbm>>
    %dma_wait3A_128 = tpu.memref_squeeze %dma_wait3A_127 : memref<1x1x80xi32, #tpu.memory_space<hbm>> -> memref<80xi32, #tpu.memory_space<hbm>>
    tpu.wait_dma2 semaphore(%arg12 : memref<!tpu.dma_semaphore, #tpu.memory_space<semaphore_mem>>) src(%dma_wait3A_128 : memref<80xi32, #tpu.memory_space<hbm>>) dst(%dma_wait3A_125 : memref<80xi32, #tpu.memory_space<vmem>>)
    %dma_wait3A_129 = arith.constant 0 : i32
    %dma_wait3A_130 = arith.constant 0 : i32
    %dma_wait3A_131 = arith.constant 0 : i32
    %dma_wait3A_132 = tpu.memref_slice %arg8[%dma_wait3A_130, %dma_wait3A_131] : memref<4x80xi32, #tpu.memory_space<vmem>> -> memref<1x80xi32, #tpu.memory_space<vmem>>
    %dma_wait3A_133 = tpu.memref_squeeze %dma_wait3A_132 : memref<1x80xi32, #tpu.memory_space<vmem>> -> memref<80xi32, #tpu.memory_space<vmem>>
    %dma_wait3A_134 = arith.constant 0 : i32
    %dma_wait3A_135 = tpu.memref_slice %arg3[%add3A, %dma_wait3A_129, %dma_wait3A_134] : memref<32x128x80xi32, #tpu.memory_space<hbm>> -> memref<1x1x80xi32, #tpu.memory_space<hbm>>
    %dma_wait3A_136 = tpu.memref_squeeze %dma_wait3A_135 : memref<1x1x80xi32, #tpu.memory_space<hbm>> -> memref<80xi32, #tpu.memory_space<hbm>>
    %dma_wait3A_137 = arith.constant 0 : i32
    %dma_wait3A_138 = tpu.memref_slice %arg8[%dma_wait3A_130, %dma_wait3A_137] : memref<4x80xi32, #tpu.memory_space<vmem>> -> memref<1x80xi32, #tpu.memory_space<vmem>>
    %dma_wait3A_139 = tpu.memref_squeeze %dma_wait3A_138 : memref<1x80xi32, #tpu.memory_space<vmem>> -> memref<80xi32, #tpu.memory_space<vmem>>
    %dma_wait3A_140 = arith.constant 0 : i32
    %dma_wait3A_141 = tpu.memref_slice %arg3[%add3A, %dma_wait3A_129, %dma_wait3A_140] : memref<32x128x80xi32, #tpu.memory_space<hbm>> -> memref<1x1x80xi32, #tpu.memory_space<hbm>>
    %dma_wait3A_142 = tpu.memref_squeeze %dma_wait3A_141 : memref<1x1x80xi32, #tpu.memory_space<hbm>> -> memref<80xi32, #tpu.memory_space<hbm>>
    tpu.wait_dma2 semaphore(%arg12 : memref<!tpu.dma_semaphore, #tpu.memory_space<semaphore_mem>>) src(%dma_wait3A_142 : memref<80xi32, #tpu.memory_space<hbm>>) dst(%dma_wait3A_139 : memref<80xi32, #tpu.memory_space<vmem>>)
    %dma_start3A_143 = arith.constant 0 : i32
    %dma_start3A_144 = arith.constant 0 : i32
    %dma_start3A_145 = arith.constant 0 : i32
    %dma_start3A_146 = arith.constant 0 : i32
    %dma_start3A_147 = tpu.memref_slice %arg9[%dma_start3A_144, %dma_start3A_145, %dma_start3A_146] : memref<4x80x128xf32, #tpu.memory_space<vmem>> -> memref<1x80x128xf32, #tpu.memory_space<vmem>>
    %dma_start3A_148 = tpu.memref_squeeze %dma_start3A_147 : memref<1x80x128xf32, #tpu.memory_space<vmem>> -> memref<80x128xf32, #tpu.memory_space<vmem>>
    %dma_start3A_149 = arith.constant 0 : i32
    %dma_start3A_150 = tpu.memref_slice %arg7[%dma_start3A_143, %dma_start3A_149] : memref<4x80xi32, #tpu.memory_space<vmem>> -> memref<1x80xi32, #tpu.memory_space<vmem>>
    %dma_start3A_151 = tpu.memref_squeeze %dma_start3A_150 : memref<1x80xi32, #tpu.memory_space<vmem>> -> memref<80xi32, #tpu.memory_space<vmem>>
    %dma_start3A_152 = arith.constant 0 : i32
    %dma_start3A_153 = arith.constant 0 : i32
    %dma_start3A_154 = tpu.memref_slice %arg4[%dma_start3A_152, %dma_start3A_153] : memref<10112x128xf32, #tpu.memory_space<hbm>> -> memref<10112x128xf32, #tpu.memory_space<hbm>>
    tpu.enqueue_indirect_dma source(%dma_start3A_154 : memref<10112x128xf32, #tpu.memory_space<hbm>>) target(%dma_start3A_148 : memref<80x128xf32, #tpu.memory_space<vmem>>) offsets(%dma_start3A_151 : memref<80xi32, #tpu.memory_space<vmem>>) semaphore(%arg11 : memref<!tpu.dma_semaphore, #tpu.memory_space<semaphore_mem>>)
    %dma_wait3A_155 = arith.constant 0 : i32
    %dma_wait3A_156 = arith.constant 1 : i32
    %dma_wait3A_157 = arith.constant 0 : i32
    %dma_wait3A_158 = tpu.memref_slice %arg7[%dma_wait3A_156, %dma_wait3A_157] : memref<4x80xi32, #tpu.memory_space<vmem>> -> memref<1x80xi32, #tpu.memory_space<vmem>>
    %dma_wait3A_159 = tpu.memref_squeeze %dma_wait3A_158 : memref<1x80xi32, #tpu.memory_space<vmem>> -> memref<80xi32, #tpu.memory_space<vmem>>
    %dma_wait3A_160 = arith.constant 0 : i32
    %dma_wait3A_161 = tpu.memref_slice %arg2[%add3A, %dma_wait3A_155, %dma_wait3A_160] : memref<32x128x80xi32, #tpu.memory_space<hbm>> -> memref<1x1x80xi32, #tpu.memory_space<hbm>>
    %dma_wait3A_162 = tpu.memref_squeeze %dma_wait3A_161 : memref<1x1x80xi32, #tpu.memory_space<hbm>> -> memref<80xi32, #tpu.memory_space<hbm>>
    %dma_wait3A_163 = arith.constant 0 : i32
    %dma_wait3A_164 = tpu.memref_slice %arg7[%dma_wait3A_156, %dma_wait3A_163] : memref<4x80xi32, #tpu.memory_space<vmem>> -> memref<1x80xi32, #tpu.memory_space<vmem>>
    %dma_wait3A_165 = tpu.memref_squeeze %dma_wait3A_164 : memref<1x80xi32, #tpu.memory_space<vmem>> -> memref<80xi32, #tpu.memory_space<vmem>>
    %dma_wait3A_166 = arith.constant 0 : i32
    %dma_wait3A_167 = tpu.memref_slice %arg2[%add3A, %dma_wait3A_155, %dma_wait3A_166] : memref<32x128x80xi32, #tpu.memory_space<hbm>> -> memref<1x1x80xi32, #tpu.memory_space<hbm>>
    %dma_wait3A_168 = tpu.memref_squeeze %dma_wait3A_167 : memref<1x1x80xi32, #tpu.memory_space<hbm>> -> memref<80xi32, #tpu.memory_space<hbm>>
    tpu.wait_dma2 semaphore(%arg12 : memref<!tpu.dma_semaphore, #tpu.memory_space<semaphore_mem>>) src(%dma_wait3A_168 : memref<80xi32, #tpu.memory_space<hbm>>) dst(%dma_wait3A_165 : memref<80xi32, #tpu.memory_space<vmem>>)
    %dma_wait3A_169 = arith.constant 0 : i32
    %dma_wait3A_170 = arith.constant 1 : i32
    %dma_wait3A_171 = arith.constant 0 : i32
    %dma_wait3A_172 = tpu.memref_slice %arg8[%dma_wait3A_170, %dma_wait3A_171] : memref<4x80xi32, #tpu.memory_space<vmem>> -> memref<1x80xi32, #tpu.memory_space<vmem>>
    %dma_wait3A_173 = tpu.memref_squeeze %dma_wait3A_172 : memref<1x80xi32, #tpu.memory_space<vmem>> -> memref<80xi32, #tpu.memory_space<vmem>>
    %dma_wait3A_174 = arith.constant 0 : i32
    %dma_wait3A_175 = tpu.memref_slice %arg3[%add3A, %dma_wait3A_169, %dma_wait3A_174] : memref<32x128x80xi32, #tpu.memory_space<hbm>> -> memref<1x1x80xi32, #tpu.memory_space<hbm>>
    %dma_wait3A_176 = tpu.memref_squeeze %dma_wait3A_175 : memref<1x1x80xi32, #tpu.memory_space<hbm>> -> memref<80xi32, #tpu.memory_space<hbm>>
    %dma_wait3A_177 = arith.constant 0 : i32
    %dma_wait3A_178 = tpu.memref_slice %arg8[%dma_wait3A_170, %dma_wait3A_177] : memref<4x80xi32, #tpu.memory_space<vmem>> -> memref<1x80xi32, #tpu.memory_space<vmem>>
    %dma_wait3A_179 = tpu.memref_squeeze %dma_wait3A_178 : memref<1x80xi32, #tpu.memory_space<vmem>> -> memref<80xi32, #tpu.memory_space<vmem>>
    %dma_wait3A_180 = arith.constant 0 : i32
    %dma_wait3A_181 = tpu.memref_slice %arg3[%add3A, %dma_wait3A_169, %dma_wait3A_180] : memref<32x128x80xi32, #tpu.memory_space<hbm>> -> memref<1x1x80xi32, #tpu.memory_space<hbm>>
    %dma_wait3A_182 = tpu.memref_squeeze %dma_wait3A_181 : memref<1x1x80xi32, #tpu.memory_space<hbm>> -> memref<80xi32, #tpu.memory_space<hbm>>
    tpu.wait_dma2 semaphore(%arg12 : memref<!tpu.dma_semaphore, #tpu.memory_space<semaphore_mem>>) src(%dma_wait3A_182 : memref<80xi32, #tpu.memory_space<hbm>>) dst(%dma_wait3A_179 : memref<80xi32, #tpu.memory_space<vmem>>)
    %dma_start3A_183 = arith.constant 1 : i32
    %dma_start3A_184 = arith.constant 1 : i32
    %dma_start3A_185 = arith.constant 0 : i32
    %dma_start3A_186 = arith.constant 0 : i32
    %dma_start3A_187 = tpu.memref_slice %arg9[%dma_start3A_184, %dma_start3A_185, %dma_start3A_186] : memref<4x80x128xf32, #tpu.memory_space<vmem>> -> memref<1x80x128xf32, #tpu.memory_space<vmem>>
    %dma_start3A_188 = tpu.memref_squeeze %dma_start3A_187 : memref<1x80x128xf32, #tpu.memory_space<vmem>> -> memref<80x128xf32, #tpu.memory_space<vmem>>
    %dma_start3A_189 = arith.constant 0 : i32
    %dma_start3A_190 = tpu.memref_slice %arg7[%dma_start3A_183, %dma_start3A_189] : memref<4x80xi32, #tpu.memory_space<vmem>> -> memref<1x80xi32, #tpu.memory_space<vmem>>
    %dma_start3A_191 = tpu.memref_squeeze %dma_start3A_190 : memref<1x80xi32, #tpu.memory_space<vmem>> -> memref<80xi32, #tpu.memory_space<vmem>>
    %dma_start3A_192 = arith.constant 0 : i32
    %dma_start3A_193 = arith.constant 0 : i32
    %dma_start3A_194 = tpu.memref_slice %arg4[%dma_start3A_192, %dma_start3A_193] : memref<10112x128xf32, #tpu.memory_space<hbm>> -> memref<10112x128xf32, #tpu.memory_space<hbm>>
    tpu.enqueue_indirect_dma source(%dma_start3A_194 : memref<10112x128xf32, #tpu.memory_space<hbm>>) target(%dma_start3A_188 : memref<80x128xf32, #tpu.memory_space<vmem>>) offsets(%dma_start3A_191 : memref<80xi32, #tpu.memory_space<vmem>>) semaphore(%arg11 : memref<!tpu.dma_semaphore, #tpu.memory_space<semaphore_mem>>)
    %dma_wait3A_195 = arith.constant 0 : i32
    %dma_wait3A_196 = arith.constant 2 : i32
    %dma_wait3A_197 = arith.constant 0 : i32
    %dma_wait3A_198 = tpu.memref_slice %arg7[%dma_wait3A_196, %dma_wait3A_197] : memref<4x80xi32, #tpu.memory_space<vmem>> -> memref<1x80xi32, #tpu.memory_space<vmem>>
    %dma_wait3A_199 = tpu.memref_squeeze %dma_wait3A_198 : memref<1x80xi32, #tpu.memory_space<vmem>> -> memref<80xi32, #tpu.memory_space<vmem>>
    %dma_wait3A_200 = arith.constant 0 : i32
    %dma_wait3A_201 = tpu.memref_slice %arg2[%add3A, %dma_wait3A_195, %dma_wait3A_200] : memref<32x128x80xi32, #tpu.memory_space<hbm>> -> memref<1x1x80xi32, #tpu.memory_space<hbm>>
    %dma_wait3A_202 = tpu.memref_squeeze %dma_wait3A_201 : memref<1x1x80xi32, #tpu.memory_space<hbm>> -> memref<80xi32, #tpu.memory_space<hbm>>
    %dma_wait3A_203 = arith.constant 0 : i32
    %dma_wait3A_204 = tpu.memref_slice %arg7[%dma_wait3A_196, %dma_wait3A_203] : memref<4x80xi32, #tpu.memory_space<vmem>> -> memref<1x80xi32, #tpu.memory_space<vmem>>
    %dma_wait3A_205 = tpu.memref_squeeze %dma_wait3A_204 : memref<1x80xi32, #tpu.memory_space<vmem>> -> memref<80xi32, #tpu.memory_space<vmem>>
    %dma_wait3A_206 = arith.constant 0 : i32
    %dma_wait3A_207 = tpu.memref_slice %arg2[%add3A, %dma_wait3A_195, %dma_wait3A_206] : memref<32x128x80xi32, #tpu.memory_space<hbm>> -> memref<1x1x80xi32, #tpu.memory_space<hbm>>
    %dma_wait3A_208 = tpu.memref_squeeze %dma_wait3A_207 : memref<1x1x80xi32, #tpu.memory_space<hbm>> -> memref<80xi32, #tpu.memory_space<hbm>>
    tpu.wait_dma2 semaphore(%arg12 : memref<!tpu.dma_semaphore, #tpu.memory_space<semaphore_mem>>) src(%dma_wait3A_208 : memref<80xi32, #tpu.memory_space<hbm>>) dst(%dma_wait3A_205 : memref<80xi32, #tpu.memory_space<vmem>>)
    %dma_wait3A_209 = arith.constant 0 : i32
    %dma_wait3A_210 = arith.constant 2 : i32
    %dma_wait3A_211 = arith.constant 0 : i32
    %dma_wait3A_212 = tpu.memref_slice %arg8[%dma_wait3A_210, %dma_wait3A_211] : memref<4x80xi32, #tpu.memory_space<vmem>> -> memref<1x80xi32, #tpu.memory_space<vmem>>
    %dma_wait3A_213 = tpu.memref_squeeze %dma_wait3A_212 : memref<1x80xi32, #tpu.memory_space<vmem>> -> memref<80xi32, #tpu.memory_space<vmem>>
    %dma_wait3A_214 = arith.constant 0 : i32
    %dma_wait3A_215 = tpu.memref_slice %arg3[%add3A, %dma_wait3A_209, %dma_wait3A_214] : memref<32x128x80xi32, #tpu.memory_space<hbm>> -> memref<1x1x80xi32, #tpu.memory_space<hbm>>
    %dma_wait3A_216 = tpu.memref_squeeze %dma_wait3A_215 : memref<1x1x80xi32, #tpu.memory_space<hbm>> -> memref<80xi32, #tpu.memory_space<hbm>>
    %dma_wait3A_217 = arith.constant 0 : i32
    %dma_wait3A_218 = tpu.memref_slice %arg8[%dma_wait3A_210, %dma_wait3A_217] : memref<4x80xi32, #tpu.memory_space<vmem>> -> memref<1x80xi32, #tpu.memory_space<vmem>>
    %dma_wait3A_219 = tpu.memref_squeeze %dma_wait3A_218 : memref<1x80xi32, #tpu.memory_space<vmem>> -> memref<80xi32, #tpu.memory_space<vmem>>
    %dma_wait3A_220 = arith.constant 0 : i32
    %dma_wait3A_221 = tpu.memref_slice %arg3[%add3A, %dma_wait3A_209, %dma_wait3A_220] : memref<32x128x80xi32, #tpu.memory_space<hbm>> -> memref<1x1x80xi32, #tpu.memory_space<hbm>>
    %dma_wait3A_222 = tpu.memref_squeeze %dma_wait3A_221 : memref<1x1x80xi32, #tpu.memory_space<hbm>> -> memref<80xi32, #tpu.memory_space<hbm>>
    tpu.wait_dma2 semaphore(%arg12 : memref<!tpu.dma_semaphore, #tpu.memory_space<semaphore_mem>>) src(%dma_wait3A_222 : memref<80xi32, #tpu.memory_space<hbm>>) dst(%dma_wait3A_219 : memref<80xi32, #tpu.memory_space<vmem>>)
    %dma_start3A_223 = arith.constant 2 : i32
    %dma_start3A_224 = arith.constant 2 : i32
    %dma_start3A_225 = arith.constant 0 : i32
    %dma_start3A_226 = arith.constant 0 : i32
    %dma_start3A_227 = tpu.memref_slice %arg9[%dma_start3A_224, %dma_start3A_225, %dma_start3A_226] : memref<4x80x128xf32, #tpu.memory_space<vmem>> -> memref<1x80x128xf32, #tpu.memory_space<vmem>>
    %dma_start3A_228 = tpu.memref_squeeze %dma_start3A_227 : memref<1x80x128xf32, #tpu.memory_space<vmem>> -> memref<80x128xf32, #tpu.memory_space<vmem>>
    %dma_start3A_229 = arith.constant 0 : i32
    %dma_start3A_230 = tpu.memref_slice %arg7[%dma_start3A_223, %dma_start3A_229] : memref<4x80xi32, #tpu.memory_space<vmem>> -> memref<1x80xi32, #tpu.memory_space<vmem>>
    %dma_start3A_231 = tpu.memref_squeeze %dma_start3A_230 : memref<1x80xi32, #tpu.memory_space<vmem>> -> memref<80xi32, #tpu.memory_space<vmem>>
    %dma_start3A_232 = arith.constant 0 : i32
    %dma_start3A_233 = arith.constant 0 : i32
    %dma_start3A_234 = tpu.memref_slice %arg4[%dma_start3A_232, %dma_start3A_233] : memref<10112x128xf32, #tpu.memory_space<hbm>> -> memref<10112x128xf32, #tpu.memory_space<hbm>>
    tpu.enqueue_indirect_dma source(%dma_start3A_234 : memref<10112x128xf32, #tpu.memory_space<hbm>>) target(%dma_start3A_228 : memref<80x128xf32, #tpu.memory_space<vmem>>) offsets(%dma_start3A_231 : memref<80xi32, #tpu.memory_space<vmem>>) semaphore(%arg11 : memref<!tpu.dma_semaphore, #tpu.memory_space<semaphore_mem>>)
    %barrier3A = arith.constant 0 : index
    tpu.barrier barrier_id(%barrier3A)
    %scan3A = arith.constant 0 : i32
    %scan3A_235 = arith.constant 0 : i32
    %scan3A_236 = arith.constant 32 : i32
    %scan3A_237 = arith.addi %scan3A_235, %scan3A_236 : i32
    %scan3A_238 = arith.constant 1 : i32
    scf.for %scan3A_248 = %scan3A_235 to %scan3A_237 step %scan3A_238  : i32 {
      %mul3A_249 = arith.constant 4 : i32
      %mul3A_250 = arith.muli %scan3A_248, %mul3A_249 : i32
      %add3A_251 = arith.constant 0 : i32
      %add3A_252 = arith.addi %mul3A_250, %add3A_251 : i32
      %add3A_253 = arith.constant 4 : i32
      %add3A_254 = arith.addi %add3A_252, %add3A_253 : i32
      %sub3A = arith.constant 1 : i32
      %sub3A_255 = arith.subi %add3A_254, %sub3A : i32
      %lt3A = arith.constant 128 : i32
      %lt3A_256 = arith.cmpi slt, %sub3A_255, %lt3A : i32
      %convert_element_type3A = arith.extui %lt3A_256 : i1 to i32
      %cond3A = arith.constant 0 : i32
      %cond3A_257 = arith.cmpi ne, %convert_element_type3A, %cond3A : i32
      scf.if %cond3A_257 {
        %ge3A = arith.constant 1 : i32
        %ge3A_352 = arith.cmpi sge, %add3A_252, %ge3A : i32
        %convert_element_type3A_353 = arith.extui %ge3A_352 : i1 to i32
        %cond3A_354 = arith.constant 0 : i32
        %cond3A_355 = arith.cmpi ne, %convert_element_type3A_353, %cond3A_354 : i32
        scf.if %cond3A_355 {
          %add3A_396 = arith.constant 4 : i32
          %add3A_397 = arith.addi %add3A_252, %add3A_396 : i32
          %sub3A_398 = arith.constant 1 : i32
          %sub3A_399 = arith.subi %add3A_397, %sub3A_398 : i32
          %dma_start3A_400 = arith.constant 3 : i32
          %dma_start3A_401 = arith.constant 0 : i32
          %dma_start3A_402 = tpu.memref_slice %arg7[%dma_start3A_400, %dma_start3A_401] : memref<4x80xi32, #tpu.memory_space<vmem>> -> memref<1x80xi32, #tpu.memory_space<vmem>>
          %dma_start3A_403 = tpu.memref_squeeze %dma_start3A_402 : memref<1x80xi32, #tpu.memory_space<vmem>> -> memref<80xi32, #tpu.memory_space<vmem>>
          %dma_start3A_404 = arith.constant 0 : i32
          %dma_start3A_405 = tpu.memref_slice %arg2[%add3A, %sub3A_399, %dma_start3A_404] : memref<32x128x80xi32, #tpu.memory_space<hbm>> -> memref<1x1x80xi32, #tpu.memory_space<hbm>>
          %dma_start3A_406 = tpu.memref_squeeze %dma_start3A_405 : memref<1x1x80xi32, #tpu.memory_space<hbm>> -> memref<80xi32, #tpu.memory_space<hbm>>
          %dma_start3A_407 = arith.constant 0 : i32
          %dma_start3A_408 = tpu.memref_slice %arg7[%dma_start3A_400, %dma_start3A_407] : memref<4x80xi32, #tpu.memory_space<vmem>> -> memref<1x80xi32, #tpu.memory_space<vmem>>
          %dma_start3A_409 = tpu.memref_squeeze %dma_start3A_408 : memref<1x80xi32, #tpu.memory_space<vmem>> -> memref<80xi32, #tpu.memory_space<vmem>>
          %dma_start3A_410 = arith.constant 0 : i32
          %dma_start3A_411 = tpu.memref_slice %arg2[%add3A, %sub3A_399, %dma_start3A_410] : memref<32x128x80xi32, #tpu.memory_space<hbm>> -> memref<1x1x80xi32, #tpu.memory_space<hbm>>
          %dma_start3A_412 = tpu.memref_squeeze %dma_start3A_411 : memref<1x1x80xi32, #tpu.memory_space<hbm>> -> memref<80xi32, #tpu.memory_space<hbm>>
          tpu.enqueue_dma source(%dma_start3A_412 : memref<80xi32, #tpu.memory_space<hbm>>) target(%dma_start3A_409 : memref<80xi32, #tpu.memory_space<vmem>>) target_semaphore(%arg12 : memref<!tpu.dma_semaphore, #tpu.memory_space<semaphore_mem>>)
          %dma_start3A_413 = arith.constant 3 : i32
          %dma_start3A_414 = arith.constant 0 : i32
          %dma_start3A_415 = tpu.memref_slice %arg8[%dma_start3A_413, %dma_start3A_414] : memref<4x80xi32, #tpu.memory_space<vmem>> -> memref<1x80xi32, #tpu.memory_space<vmem>>
          %dma_start3A_416 = tpu.memref_squeeze %dma_start3A_415 : memref<1x80xi32, #tpu.memory_space<vmem>> -> memref<80xi32, #tpu.memory_space<vmem>>
          %dma_start3A_417 = arith.constant 0 : i32
          %dma_start3A_418 = tpu.memref_slice %arg3[%add3A, %sub3A_399, %dma_start3A_417] : memref<32x128x80xi32, #tpu.memory_space<hbm>> -> memref<1x1x80xi32, #tpu.memory_space<hbm>>
          %dma_start3A_419 = tpu.memref_squeeze %dma_start3A_418 : memref<1x1x80xi32, #tpu.memory_space<hbm>> -> memref<80xi32, #tpu.memory_space<hbm>>
          %dma_start3A_420 = arith.constant 0 : i32
          %dma_start3A_421 = tpu.memref_slice %arg8[%dma_start3A_413, %dma_start3A_420] : memref<4x80xi32, #tpu.memory_space<vmem>> -> memref<1x80xi32, #tpu.memory_space<vmem>>
          %dma_start3A_422 = tpu.memref_squeeze %dma_start3A_421 : memref<1x80xi32, #tpu.memory_space<vmem>> -> memref<80xi32, #tpu.memory_space<vmem>>
          %dma_start3A_423 = arith.constant 0 : i32
          %dma_start3A_424 = tpu.memref_slice %arg3[%add3A, %sub3A_399, %dma_start3A_423] : memref<32x128x80xi32, #tpu.memory_space<hbm>> -> memref<1x1x80xi32, #tpu.memory_space<hbm>>
          %dma_start3A_425 = tpu.memref_squeeze %dma_start3A_424 : memref<1x1x80xi32, #tpu.memory_space<hbm>> -> memref<80xi32, #tpu.memory_space<hbm>>
          tpu.enqueue_dma source(%dma_start3A_425 : memref<80xi32, #tpu.memory_space<hbm>>) target(%dma_start3A_422 : memref<80xi32, #tpu.memory_space<vmem>>) target_semaphore(%arg12 : memref<!tpu.dma_semaphore, #tpu.memory_space<semaphore_mem>>)
        } else {
        }
        %dma_wait3A_356 = arith.constant 0 : i32
        %dma_wait3A_357 = arith.constant 3 : i32
        %dma_wait3A_358 = arith.constant 0 : i32
        %dma_wait3A_359 = tpu.memref_slice %arg7[%dma_wait3A_357, %dma_wait3A_358] : memref<4x80xi32, #tpu.memory_space<vmem>> -> memref<1x80xi32, #tpu.memory_space<vmem>>
        %dma_wait3A_360 = tpu.memref_squeeze %dma_wait3A_359 : memref<1x80xi32, #tpu.memory_space<vmem>> -> memref<80xi32, #tpu.memory_space<vmem>>
        %dma_wait3A_361 = arith.constant 0 : i32
        %dma_wait3A_362 = tpu.memref_slice %arg2[%add3A, %dma_wait3A_356, %dma_wait3A_361] : memref<32x128x80xi32, #tpu.memory_space<hbm>> -> memref<1x1x80xi32, #tpu.memory_space<hbm>>
        %dma_wait3A_363 = tpu.memref_squeeze %dma_wait3A_362 : memref<1x1x80xi32, #tpu.memory_space<hbm>> -> memref<80xi32, #tpu.memory_space<hbm>>
        %dma_wait3A_364 = arith.constant 0 : i32
        %dma_wait3A_365 = tpu.memref_slice %arg7[%dma_wait3A_357, %dma_wait3A_364] : memref<4x80xi32, #tpu.memory_space<vmem>> -> memref<1x80xi32, #tpu.memory_space<vmem>>
        %dma_wait3A_366 = tpu.memref_squeeze %dma_wait3A_365 : memref<1x80xi32, #tpu.memory_space<vmem>> -> memref<80xi32, #tpu.memory_space<vmem>>
        %dma_wait3A_367 = arith.constant 0 : i32
        %dma_wait3A_368 = tpu.memref_slice %arg2[%add3A, %dma_wait3A_356, %dma_wait3A_367] : memref<32x128x80xi32, #tpu.memory_space<hbm>> -> memref<1x1x80xi32, #tpu.memory_space<hbm>>
        %dma_wait3A_369 = tpu.memref_squeeze %dma_wait3A_368 : memref<1x1x80xi32, #tpu.memory_space<hbm>> -> memref<80xi32, #tpu.memory_space<hbm>>
        tpu.wait_dma2 semaphore(%arg12 : memref<!tpu.dma_semaphore, #tpu.memory_space<semaphore_mem>>) src(%dma_wait3A_369 : memref<80xi32, #tpu.memory_space<hbm>>) dst(%dma_wait3A_366 : memref<80xi32, #tpu.memory_space<vmem>>)
        %dma_wait3A_370 = arith.constant 0 : i32
        %dma_wait3A_371 = arith.constant 3 : i32
        %dma_wait3A_372 = arith.constant 0 : i32
        %dma_wait3A_373 = tpu.memref_slice %arg8[%dma_wait3A_371, %dma_wait3A_372] : memref<4x80xi32, #tpu.memory_space<vmem>> -> memref<1x80xi32, #tpu.memory_space<vmem>>
        %dma_wait3A_374 = tpu.memref_squeeze %dma_wait3A_373 : memref<1x80xi32, #tpu.memory_space<vmem>> -> memref<80xi32, #tpu.memory_space<vmem>>
        %dma_wait3A_375 = arith.constant 0 : i32
        %dma_wait3A_376 = tpu.memref_slice %arg3[%add3A, %dma_wait3A_370, %dma_wait3A_375] : memref<32x128x80xi32, #tpu.memory_space<hbm>> -> memref<1x1x80xi32, #tpu.memory_space<hbm>>
        %dma_wait3A_377 = tpu.memref_squeeze %dma_wait3A_376 : memref<1x1x80xi32, #tpu.memory_space<hbm>> -> memref<80xi32, #tpu.memory_space<hbm>>
        %dma_wait3A_378 = arith.constant 0 : i32
        %dma_wait3A_379 = tpu.memref_slice %arg8[%dma_wait3A_371, %dma_wait3A_378] : memref<4x80xi32, #tpu.memory_space<vmem>> -> memref<1x80xi32, #tpu.memory_space<vmem>>
        %dma_wait3A_380 = tpu.memref_squeeze %dma_wait3A_379 : memref<1x80xi32, #tpu.memory_space<vmem>> -> memref<80xi32, #tpu.memory_space<vmem>>
        %dma_wait3A_381 = arith.constant 0 : i32
        %dma_wait3A_382 = tpu.memref_slice %arg3[%add3A, %dma_wait3A_370, %dma_wait3A_381] : memref<32x128x80xi32, #tpu.memory_space<hbm>> -> memref<1x1x80xi32, #tpu.memory_space<hbm>>
        %dma_wait3A_383 = tpu.memref_squeeze %dma_wait3A_382 : memref<1x1x80xi32, #tpu.memory_space<hbm>> -> memref<80xi32, #tpu.memory_space<hbm>>
        tpu.wait_dma2 semaphore(%arg12 : memref<!tpu.dma_semaphore, #tpu.memory_space<semaphore_mem>>) src(%dma_wait3A_383 : memref<80xi32, #tpu.memory_space<hbm>>) dst(%dma_wait3A_380 : memref<80xi32, #tpu.memory_space<vmem>>)
        %dma_start3A_384 = arith.constant 3 : i32
        %dma_start3A_385 = arith.constant 3 : i32
        %dma_start3A_386 = arith.constant 0 : i32
        %dma_start3A_387 = arith.constant 0 : i32
        %dma_start3A_388 = tpu.memref_slice %arg9[%dma_start3A_385, %dma_start3A_386, %dma_start3A_387] : memref<4x80x128xf32, #tpu.memory_space<vmem>> -> memref<1x80x128xf32, #tpu.memory_space<vmem>>
        %dma_start3A_389 = tpu.memref_squeeze %dma_start3A_388 : memref<1x80x128xf32, #tpu.memory_space<vmem>> -> memref<80x128xf32, #tpu.memory_space<vmem>>
        %dma_start3A_390 = arith.constant 0 : i32
        %dma_start3A_391 = tpu.memref_slice %arg7[%dma_start3A_384, %dma_start3A_390] : memref<4x80xi32, #tpu.memory_space<vmem>> -> memref<1x80xi32, #tpu.memory_space<vmem>>
        %dma_start3A_392 = tpu.memref_squeeze %dma_start3A_391 : memref<1x80xi32, #tpu.memory_space<vmem>> -> memref<80xi32, #tpu.memory_space<vmem>>
        %dma_start3A_393 = arith.constant 0 : i32
        %dma_start3A_394 = arith.constant 0 : i32
        %dma_start3A_395 = tpu.memref_slice %arg4[%dma_start3A_393, %dma_start3A_394] : memref<10112x128xf32, #tpu.memory_space<hbm>> -> memref<10112x128xf32, #tpu.memory_space<hbm>>
        tpu.enqueue_indirect_dma source(%dma_start3A_395 : memref<10112x128xf32, #tpu.memory_space<hbm>>) target(%dma_start3A_389 : memref<80x128xf32, #tpu.memory_space<vmem>>) offsets(%dma_start3A_392 : memref<80xi32, #tpu.memory_space<vmem>>) semaphore(%arg11 : memref<!tpu.dma_semaphore, #tpu.memory_space<semaphore_mem>>)
      } else {
      }
      %dma_wait3A_258 = arith.constant 0 : i32
      %dma_wait3A_259 = arith.constant 0 : i32
      %dma_wait3A_260 = arith.constant 0 : i32
      %dma_wait3A_261 = arith.constant 0 : i32
      %dma_wait3A_262 = tpu.memref_slice %arg9[%dma_wait3A_259, %dma_wait3A_260, %dma_wait3A_261] : memref<4x80x128xf32, #tpu.memory_space<vmem>> -> memref<1x80x128xf32, #tpu.memory_space<vmem>>
      %dma_wait3A_263 = tpu.memref_squeeze %dma_wait3A_262 : memref<1x80x128xf32, #tpu.memory_space<vmem>> -> memref<80x128xf32, #tpu.memory_space<vmem>>
      %dma_wait3A_264 = arith.constant 0 : i32
      %dma_wait3A_265 = tpu.memref_slice %arg7[%dma_wait3A_258, %dma_wait3A_264] : memref<4x80xi32, #tpu.memory_space<vmem>> -> memref<1x80xi32, #tpu.memory_space<vmem>>
      %dma_wait3A_266 = tpu.memref_squeeze %dma_wait3A_265 : memref<1x80xi32, #tpu.memory_space<vmem>> -> memref<80xi32, #tpu.memory_space<vmem>>
      %dma_wait3A_267 = arith.constant 0 : i32
      %dma_wait3A_268 = arith.constant 0 : i32
      %dma_wait3A_269 = tpu.memref_slice %arg4[%dma_wait3A_267, %dma_wait3A_268] : memref<10112x128xf32, #tpu.memory_space<hbm>> -> memref<10112x128xf32, #tpu.memory_space<hbm>>
      tpu.wait_indirect_dma semaphore(%arg11 : memref<!tpu.dma_semaphore, #tpu.memory_space<semaphore_mem>>) src(%dma_wait3A_269 : memref<10112x128xf32, #tpu.memory_space<hbm>>) dst(%dma_wait3A_263 : memref<80x128xf32, #tpu.memory_space<vmem>>)
      %run_scoped3A = arith.constant 0 : i32
      %run_scoped3A_270 = arith.constant 0 : i32
      "tpu.region"() ({
        %run_scoped3A_352 = tpu.sem_alloc : memref<!tpu.dma_semaphore, #tpu.memory_space<semaphore_mem>>
        %dma_start3A_353 = arith.constant 0 : i32
        %dma_start3A_354 = arith.constant 0 : i32
        %dma_start3A_355 = tpu.memref_slice %arg9[%run_scoped3A, %dma_start3A_353, %dma_start3A_354] : memref<4x80x128xf32, #tpu.memory_space<vmem>> -> memref<1x80x128xf32, #tpu.memory_space<vmem>>
        %dma_start3A_356 = tpu.memref_squeeze %dma_start3A_355 : memref<1x80x128xf32, #tpu.memory_space<vmem>> -> memref<80x128xf32, #tpu.memory_space<vmem>>
        %dma_start3A_357 = arith.constant 0 : i32
        %dma_start3A_358 = tpu.memref_slice %arg8[%run_scoped3A_270, %dma_start3A_357] : memref<4x80xi32, #tpu.memory_space<vmem>> -> memref<1x80xi32, #tpu.memory_space<vmem>>
        %dma_start3A_359 = tpu.memref_squeeze %dma_start3A_358 : memref<1x80xi32, #tpu.memory_space<vmem>> -> memref<80xi32, #tpu.memory_space<vmem>>
        %dma_start3A_360 = arith.constant 0 : i32
        %dma_start3A_361 = arith.constant 0 : i32
        %dma_start3A_362 = tpu.memref_slice %arg10[%dma_start3A_360, %dma_start3A_361] : memref<10112x128xf32, #tpu.memory_space<vmem_shared>> -> memref<10112x128xf32, #tpu.memory_space<vmem_shared>>
        tpu.enqueue_indirect_dma source(%dma_start3A_356 : memref<80x128xf32, #tpu.memory_space<vmem>>) target(%dma_start3A_362 : memref<10112x128xf32, #tpu.memory_space<vmem_shared>>) offsets(%dma_start3A_359 : memref<80xi32, #tpu.memory_space<vmem>>) semaphore(%run_scoped3A_352 : memref<!tpu.dma_semaphore, #tpu.memory_space<semaphore_mem>>) {add = true}
        %dma_wait3A_363 = arith.constant 0 : i32
        %dma_wait3A_364 = arith.constant 0 : i32
        %dma_wait3A_365 = tpu.memref_slice %arg9[%run_scoped3A, %dma_wait3A_363, %dma_wait3A_364] : memref<4x80x128xf32, #tpu.memory_space<vmem>> -> memref<1x80x128xf32, #tpu.memory_space<vmem>>
        %dma_wait3A_366 = tpu.memref_squeeze %dma_wait3A_365 : memref<1x80x128xf32, #tpu.memory_space<vmem>> -> memref<80x128xf32, #tpu.memory_space<vmem>>
        %dma_wait3A_367 = arith.constant 0 : i32
        %dma_wait3A_368 = tpu.memref_slice %arg8[%run_scoped3A_270, %dma_wait3A_367] : memref<4x80xi32, #tpu.memory_space<vmem>> -> memref<1x80xi32, #tpu.memory_space<vmem>>
        %dma_wait3A_369 = tpu.memref_squeeze %dma_wait3A_368 : memref<1x80xi32, #tpu.memory_space<vmem>> -> memref<80xi32, #tpu.memory_space<vmem>>
        %dma_wait3A_370 = arith.constant 0 : i32
        %dma_wait3A_371 = arith.constant 0 : i32
        %dma_wait3A_372 = tpu.memref_slice %arg10[%dma_wait3A_370, %dma_wait3A_371] : memref<10112x128xf32, #tpu.memory_space<vmem_shared>> -> memref<10112x128xf32, #tpu.memory_space<vmem_shared>>
        tpu.wait_indirect_dma semaphore(%run_scoped3A_352 : memref<!tpu.dma_semaphore, #tpu.memory_space<semaphore_mem>>) src(%dma_wait3A_366 : memref<80x128xf32, #tpu.memory_space<vmem>>) dst(%dma_wait3A_372 : memref<10112x128xf32, #tpu.memory_space<vmem_shared>>)
        tpu.yield
      }) : () -> ()
      %mul3A_271 = arith.constant 4 : i32
      %mul3A_272 = arith.muli %scan3A_248, %mul3A_271 : i32
      %add3A_273 = arith.constant 1 : i32
      %add3A_274 = arith.addi %mul3A_272, %add3A_273 : i32
      %add3A_275 = arith.constant 4 : i32
      %add3A_276 = arith.addi %add3A_274, %add3A_275 : i32
      %sub3A_277 = arith.constant 1 : i32
      %sub3A_278 = arith.subi %add3A_276, %sub3A_277 : i32
      %lt3A_279 = arith.constant 128 : i32
      %lt3A_280 = arith.cmpi slt, %sub3A_278, %lt3A_279 : i32
      %convert_element_type3A_281 = arith.extui %lt3A_280 : i1 to i32
      %cond3A_282 = arith.constant 0 : i32
      %cond3A_283 = arith.cmpi ne, %convert_element_type3A_281, %cond3A_282 : i32
      scf.if %cond3A_283 {
        %ge3A = arith.constant 1 : i32
        %ge3A_352 = arith.cmpi sge, %add3A_274, %ge3A : i32
        %convert_element_type3A_353 = arith.extui %ge3A_352 : i1 to i32
        %cond3A_354 = arith.constant 0 : i32
        %cond3A_355 = arith.cmpi ne, %convert_element_type3A_353, %cond3A_354 : i32
        scf.if %cond3A_355 {
          %add3A_396 = arith.constant 4 : i32
          %add3A_397 = arith.addi %add3A_274, %add3A_396 : i32
          %sub3A_398 = arith.constant 1 : i32
          %sub3A_399 = arith.subi %add3A_397, %sub3A_398 : i32
          %dma_start3A_400 = arith.constant 0 : i32
          %dma_start3A_401 = arith.constant 0 : i32
          %dma_start3A_402 = tpu.memref_slice %arg7[%dma_start3A_400, %dma_start3A_401] : memref<4x80xi32, #tpu.memory_space<vmem>> -> memref<1x80xi32, #tpu.memory_space<vmem>>
          %dma_start3A_403 = tpu.memref_squeeze %dma_start3A_402 : memref<1x80xi32, #tpu.memory_space<vmem>> -> memref<80xi32, #tpu.memory_space<vmem>>
          %dma_start3A_404 = arith.constant 0 : i32
          %dma_start3A_405 = tpu.memref_slice %arg2[%add3A, %sub3A_399, %dma_start3A_404] : memref<32x128x80xi32, #tpu.memory_space<hbm>> -> memref<1x1x80xi32, #tpu.memory_space<hbm>>
          %dma_start3A_406 = tpu.memref_squeeze %dma_start3A_405 : memref<1x1x80xi32, #tpu.memory_space<hbm>> -> memref<80xi32, #tpu.memory_space<hbm>>
          %dma_start3A_407 = arith.constant 0 : i32
          %dma_start3A_408 = tpu.memref_slice %arg7[%dma_start3A_400, %dma_start3A_407] : memref<4x80xi32, #tpu.memory_space<vmem>> -> memref<1x80xi32, #tpu.memory_space<vmem>>
          %dma_start3A_409 = tpu.memref_squeeze %dma_start3A_408 : memref<1x80xi32, #tpu.memory_space<vmem>> -> memref<80xi32, #tpu.memory_space<vmem>>
          %dma_start3A_410 = arith.constant 0 : i32
          %dma_start3A_411 = tpu.memref_slice %arg2[%add3A, %sub3A_399, %dma_start3A_410] : memref<32x128x80xi32, #tpu.memory_space<hbm>> -> memref<1x1x80xi32, #tpu.memory_space<hbm>>
          %dma_start3A_412 = tpu.memref_squeeze %dma_start3A_411 : memref<1x1x80xi32, #tpu.memory_space<hbm>> -> memref<80xi32, #tpu.memory_space<hbm>>
          tpu.enqueue_dma source(%dma_start3A_412 : memref<80xi32, #tpu.memory_space<hbm>>) target(%dma_start3A_409 : memref<80xi32, #tpu.memory_space<vmem>>) target_semaphore(%arg12 : memref<!tpu.dma_semaphore, #tpu.memory_space<semaphore_mem>>)
          %dma_start3A_413 = arith.constant 0 : i32
          %dma_start3A_414 = arith.constant 0 : i32
          %dma_start3A_415 = tpu.memref_slice %arg8[%dma_start3A_413, %dma_start3A_414] : memref<4x80xi32, #tpu.memory_space<vmem>> -> memref<1x80xi32, #tpu.memory_space<vmem>>
          %dma_start3A_416 = tpu.memref_squeeze %dma_start3A_415 : memref<1x80xi32, #tpu.memory_space<vmem>> -> memref<80xi32, #tpu.memory_space<vmem>>
          %dma_start3A_417 = arith.constant 0 : i32
          %dma_start3A_418 = tpu.memref_slice %arg3[%add3A, %sub3A_399, %dma_start3A_417] : memref<32x128x80xi32, #tpu.memory_space<hbm>> -> memref<1x1x80xi32, #tpu.memory_space<hbm>>
          %dma_start3A_419 = tpu.memref_squeeze %dma_start3A_418 : memref<1x1x80xi32, #tpu.memory_space<hbm>> -> memref<80xi32, #tpu.memory_space<hbm>>
          %dma_start3A_420 = arith.constant 0 : i32
          %dma_start3A_421 = tpu.memref_slice %arg8[%dma_start3A_413, %dma_start3A_420] : memref<4x80xi32, #tpu.memory_space<vmem>> -> memref<1x80xi32, #tpu.memory_space<vmem>>
          %dma_start3A_422 = tpu.memref_squeeze %dma_start3A_421 : memref<1x80xi32, #tpu.memory_space<vmem>> -> memref<80xi32, #tpu.memory_space<vmem>>
          %dma_start3A_423 = arith.constant 0 : i32
          %dma_start3A_424 = tpu.memref_slice %arg3[%add3A, %sub3A_399, %dma_start3A_423] : memref<32x128x80xi32, #tpu.memory_space<hbm>> -> memref<1x1x80xi32, #tpu.memory_space<hbm>>
          %dma_start3A_425 = tpu.memref_squeeze %dma_start3A_424 : memref<1x1x80xi32, #tpu.memory_space<hbm>> -> memref<80xi32, #tpu.memory_space<hbm>>
          tpu.enqueue_dma source(%dma_start3A_425 : memref<80xi32, #tpu.memory_space<hbm>>) target(%dma_start3A_422 : memref<80xi32, #tpu.memory_space<vmem>>) target_semaphore(%arg12 : memref<!tpu.dma_semaphore, #tpu.memory_space<semaphore_mem>>)
        } else {
        }
        %dma_wait3A_356 = arith.constant 0 : i32
        %dma_wait3A_357 = arith.constant 0 : i32
        %dma_wait3A_358 = arith.constant 0 : i32
        %dma_wait3A_359 = tpu.memref_slice %arg7[%dma_wait3A_357, %dma_wait3A_358] : memref<4x80xi32, #tpu.memory_space<vmem>> -> memref<1x80xi32, #tpu.memory_space<vmem>>
        %dma_wait3A_360 = tpu.memref_squeeze %dma_wait3A_359 : memref<1x80xi32, #tpu.memory_space<vmem>> -> memref<80xi32, #tpu.memory_space<vmem>>
        %dma_wait3A_361 = arith.constant 0 : i32
        %dma_wait3A_362 = tpu.memref_slice %arg2[%add3A, %dma_wait3A_356, %dma_wait3A_361] : memref<32x128x80xi32, #tpu.memory_space<hbm>> -> memref<1x1x80xi32, #tpu.memory_space<hbm>>
        %dma_wait3A_363 = tpu.memref_squeeze %dma_wait3A_362 : memref<1x1x80xi32, #tpu.memory_space<hbm>> -> memref<80xi32, #tpu.memory_space<hbm>>
        %dma_wait3A_364 = arith.constant 0 : i32
        %dma_wait3A_365 = tpu.memref_slice %arg7[%dma_wait3A_357, %dma_wait3A_364] : memref<4x80xi32, #tpu.memory_space<vmem>> -> memref<1x80xi32, #tpu.memory_space<vmem>>
        %dma_wait3A_366 = tpu.memref_squeeze %dma_wait3A_365 : memref<1x80xi32, #tpu.memory_space<vmem>> -> memref<80xi32, #tpu.memory_space<vmem>>
        %dma_wait3A_367 = arith.constant 0 : i32
        %dma_wait3A_368 = tpu.memref_slice %arg2[%add3A, %dma_wait3A_356, %dma_wait3A_367] : memref<32x128x80xi32, #tpu.memory_space<hbm>> -> memref<1x1x80xi32, #tpu.memory_space<hbm>>
        %dma_wait3A_369 = tpu.memref_squeeze %dma_wait3A_368 : memref<1x1x80xi32, #tpu.memory_space<hbm>> -> memref<80xi32, #tpu.memory_space<hbm>>
        tpu.wait_dma2 semaphore(%arg12 : memref<!tpu.dma_semaphore, #tpu.memory_space<semaphore_mem>>) src(%dma_wait3A_369 : memref<80xi32, #tpu.memory_space<hbm>>) dst(%dma_wait3A_366 : memref<80xi32, #tpu.memory_space<vmem>>)
        %dma_wait3A_370 = arith.constant 0 : i32
        %dma_wait3A_371 = arith.constant 0 : i32
        %dma_wait3A_372 = arith.constant 0 : i32
        %dma_wait3A_373 = tpu.memref_slice %arg8[%dma_wait3A_371, %dma_wait3A_372] : memref<4x80xi32, #tpu.memory_space<vmem>> -> memref<1x80xi32, #tpu.memory_space<vmem>>
        %dma_wait3A_374 = tpu.memref_squeeze %dma_wait3A_373 : memref<1x80xi32, #tpu.memory_space<vmem>> -> memref<80xi32, #tpu.memory_space<vmem>>
        %dma_wait3A_375 = arith.constant 0 : i32
        %dma_wait3A_376 = tpu.memref_slice %arg3[%add3A, %dma_wait3A_370, %dma_wait3A_375] : memref<32x128x80xi32, #tpu.memory_space<hbm>> -> memref<1x1x80xi32, #tpu.memory_space<hbm>>
        %dma_wait3A_377 = tpu.memref_squeeze %dma_wait3A_376 : memref<1x1x80xi32, #tpu.memory_space<hbm>> -> memref<80xi32, #tpu.memory_space<hbm>>
        %dma_wait3A_378 = arith.constant 0 : i32
        %dma_wait3A_379 = tpu.memref_slice %arg8[%dma_wait3A_371, %dma_wait3A_378] : memref<4x80xi32, #tpu.memory_space<vmem>> -> memref<1x80xi32, #tpu.memory_space<vmem>>
        %dma_wait3A_380 = tpu.memref_squeeze %dma_wait3A_379 : memref<1x80xi32, #tpu.memory_space<vmem>> -> memref<80xi32, #tpu.memory_space<vmem>>
        %dma_wait3A_381 = arith.constant 0 : i32
        %dma_wait3A_382 = tpu.memref_slice %arg3[%add3A, %dma_wait3A_370, %dma_wait3A_381] : memref<32x128x80xi32, #tpu.memory_space<hbm>> -> memref<1x1x80xi32, #tpu.memory_space<hbm>>
        %dma_wait3A_383 = tpu.memref_squeeze %dma_wait3A_382 : memref<1x1x80xi32, #tpu.memory_space<hbm>> -> memref<80xi32, #tpu.memory_space<hbm>>
        tpu.wait_dma2 semaphore(%arg12 : memref<!tpu.dma_semaphore, #tpu.memory_space<semaphore_mem>>) src(%dma_wait3A_383 : memref<80xi32, #tpu.memory_space<hbm>>) dst(%dma_wait3A_380 : memref<80xi32, #tpu.memory_space<vmem>>)
        %dma_start3A_384 = arith.constant 0 : i32
        %dma_start3A_385 = arith.constant 0 : i32
        %dma_start3A_386 = arith.constant 0 : i32
        %dma_start3A_387 = arith.constant 0 : i32
        %dma_start3A_388 = tpu.memref_slice %arg9[%dma_start3A_385, %dma_start3A_386, %dma_start3A_387] : memref<4x80x128xf32, #tpu.memory_space<vmem>> -> memref<1x80x128xf32, #tpu.memory_space<vmem>>
        %dma_start3A_389 = tpu.memref_squeeze %dma_start3A_388 : memref<1x80x128xf32, #tpu.memory_space<vmem>> -> memref<80x128xf32, #tpu.memory_space<vmem>>
        %dma_start3A_390 = arith.constant 0 : i32
        %dma_start3A_391 = tpu.memref_slice %arg7[%dma_start3A_384, %dma_start3A_390] : memref<4x80xi32, #tpu.memory_space<vmem>> -> memref<1x80xi32, #tpu.memory_space<vmem>>
        %dma_start3A_392 = tpu.memref_squeeze %dma_start3A_391 : memref<1x80xi32, #tpu.memory_space<vmem>> -> memref<80xi32, #tpu.memory_space<vmem>>
        %dma_start3A_393 = arith.constant 0 : i32
        %dma_start3A_394 = arith.constant 0 : i32
        %dma_start3A_395 = tpu.memref_slice %arg4[%dma_start3A_393, %dma_start3A_394] : memref<10112x128xf32, #tpu.memory_space<hbm>> -> memref<10112x128xf32, #tpu.memory_space<hbm>>
        tpu.enqueue_indirect_dma source(%dma_start3A_395 : memref<10112x128xf32, #tpu.memory_space<hbm>>) target(%dma_start3A_389 : memref<80x128xf32, #tpu.memory_space<vmem>>) offsets(%dma_start3A_392 : memref<80xi32, #tpu.memory_space<vmem>>) semaphore(%arg11 : memref<!tpu.dma_semaphore, #tpu.memory_space<semaphore_mem>>)
      } else {
      }
      %dma_wait3A_284 = arith.constant 1 : i32
      %dma_wait3A_285 = arith.constant 1 : i32
      %dma_wait3A_286 = arith.constant 0 : i32
      %dma_wait3A_287 = arith.constant 0 : i32
      %dma_wait3A_288 = tpu.memref_slice %arg9[%dma_wait3A_285, %dma_wait3A_286, %dma_wait3A_287] : memref<4x80x128xf32, #tpu.memory_space<vmem>> -> memref<1x80x128xf32, #tpu.memory_space<vmem>>
      %dma_wait3A_289 = tpu.memref_squeeze %dma_wait3A_288 : memref<1x80x128xf32, #tpu.memory_space<vmem>> -> memref<80x128xf32, #tpu.memory_space<vmem>>
      %dma_wait3A_290 = arith.constant 0 : i32
      %dma_wait3A_291 = tpu.memref_slice %arg7[%dma_wait3A_284, %dma_wait3A_290] : memref<4x80xi32, #tpu.memory_space<vmem>> -> memref<1x80xi32, #tpu.memory_space<vmem>>
      %dma_wait3A_292 = tpu.memref_squeeze %dma_wait3A_291 : memref<1x80xi32, #tpu.memory_space<vmem>> -> memref<80xi32, #tpu.memory_space<vmem>>
      %dma_wait3A_293 = arith.constant 0 : i32
      %dma_wait3A_294 = arith.constant 0 : i32
      %dma_wait3A_295 = tpu.memref_slice %arg4[%dma_wait3A_293, %dma_wait3A_294] : memref<10112x128xf32, #tpu.memory_space<hbm>> -> memref<10112x128xf32, #tpu.memory_space<hbm>>
      tpu.wait_indirect_dma semaphore(%arg11 : memref<!tpu.dma_semaphore, #tpu.memory_space<semaphore_mem>>) src(%dma_wait3A_295 : memref<10112x128xf32, #tpu.memory_space<hbm>>) dst(%dma_wait3A_289 : memref<80x128xf32, #tpu.memory_space<vmem>>)
      %run_scoped3A_296 = arith.constant 1 : i32
      %run_scoped3A_297 = arith.constant 1 : i32
      "tpu.region"() ({
        %run_scoped3A_352 = tpu.sem_alloc : memref<!tpu.dma_semaphore, #tpu.memory_space<semaphore_mem>>
        %dma_start3A_353 = arith.constant 0 : i32
        %dma_start3A_354 = arith.constant 0 : i32
        %dma_start3A_355 = tpu.memref_slice %arg9[%run_scoped3A_296, %dma_start3A_353, %dma_start3A_354] : memref<4x80x128xf32, #tpu.memory_space<vmem>> -> memref<1x80x128xf32, #tpu.memory_space<vmem>>
        %dma_start3A_356 = tpu.memref_squeeze %dma_start3A_355 : memref<1x80x128xf32, #tpu.memory_space<vmem>> -> memref<80x128xf32, #tpu.memory_space<vmem>>
        %dma_start3A_357 = arith.constant 0 : i32
        %dma_start3A_358 = tpu.memref_slice %arg8[%run_scoped3A_297, %dma_start3A_357] : memref<4x80xi32, #tpu.memory_space<vmem>> -> memref<1x80xi32, #tpu.memory_space<vmem>>
        %dma_start3A_359 = tpu.memref_squeeze %dma_start3A_358 : memref<1x80xi32, #tpu.memory_space<vmem>> -> memref<80xi32, #tpu.memory_space<vmem>>
        %dma_start3A_360 = arith.constant 0 : i32
        %dma_start3A_361 = arith.constant 0 : i32
        %dma_start3A_362 = tpu.memref_slice %arg10[%dma_start3A_360, %dma_start3A_361] : memref<10112x128xf32, #tpu.memory_space<vmem_shared>> -> memref<10112x128xf32, #tpu.memory_space<vmem_shared>>
        tpu.enqueue_indirect_dma source(%dma_start3A_356 : memref<80x128xf32, #tpu.memory_space<vmem>>) target(%dma_start3A_362 : memref<10112x128xf32, #tpu.memory_space<vmem_shared>>) offsets(%dma_start3A_359 : memref<80xi32, #tpu.memory_space<vmem>>) semaphore(%run_scoped3A_352 : memref<!tpu.dma_semaphore, #tpu.memory_space<semaphore_mem>>) {add = true}
        %dma_wait3A_363 = arith.constant 0 : i32
        %dma_wait3A_364 = arith.constant 0 : i32
        %dma_wait3A_365 = tpu.memref_slice %arg9[%run_scoped3A_296, %dma_wait3A_363, %dma_wait3A_364] : memref<4x80x128xf32, #tpu.memory_space<vmem>> -> memref<1x80x128xf32, #tpu.memory_space<vmem>>
        %dma_wait3A_366 = tpu.memref_squeeze %dma_wait3A_365 : memref<1x80x128xf32, #tpu.memory_space<vmem>> -> memref<80x128xf32, #tpu.memory_space<vmem>>
        %dma_wait3A_367 = arith.constant 0 : i32
        %dma_wait3A_368 = tpu.memref_slice %arg8[%run_scoped3A_297, %dma_wait3A_367] : memref<4x80xi32, #tpu.memory_space<vmem>> -> memref<1x80xi32, #tpu.memory_space<vmem>>
        %dma_wait3A_369 = tpu.memref_squeeze %dma_wait3A_368 : memref<1x80xi32, #tpu.memory_space<vmem>> -> memref<80xi32, #tpu.memory_space<vmem>>
        %dma_wait3A_370 = arith.constant 0 : i32
        %dma_wait3A_371 = arith.constant 0 : i32
        %dma_wait3A_372 = tpu.memref_slice %arg10[%dma_wait3A_370, %dma_wait3A_371] : memref<10112x128xf32, #tpu.memory_space<vmem_shared>> -> memref<10112x128xf32, #tpu.memory_space<vmem_shared>>
        tpu.wait_indirect_dma semaphore(%run_scoped3A_352 : memref<!tpu.dma_semaphore, #tpu.memory_space<semaphore_mem>>) src(%dma_wait3A_366 : memref<80x128xf32, #tpu.memory_space<vmem>>) dst(%dma_wait3A_372 : memref<10112x128xf32, #tpu.memory_space<vmem_shared>>)
        tpu.yield
      }) : () -> ()
      %mul3A_298 = arith.constant 4 : i32
      %mul3A_299 = arith.muli %scan3A_248, %mul3A_298 : i32
      %add3A_300 = arith.constant 2 : i32
      %add3A_301 = arith.addi %mul3A_299, %add3A_300 : i32
      %add3A_302 = arith.constant 4 : i32
      %add3A_303 = arith.addi %add3A_301, %add3A_302 : i32
      %sub3A_304 = arith.constant 1 : i32
      %sub3A_305 = arith.subi %add3A_303, %sub3A_304 : i32
      %lt3A_306 = arith.constant 128 : i32
      %lt3A_307 = arith.cmpi slt, %sub3A_305, %lt3A_306 : i32
      %convert_element_type3A_308 = arith.extui %lt3A_307 : i1 to i32
      %cond3A_309 = arith.constant 0 : i32
      %cond3A_310 = arith.cmpi ne, %convert_element_type3A_308, %cond3A_309 : i32
      scf.if %cond3A_310 {
        %ge3A = arith.constant 1 : i32
        %ge3A_352 = arith.cmpi sge, %add3A_301, %ge3A : i32
        %convert_element_type3A_353 = arith.extui %ge3A_352 : i1 to i32
        %cond3A_354 = arith.constant 0 : i32
        %cond3A_355 = arith.cmpi ne, %convert_element_type3A_353, %cond3A_354 : i32
        scf.if %cond3A_355 {
          %add3A_396 = arith.constant 4 : i32
          %add3A_397 = arith.addi %add3A_301, %add3A_396 : i32
          %sub3A_398 = arith.constant 1 : i32
          %sub3A_399 = arith.subi %add3A_397, %sub3A_398 : i32
          %dma_start3A_400 = arith.constant 1 : i32
          %dma_start3A_401 = arith.constant 0 : i32
          %dma_start3A_402 = tpu.memref_slice %arg7[%dma_start3A_400, %dma_start3A_401] : memref<4x80xi32, #tpu.memory_space<vmem>> -> memref<1x80xi32, #tpu.memory_space<vmem>>
          %dma_start3A_403 = tpu.memref_squeeze %dma_start3A_402 : memref<1x80xi32, #tpu.memory_space<vmem>> -> memref<80xi32, #tpu.memory_space<vmem>>
          %dma_start3A_404 = arith.constant 0 : i32
          %dma_start3A_405 = tpu.memref_slice %arg2[%add3A, %sub3A_399, %dma_start3A_404] : memref<32x128x80xi32, #tpu.memory_space<hbm>> -> memref<1x1x80xi32, #tpu.memory_space<hbm>>
          %dma_start3A_406 = tpu.memref_squeeze %dma_start3A_405 : memref<1x1x80xi32, #tpu.memory_space<hbm>> -> memref<80xi32, #tpu.memory_space<hbm>>
          %dma_start3A_407 = arith.constant 0 : i32
          %dma_start3A_408 = tpu.memref_slice %arg7[%dma_start3A_400, %dma_start3A_407] : memref<4x80xi32, #tpu.memory_space<vmem>> -> memref<1x80xi32, #tpu.memory_space<vmem>>
          %dma_start3A_409 = tpu.memref_squeeze %dma_start3A_408 : memref<1x80xi32, #tpu.memory_space<vmem>> -> memref<80xi32, #tpu.memory_space<vmem>>
          %dma_start3A_410 = arith.constant 0 : i32
          %dma_start3A_411 = tpu.memref_slice %arg2[%add3A, %sub3A_399, %dma_start3A_410] : memref<32x128x80xi32, #tpu.memory_space<hbm>> -> memref<1x1x80xi32, #tpu.memory_space<hbm>>
          %dma_start3A_412 = tpu.memref_squeeze %dma_start3A_411 : memref<1x1x80xi32, #tpu.memory_space<hbm>> -> memref<80xi32, #tpu.memory_space<hbm>>
          tpu.enqueue_dma source(%dma_start3A_412 : memref<80xi32, #tpu.memory_space<hbm>>) target(%dma_start3A_409 : memref<80xi32, #tpu.memory_space<vmem>>) target_semaphore(%arg12 : memref<!tpu.dma_semaphore, #tpu.memory_space<semaphore_mem>>)
          %dma_start3A_413 = arith.constant 1 : i32
          %dma_start3A_414 = arith.constant 0 : i32
          %dma_start3A_415 = tpu.memref_slice %arg8[%dma_start3A_413, %dma_start3A_414] : memref<4x80xi32, #tpu.memory_space<vmem>> -> memref<1x80xi32, #tpu.memory_space<vmem>>
          %dma_start3A_416 = tpu.memref_squeeze %dma_start3A_415 : memref<1x80xi32, #tpu.memory_space<vmem>> -> memref<80xi32, #tpu.memory_space<vmem>>
          %dma_start3A_417 = arith.constant 0 : i32
          %dma_start3A_418 = tpu.memref_slice %arg3[%add3A, %sub3A_399, %dma_start3A_417] : memref<32x128x80xi32, #tpu.memory_space<hbm>> -> memref<1x1x80xi32, #tpu.memory_space<hbm>>
          %dma_start3A_419 = tpu.memref_squeeze %dma_start3A_418 : memref<1x1x80xi32, #tpu.memory_space<hbm>> -> memref<80xi32, #tpu.memory_space<hbm>>
          %dma_start3A_420 = arith.constant 0 : i32
          %dma_start3A_421 = tpu.memref_slice %arg8[%dma_start3A_413, %dma_start3A_420] : memref<4x80xi32, #tpu.memory_space<vmem>> -> memref<1x80xi32, #tpu.memory_space<vmem>>
          %dma_start3A_422 = tpu.memref_squeeze %dma_start3A_421 : memref<1x80xi32, #tpu.memory_space<vmem>> -> memref<80xi32, #tpu.memory_space<vmem>>
          %dma_start3A_423 = arith.constant 0 : i32
          %dma_start3A_424 = tpu.memref_slice %arg3[%add3A, %sub3A_399, %dma_start3A_423] : memref<32x128x80xi32, #tpu.memory_space<hbm>> -> memref<1x1x80xi32, #tpu.memory_space<hbm>>
          %dma_start3A_425 = tpu.memref_squeeze %dma_start3A_424 : memref<1x1x80xi32, #tpu.memory_space<hbm>> -> memref<80xi32, #tpu.memory_space<hbm>>
          tpu.enqueue_dma source(%dma_start3A_425 : memref<80xi32, #tpu.memory_space<hbm>>) target(%dma_start3A_422 : memref<80xi32, #tpu.memory_space<vmem>>) target_semaphore(%arg12 : memref<!tpu.dma_semaphore, #tpu.memory_space<semaphore_mem>>)
        } else {
        }
        %dma_wait3A_356 = arith.constant 0 : i32
        %dma_wait3A_357 = arith.constant 1 : i32
        %dma_wait3A_358 = arith.constant 0 : i32
        %dma_wait3A_359 = tpu.memref_slice %arg7[%dma_wait3A_357, %dma_wait3A_358] : memref<4x80xi32, #tpu.memory_space<vmem>> -> memref<1x80xi32, #tpu.memory_space<vmem>>
        %dma_wait3A_360 = tpu.memref_squeeze %dma_wait3A_359 : memref<1x80xi32, #tpu.memory_space<vmem>> -> memref<80xi32, #tpu.memory_space<vmem>>
        %dma_wait3A_361 = arith.constant 0 : i32
        %dma_wait3A_362 = tpu.memref_slice %arg2[%add3A, %dma_wait3A_356, %dma_wait3A_361] : memref<32x128x80xi32, #tpu.memory_space<hbm>> -> memref<1x1x80xi32, #tpu.memory_space<hbm>>
        %dma_wait3A_363 = tpu.memref_squeeze %dma_wait3A_362 : memref<1x1x80xi32, #tpu.memory_space<hbm>> -> memref<80xi32, #tpu.memory_space<hbm>>
        %dma_wait3A_364 = arith.constant 0 : i32
        %dma_wait3A_365 = tpu.memref_slice %arg7[%dma_wait3A_357, %dma_wait3A_364] : memref<4x80xi32, #tpu.memory_space<vmem>> -> memref<1x80xi32, #tpu.memory_space<vmem>>
        %dma_wait3A_366 = tpu.memref_squeeze %dma_wait3A_365 : memref<1x80xi32, #tpu.memory_space<vmem>> -> memref<80xi32, #tpu.memory_space<vmem>>
        %dma_wait3A_367 = arith.constant 0 : i32
        %dma_wait3A_368 = tpu.memref_slice %arg2[%add3A, %dma_wait3A_356, %dma_wait3A_367] : memref<32x128x80xi32, #tpu.memory_space<hbm>> -> memref<1x1x80xi32, #tpu.memory_space<hbm>>
        %dma_wait3A_369 = tpu.memref_squeeze %dma_wait3A_368 : memref<1x1x80xi32, #tpu.memory_space<hbm>> -> memref<80xi32, #tpu.memory_space<hbm>>
        tpu.wait_dma2 semaphore(%arg12 : memref<!tpu.dma_semaphore, #tpu.memory_space<semaphore_mem>>) src(%dma_wait3A_369 : memref<80xi32, #tpu.memory_space<hbm>>) dst(%dma_wait3A_366 : memref<80xi32, #tpu.memory_space<vmem>>)
        %dma_wait3A_370 = arith.constant 0 : i32
        %dma_wait3A_371 = arith.constant 1 : i32
        %dma_wait3A_372 = arith.constant 0 : i32
        %dma_wait3A_373 = tpu.memref_slice %arg8[%dma_wait3A_371, %dma_wait3A_372] : memref<4x80xi32, #tpu.memory_space<vmem>> -> memref<1x80xi32, #tpu.memory_space<vmem>>
        %dma_wait3A_374 = tpu.memref_squeeze %dma_wait3A_373 : memref<1x80xi32, #tpu.memory_space<vmem>> -> memref<80xi32, #tpu.memory_space<vmem>>
        %dma_wait3A_375 = arith.constant 0 : i32
        %dma_wait3A_376 = tpu.memref_slice %arg3[%add3A, %dma_wait3A_370, %dma_wait3A_375] : memref<32x128x80xi32, #tpu.memory_space<hbm>> -> memref<1x1x80xi32, #tpu.memory_space<hbm>>
        %dma_wait3A_377 = tpu.memref_squeeze %dma_wait3A_376 : memref<1x1x80xi32, #tpu.memory_space<hbm>> -> memref<80xi32, #tpu.memory_space<hbm>>
        %dma_wait3A_378 = arith.constant 0 : i32
        %dma_wait3A_379 = tpu.memref_slice %arg8[%dma_wait3A_371, %dma_wait3A_378] : memref<4x80xi32, #tpu.memory_space<vmem>> -> memref<1x80xi32, #tpu.memory_space<vmem>>
        %dma_wait3A_380 = tpu.memref_squeeze %dma_wait3A_379 : memref<1x80xi32, #tpu.memory_space<vmem>> -> memref<80xi32, #tpu.memory_space<vmem>>
        %dma_wait3A_381 = arith.constant 0 : i32
        %dma_wait3A_382 = tpu.memref_slice %arg3[%add3A, %dma_wait3A_370, %dma_wait3A_381] : memref<32x128x80xi32, #tpu.memory_space<hbm>> -> memref<1x1x80xi32, #tpu.memory_space<hbm>>
        %dma_wait3A_383 = tpu.memref_squeeze %dma_wait3A_382 : memref<1x1x80xi32, #tpu.memory_space<hbm>> -> memref<80xi32, #tpu.memory_space<hbm>>
        tpu.wait_dma2 semaphore(%arg12 : memref<!tpu.dma_semaphore, #tpu.memory_space<semaphore_mem>>) src(%dma_wait3A_383 : memref<80xi32, #tpu.memory_space<hbm>>) dst(%dma_wait3A_380 : memref<80xi32, #tpu.memory_space<vmem>>)
        %dma_start3A_384 = arith.constant 1 : i32
        %dma_start3A_385 = arith.constant 1 : i32
        %dma_start3A_386 = arith.constant 0 : i32
        %dma_start3A_387 = arith.constant 0 : i32
        %dma_start3A_388 = tpu.memref_slice %arg9[%dma_start3A_385, %dma_start3A_386, %dma_start3A_387] : memref<4x80x128xf32, #tpu.memory_space<vmem>> -> memref<1x80x128xf32, #tpu.memory_space<vmem>>
        %dma_start3A_389 = tpu.memref_squeeze %dma_start3A_388 : memref<1x80x128xf32, #tpu.memory_space<vmem>> -> memref<80x128xf32, #tpu.memory_space<vmem>>
        %dma_start3A_390 = arith.constant 0 : i32
        %dma_start3A_391 = tpu.memref_slice %arg7[%dma_start3A_384, %dma_start3A_390] : memref<4x80xi32, #tpu.memory_space<vmem>> -> memref<1x80xi32, #tpu.memory_space<vmem>>
        %dma_start3A_392 = tpu.memref_squeeze %dma_start3A_391 : memref<1x80xi32, #tpu.memory_space<vmem>> -> memref<80xi32, #tpu.memory_space<vmem>>
        %dma_start3A_393 = arith.constant 0 : i32
        %dma_start3A_394 = arith.constant 0 : i32
        %dma_start3A_395 = tpu.memref_slice %arg4[%dma_start3A_393, %dma_start3A_394] : memref<10112x128xf32, #tpu.memory_space<hbm>> -> memref<10112x128xf32, #tpu.memory_space<hbm>>
        tpu.enqueue_indirect_dma source(%dma_start3A_395 : memref<10112x128xf32, #tpu.memory_space<hbm>>) target(%dma_start3A_389 : memref<80x128xf32, #tpu.memory_space<vmem>>) offsets(%dma_start3A_392 : memref<80xi32, #tpu.memory_space<vmem>>) semaphore(%arg11 : memref<!tpu.dma_semaphore, #tpu.memory_space<semaphore_mem>>)
      } else {
      }
      %dma_wait3A_311 = arith.constant 2 : i32
      %dma_wait3A_312 = arith.constant 2 : i32
      %dma_wait3A_313 = arith.constant 0 : i32
      %dma_wait3A_314 = arith.constant 0 : i32
      %dma_wait3A_315 = tpu.memref_slice %arg9[%dma_wait3A_312, %dma_wait3A_313, %dma_wait3A_314] : memref<4x80x128xf32, #tpu.memory_space<vmem>> -> memref<1x80x128xf32, #tpu.memory_space<vmem>>
      %dma_wait3A_316 = tpu.memref_squeeze %dma_wait3A_315 : memref<1x80x128xf32, #tpu.memory_space<vmem>> -> memref<80x128xf32, #tpu.memory_space<vmem>>
      %dma_wait3A_317 = arith.constant 0 : i32
      %dma_wait3A_318 = tpu.memref_slice %arg7[%dma_wait3A_311, %dma_wait3A_317] : memref<4x80xi32, #tpu.memory_space<vmem>> -> memref<1x80xi32, #tpu.memory_space<vmem>>
      %dma_wait3A_319 = tpu.memref_squeeze %dma_wait3A_318 : memref<1x80xi32, #tpu.memory_space<vmem>> -> memref<80xi32, #tpu.memory_space<vmem>>
      %dma_wait3A_320 = arith.constant 0 : i32
      %dma_wait3A_321 = arith.constant 0 : i32
      %dma_wait3A_322 = tpu.memref_slice %arg4[%dma_wait3A_320, %dma_wait3A_321] : memref<10112x128xf32, #tpu.memory_space<hbm>> -> memref<10112x128xf32, #tpu.memory_space<hbm>>
      tpu.wait_indirect_dma semaphore(%arg11 : memref<!tpu.dma_semaphore, #tpu.memory_space<semaphore_mem>>) src(%dma_wait3A_322 : memref<10112x128xf32, #tpu.memory_space<hbm>>) dst(%dma_wait3A_316 : memref<80x128xf32, #tpu.memory_space<vmem>>)
      %run_scoped3A_323 = arith.constant 2 : i32
      %run_scoped3A_324 = arith.constant 2 : i32
      "tpu.region"() ({
        %run_scoped3A_352 = tpu.sem_alloc : memref<!tpu.dma_semaphore, #tpu.memory_space<semaphore_mem>>
        %dma_start3A_353 = arith.constant 0 : i32
        %dma_start3A_354 = arith.constant 0 : i32
        %dma_start3A_355 = tpu.memref_slice %arg9[%run_scoped3A_323, %dma_start3A_353, %dma_start3A_354] : memref<4x80x128xf32, #tpu.memory_space<vmem>> -> memref<1x80x128xf32, #tpu.memory_space<vmem>>
        %dma_start3A_356 = tpu.memref_squeeze %dma_start3A_355 : memref<1x80x128xf32, #tpu.memory_space<vmem>> -> memref<80x128xf32, #tpu.memory_space<vmem>>
        %dma_start3A_357 = arith.constant 0 : i32
        %dma_start3A_358 = tpu.memref_slice %arg8[%run_scoped3A_324, %dma_start3A_357] : memref<4x80xi32, #tpu.memory_space<vmem>> -> memref<1x80xi32, #tpu.memory_space<vmem>>
        %dma_start3A_359 = tpu.memref_squeeze %dma_start3A_358 : memref<1x80xi32, #tpu.memory_space<vmem>> -> memref<80xi32, #tpu.memory_space<vmem>>
        %dma_start3A_360 = arith.constant 0 : i32
        %dma_start3A_361 = arith.constant 0 : i32
        %dma_start3A_362 = tpu.memref_slice %arg10[%dma_start3A_360, %dma_start3A_361] : memref<10112x128xf32, #tpu.memory_space<vmem_shared>> -> memref<10112x128xf32, #tpu.memory_space<vmem_shared>>
        tpu.enqueue_indirect_dma source(%dma_start3A_356 : memref<80x128xf32, #tpu.memory_space<vmem>>) target(%dma_start3A_362 : memref<10112x128xf32, #tpu.memory_space<vmem_shared>>) offsets(%dma_start3A_359 : memref<80xi32, #tpu.memory_space<vmem>>) semaphore(%run_scoped3A_352 : memref<!tpu.dma_semaphore, #tpu.memory_space<semaphore_mem>>) {add = true}
        %dma_wait3A_363 = arith.constant 0 : i32
        %dma_wait3A_364 = arith.constant 0 : i32
        %dma_wait3A_365 = tpu.memref_slice %arg9[%run_scoped3A_323, %dma_wait3A_363, %dma_wait3A_364] : memref<4x80x128xf32, #tpu.memory_space<vmem>> -> memref<1x80x128xf32, #tpu.memory_space<vmem>>
        %dma_wait3A_366 = tpu.memref_squeeze %dma_wait3A_365 : memref<1x80x128xf32, #tpu.memory_space<vmem>> -> memref<80x128xf32, #tpu.memory_space<vmem>>
        %dma_wait3A_367 = arith.constant 0 : i32
        %dma_wait3A_368 = tpu.memref_slice %arg8[%run_scoped3A_324, %dma_wait3A_367] : memref<4x80xi32, #tpu.memory_space<vmem>> -> memref<1x80xi32, #tpu.memory_space<vmem>>
        %dma_wait3A_369 = tpu.memref_squeeze %dma_wait3A_368 : memref<1x80xi32, #tpu.memory_space<vmem>> -> memref<80xi32, #tpu.memory_space<vmem>>
        %dma_wait3A_370 = arith.constant 0 : i32
        %dma_wait3A_371 = arith.constant 0 : i32
        %dma_wait3A_372 = tpu.memref_slice %arg10[%dma_wait3A_370, %dma_wait3A_371] : memref<10112x128xf32, #tpu.memory_space<vmem_shared>> -> memref<10112x128xf32, #tpu.memory_space<vmem_shared>>
        tpu.wait_indirect_dma semaphore(%run_scoped3A_352 : memref<!tpu.dma_semaphore, #tpu.memory_space<semaphore_mem>>) src(%dma_wait3A_366 : memref<80x128xf32, #tpu.memory_space<vmem>>) dst(%dma_wait3A_372 : memref<10112x128xf32, #tpu.memory_space<vmem_shared>>)
        tpu.yield
      }) : () -> ()
      %mul3A_325 = arith.constant 4 : i32
      %mul3A_326 = arith.muli %scan3A_248, %mul3A_325 : i32
      %add3A_327 = arith.constant 3 : i32
      %add3A_328 = arith.addi %mul3A_326, %add3A_327 : i32
      %add3A_329 = arith.constant 4 : i32
      %add3A_330 = arith.addi %add3A_328, %add3A_329 : i32
      %sub3A_331 = arith.constant 1 : i32
      %sub3A_332 = arith.subi %add3A_330, %sub3A_331 : i32
      %lt3A_333 = arith.constant 128 : i32
      %lt3A_334 = arith.cmpi slt, %sub3A_332, %lt3A_333 : i32
      %convert_element_type3A_335 = arith.extui %lt3A_334 : i1 to i32
      %cond3A_336 = arith.constant 0 : i32
      %cond3A_337 = arith.cmpi ne, %convert_element_type3A_335, %cond3A_336 : i32
      scf.if %cond3A_337 {
        %ge3A = arith.constant 1 : i32
        %ge3A_352 = arith.cmpi sge, %add3A_328, %ge3A : i32
        %convert_element_type3A_353 = arith.extui %ge3A_352 : i1 to i32
        %cond3A_354 = arith.constant 0 : i32
        %cond3A_355 = arith.cmpi ne, %convert_element_type3A_353, %cond3A_354 : i32
        scf.if %cond3A_355 {
          %add3A_396 = arith.constant 4 : i32
          %add3A_397 = arith.addi %add3A_328, %add3A_396 : i32
          %sub3A_398 = arith.constant 1 : i32
          %sub3A_399 = arith.subi %add3A_397, %sub3A_398 : i32
          %dma_start3A_400 = arith.constant 2 : i32
          %dma_start3A_401 = arith.constant 0 : i32
          %dma_start3A_402 = tpu.memref_slice %arg7[%dma_start3A_400, %dma_start3A_401] : memref<4x80xi32, #tpu.memory_space<vmem>> -> memref<1x80xi32, #tpu.memory_space<vmem>>
          %dma_start3A_403 = tpu.memref_squeeze %dma_start3A_402 : memref<1x80xi32, #tpu.memory_space<vmem>> -> memref<80xi32, #tpu.memory_space<vmem>>
          %dma_start3A_404 = arith.constant 0 : i32
          %dma_start3A_405 = tpu.memref_slice %arg2[%add3A, %sub3A_399, %dma_start3A_404] : memref<32x128x80xi32, #tpu.memory_space<hbm>> -> memref<1x1x80xi32, #tpu.memory_space<hbm>>
          %dma_start3A_406 = tpu.memref_squeeze %dma_start3A_405 : memref<1x1x80xi32, #tpu.memory_space<hbm>> -> memref<80xi32, #tpu.memory_space<hbm>>
          %dma_start3A_407 = arith.constant 0 : i32
          %dma_start3A_408 = tpu.memref_slice %arg7[%dma_start3A_400, %dma_start3A_407] : memref<4x80xi32, #tpu.memory_space<vmem>> -> memref<1x80xi32, #tpu.memory_space<vmem>>
          %dma_start3A_409 = tpu.memref_squeeze %dma_start3A_408 : memref<1x80xi32, #tpu.memory_space<vmem>> -> memref<80xi32, #tpu.memory_space<vmem>>
          %dma_start3A_410 = arith.constant 0 : i32
          %dma_start3A_411 = tpu.memref_slice %arg2[%add3A, %sub3A_399, %dma_start3A_410] : memref<32x128x80xi32, #tpu.memory_space<hbm>> -> memref<1x1x80xi32, #tpu.memory_space<hbm>>
          %dma_start3A_412 = tpu.memref_squeeze %dma_start3A_411 : memref<1x1x80xi32, #tpu.memory_space<hbm>> -> memref<80xi32, #tpu.memory_space<hbm>>
          tpu.enqueue_dma source(%dma_start3A_412 : memref<80xi32, #tpu.memory_space<hbm>>) target(%dma_start3A_409 : memref<80xi32, #tpu.memory_space<vmem>>) target_semaphore(%arg12 : memref<!tpu.dma_semaphore, #tpu.memory_space<semaphore_mem>>)
          %dma_start3A_413 = arith.constant 2 : i32
          %dma_start3A_414 = arith.constant 0 : i32
          %dma_start3A_415 = tpu.memref_slice %arg8[%dma_start3A_413, %dma_start3A_414] : memref<4x80xi32, #tpu.memory_space<vmem>> -> memref<1x80xi32, #tpu.memory_space<vmem>>
          %dma_start3A_416 = tpu.memref_squeeze %dma_start3A_415 : memref<1x80xi32, #tpu.memory_space<vmem>> -> memref<80xi32, #tpu.memory_space<vmem>>
          %dma_start3A_417 = arith.constant 0 : i32
          %dma_start3A_418 = tpu.memref_slice %arg3[%add3A, %sub3A_399, %dma_start3A_417] : memref<32x128x80xi32, #tpu.memory_space<hbm>> -> memref<1x1x80xi32, #tpu.memory_space<hbm>>
          %dma_start3A_419 = tpu.memref_squeeze %dma_start3A_418 : memref<1x1x80xi32, #tpu.memory_space<hbm>> -> memref<80xi32, #tpu.memory_space<hbm>>
          %dma_start3A_420 = arith.constant 0 : i32
          %dma_start3A_421 = tpu.memref_slice %arg8[%dma_start3A_413, %dma_start3A_420] : memref<4x80xi32, #tpu.memory_space<vmem>> -> memref<1x80xi32, #tpu.memory_space<vmem>>
          %dma_start3A_422 = tpu.memref_squeeze %dma_start3A_421 : memref<1x80xi32, #tpu.memory_space<vmem>> -> memref<80xi32, #tpu.memory_space<vmem>>
          %dma_start3A_423 = arith.constant 0 : i32
          %dma_start3A_424 = tpu.memref_slice %arg3[%add3A, %sub3A_399, %dma_start3A_423] : memref<32x128x80xi32, #tpu.memory_space<hbm>> -> memref<1x1x80xi32, #tpu.memory_space<hbm>>
          %dma_start3A_425 = tpu.memref_squeeze %dma_start3A_424 : memref<1x1x80xi32, #tpu.memory_space<hbm>> -> memref<80xi32, #tpu.memory_space<hbm>>
          tpu.enqueue_dma source(%dma_start3A_425 : memref<80xi32, #tpu.memory_space<hbm>>) target(%dma_start3A_422 : memref<80xi32, #tpu.memory_space<vmem>>) target_semaphore(%arg12 : memref<!tpu.dma_semaphore, #tpu.memory_space<semaphore_mem>>)
        } else {
        }
        %dma_wait3A_356 = arith.constant 0 : i32
        %dma_wait3A_357 = arith.constant 2 : i32
        %dma_wait3A_358 = arith.constant 0 : i32
        %dma_wait3A_359 = tpu.memref_slice %arg7[%dma_wait3A_357, %dma_wait3A_358] : memref<4x80xi32, #tpu.memory_space<vmem>> -> memref<1x80xi32, #tpu.memory_space<vmem>>
        %dma_wait3A_360 = tpu.memref_squeeze %dma_wait3A_359 : memref<1x80xi32, #tpu.memory_space<vmem>> -> memref<80xi32, #tpu.memory_space<vmem>>
        %dma_wait3A_361 = arith.constant 0 : i32
        %dma_wait3A_362 = tpu.memref_slice %arg2[%add3A, %dma_wait3A_356, %dma_wait3A_361] : memref<32x128x80xi32, #tpu.memory_space<hbm>> -> memref<1x1x80xi32, #tpu.memory_space<hbm>>
        %dma_wait3A_363 = tpu.memref_squeeze %dma_wait3A_362 : memref<1x1x80xi32, #tpu.memory_space<hbm>> -> memref<80xi32, #tpu.memory_space<hbm>>
        %dma_wait3A_364 = arith.constant 0 : i32
        %dma_wait3A_365 = tpu.memref_slice %arg7[%dma_wait3A_357, %dma_wait3A_364] : memref<4x80xi32, #tpu.memory_space<vmem>> -> memref<1x80xi32, #tpu.memory_space<vmem>>
        %dma_wait3A_366 = tpu.memref_squeeze %dma_wait3A_365 : memref<1x80xi32, #tpu.memory_space<vmem>> -> memref<80xi32, #tpu.memory_space<vmem>>
        %dma_wait3A_367 = arith.constant 0 : i32
        %dma_wait3A_368 = tpu.memref_slice %arg2[%add3A, %dma_wait3A_356, %dma_wait3A_367] : memref<32x128x80xi32, #tpu.memory_space<hbm>> -> memref<1x1x80xi32, #tpu.memory_space<hbm>>
        %dma_wait3A_369 = tpu.memref_squeeze %dma_wait3A_368 : memref<1x1x80xi32, #tpu.memory_space<hbm>> -> memref<80xi32, #tpu.memory_space<hbm>>
        tpu.wait_dma2 semaphore(%arg12 : memref<!tpu.dma_semaphore, #tpu.memory_space<semaphore_mem>>) src(%dma_wait3A_369 : memref<80xi32, #tpu.memory_space<hbm>>) dst(%dma_wait3A_366 : memref<80xi32, #tpu.memory_space<vmem>>)
        %dma_wait3A_370 = arith.constant 0 : i32
        %dma_wait3A_371 = arith.constant 2 : i32
        %dma_wait3A_372 = arith.constant 0 : i32
        %dma_wait3A_373 = tpu.memref_slice %arg8[%dma_wait3A_371, %dma_wait3A_372] : memref<4x80xi32, #tpu.memory_space<vmem>> -> memref<1x80xi32, #tpu.memory_space<vmem>>
        %dma_wait3A_374 = tpu.memref_squeeze %dma_wait3A_373 : memref<1x80xi32, #tpu.memory_space<vmem>> -> memref<80xi32, #tpu.memory_space<vmem>>
        %dma_wait3A_375 = arith.constant 0 : i32
        %dma_wait3A_376 = tpu.memref_slice %arg3[%add3A, %dma_wait3A_370, %dma_wait3A_375] : memref<32x128x80xi32, #tpu.memory_space<hbm>> -> memref<1x1x80xi32, #tpu.memory_space<hbm>>
        %dma_wait3A_377 = tpu.memref_squeeze %dma_wait3A_376 : memref<1x1x80xi32, #tpu.memory_space<hbm>> -> memref<80xi32, #tpu.memory_space<hbm>>
        %dma_wait3A_378 = arith.constant 0 : i32
        %dma_wait3A_379 = tpu.memref_slice %arg8[%dma_wait3A_371, %dma_wait3A_378] : memref<4x80xi32, #tpu.memory_space<vmem>> -> memref<1x80xi32, #tpu.memory_space<vmem>>
        %dma_wait3A_380 = tpu.memref_squeeze %dma_wait3A_379 : memref<1x80xi32, #tpu.memory_space<vmem>> -> memref<80xi32, #tpu.memory_space<vmem>>
        %dma_wait3A_381 = arith.constant 0 : i32
        %dma_wait3A_382 = tpu.memref_slice %arg3[%add3A, %dma_wait3A_370, %dma_wait3A_381] : memref<32x128x80xi32, #tpu.memory_space<hbm>> -> memref<1x1x80xi32, #tpu.memory_space<hbm>>
        %dma_wait3A_383 = tpu.memref_squeeze %dma_wait3A_382 : memref<1x1x80xi32, #tpu.memory_space<hbm>> -> memref<80xi32, #tpu.memory_space<hbm>>
        tpu.wait_dma2 semaphore(%arg12 : memref<!tpu.dma_semaphore, #tpu.memory_space<semaphore_mem>>) src(%dma_wait3A_383 : memref<80xi32, #tpu.memory_space<hbm>>) dst(%dma_wait3A_380 : memref<80xi32, #tpu.memory_space<vmem>>)
        %dma_start3A_384 = arith.constant 2 : i32
        %dma_start3A_385 = arith.constant 2 : i32
        %dma_start3A_386 = arith.constant 0 : i32
        %dma_start3A_387 = arith.constant 0 : i32
        %dma_start3A_388 = tpu.memref_slice %arg9[%dma_start3A_385, %dma_start3A_386, %dma_start3A_387] : memref<4x80x128xf32, #tpu.memory_space<vmem>> -> memref<1x80x128xf32, #tpu.memory_space<vmem>>
        %dma_start3A_389 = tpu.memref_squeeze %dma_start3A_388 : memref<1x80x128xf32, #tpu.memory_space<vmem>> -> memref<80x128xf32, #tpu.memory_space<vmem>>
        %dma_start3A_390 = arith.constant 0 : i32
        %dma_start3A_391 = tpu.memref_slice %arg7[%dma_start3A_384, %dma_start3A_390] : memref<4x80xi32, #tpu.memory_space<vmem>> -> memref<1x80xi32, #tpu.memory_space<vmem>>
        %dma_start3A_392 = tpu.memref_squeeze %dma_start3A_391 : memref<1x80xi32, #tpu.memory_space<vmem>> -> memref<80xi32, #tpu.memory_space<vmem>>
        %dma_start3A_393 = arith.constant 0 : i32
        %dma_start3A_394 = arith.constant 0 : i32
        %dma_start3A_395 = tpu.memref_slice %arg4[%dma_start3A_393, %dma_start3A_394] : memref<10112x128xf32, #tpu.memory_space<hbm>> -> memref<10112x128xf32, #tpu.memory_space<hbm>>
        tpu.enqueue_indirect_dma source(%dma_start3A_395 : memref<10112x128xf32, #tpu.memory_space<hbm>>) target(%dma_start3A_389 : memref<80x128xf32, #tpu.memory_space<vmem>>) offsets(%dma_start3A_392 : memref<80xi32, #tpu.memory_space<vmem>>) semaphore(%arg11 : memref<!tpu.dma_semaphore, #tpu.memory_space<semaphore_mem>>)
      } else {
      }
      %dma_wait3A_338 = arith.constant 3 : i32
      %dma_wait3A_339 = arith.constant 3 : i32
      %dma_wait3A_340 = arith.constant 0 : i32
      %dma_wait3A_341 = arith.constant 0 : i32
      %dma_wait3A_342 = tpu.memref_slice %arg9[%dma_wait3A_339, %dma_wait3A_340, %dma_wait3A_341] : memref<4x80x128xf32, #tpu.memory_space<vmem>> -> memref<1x80x128xf32, #tpu.memory_space<vmem>>
      %dma_wait3A_343 = tpu.memref_squeeze %dma_wait3A_342 : memref<1x80x128xf32, #tpu.memory_space<vmem>> -> memref<80x128xf32, #tpu.memory_space<vmem>>
      %dma_wait3A_344 = arith.constant 0 : i32
      %dma_wait3A_345 = tpu.memref_slice %arg7[%dma_wait3A_338, %dma_wait3A_344] : memref<4x80xi32, #tpu.memory_space<vmem>> -> memref<1x80xi32, #tpu.memory_space<vmem>>
      %dma_wait3A_346 = tpu.memref_squeeze %dma_wait3A_345 : memref<1x80xi32, #tpu.memory_space<vmem>> -> memref<80xi32, #tpu.memory_space<vmem>>
      %dma_wait3A_347 = arith.constant 0 : i32
      %dma_wait3A_348 = arith.constant 0 : i32
      %dma_wait3A_349 = tpu.memref_slice %arg4[%dma_wait3A_347, %dma_wait3A_348] : memref<10112x128xf32, #tpu.memory_space<hbm>> -> memref<10112x128xf32, #tpu.memory_space<hbm>>
      tpu.wait_indirect_dma semaphore(%arg11 : memref<!tpu.dma_semaphore, #tpu.memory_space<semaphore_mem>>) src(%dma_wait3A_349 : memref<10112x128xf32, #tpu.memory_space<hbm>>) dst(%dma_wait3A_343 : memref<80x128xf32, #tpu.memory_space<vmem>>)
      %run_scoped3A_350 = arith.constant 3 : i32
      %run_scoped3A_351 = arith.constant 3 : i32
      "tpu.region"() ({
        %run_scoped3A_352 = tpu.sem_alloc : memref<!tpu.dma_semaphore, #tpu.memory_space<semaphore_mem>>
        %dma_start3A_353 = arith.constant 0 : i32
        %dma_start3A_354 = arith.constant 0 : i32
        %dma_start3A_355 = tpu.memref_slice %arg9[%run_scoped3A_350, %dma_start3A_353, %dma_start3A_354] : memref<4x80x128xf32, #tpu.memory_space<vmem>> -> memref<1x80x128xf32, #tpu.memory_space<vmem>>
        %dma_start3A_356 = tpu.memref_squeeze %dma_start3A_355 : memref<1x80x128xf32, #tpu.memory_space<vmem>> -> memref<80x128xf32, #tpu.memory_space<vmem>>
        %dma_start3A_357 = arith.constant 0 : i32
        %dma_start3A_358 = tpu.memref_slice %arg8[%run_scoped3A_351, %dma_start3A_357] : memref<4x80xi32, #tpu.memory_space<vmem>> -> memref<1x80xi32, #tpu.memory_space<vmem>>
        %dma_start3A_359 = tpu.memref_squeeze %dma_start3A_358 : memref<1x80xi32, #tpu.memory_space<vmem>> -> memref<80xi32, #tpu.memory_space<vmem>>
        %dma_start3A_360 = arith.constant 0 : i32
        %dma_start3A_361 = arith.constant 0 : i32
        %dma_start3A_362 = tpu.memref_slice %arg10[%dma_start3A_360, %dma_start3A_361] : memref<10112x128xf32, #tpu.memory_space<vmem_shared>> -> memref<10112x128xf32, #tpu.memory_space<vmem_shared>>
        tpu.enqueue_indirect_dma source(%dma_start3A_356 : memref<80x128xf32, #tpu.memory_space<vmem>>) target(%dma_start3A_362 : memref<10112x128xf32, #tpu.memory_space<vmem_shared>>) offsets(%dma_start3A_359 : memref<80xi32, #tpu.memory_space<vmem>>) semaphore(%run_scoped3A_352 : memref<!tpu.dma_semaphore, #tpu.memory_space<semaphore_mem>>) {add = true}
        %dma_wait3A_363 = arith.constant 0 : i32
        %dma_wait3A_364 = arith.constant 0 : i32
        %dma_wait3A_365 = tpu.memref_slice %arg9[%run_scoped3A_350, %dma_wait3A_363, %dma_wait3A_364] : memref<4x80x128xf32, #tpu.memory_space<vmem>> -> memref<1x80x128xf32, #tpu.memory_space<vmem>>
        %dma_wait3A_366 = tpu.memref_squeeze %dma_wait3A_365 : memref<1x80x128xf32, #tpu.memory_space<vmem>> -> memref<80x128xf32, #tpu.memory_space<vmem>>
        %dma_wait3A_367 = arith.constant 0 : i32
        %dma_wait3A_368 = tpu.memref_slice %arg8[%run_scoped3A_351, %dma_wait3A_367] : memref<4x80xi32, #tpu.memory_space<vmem>> -> memref<1x80xi32, #tpu.memory_space<vmem>>
        %dma_wait3A_369 = tpu.memref_squeeze %dma_wait3A_368 : memref<1x80xi32, #tpu.memory_space<vmem>> -> memref<80xi32, #tpu.memory_space<vmem>>
        %dma_wait3A_370 = arith.constant 0 : i32
        %dma_wait3A_371 = arith.constant 0 : i32
        %dma_wait3A_372 = tpu.memref_slice %arg10[%dma_wait3A_370, %dma_wait3A_371] : memref<10112x128xf32, #tpu.memory_space<vmem_shared>> -> memref<10112x128xf32, #tpu.memory_space<vmem_shared>>
        tpu.wait_indirect_dma semaphore(%run_scoped3A_352 : memref<!tpu.dma_semaphore, #tpu.memory_space<semaphore_mem>>) src(%dma_wait3A_366 : memref<80x128xf32, #tpu.memory_space<vmem>>) dst(%dma_wait3A_372 : memref<10112x128xf32, #tpu.memory_space<vmem_shared>>)
        tpu.yield
      }) : () -> ()
    }
    %scan3A_239 = arith.constant 32 : i32
    %barrier3A_240 = arith.constant 0 : index
    tpu.barrier barrier_id(%barrier3A_240)
    %mul3A_241 = arith.constant 632 : i32
    %mul3A_242 = arith.muli %arg1, %mul3A_241 : i32
    %mul3A_243 = arith.constant 10112 : i32
    %mul3A_244 = arith.muli %arg0, %mul3A_243 : i32
    %mul3A_245 = arith.constant 632 : i32
    %mul3A_246 = arith.muli %arg1, %mul3A_245 : i32
    %add3A_247 = arith.addi %mul3A_244, %mul3A_246 : i32
    "tpu.region"() ({
      %run_scoped3A = tpu.sem_alloc : memref<!tpu.dma_semaphore, #tpu.memory_space<semaphore_mem>>
      %dma_start3A_248 = arith.constant 0 : i32
      %dma_start3A_249 = tpu.memref_slice %arg6[%add3A_247, %dma_start3A_248] : memref<20224x128xf32, #tpu.memory_space<hbm>> -> memref<632x128xf32, #tpu.memory_space<hbm>>
      %dma_start3A_250 = arith.constant 0 : i32
      %dma_start3A_251 = tpu.memref_slice %arg10[%mul3A_242, %dma_start3A_250] : memref<10112x128xf32, #tpu.memory_space<vmem_shared>> -> memref<632x128xf32, #tpu.memory_space<vmem_shared>>
      tpu.enqueue_dma source(%dma_start3A_251 : memref<632x128xf32, #tpu.memory_space<vmem_shared>>) target(%dma_start3A_249 : memref<632x128xf32, #tpu.memory_space<hbm>>) target_semaphore(%run_scoped3A : memref<!tpu.dma_semaphore, #tpu.memory_space<semaphore_mem>>)
      %dma_wait3A_252 = arith.constant 0 : i32
      %dma_wait3A_253 = tpu.memref_slice %arg6[%add3A_247, %dma_wait3A_252] : memref<20224x128xf32, #tpu.memory_space<hbm>> -> memref<632x128xf32, #tpu.memory_space<hbm>>
      %dma_wait3A_254 = arith.constant 0 : i32
      %dma_wait3A_255 = tpu.memref_slice %arg10[%mul3A_242, %dma_wait3A_254] : memref<10112x128xf32, #tpu.memory_space<vmem_shared>> -> memref<632x128xf32, #tpu.memory_space<vmem_shared>>
      tpu.wait_dma2 semaphore(%run_scoped3A : memref<!tpu.dma_semaphore, #tpu.memory_space<semaphore_mem>>) src(%dma_wait3A_255 : memref<632x128xf32, #tpu.memory_space<vmem_shared>>) dst(%dma_wait3A_253 : memref<632x128xf32, #tpu.memory_space<hbm>>)
      tpu.yield
    }) : () -> ()
    return
  }
}

module attributes {stable_mosaic.version = 14 : i64} {
  func.func @_tc_b_body(%arg0: i32, %arg1: memref<128x128xf32, #tpu.memory_space<vmem>>, %arg2: memref<128x128xf32, #tpu.memory_space<vmem>>, %arg3: memref<2x128xf32, #tpu.memory_space<vmem>>, %arg4: memref<128xf32, #tpu.memory_space<vmem>>, %arg5: memref<128x128xf32, #tpu.memory_space<vmem>>) attributes {dimension_semantics = [#tpu.dimension_semantics<arbitrary>], iteration_bounds = array<i64: 79>, scalar_prefetch = 0 : i64, scratch_operands = 0 : i64, tpu.core_type = #tpu.core_type<tc>, window_params = [{transform_indices = @transform_0, window_bounds = array<i64: 128, 128>}, {pipeline_mode = #tpu.pipeline_mode<synchronous>, transform_indices = @transform_1, window_bounds = array<i64: 128, 128>}, {transform_indices = @transform_2, window_bounds = array<i64: 2, 128>}, {transform_indices = @transform_3, window_bounds = array<i64: 128>}, {transform_indices = @transform_4, window_bounds = array<i64: 128, 128>}]} {
    %get3A = arith.constant 0 : index
    %get3A_0 = arith.constant 0 : index
    %get3A_1 = vector.load %arg3[%get3A, %get3A_0] : memref<2x128xf32, #tpu.memory_space<vmem>>, vector<1x128xf32>
    %get3A_2 = vector.shape_cast %get3A_1 : vector<1x128xf32> to vector<128xf32>
    %get3A_3 = arith.constant 1 : index
    %get3A_4 = arith.constant 0 : index
    %get3A_5 = vector.load %arg3[%get3A_3, %get3A_4] : memref<2x128xf32, #tpu.memory_space<vmem>>, vector<1x128xf32>
    %get3A_6 = vector.shape_cast %get3A_5 : vector<1x128xf32> to vector<128xf32>
    %add3A = arith.addf %get3A_2, %get3A_6 : vector<128xf32>
    %add3A_7 = arith.constant 1.000000e+00 : f32
    %add3A_8 = vector.broadcast %add3A_7 : f32 to vector<128xf32>
    %add3A_9 = arith.addf %add3A, %add3A_8 : vector<128xf32>
    %rsqrt3A = math.rsqrt %add3A_9 : vector<128xf32>
    %get3A_10 = arith.constant 0 : index
    %get3A_11 = arith.constant 0 : index
    %get3A_12 = vector.load %arg1[%get3A_10, %get3A_11] : memref<128x128xf32, #tpu.memory_space<vmem>>, vector<128x128xf32>
    %get3A_13 = arith.constant 0 : index
    %get3A_14 = arith.constant 0 : index
    %get3A_15 = vector.load %arg2[%get3A_13, %get3A_14] : memref<128x128xf32, #tpu.memory_space<vmem>>, vector<128x128xf32>
    %dot_general3A = arith.constant dense<0.000000e+00> : vector<128x128xf32>
    %dot_general3A_16 = tpu.matmul %get3A_12, %get3A_15, %dot_general3A {dimension_numbers = #tpu.dot_dimension_numbers<[1], [1], [0], [0], [0, 0, 1, 0], [], []>, transpose_lhs_hint = false} : vector<128x128xf32>, vector<128x128xf32>, vector<128x128xf32> -> vector<128x128xf32>
    %swap3A = arith.constant 0 : index
    %swap3A_17 = vector.load %arg4[%swap3A] : memref<128xf32, #tpu.memory_space<vmem>>, vector<128xf32>
    tpu.vector_store %arg4[%swap3A], %rsqrt3A {strides = array<i32>} : memref<128xf32, #tpu.memory_space<vmem>>, vector<128xf32>,
    %broadcast_in_dim3A = vector.shape_cast %rsqrt3A : vector<128xf32> to vector<128x1xf32>
    %mul3A = vector.broadcast %broadcast_in_dim3A : vector<128x1xf32> to vector<128x128xf32>
    %mul3A_18 = arith.mulf %dot_general3A_16, %mul3A : vector<128x128xf32>
    %swap3A_19 = arith.constant 0 : index
    %swap3A_20 = arith.constant 0 : index
    %swap3A_21 = vector.load %arg5[%swap3A_19, %swap3A_20] : memref<128x128xf32, #tpu.memory_space<vmem>>, vector<128x128xf32>
    tpu.vector_store %arg5[%swap3A_19, %swap3A_20], %mul3A_18 {strides = array<i32>} : memref<128x128xf32, #tpu.memory_space<vmem>>, vector<128x128xf32>,
    return
  }
  func.func @transform_0(%arg0: i32) -> (i32, i32) {
    %c0_i32 = arith.constant 0 : i32
    %c0_i32_0 = arith.constant 0 : i32
    return %arg0, %c0_i32 : i32, i32
  }
  func.func @transform_1(%arg0: i32) -> (i32, i32) {
    %c0_i32 = arith.constant 0 : i32
    %c0_i32_0 = arith.constant 0 : i32
    %c0_i32_1 = arith.constant 0 : i32
    return %c0_i32, %c0_i32_0 : i32, i32
  }
  func.func @transform_2(%arg0: i32) -> (i32, i32) {
    %c0_i32 = arith.constant 0 : i32
    %c0_i32_0 = arith.constant 0 : i32
    return %c0_i32, %arg0 : i32, i32
  }
  func.func @transform_3(%arg0: i32) -> i32 {
    %c0_i32 = arith.constant 0 : i32
    return %arg0 : i32
  }
  func.func @transform_4(%arg0: i32) -> (i32, i32) {
    %c0_i32 = arith.constant 0 : i32
    %c0_i32_0 = arith.constant 0 : i32
    return %arg0, %c0_i32 : i32, i32
  }
}

module attributes {stable_mosaic.version = 14 : i64} {
  func.func @_tc_c_body(%arg0: i32, %arg1: memref<2x128x128xf32, #tpu.memory_space<vmem>>, %arg2: memref<128x128xf32, #tpu.memory_space<vmem>>, %arg3: memref<128xf32, #tpu.memory_space<vmem>>, %arg4: memref<128xf32, #tpu.memory_space<vmem>>, %arg5: memref<1x1xf32, #tpu.memory_space<vmem>>, %arg6: memref<128x128xf32, #tpu.memory_space<vmem>>, %arg7: memref<128x128xf32, #tpu.memory_space<vmem>>) attributes {dimension_semantics = [#tpu.dimension_semantics<arbitrary>], iteration_bounds = array<i64: 79>, scalar_prefetch = 0 : i64, scratch_operands = 0 : i64, tpu.core_type = #tpu.core_type<tc>, window_params = [{transform_indices = @transform_0, window_bounds = array<i64: 2, 128, 128>}, {transform_indices = @transform_1, window_bounds = array<i64: 128, 128>}, {transform_indices = @transform_2, window_bounds = array<i64: 128>}, {pipeline_mode = #tpu.pipeline_mode<synchronous>, transform_indices = @transform_3, window_bounds = array<i64: 128>}, {pipeline_mode = #tpu.pipeline_mode<synchronous>, transform_indices = @transform_4, window_bounds = array<i64: 1, 1>}, {transform_indices = @transform_5, window_bounds = array<i64: 128, 128>}, {transform_indices = @transform_6, window_bounds = array<i64: 128, 128>}]} {
    %get3A = arith.constant 0 : index
    %get3A_0 = vector.load %arg3[%get3A] : memref<128xf32, #tpu.memory_space<vmem>>, vector<128xf32>
    %get3A_1 = arith.constant 0 : index
    %get3A_2 = arith.constant 0 : index
    %get3A_3 = arith.constant 0 : index
    %get3A_4 = vector.load %arg1[%get3A_1, %get3A_2, %get3A_3] : memref<2x128x128xf32, #tpu.memory_space<vmem>>, vector<1x128x128xf32>
    %get3A_5 = vector.shape_cast %get3A_4 : vector<1x128x128xf32> to vector<128x128xf32>
    %get3A_6 = arith.constant 1 : index
    %get3A_7 = arith.constant 0 : index
    %get3A_8 = arith.constant 0 : index
    %get3A_9 = vector.load %arg1[%get3A_6, %get3A_7, %get3A_8] : memref<2x128x128xf32, #tpu.memory_space<vmem>>, vector<1x128x128xf32>
    %get3A_10 = vector.shape_cast %get3A_9 : vector<1x128x128xf32> to vector<128x128xf32>
    %add3A = arith.addf %get3A_5, %get3A_10 : vector<128x128xf32>
    %get3A_11 = arith.constant 0 : index
    %get3A_12 = arith.constant 0 : index
    %get3A_13 = vector.load %arg2[%get3A_11, %get3A_12] : memref<128x128xf32, #tpu.memory_space<vmem>>, vector<128x128xf32>
    %add3A_14 = arith.addf %add3A, %get3A_13 : vector<128x128xf32>
    %broadcast_in_dim3A = vector.shape_cast %get3A_0 : vector<128xf32> to vector<128x1xf32>
    %mul3A = vector.broadcast %broadcast_in_dim3A : vector<128x1xf32> to vector<128x128xf32>
    %mul3A_15 = arith.mulf %add3A_14, %mul3A : vector<128x128xf32>
    %get3A_16 = arith.constant 0 : index
    %get3A_17 = vector.load %arg4[%get3A_16] : memref<128xf32, #tpu.memory_space<vmem>>, vector<128xf32>
    %broadcast_in_dim3A_18 = vector.shape_cast %get3A_17 : vector<128xf32> to vector<1x128xf32>
    %add3A_19 = vector.broadcast %broadcast_in_dim3A_18 : vector<1x128xf32> to vector<128x128xf32>
    %add3A_20 = arith.addf %mul3A_15, %add3A_19 : vector<128x128xf32>
    %get3A_21 = arith.constant 0 : index
    %get3A_22 = arith.constant 0 : index
    %get3A_23 = vector.load %arg5[%get3A_21, %get3A_22] : memref<1x1xf32, #tpu.memory_space<vmem>>, vector<1x1xf32>
    %get3A_24 = vector.extract %get3A_23[0, 0] : f32 from vector<1x1xf32>
    %ge3A = arith.constant 0.000000e+00 : f32
    %ge3A_25 = vector.broadcast %ge3A : f32 to vector<128x128xf32>
    %ge3A_26 = arith.cmpf oge, %add3A_20, %ge3A_25 : vector<128x128xf32>
    %mul3A_27 = vector.broadcast %get3A_24 : f32 to vector<128x128xf32>
    %mul3A_28 = arith.mulf %mul3A_27, %add3A_20 : vector<128x128xf32>
    %select_n3A = arith.select %ge3A_26, %add3A_20, %mul3A_28 : vector<128x128xi1>, vector<128x128xf32>
    %swap3A = arith.constant 0 : index
    %swap3A_29 = arith.constant 0 : index
    %swap3A_30 = vector.load %arg6[%swap3A, %swap3A_29] : memref<128x128xf32, #tpu.memory_space<vmem>>, vector<128x128xf32>
    tpu.vector_store %arg6[%swap3A, %swap3A_29], %select_n3A {strides = array<i32>} : memref<128x128xf32, #tpu.memory_space<vmem>>, vector<128x128xf32>,
    %broadcast_in_dim3A_31 = vector.shape_cast %get3A_0 : vector<128xf32> to vector<128x1xf32>
    %mul3A_32 = vector.broadcast %broadcast_in_dim3A_31 : vector<128x1xf32> to vector<128x128xf32>
    %mul3A_33 = arith.mulf %select_n3A, %mul3A_32 : vector<128x128xf32>
    %swap3A_34 = arith.constant 0 : index
    %swap3A_35 = arith.constant 0 : index
    %swap3A_36 = vector.load %arg7[%swap3A_34, %swap3A_35] : memref<128x128xf32, #tpu.memory_space<vmem>>, vector<128x128xf32>
    tpu.vector_store %arg7[%swap3A_34, %swap3A_35], %mul3A_33 {strides = array<i32>} : memref<128x128xf32, #tpu.memory_space<vmem>>, vector<128x128xf32>,
    return
  }
  func.func @transform_0(%arg0: i32) -> (i32, i32, i32) {
    %c0_i32 = arith.constant 0 : i32
    %c0_i32_0 = arith.constant 0 : i32
    %c0_i32_1 = arith.constant 0 : i32
    return %c0_i32, %arg0, %c0_i32_0 : i32, i32, i32
  }
  func.func @transform_1(%arg0: i32) -> (i32, i32) {
    %c0_i32 = arith.constant 0 : i32
    %c0_i32_0 = arith.constant 0 : i32
    return %arg0, %c0_i32 : i32, i32
  }
  func.func @transform_2(%arg0: i32) -> i32 {
    %c0_i32 = arith.constant 0 : i32
    return %arg0 : i32
  }
  func.func @transform_3(%arg0: i32) -> i32 {
    %c0_i32 = arith.constant 0 : i32
    %c0_i32_0 = arith.constant 0 : i32
    return %c0_i32 : i32
  }
  func.func @transform_4(%arg0: i32) -> (i32, i32) {
    %c0_i32 = arith.constant 0 : i32
    %c0_i32_0 = arith.constant 0 : i32
    %c0_i32_1 = arith.constant 0 : i32
    return %c0_i32, %c0_i32_0 : i32, i32
  }
  func.func @transform_5(%arg0: i32) -> (i32, i32) {
    %c0_i32 = arith.constant 0 : i32
    %c0_i32_0 = arith.constant 0 : i32
    return %arg0, %c0_i32 : i32, i32
  }
  func.func @transform_6(%arg0: i32) -> (i32, i32) {
    %c0_i32 = arith.constant 0 : i32
    %c0_i32_0 = arith.constant 0 : i32
    return %arg0, %c0_i32 : i32, i32
  }
}

module attributes {stable_mosaic.version = 14 : i64} {
  func.func @_tc_d_body(%arg0: i32, %arg1: memref<2x128x128xf32, #tpu.memory_space<vmem>>, %arg2: memref<128x128xf32, #tpu.memory_space<vmem>>, %arg3: memref<128xf32, #tpu.memory_space<vmem>>, %arg4: memref<512x128xf32, #tpu.memory_space<vmem>>, %arg5: memref<512xf32, #tpu.memory_space<vmem>>, %arg6: memref<512xf32, #tpu.memory_space<vmem>>, %arg7: memref<128x256xf32, #tpu.memory_space<vmem>>, %arg8: memref<256x4xf32, #tpu.memory_space<vmem>>, %arg9: memref<1x4xf32, #tpu.memory_space<vmem>>, %arg10: memref<128x256xf32, #tpu.memory_space<vmem>>, %arg11: memref<128x256xf32, #tpu.memory_space<vmem>>, %arg12: memref<128x256xf32, #tpu.memory_space<vmem>>, %arg13: memref<128x4xf32, #tpu.memory_space<vmem>>) attributes {dimension_semantics = [#tpu.dimension_semantics<arbitrary>], iteration_bounds = array<i64: 79>, scalar_prefetch = 0 : i64, scratch_operands = 0 : i64, tpu.core_type = #tpu.core_type<tc>, window_params = [{transform_indices = @transform_0, window_bounds = array<i64: 2, 128, 128>}, {transform_indices = @transform_1, window_bounds = array<i64: 128, 128>}, {transform_indices = @transform_2, window_bounds = array<i64: 128>}, {pipeline_mode = #tpu.pipeline_mode<synchronous>, transform_indices = @transform_3, window_bounds = array<i64: 512, 128>}, {pipeline_mode = #tpu.pipeline_mode<synchronous>, transform_indices = @transform_4, window_bounds = array<i64: 512>}, {pipeline_mode = #tpu.pipeline_mode<synchronous>, transform_indices = @transform_5, window_bounds = array<i64: 512>}, {transform_indices = @transform_6, window_bounds = array<i64: 128, 256>}, {pipeline_mode = #tpu.pipeline_mode<synchronous>, transform_indices = @transform_7, window_bounds = array<i64: 256, 4>}, {pipeline_mode = #tpu.pipeline_mode<synchronous>, transform_indices = @transform_8, window_bounds = array<i64: 1, 4>}, {transform_indices = @transform_9, window_bounds = array<i64: 128, 256>}, {transform_indices = @transform_10, window_bounds = array<i64: 128, 256>}, {transform_indices = @transform_11, window_bounds = array<i64: 128, 256>}, {transform_indices = @transform_12, window_bounds = array<i64: 128, 4>}]} {
    %get3A = arith.constant 0 : index
    %get3A_0 = vector.load %arg3[%get3A] : memref<128xf32, #tpu.memory_space<vmem>>, vector<128xf32>
    %get3A_1 = arith.constant 0 : index
    %get3A_2 = arith.constant 0 : index
    %get3A_3 = arith.constant 0 : index
    %get3A_4 = vector.load %arg1[%get3A_1, %get3A_2, %get3A_3] : memref<2x128x128xf32, #tpu.memory_space<vmem>>, vector<1x128x128xf32>
    %get3A_5 = vector.shape_cast %get3A_4 : vector<1x128x128xf32> to vector<128x128xf32>
    %get3A_6 = arith.constant 1 : index
    %get3A_7 = arith.constant 0 : index
    %get3A_8 = arith.constant 0 : index
    %get3A_9 = vector.load %arg1[%get3A_6, %get3A_7, %get3A_8] : memref<2x128x128xf32, #tpu.memory_space<vmem>>, vector<1x128x128xf32>
    %get3A_10 = vector.shape_cast %get3A_9 : vector<1x128x128xf32> to vector<128x128xf32>
    %add3A = arith.addf %get3A_5, %get3A_10 : vector<128x128xf32>
    %get3A_11 = arith.constant 0 : index
    %get3A_12 = arith.constant 0 : index
    %get3A_13 = vector.load %arg2[%get3A_11, %get3A_12] : memref<128x128xf32, #tpu.memory_space<vmem>>, vector<128x128xf32>
    %add3A_14 = arith.addf %add3A, %get3A_13 : vector<128x128xf32>
    %broadcast_in_dim3A = vector.shape_cast %get3A_0 : vector<128xf32> to vector<128x1xf32>
    %mul3A = vector.broadcast %broadcast_in_dim3A : vector<128x1xf32> to vector<128x128xf32>
    %mul3A_15 = arith.mulf %add3A_14, %mul3A : vector<128x128xf32>
    %get3A_16 = arith.constant 0 : index
    %get3A_17 = arith.constant 0 : index
    %get3A_18 = vector.load %arg4[%get3A_16, %get3A_17] : memref<512x128xf32, #tpu.memory_space<vmem>>, vector<512x128xf32>
    %dot_general3A = arith.constant dense<0.000000e+00> : vector<128x512xf32>
    %dot_general3A_19 = tpu.matmul %mul3A_15, %get3A_18, %dot_general3A {dimension_numbers = #tpu.dot_dimension_numbers<[1], [1], [0], [0], [0, 0, 1, 0], [], []>, transpose_lhs_hint = false} : vector<128x128xf32>, vector<512x128xf32>, vector<128x512xf32> -> vector<128x512xf32>
    %get3A_20 = arith.constant 0 : index
    %get3A_21 = vector.load %arg5[%get3A_20] : memref<512xf32, #tpu.memory_space<vmem>>, vector<512xf32>
    %broadcast_in_dim3A_22 = vector.shape_cast %get3A_21 : vector<512xf32> to vector<1x512xf32>
    %add3A_23 = vector.broadcast %broadcast_in_dim3A_22 : vector<1x512xf32> to vector<128x512xf32>
    %add3A_24 = arith.addf %dot_general3A_19, %add3A_23 : vector<128x512xf32>
    %ge3A = arith.constant 0.000000e+00 : f32
    %ge3A_25 = vector.broadcast %ge3A : f32 to vector<128x512xf32>
    %ge3A_26 = arith.cmpf oge, %add3A_24, %ge3A_25 : vector<128x512xf32>
    %get3A_27 = arith.constant 0 : index
    %get3A_28 = vector.load %arg6[%get3A_27] : memref<512xf32, #tpu.memory_space<vmem>>, vector<512xf32>
    %broadcast_in_dim3A_29 = vector.shape_cast %get3A_28 : vector<512xf32> to vector<1x512xf32>
    %mul3A_30 = vector.broadcast %broadcast_in_dim3A_29 : vector<1x512xf32> to vector<128x512xf32>
    %mul3A_31 = arith.mulf %mul3A_30, %add3A_24 : vector<128x512xf32>
    %select_n3A = arith.select %ge3A_26, %add3A_24, %mul3A_31 : vector<128x512xi1>, vector<128x512xf32>
    %slice3A = vector.extract_strided_slice %select_n3A {offsets = [0, 0], sizes = [128, 256], strides = [1, 1]} : vector<128x512xf32> to vector<128x256xf32>
    %slice3A_32 = vector.extract_strided_slice %select_n3A {offsets = [0, 256], sizes = [128, 256], strides = [1, 1]} : vector<128x512xf32> to vector<128x256xf32>
    %logistic3A = arith.negf %slice3A_32 : vector<128x256xf32>
    %logistic3A_33 = math.exp %logistic3A : vector<128x256xf32>
    %logistic3A_34 = arith.constant 1.000000e+00 : f32
    %logistic3A_35 = vector.broadcast %logistic3A_34 : f32 to vector<128x256xf32>
    %logistic3A_36 = arith.addf %logistic3A_35, %logistic3A_33 : vector<128x256xf32>
    %logistic3A_37 = arith.divf %logistic3A_35, %logistic3A_36 : vector<128x256xf32>
    %mul3A_38 = arith.constant 5.000000e-01 : f32
    %mul3A_39 = vector.broadcast %mul3A_38 : f32 to vector<128x256xf32>
    %mul3A_40 = arith.mulf %mul3A_39, %logistic3A_37 : vector<128x256xf32>
    %exp3A = math.exp %mul3A_40 : vector<128x256xf32>
    %get3A_41 = arith.constant 0 : index
    %get3A_42 = arith.constant 0 : index
    %get3A_43 = vector.load %arg7[%get3A_41, %get3A_42] : memref<128x256xf32, #tpu.memory_space<vmem>>, vector<128x256xf32>
    %mul3A_44 = arith.mulf %get3A_43, %exp3A : vector<128x256xf32>
    %add3A_45 = arith.addf %mul3A_44, %slice3A : vector<128x256xf32>
    %swap3A = arith.constant 0 : index
    %swap3A_46 = arith.constant 0 : index
    %swap3A_47 = vector.load %arg10[%swap3A, %swap3A_46] : memref<128x256xf32, #tpu.memory_space<vmem>>, vector<128x256xf32>
    tpu.vector_store %arg10[%swap3A, %swap3A_46], %slice3A {strides = array<i32>} : memref<128x256xf32, #tpu.memory_space<vmem>>, vector<128x256xf32>,
    %swap3A_48 = arith.constant 0 : index
    %swap3A_49 = arith.constant 0 : index
    %swap3A_50 = vector.load %arg11[%swap3A_48, %swap3A_49] : memref<128x256xf32, #tpu.memory_space<vmem>>, vector<128x256xf32>
    tpu.vector_store %arg11[%swap3A_48, %swap3A_49], %logistic3A_37 {strides = array<i32>} : memref<128x256xf32, #tpu.memory_space<vmem>>, vector<128x256xf32>,
    %swap3A_51 = arith.constant 0 : index
    %swap3A_52 = arith.constant 0 : index
    %swap3A_53 = vector.load %arg12[%swap3A_51, %swap3A_52] : memref<128x256xf32, #tpu.memory_space<vmem>>, vector<128x256xf32>
    tpu.vector_store %arg12[%swap3A_51, %swap3A_52], %add3A_45 {strides = array<i32>} : memref<128x256xf32, #tpu.memory_space<vmem>>, vector<128x256xf32>,
    %get3A_54 = arith.constant 0 : index
    %get3A_55 = arith.constant 0 : index
    %get3A_56 = vector.load %arg8[%get3A_54, %get3A_55] : memref<256x4xf32, #tpu.memory_space<vmem>>, vector<256x4xf32>
    %dot_general3A_57 = arith.constant dense<0.000000e+00> : vector<128x4xf32>
    %dot_general3A_58 = tpu.matmul %add3A_45, %get3A_56, %dot_general3A_57 {dimension_numbers = #tpu.dot_dimension_numbers<[1], [0], [0], [1], [0, 0, 1, 1], [], []>, transpose_lhs_hint = false} : vector<128x256xf32>, vector<256x4xf32>, vector<128x4xf32> -> vector<128x4xf32>
    %get3A_59 = arith.constant 0 : index
    %get3A_60 = arith.constant 0 : index
    %get3A_61 = vector.load %arg9[%get3A_59, %get3A_60] : memref<1x4xf32, #tpu.memory_space<vmem>>, vector<1x4xf32>
    %add3A_62 = vector.broadcast %get3A_61 : vector<1x4xf32> to vector<128x4xf32>
    %add3A_63 = arith.addf %dot_general3A_58, %add3A_62 : vector<128x4xf32>
    %logistic3A_64 = arith.negf %add3A_63 : vector<128x4xf32>
    %logistic3A_65 = math.exp %logistic3A_64 : vector<128x4xf32>
    %logistic3A_66 = arith.constant 1.000000e+00 : f32
    %logistic3A_67 = vector.broadcast %logistic3A_66 : f32 to vector<128x4xf32>
    %logistic3A_68 = arith.addf %logistic3A_67, %logistic3A_65 : vector<128x4xf32>
    %logistic3A_69 = arith.divf %logistic3A_67, %logistic3A_68 : vector<128x4xf32>
    %swap3A_70 = arith.constant 0 : index
    %swap3A_71 = arith.constant 0 : index
    %swap3A_72 = vector.load %arg13[%swap3A_70, %swap3A_71] : memref<128x4xf32, #tpu.memory_space<vmem>>, vector<128x4xf32>
    tpu.vector_store %arg13[%swap3A_70, %swap3A_71], %logistic3A_69 {strides = array<i32>} : memref<128x4xf32, #tpu.memory_space<vmem>>, vector<128x4xf32>,
    return
  }
  func.func @transform_0(%arg0: i32) -> (i32, i32, i32) {
    %c0_i32 = arith.constant 0 : i32
    %c0_i32_0 = arith.constant 0 : i32
    %c0_i32_1 = arith.constant 0 : i32
    return %c0_i32, %arg0, %c0_i32_0 : i32, i32, i32
  }
  func.func @transform_1(%arg0: i32) -> (i32, i32) {
    %c0_i32 = arith.constant 0 : i32
    %c0_i32_0 = arith.constant 0 : i32
    return %arg0, %c0_i32 : i32, i32
  }
  func.func @transform_2(%arg0: i32) -> i32 {
    %c0_i32 = arith.constant 0 : i32
    return %arg0 : i32
  }
  func.func @transform_3(%arg0: i32) -> (i32, i32) {
    %c0_i32 = arith.constant 0 : i32
    %c0_i32_0 = arith.constant 0 : i32
    %c0_i32_1 = arith.constant 0 : i32
    return %c0_i32, %c0_i32_0 : i32, i32
  }
  func.func @transform_4(%arg0: i32) -> i32 {
    %c0_i32 = arith.constant 0 : i32
    %c0_i32_0 = arith.constant 0 : i32
    return %c0_i32 : i32
  }
  func.func @transform_5(%arg0: i32) -> i32 {
    %c0_i32 = arith.constant 0 : i32
    %c0_i32_0 = arith.constant 0 : i32
    return %c0_i32 : i32
  }
  func.func @transform_6(%arg0: i32) -> (i32, i32) {
    %c0_i32 = arith.constant 0 : i32
    %c0_i32_0 = arith.constant 0 : i32
    return %arg0, %c0_i32 : i32, i32
  }
  func.func @transform_7(%arg0: i32) -> (i32, i32) {
    %c0_i32 = arith.constant 0 : i32
    %c0_i32_0 = arith.constant 0 : i32
    %c0_i32_1 = arith.constant 0 : i32
    return %c0_i32, %c0_i32_0 : i32, i32
  }
  func.func @transform_8(%arg0: i32) -> (i32, i32) {
    %c0_i32 = arith.constant 0 : i32
    %c0_i32_0 = arith.constant 0 : i32
    %c0_i32_1 = arith.constant 0 : i32
    return %c0_i32, %c0_i32_0 : i32, i32
  }
  func.func @transform_9(%arg0: i32) -> (i32, i32) {
    %c0_i32 = arith.constant 0 : i32
    %c0_i32_0 = arith.constant 0 : i32
    return %arg0, %c0_i32 : i32, i32
  }
  func.func @transform_10(%arg0: i32) -> (i32, i32) {
    %c0_i32 = arith.constant 0 : i32
    %c0_i32_0 = arith.constant 0 : i32
    return %arg0, %c0_i32 : i32, i32
  }
  func.func @transform_11(%arg0: i32) -> (i32, i32) {
    %c0_i32 = arith.constant 0 : i32
    %c0_i32_0 = arith.constant 0 : i32
    return %arg0, %c0_i32 : i32, i32
  }
  func.func @transform_12(%arg0: i32) -> (i32, i32) {
    %c0_i32 = arith.constant 0 : i32
    %c0_i32_0 = arith.constant 0 : i32
    return %arg0, %c0_i32 : i32, i32
  }
}

</mosaic_0001>

<sc_bundles>
// kernel: kernel.11.cloned.1.call-start
scs
__scs_entry_jumppad:
0x0: {  	(pc) =	sbr.rel $0x88, $3  }
0x1: {  	(tag) =	ssettag $0x0;
	lr =	simm.s32 $0x1  }
0x2: {  	[smem:$0x3F94] =	sst lr;
	_ =	strace $0xD0000000  }
0x3: {  	_ = 	snop  }
0x4: {  	_ = 	snop  }
0x5: {  	_ = 	snop  }
0x6: {  	_ = 	snop  }
0x7: {  	_ = 	snop  }
__scs_overlays_trampoline_lowered:
0x8: {  	[smem:$0x3FA3] =	sst s0  }
0x9: {  	[smem:$0x3FA4] =	sst s1  }
0xa: {  	[smem:$0x3FA5] =	sst s2  }
0xb: {  	[smem:$0x3FA6] =	sst s3  }
0xc: {  	[smem:$0x3FA7] =	sst s4  }
0xd: {  	[smem:$0x3FA8] =	sst s5  }
0xe: {  	[smem:$0x3FA9] =	sst s6  }
0xf: {  	[smem:$0x3FAA] =	sst s7  }
0x10: {  	[smem:$0x3FAB] =	sst s8  }
0x11: {  	[smem:$0x3FAC] =	sst s9;
	s0 =	simm.s32 @!p0 $0x0  }
0x12: {  	s1 =	sld [smem:$0x3F92];
	s0 =	simm.s32 @p0 $0x1  }
0x13: {  	[smem:$0x3FAD] =	sst s0;
	s0 =	simm.s32 @!p1 $0x0  }
0x14: {  	s2 =	sld [smem:$0x3F91];
	s0 =	simm.s32 @p1 $0x1  }
0x15: {  	[smem:$0x3FAE] =	sst s0;
	s0 =	simm.s32 @!p2 $0x0  }
0x16: {  	s3 =	sld [smem:$0x3FDB];
	s0 =	simm.s32 @p2 $0x1  }
0x17: {  	s4 =	simm.s32 $0x1BF5;
	[smem:$0x3FB0] =	sst s0  }
0x18: {  	s0 =	sld [smem:$0x3F93];
	_ =	swait.ge [sflag:s4], $0x0  }
0x19: {  	s7 =	sld [smem:$0x3F94]  }
0x1a: {  	s8 =	sadd.s32 $0xFFFFE003, lr  }
0x1b: {  	s9 =	sadd.s32 $0xFFFFFEF7, lr;
	s5 =	simm.s32 $0xFFFFFFFF;
	p2 =	slt.u32 s8, $0xFFFFF086  }
0x1c: {  	p1 =	slt.u32 s9, $0xF7A;
	s5 =	simm.s32 @!p2 $0x0  }
0x1d: {  	s5 =	simm.s32 @p1 $0x1;
	p0 =	seq.s32 s7, s2  }
0x1e: {  	s7 =	smul.u32 @!p0 $0xF7A, s2;
	p2 =	seq.s32 @!p0 s5, $0x0  }
0x1f: {  	s9 =	smul.u32 $0xF7A, s1;
	s8 =	simm.s32 @!p0 $0x1BF5;
	p2 =	por !p2, p0  }
0x20: {  	[sflag:s8] =	ssyncset.s32 @!p0 $0xFFFFF086;
	s6 =	sadd.s32 @!p0 s3, s7;
	s7 =	simm.s32 @!p0 $0x108  }
0x21: {  	s3 =	sadd.s32 s3, s9;
	s6 =	sadd.s32 @!p0 $0x88, s6;
	s7 =	simm.s32 @p2 $0x1082  }
0x22: {  	[simem:s7], [sflag:s8] =	dma.local @!p0 [hbm:s6], $0xF7A  }
0x23: {  	s9 =	sor.u32 $0xD0000000, s2;
	s6 =	simm.s32 $0x108;
	_ =	swait.ge @!p0 [sflag:s8], $0x0  }
0x24: {  	s3 =	sadd.s32 $0x88, s3;
	s6 =	simm.s32 @!p1 $0x1082;
	[sflag:s4] =	ssyncset.s32 $0xFFFFF086  }
0x25: {  	[simem:s6], [sflag:s4] =	dma.local [hbm:s3], $0xF7A  }
0x26: {  	[smem:$0x3F94] =	sst s1;
	(tag) =	ssettag s2;
	_ =	strace s9  }
0x27: {  	s1 =	sld [smem:$0x3FA4]  }
0x28: {  	s2 =	sld [smem:$0x3FA5]  }
0x29: {  	s4 =	sld [smem:$0x3FA7]  }
0x2a: {  	p0 =	seq.s32 s5, $0x0;
	s5 =	sld [smem:$0x3FA8]  }
0x2b: {  	s6 =	sld [smem:$0x3FA9]  }
0x2c: {  	s7 =	sld [smem:$0x3FAA]  }
0x2d: {  	s3 =	simm.s32 $0x108;
	s8 =	sld [smem:$0x3FAB]  }
0x2e: {  	s3 =	simm.s32 @!p0 $0x1082;
	s9 =	sld [smem:$0x3FAC]  }
0x2f: {  	lr =	sadd.s32 s0, s3;
	s0 =	sld [smem:$0x3FA3]  }
0x30: {  	s3 =	sld [smem:$0x3FA6]  }
0x31: {  	[smem:$0x3FAF] =	sst s10  }
0x32: {  	s10 =	sld [smem:$0x3FAD];
	_ =	sdelay $0x3  }
0x33: {  	p0 =	seq.s32 s10, $0x1;
	s10 =	sld [smem:$0x3FAF];
	_ =	sdelay $0x3  }
0x34: {  	[smem:$0x3FAF] =	sst s10  }
0x35: {  	s10 =	sld [smem:$0x3FAE];
	_ =	sdelay $0x3  }
0x36: {  	p1 =	seq.s32 s10, $0x1;
	s10 =	sld [smem:$0x3FAF];
	_ =	sdelay $0x3  }
0x37: {  	[smem:$0x3FAF] =	sst s10  }
0x38: {  	s10 =	sld [smem:$0x3FB0]  }
0x39: {  	_ = 	snop;
	(pc) =	sbr.ind lr, $3  }
0x3a: {  	_ = 	snop  }
0x3b: {  	_ = 	snop  }
0x3c: {  	p2 =	seq.s32 s10, $0x1;
	s10 =	sld [smem:$0x3FAF]  }
0x3d: {  	_ =	shalt  }
0x3e: {  	_ =	shalt  }
0x3f: {  	_ =	shalt  }
0x40: {  	_ =	shalt  }
0x41: {  	_ =	shalt  }
0x42: {  	_ =	shalt  }
0x43: {  	_ =	shalt  }
0x44: {  	_ =	shalt  }
0x45: {  	_ =	shalt  }
0x46: {  	_ =	shalt  }
0x47: {  	_ =	shalt  }
0x48: {  	_ =	shalt  }
0x49: {  	_ =	shalt  }
0x4a: {  	_ =	shalt  }
0x4b: {  	_ =	shalt  }
0x4c: {  	_ =	shalt  }
0x4d: {  	_ =	shalt  }
0x4e: {  	_ =	shalt  }
0x4f: {  	_ =	shalt  }
0x50: {  	_ =	shalt  }
0x51: {  	_ =	shalt  }
0x52: {  	_ =	shalt  }
0x53: {  	_ =	shalt  }
0x54: {  	_ =	shalt  }
0x55: {  	_ =	shalt  }
0x56: {  	_ =	shalt  }
0x57: {  	_ =	shalt  }
0x58: {  	_ =	shalt  }
0x59: {  	_ =	shalt  }
0x5a: {  	_ =	shalt  }
0x5b: {  	_ =	shalt  }
0x5c: {  	_ =	shalt  }
0x5d: {  	_ =	shalt  }
0x5e: {  	_ =	shalt  }
0x5f: {  	_ =	shalt  }
0x60: {  	_ =	shalt  }
0x61: {  	_ =	shalt  }
0x62: {  	_ =	shalt  }
0x63: {  	_ =	shalt  }
0x64: {  	_ =	shalt  }
0x65: {  	_ =	shalt  }
0x66: {  	_ =	shalt  }
0x67: {  	_ =	shalt  }
0x68: {  	_ =	shalt  }
0x69: {  	_ =	shalt  }
0x6a: {  	_ =	shalt  }
0x6b: {  	_ =	shalt  }
0x6c: {  	_ =	shalt  }
0x6d: {  	_ =	shalt  }
0x6e: {  	_ =	shalt  }
0x6f: {  	_ =	shalt  }
0x70: {  	_ =	shalt  }
0x71: {  	_ =	shalt  }
0x72: {  	_ =	shalt  }
0x73: {  	_ =	shalt  }
0x74: {  	_ =	shalt  }
0x75: {  	_ =	shalt  }
0x76: {  	_ =	shalt  }
0x77: {  	_ =	shalt  }
0x78: {  	_ =	shalt  }
0x79: {  	_ =	shalt  }
0x7a: {  	_ =	shalt  }
0x7b: {  	_ =	shalt  }
0x7c: {  	_ =	shalt  }
0x7d: {  	_ =	shalt  }
0x7e: {  	_ =	shalt  }
0x7f: {  	_ =	shalt  }
0x80: {  	_ =	shalt  }
0x81: {  	_ =	shalt  }
0x82: {  	_ =	shalt  }
0x83: {  	_ =	shalt  }
0x84: {  	_ =	shalt  }
0x85: {  	_ =	shalt  }
0x86: {  	_ =	shalt  }
0x87: {  	_ =	shalt  }
.Lfunc_end0:
.L_simem_size_0:
called_computation.1_lowered:
.L_overlay_start_0:
0x88: {  	s2 =	sld [smem:$0x3FD9]  }
0x89: {  	s3 =	sld [smem:$0x3FFE];
	_ =	sdelay $0x1  }
0x8a: {  	s1 =	srdreg.scid  }
0x8b: {  	s0 =	sand.u32 $0x1, s1  }
0x8c: {  	s14 =	sshll.u32 s0, $0xA;
	s2 =	sadd.s32 s3, s2  }
0x8d: {  	s2 =	sadd.s32 s2, s14  }
0x8e: {  	[smem:$0x3FBB] =	sst s2  }
0x8f: {  	_ = 	snop  }
0x90: {  	s2 =	sld [smem:$0x3FD0];
	_ =	sdelay $0x2  }
0x91: {  	s15 =	simm.s32 $0xA;
	s4 =	simm.s32 $0x10  }
0x92: {  	[smem:s4], [sflag:s15] =	dma.local [hbm:s2], $0x1  }
0x93: {  	_ =	swait.eq [sflag:s15], $0x1  }
0x94: {  	s16 =	sld [smem:$0x11];
	[sflag:s15] =	ssyncset.done $0x0  }
0x95: {  	s17 =	sld [smem:$0x12];
	[sflag:s15] =	ssyncadd.s32 $0xFFFFFFFF  }
0x96: {  	s18 =	sld [smem:$0x13];
	(tm) =	ssettm $0x1  }
0x97: {  	s5 =	sld [smem:$0x3FFB];
	_ =	sdelay $0x3  }
0x98: {  	_ =	strace s5  }
0x99: {  	s5 =	sld [smem:$0x3FFC];
	_ =	sdelay $0x3  }
0x9a: {  	_ =	strace s5  }
0x9b: {  	s5 =	sld [smem:$0x3FFD];
	_ =	sdelay $0x3  }
0x9c: {  	_ =	strace s5  }
0x9d: {  	_ =	strace $0x8FFFFFFF  }
0x9e: {  	s19 =	sld [smem:$0x3FDB];
	_ =	sdelay $0x1  }
0x9f: {  	s6 =	simm.s32 $_scs_section_size  }
0xa0: {  	s7 =	simm.s32 $_size__tile_overlayer_lowered;
	s8 =	simm.s32 $_tile_overlayer_lowered  }
0xa1: {  	s22 =	simm.s32 $0x1BFF;
	s21 =	sshll.u32 s8, $0x1;
	s5 =	sadd.s32 s6, s19  }
0xa2: {  	s9 =	simm.s32 $0x0;
	s20 =	sshll.u32 s7, $0x1;
	s7 =	sadd.s32 s21, s5  }
0xa3: {  	[timem:s9], [sflag:s22] =	dma.local [hbm:s7], s20  }
0xa4: {  	_ =	swait.ge [sflag:s22], s20  }
0xa5: {  	s6 =	ssub.s32 $0x0, s20;
	[sflag:s22] =	ssyncset.done $0x0  }
0xa6: {  	[sflag:s22] =	ssyncadd.s32 s6;
	_ =	sdelay $0x1  }
0xa7: {  	s23 =	simm.s32 $0x1B8B  }
0xa8: {  	_ =	swait.ge [sflag:s23], $0x1  }
0xa9: {  	[sflag:s23] =	ssyncset.done $0x0  }
0xaa: {  	s25 =	simm.s32 $0x1B8E;
	s24 =	sld [smem:$0x3FFE];
	[sflag:s23] =	ssyncadd.s32 $0xFFFFFFFF  }
0xab: {  	s26 =	simm.s32 $execute0_lowered;
	[smem:$0x3FD2] =	sst s25  }
0xac: {  	s7 =	sshll.u32 s26, $0x1;
	_ =	strace $0x80000049;
	[dreg:$0x1] =	wrdreg $0xFFFFFFFF  }
0xad: {  	s28 =	simm.s32 $_size_execute0_lowered;
	s5 =	sadd.s32 s5, s7;
	[dreg:$0x0] =	wrdreg $0x0  }
0xae: {  	s7 =	sshll.u32 s28, $0x1;
	[dreg:$0x2] =	wrdreg s5  }
0xaf: {  	[dreg:$0x3] =	wrdreg s7  }
0xb0: {  	[dreg:$0x4] =	wrdreg $0xC0  }
0xb1: {  	_ =	task [dreg:s9], $0x5FFFF  }
0xb2: {  	[dreg:$0x1] =	wrdreg $0xFFFFFFFF  }
0xb3: {  	[dreg:$0x0] =	wrdreg $0x60  }
0xb4: {  	[dreg:$0x2] =	wrdreg s16  }
0xb5: {  	[dreg:$0x3] =	wrdreg s24  }
0xb6: {  	[dreg:$0x4] =	wrdreg s18  }
0xb7: {  	[dreg:$0x5] =	wrdreg s17  }
0xb8: {  	[dreg:$0x6] =	wrdreg $0xA4000  }
0xb9: {  	[dreg:$0x7] =	wrdreg $0x9  }
0xba: {  	_ =	task.clear_ibuf [dreg:s9], $0x8FFFF;
	_ =	strace $0x90000049  }
0xbb: {  	s29 =	simm.s32 $0x9;
	_ =	strace $0x8000004B  }
0xbc: {  	_ =	swait.ge [sflag:s29], $0x1  }
0xbd: {  	[sflag:s29] =	ssyncadd.s32 $0xFFFFFFFF  }
0xbe: {  	_ =	strace $0x9000004B  }
0xbf: {  	_ =	sfence  }
0xc0: {  	s30 =	sld [smem:$0x0];
	_ =	sdelay $0x2  }
0xc1: {  	s31 =	sshll.u32 s1, $0xD;
	s1 =	sshrl.u32 s1, $0x2  }
0xc2: {  	s3 =	sand.u32 $0x4000, s31;
	s1 =	sadd.s32 s1, s30  }
0xc3: {  	s0 =	sor.u32 s3, s0;
	s1 =	sshll.u32 s1, $0x11  }
0xc4: {  	s0 =	sor.u32 s1, s0  }
0xc5: {  	s0 =	sadd.s32 $0x8F2B, s0  }
0xc6: {  	[sflag:s0] =	ssyncadd.remote.s32 $0x1  }
0xc7: {  	_ =	sfence.sel $0xFFFF  }
0xc8: {  	[dreg:$0x0] =	wrdreg $0xFFFFFFFF;
	(pc) =	sbr.abs _section_cstart, $3  }
0xc9: {  	[dreg:$0x1] =	wrdreg $0xFFFFFFFF  }
0xca: {  	_ =	task.clear_ibuf [dreg:s9], $0x2FFFF;
	_ =	strace $0x9FFFFFFF  }
0xcb: {  	(tm) =	ssettm $0x7FFFFFFF  }
tec
execute0_lowered:
.L_overlay_start_1:
0x0: {  	(tag) =	ssettag $0x1  }
0x1: {  	s0 =	rddreg [dreg:$0x0]  }
0x2: {  	s1 =	rddreg [dreg:$0x1]  }
0x3: {  	s2 =	rddreg [dreg:$0x2]  }
0x4: {  	s3 =	rddreg [dreg:$0x3];
	s5 =	srdreg.scid  }
0x5: {  	s13 =	stileid.u32;
	s4 =	rddreg [dreg:$0x4];
	s28 =	simm.s32 $0x0  }
0x6: {  	s29 =	simm.s32 $0x180;
	s30 =	simm.s32 $0x380;
	s31 =	simm.s32 $0x2  }
0x7: {  	s7 =	sand.u32 $0x1, s5;
	s8 =	smul.u32 $0x2780, s13;
	[smem:$0x7FF] =	sst s28  }
0x8: {  	s10 =	smul.u32 $0x4F000, s13;
	s12 =	sshll.u32 s13, $0xF;
	s14 =	sshll.u32 s13, $0x6  }
0x9: {  	s9 =	smul.u32 $0x27800, s7;
	_ =	strace $0x8000004A;
	s5 =	ssub.s32 $0x2, s7  }
0xa: {  	s7 =	sshll.u32 s7, $0xE;
	s10 =	sshrl.u32 s10, $0x2;
	s3 =	sadd.s32 s3, s8  }
0xb: {  	s7 =	sor.u32 s7, s12;
	s12 =	sadd.s32 s10, s4;
	[dreg:$0x7] =	wrdreg s3  }
0xc: {  	s15 =	sshrl.u32 s7, $0x3;
	s10 =	sor.u32 $0x1C03, s14;
	[dreg:$0x6] =	wrdreg s12  }
0xd: {  	s6 =	sadd.s32 $0x5600, s1;
	s17 =	sadd.s32 s15, s0;
	[dreg:$0x8] =	wrdreg s10  }
0xe: {  	s16 =	sor.u32 $0x10, s15;
	s18 =	sadd.s32 s15, s6;
	[dreg:$0x9] =	wrdreg s17  }
0xf: {  	s11 =	sshrl.u32 s5, $0x1;
	s19 =	sadd.s32 s0, s16;
	[dreg:$0xa] =	wrdreg s18  }
0x10: {  	s20 =	sor.u32 $0x20, s15;
	s3 =	sadd.s32 s6, s16;
	[dreg:$0xb] =	wrdreg s19  }
0x11: {  	s21 =	sor.u32 $0x30, s15;
	s22 =	sadd.s32 s0, s20;
	[dreg:$0xc] =	wrdreg s3  }
0x12: {  	s9 =	sadd.s32 s8, s9;
	s23 =	sadd.s32 s0, s21;
	[dreg:$0xd] =	wrdreg s22  }
0x13: {  	s1 =	sadd.s32 s9, s1;
	s24 =	sadd.s32 s6, s21;
	[dreg:$0xf] =	wrdreg s23  }
0x14: {  	s9 =	ssub.s32 s5, s11;
	s1 =	sadd.s32 $0x15600, s1;
	[dreg:$0x10] =	wrdreg s24  }
0x15: {  	s13 =	simm.s32 $0x300;
	s25 =	smax.u32 s9, $0x1;
	[dreg:$0x11] =	wrdreg s1  }
0x16: {  	s8 =	simm.s32 $0x7C00;
	s26 =	sadd.s32 $0x30, s17;
	[dreg:$0x12] =	wrdreg s25  }
0x17: {  	s14 =	simm.s32 $0x0;
	s28 =	sadd.s32 $0x30, s18;
	[dreg:$0x13] =	wrdreg s26  }
0x18: {  	s9 =	simm.s32 $0x1;
	s3 =	sadd.s32 s6, s20;
	[dreg:$0x14] =	wrdreg s28  }
0x19: {  	s23 =	simm.s32 $0x3;
	s24 =	simm.s32 $0x200;
	s1 =	simm.s32 $0x400  }
0x1a: {  	s26 =	simm.s32 $0x5400;
	[dreg:$0xe] =	wrdreg s3;
	s3 =	simm.s32 $0x50  }
.LBB2_1:
0x1b: {  	s5 =	rddreg [dreg:$0x6]  }
0x1c: {  	s22 =	rddreg [dreg:$0x7];
	s11 =	sshrl.u32 s5, $0x3  }
0x1d: {  	[dreg:$0x15] =	wrdreg s11  }
0x1e: {  	[spmem:s11], [sflag:s10] =	dma.local [hbm:s22], $0x2780  }
0x1f: {  	_ =	swait.ge [sflag:s23], $0x2780  }
0x20: {  	[sflag:s23] =	ssyncset.done $0x0  }
0x21: {  	s25 =	simm.s32 $0x0;
	s11 =	rddreg [dreg:$0x9];
	[sflag:s23] =	ssyncadd.s32 $0xFFFFD880  }
0x22: {  	[tilespmem:s25], [sflag:$0x2] =	stream.linear.gather [hbm4b:s11+s25], $0x80, $0x38;
	[tilespmem:$0x1E000] =	vst v63  }
0x23: {  	s12 =	rddreg [dreg:$0xa]  }
0x24: {  	[tilespmem:s24], [sflag:$0x2] =	stream.linear.gather [hbm4b:s12+s25], $0x80, $0x38;
	[tilespmem:$0x1E000] =	vst v63  }
0x25: {  	s16 =	simm.s32 $0x80;
	s15 =	rddreg [dreg:$0xb]  }
0x26: {  	[tilespmem:s16], [sflag:$0x2] =	stream.linear.gather [hbm4b:s15+s25], $0x80, $0x38;
	[tilespmem:$0x1E000] =	vst v63  }
0x27: {  	s17 =	rddreg [dreg:$0xc];
	s12 =	simm.s32 $0x280  }
0x28: {  	[tilespmem:s12], [sflag:$0x2] =	stream.linear.gather [hbm4b:s17+s25], $0x80, $0x38;
	[tilespmem:$0x1E000] =	vst v63  }
0x29: {  	s19 =	simm.s32 $0x100;
	s18 =	rddreg [dreg:$0xd]  }
0x2a: {  	[tilespmem:s19], [sflag:$0x2] =	stream.linear.gather [hbm4b:s18+s25], $0x80, $0x38;
	[tilespmem:$0x1E000] =	vst v63  }
0x2b: {  	s20 =	rddreg [dreg:$0xe]  }
0x2c: {  	[tilespmem:s13], [sflag:$0x2] =	stream.linear.gather [hbm4b:s20+s25], $0x80, $0x38;
	[tilespmem:$0x1E000] =	vst v63  }
0x2d: {  	s21 =	rddreg [dreg:$0xf]  }
0x2e: {  	[tilespmem:s29], [sflag:$0x2] =	stream.linear.gather [hbm4b:s21+s25], $0x80, $0x38;
	[tilespmem:$0x1E000] =	vst v63  }
0x2f: {  	s22 =	rddreg [dreg:$0x10]  }
0x30: {  	[tilespmem:s30], [sflag:$0x2] =	stream.linear.gather [hbm4b:s22+s25], $0x80, $0x38;
	[tilespmem:$0x1E000] =	vst v63  }
0x31: {  	_ =	swait.ge [sflag:s31], $0x80  }
0x32: {  	[sflag:s31] =	ssyncset.done $0x0  }
0x33: {  	[sflag:s31] =	ssyncadd.s32 $0xFFFFFF80  }
0x34: {  	_ =	swait.ge [sflag:s31], $0x80  }
0x35: {  	[sflag:s31] =	ssyncset.done $0x0  }
0x36: {  	[sflag:s31] =	ssyncadd.s32 $0xFFFFFF80  }
0x37: {  	[tilespmem:s1], [sflag:$0x1] =	stream.indirect.gather [hbm4b:s2+s3], $0x80, s25, s3, $0xb8;
	[tilespmem:$0x1E000] =	vst v63  }
0x38: {  	_ =	swait.ge [sflag:s31], $0x80  }
0x39: {  	[sflag:s31] =	ssyncset.done $0x0  }
0x3a: {  	[sflag:s31] =	ssyncadd.s32 $0xFFFFFF80  }
0x3b: {  	_ =	swait.ge [sflag:s31], $0x80  }
0x3c: {  	[sflag:s31] =	ssyncset.done $0x0  }
0x3d: {  	s25 =	simm.s32 $0x2C00;
	[sflag:s31] =	ssyncadd.s32 $0xFFFFFF80  }
0x3e: {  	[tilespmem:s25], [sflag:$0x1] =	stream.indirect.gather [hbm4b:s2+s3], $0x80, s16, s3, $0xb8;
	[tilespmem:$0x1E000] =	vst v63  }
0x3f: {  	_ =	swait.ge [sflag:s31], $0x80  }
0x40: {  	[sflag:s31] =	ssyncset.done $0x0  }
0x41: {  	[sflag:s31] =	ssyncadd.s32 $0xFFFFFF80  }
0x42: {  	_ =	swait.ge [sflag:s31], $0x80  }
0x43: {  	[sflag:s31] =	ssyncset.done $0x0  }
0x44: {  	[sflag:s31] =	ssyncadd.s32 $0xFFFFFF80  }
0x45: {  	[tilespmem:s26], [sflag:$0x1] =	stream.indirect.gather [hbm4b:s2+s3], $0x80, s19, s3, $0xb8;
	[tilespmem:$0x1E000] =	vst v63  }
0x46: {  	p0 =	por $0x1, $0x1;
	[bflag:$0x0] =	sbarrier.arrive $0xFFFF  }
0x47: {  	s11 =	simm.s32 @!p0 $0x0;
	s12 =	simm.s32 @!p0 $0x180;
	s5 =	rddreg [dreg:$0x13]  }
0x48: {  	[tilespmem:s12], [sflag:$0x2] =	stream.linear.gather @!p0 [hbm4b:s5+s11], $0x80, $0x38;
	[tilespmem:$0x1E000] =	vst v63  }
0x49: {  	s10 =	rddreg [dreg:$0x14];
	s12 =	simm.s32 @!p0 $0x380  }
0x4a: {  	[tilespmem:s12], [sflag:$0x2] =	stream.linear.gather @!p0 [hbm4b:s10+s11], $0x80, $0x38;
	[tilespmem:$0x1E000] =	vst v63  }
0x4b: {  	_ =	swait.ge [sflag:s31], $0x80  }
0x4c: {  	[sflag:s31] =	ssyncset.done $0x0  }
0x4d: {  	[sflag:s31] =	ssyncadd.s32 $0xFFFFFF80  }
0x4e: {  	_ =	swait.ge [sflag:s31], $0x80  }
0x4f: {  	[sflag:s31] =	ssyncset.done $0x0  }
0x50: {  	[sflag:s31] =	ssyncadd.s32 $0xFFFFFF80  }
0x51: {  	[tilespmem:s8], [sflag:$0x1] =	stream.indirect.gather [hbm4b:s2+s3], $0x80, s29, s3, $0xb8;
	[tilespmem:$0x1E000] =	vst v63  }
0x52: {  	_ =	swait.ge [sflag:s9], $0x2800  }
0x53: {  	[sflag:s9] =	ssyncset.done $0x0  }
0x54: {  	[sflag:s9] =	ssyncadd.s32 $0xFFFFD800  }
0x55: {  	[spmem:s4] =	stream.indirect.scatter.add.f32 [tilespmem:s1], [sflag:$0x3], $0x80, s24, s3, $0xb8;
	[tilespmem:$0x1E000] =	vst v63  }
0x56: {  	p0 =	por $0x0, $0x0;
	_ =	swait.ge [sflag:s23], $0x2800  }
0x57: {  	s11 =	simm.s32 @p0 $0x1;
	[sflag:s23] =	ssyncset.done $0x0  }
0x58: {  	s12 =	simm.s32 @!p0 $0x200;
	s16 =	simm.s32 @p0 $0x50;
	[sflag:s23] =	ssyncadd.s32 $0xFFFFD800  }
0x59: {  	s17 =	simm.s32 @p0 $0x3;
	s19 =	simm.s32 @p0 $0x2C00;
	_ =	swait.ge @p0 [sflag:s11], $0x2800  }
0x5a: {  	s18 =	sand.u32 @!p0 $0x7C00, s12;
	s12 =	sand.u32 @!p0 $0x200, s12;
	[sflag:s11] =	ssyncset.done @p0 $0x0  }
0x5b: {  	s18 =	sadd.s32 @!p0 s7, s18;
	[sflag:s11] =	ssyncadd.s32 @p0 $0xFFFFD800;
	s11 =	simm.s32 @p0 $0x280  }
0x5c: {  	[spmem:s4] =	stream.indirect.scatter.add.f32 @p0 [tilespmem:s19], [sflag:$0x3], $0x80, s11, s16, $0xb8;
	[tilespmem:$0x1E000] =	vst v63  }
0x5d: {  	s11 =	sor.u32 @!p0 s12, s18;
	_ =	swait.ge @p0 [sflag:s17], $0x2800  }
0x5e: {  	s11 =	sshrl.u32 @!p0 s11, $0x3;
	[sflag:s17] =	ssyncset.done @p0 $0x0  }
0x5f: {  	s16 =	simm.s32 @!p0 $0x0;
	s12 =	sadd.s32 @!p0 s0, s11;
	[sflag:s17] =	ssyncadd.s32 @p0 $0xFFFFD800  }
0x60: {  	[tilespmem:s16], [sflag:$0x2] =	stream.linear.gather @!p0 [hbm4b:s12+s16], $0x80, $0x38;
	[tilespmem:$0x1E000] =	vst v63  }
0x61: {  	s17 =	simm.s32 @!p0 $0x200;
	s12 =	sadd.s32 @!p0 s6, s11;
	s11 =	simm.s32 @!p0 $0x2  }
0x62: {  	[tilespmem:s17], [sflag:$0x2] =	stream.linear.gather @!p0 [hbm4b:s12+s16], $0x80, $0x38;
	[tilespmem:$0x1E000] =	vst v63  }
0x63: {  	_ =	swait.ge @!p0 [sflag:s11], $0x80  }
0x64: {  	[sflag:s11] =	ssyncset.done @!p0 $0x0  }
0x65: {  	[sflag:s11] =	ssyncadd.s32 @!p0 $0xFFFFFF80  }
0x66: {  	_ =	swait.ge @!p0 [sflag:s11], $0x80  }
0x67: {  	s28 =	simm.s32 @!p0 $0x50;
	s20 =	simm.s32 @!p0 $0x2C00;
	[sflag:s11] =	ssyncset.done @!p0 $0x0  }
0x68: {  	s18 =	simm.s32 @!p0 $0x1;
	s17 =	simm.s32 @!p0 $0x400;
	[sflag:s11] =	ssyncadd.s32 @!p0 $0xFFFFFF80  }
0x69: {  	[tilespmem:s17], [sflag:$0x1] =	stream.indirect.gather @!p0 [hbm4b:s2+s28], $0x80, s16, s28, $0xb8;
	[tilespmem:$0x1E000] =	vst v63  }
0x6a: {  	s19 =	simm.s32 @!p0 $0x3;
	s12 =	simm.s32 @!p0 $0x280;
	_ =	swait.ge @!p0 [sflag:s18], $0x2800  }
0x6b: {  	s17 =	sand.u32 @!p0 $0x7C00, s12;
	s12 =	sand.u32 @!p0 $0x280, s12;
	[sflag:s18] =	ssyncset.done @!p0 $0x0  }
0x6c: {  	s17 =	sadd.s32 @!p0 s7, s17;
	[sflag:s18] =	ssyncadd.s32 @!p0 $0xFFFFD800;
	s18 =	simm.s32 @!p0 $0x280  }
0x6d: {  	[spmem:s4] =	stream.indirect.scatter.add.f32 @!p0 [tilespmem:s20], [sflag:$0x3], $0x80, s18, s28, $0xb8;
	[tilespmem:$0x1E000] =	vst v63  }
0x6e: {  	s12 =	sor.u32 @!p0 s12, s17;
	_ =	swait.ge @!p0 [sflag:s19], $0x2800  }
0x6f: {  	s12 =	sshrl.u32 @!p0 s12, $0x3;
	[sflag:s19] =	ssyncset.done @!p0 $0x0  }
0x70: {  	s17 =	sadd.s32 @!p0 s0, s12;
	[sflag:s19] =	ssyncadd.s32 @!p0 $0xFFFFD800;
	s19 =	simm.s32 @!p0 $0x80  }
0x71: {  	[tilespmem:s19], [sflag:$0x2] =	stream.linear.gather @!p0 [hbm4b:s17+s16], $0x80, $0x38;
	[tilespmem:$0x1E000] =	vst v63  }
0x72: {  	s12 =	sadd.s32 @!p0 s6, s12  }
0x73: {  	[tilespmem:s18], [sflag:$0x2] =	stream.linear.gather @!p0 [hbm4b:s12+s16], $0x80, $0x38;
	[tilespmem:$0x1E000] =	vst v63  }
0x74: {  	_ =	swait.ge @!p0 [sflag:s11], $0x80  }
0x75: {  	[sflag:s11] =	ssyncset.done @!p0 $0x0  }
0x76: {  	[sflag:s11] =	ssyncadd.s32 @!p0 $0xFFFFFF80  }
0x77: {  	_ =	swait.ge @!p0 [sflag:s11], $0x80  }
0x78: {  	[sflag:s11] =	ssyncset.done @!p0 $0x0  }
0x79: {  	[sflag:s11] =	ssyncadd.s32 @!p0 $0xFFFFFF80  }
0x7a: {  	[tilespmem:s20], [sflag:$0x1] =	stream.indirect.gather @!p0 [hbm4b:s2+s28], $0x80, s19, s28, $0xb8;
	[tilespmem:$0x1E000] =	vst v63  }
0x7b: {  	_ =	swait.ge [sflag:s9], $0x2800  }
0x7c: {  	s12 =	sand.u32 @!p0 $0x7C00, s13;
	[sflag:s9] =	ssyncset.done $0x0  }
0x7d: {  	s17 =	sand.u32 @!p0 $0x300, s13;
	s12 =	sadd.s32 @!p0 s7, s12;
	[sflag:s9] =	ssyncadd.s32 $0xFFFFD800  }
0x7e: {  	[spmem:s4] =	stream.indirect.scatter.add.f32 [tilespmem:s26], [sflag:$0x3], $0x80, s13, s3, $0xb8;
	[tilespmem:$0x1E000] =	vst v63  }
0x7f: {  	s12 =	sor.u32 @!p0 s17, s12;
	_ =	swait.ge [sflag:s23], $0x2800  }
0x80: {  	s17 =	sshrl.u32 @!p0 s12, $0x3;
	[sflag:s23] =	ssyncset.done $0x0  }
0x81: {  	s12 =	simm.s32 @!p0 $0x100;
	s18 =	sadd.s32 @!p0 s0, s17;
	[sflag:s23] =	ssyncadd.s32 $0xFFFFD800  }
0x82: {  	[tilespmem:s12], [sflag:$0x2] =	stream.linear.gather @!p0 [hbm4b:s18+s16], $0x80, $0x38;
	[tilespmem:$0x1E000] =	vst v63  }
0x83: {  	s17 =	sadd.s32 @!p0 s6, s17;
	s18 =	simm.s32 @!p0 $0x300  }
0x84: {  	[tilespmem:s18], [sflag:$0x2] =	stream.linear.gather @!p0 [hbm4b:s17+s16], $0x80, $0x38;
	[tilespmem:$0x1E000] =	vst v63  }
0x85: {  	_ =	swait.ge @!p0 [sflag:s11], $0x80  }
0x86: {  	[sflag:s11] =	ssyncset.done @!p0 $0x0  }
0x87: {  	[sflag:s11] =	ssyncadd.s32 @!p0 $0xFFFFFF80  }
0x88: {  	s25 =	sadd.s32 $0x40, s10;
	_ =	swait.ge @!p0 [sflag:s11], $0x80  }
0x89: {  	s16 =	simm.s32 $0x500;
	s18 =	simm.s32 $0x700;
	[sflag:s11] =	ssyncset.done @!p0 $0x0  }
0x8a: {  	s17 =	sadd.s32 $0x40, s5;
	[sflag:s11] =	ssyncadd.s32 @!p0 $0xFFFFFF80;
	s11 =	simm.s32 @!p0 $0x5400  }
.LBB2_2:
0x8b: {  	[tilespmem:s11], [sflag:$0x1] =	stream.indirect.gather @!p0 [hbm4b:s2+s28], $0x80, s12, s28, $0xb8;
	[tilespmem:$0x1E000] =	vst v63  }
0x8c: {  	s19 =	smov.u32 s18;
	s18 =	sadd.s32 $0x200, s18;
	_ =	swait.ge [sflag:s9], $0x2800  }
0x8d: {  	p1 =	sne.s32 s18, $0x4300;
	[sflag:s9] =	ssyncset.done $0x0  }
0x8e: {  	[sflag:s9] =	ssyncadd.s32 $0xFFFFD800  }
0x8f: {  	[spmem:s4] =	stream.indirect.scatter.add.f32 [tilespmem:s8], [sflag:$0x3], $0x80, s30, s3, $0xb8;
	[tilespmem:$0x1E000] =	vst v63  }
0x90: {  	_ =	swait.ge [sflag:s23], $0x2800  }
0x91: {  	p0 =	seq.s32 s16, $0x300;
	[sflag:s23] =	ssyncset.done $0x0  }
0x92: {  	s11 =	simm.s32 @!p0 $0x0;
	s12 =	simm.s32 @!p0 $0x180;
	[sflag:s23] =	ssyncadd.s32 $0xFFFFD800  }
0x93: {  	[tilespmem:s12], [sflag:$0x2] =	stream.linear.gather @!p0 [hbm4b:s17+s11], $0x80, $0x38;
	[tilespmem:$0x1E000] =	vst v63  }
0x94: {  	s12 =	simm.s32 @!p0 $0x380  }
0x95: {  	[tilespmem:s12], [sflag:$0x2] =	stream.linear.gather @!p0 [hbm4b:s25+s11], $0x80, $0x38;
	[tilespmem:$0x1E000] =	vst v63  }
0x96: {  	_ =	swait.ge [sflag:s31], $0x80  }
0x97: {  	[sflag:s31] =	ssyncset.done $0x0  }
0x98: {  	[sflag:s31] =	ssyncadd.s32 $0xFFFFFF80  }
0x99: {  	_ =	swait.ge [sflag:s31], $0x80  }
0x9a: {  	[sflag:s31] =	ssyncset.done $0x0  }
0x9b: {  	p0 =	seq.s32 s16, $0x4100;
	[sflag:s31] =	ssyncadd.s32 $0xFFFFFF80  }
0x9c: {  	[tilespmem:s8], [sflag:$0x1] =	stream.indirect.gather [hbm4b:s2+s3], $0x80, s29, s3, $0xb8;
	[tilespmem:$0x1E000] =	vst v63  }
0x9d: {  	s11 =	simm.s32 @p0 $0x1;
	s12 =	sadd.s32 @!p0 $0xFFFFFF00, s16;
	_ =	swait.ge [sflag:s9], $0x2800  }
0x9e: {  	s20 =	simm.s32 @p0 $0x50;
	s28 =	sadd.s32 @!p0 $0xFFFFFF80, s16;
	[sflag:s9] =	ssyncset.done $0x0  }
0x9f: {  	s10 =	simm.s32 @p0 $0x3;
	s21 =	sand.u32 @!p0 $0x300, s16;
	[sflag:s9] =	ssyncadd.s32 $0xFFFFD800  }
0xa0: {  	[spmem:s4] =	stream.indirect.scatter.add.f32 [tilespmem:s1], [sflag:$0x3], $0x80, s24, s3, $0xb8;
	[tilespmem:$0x1E000] =	vst v63  }
0xa1: {  	s22 =	simm.s32 @p0 $0x2C00;
	s15 =	sand.u32 @!p0 $0x7C00, s12;
	_ =	swait.ge [sflag:s23], $0x2800  }
0xa2: {  	s5 =	sand.u32 @!p0 $0x7C00, s28;
	s15 =	sadd.s32 @!p0 s7, s15;
	[sflag:s23] =	ssyncset.done $0x0  }
0xa3: {  	s16 =	sand.u32 @!p0 $0x7C00, s16;
	s12 =	sand.u32 @!p0 $0x200, s12;
	[sflag:s23] =	ssyncadd.s32 $0xFFFFD800  }
0xa4: {  	s16 =	sadd.s32 @!p0 s7, s16;
	s12 =	sor.u32 @!p0 s12, s15;
	s15 =	sand.u32 @!p0 $0x280, s28  }
0xa5: {  	s5 =	sadd.s32 @!p0 s7, s5;
	s12 =	sshrl.u32 @!p0 s12, $0x3;
	_ =	swait.ge @p0 [sflag:s11], $0x2800  }
0xa6: {  	s28 =	sadd.s32 @!p0 s0, s12;
	s12 =	sadd.s32 @!p0 s6, s12;
	[sflag:s11] =	ssyncset.done @p0 $0x0  }
0xa7: {  	s5 =	sor.u32 @!p0 s15, s5;
	[sflag:s11] =	ssyncadd.s32 @p0 $0xFFFFD800;
	s11 =	simm.s32 @p0 $0x280  }
0xa8: {  	[spmem:s4] =	stream.indirect.scatter.add.f32 @p0 [tilespmem:s22], [sflag:$0x3], $0x80, s11, s20, $0xb8;
	[tilespmem:$0x1E000] =	vst v63  }
0xa9: {  	s5 =	sshrl.u32 @!p0 s5, $0x3;
	s11 =	sor.u32 @!p0 s21, s16;
	_ =	swait.ge @p0 [sflag:s10], $0x2800  }
0xaa: {  	s16 =	smov.u32 s19;
	s20 =	sshrl.u32 @!p0 s11, $0x3;
	[sflag:s10] =	ssyncset.done @p0 $0x0  }
0xab: {  	s11 =	simm.s32 @!p0 $0x0;
	[sflag:s10] =	ssyncadd.s32 @p0 $0xFFFFD800;
	s10 =	simm.s32 @!p0 $0x200  }
0xac: {  	[tilespmem:s11], [sflag:$0x2] =	stream.linear.gather @!p0 [hbm4b:s28+s11], $0x80, $0x38;
	[tilespmem:$0x1E000] =	vst v63  }
0xad: {  	s19 =	simm.s32 @!p0 $0x2  }
0xae: {  	[tilespmem:s10], [sflag:$0x2] =	stream.linear.gather @!p0 [hbm4b:s12+s11], $0x80, $0x38;
	[tilespmem:$0x1E000] =	vst v63  }
0xaf: {  	_ =	swait.ge @!p0 [sflag:s19], $0x80  }
0xb0: {  	[sflag:s19] =	ssyncset.done @!p0 $0x0  }
0xb1: {  	[sflag:s19] =	ssyncadd.s32 @!p0 $0xFFFFFF80  }
0xb2: {  	_ =	swait.ge @!p0 [sflag:s19], $0x80  }
0xb3: {  	s10 =	simm.s32 @!p0 $0x400;
	[sflag:s19] =	ssyncset.done @!p0 $0x0  }
0xb4: {  	s28 =	simm.s32 @!p0 $0x50;
	s12 =	simm.s32 @!p0 $0x1;
	[sflag:s19] =	ssyncadd.s32 @!p0 $0xFFFFFF80  }
0xb5: {  	[tilespmem:s10], [sflag:$0x1] =	stream.indirect.gather @!p0 [hbm4b:s2+s28], $0x80, s11, s28, $0xb8;
	[tilespmem:$0x1E000] =	vst v63  }
0xb6: {  	_ =	swait.ge @!p0 [sflag:s12], $0x2800  }
0xb7: {  	s10 =	simm.s32 @!p0 $0x3;
	[sflag:s12] =	ssyncset.done @!p0 $0x0  }
0xb8: {  	s15 =	simm.s32 @!p0 $0x2C00;
	[sflag:s12] =	ssyncadd.s32 @!p0 $0xFFFFD800;
	s12 =	simm.s32 @!p0 $0x280  }
0xb9: {  	[spmem:s4] =	stream.indirect.scatter.add.f32 @!p0 [tilespmem:s15], [sflag:$0x3], $0x80, s12, s28, $0xb8;
	[tilespmem:$0x1E000] =	vst v63  }
0xba: {  	_ =	swait.ge @!p0 [sflag:s10], $0x2800  }
0xbb: {  	[sflag:s10] =	ssyncset.done @!p0 $0x0  }
0xbc: {  	s21 =	simm.s32 @!p0 $0x80;
	[sflag:s10] =	ssyncadd.s32 @!p0 $0xFFFFD800;
	s10 =	sadd.s32 @!p0 s0, s5  }
0xbd: {  	[tilespmem:s21], [sflag:$0x2] =	stream.linear.gather @!p0 [hbm4b:s10+s11], $0x80, $0x38;
	[tilespmem:$0x1E000] =	vst v63  }
0xbe: {  	s5 =	sadd.s32 @!p0 s6, s5  }
0xbf: {  	[tilespmem:s12], [sflag:$0x2] =	stream.linear.gather @!p0 [hbm4b:s5+s11], $0x80, $0x38;
	[tilespmem:$0x1E000] =	vst v63  }
0xc0: {  	_ =	swait.ge @!p0 [sflag:s19], $0x80  }
0xc1: {  	[sflag:s19] =	ssyncset.done @!p0 $0x0  }
0xc2: {  	[sflag:s19] =	ssyncadd.s32 @!p0 $0xFFFFFF80  }
0xc3: {  	_ =	swait.ge @!p0 [sflag:s19], $0x80  }
0xc4: {  	[sflag:s19] =	ssyncset.done @!p0 $0x0  }
0xc5: {  	[sflag:s19] =	ssyncadd.s32 @!p0 $0xFFFFFF80  }
0xc6: {  	[tilespmem:s15], [sflag:$0x1] =	stream.indirect.gather @!p0 [hbm4b:s2+s28], $0x80, s21, s28, $0xb8;
	[tilespmem:$0x1E000] =	vst v63  }
0xc7: {  	_ =	swait.ge [sflag:s9], $0x2800  }
0xc8: {  	[sflag:s9] =	ssyncset.done $0x0  }
0xc9: {  	[sflag:s9] =	ssyncadd.s32 $0xFFFFD800  }
0xca: {  	[spmem:s4] =	stream.indirect.scatter.add.f32 [tilespmem:s26], [sflag:$0x3], $0x80, s13, s3, $0xb8;
	[tilespmem:$0x1E000] =	vst v63  }
0xcb: {  	_ =	swait.ge [sflag:s23], $0x2800  }
0xcc: {  	[sflag:s23] =	ssyncset.done $0x0  }
0xcd: {  	s5 =	sadd.s32 @!p0 s0, s20;
	s12 =	simm.s32 @!p0 $0x100;
	[sflag:s23] =	ssyncadd.s32 $0xFFFFD800  }
0xce: {  	[tilespmem:s12], [sflag:$0x2] =	stream.linear.gather @!p0 [hbm4b:s5+s11], $0x80, $0x38;
	[tilespmem:$0x1E000] =	vst v63  }
0xcf: {  	s10 =	simm.s32 @!p0 $0x300;
	s5 =	sadd.s32 @!p0 s6, s20  }
0xd0: {  	[tilespmem:s10], [sflag:$0x2] =	stream.linear.gather @!p0 [hbm4b:s5+s11], $0x80, $0x38;
	[tilespmem:$0x1E000] =	vst v63  }
0xd1: {  	_ =	swait.ge @!p0 [sflag:s19], $0x80  }
.Ltmp0:
0xd2: {  	[sflag:s19] =	ssyncset.done @!p0 $0x0;
	(pc) =	sbr.rel @p1 .LBB2_2-.Ltmp0, $4  }
0xd3: {  	[sflag:s19] =	ssyncadd.s32 @!p0 $0xFFFFFF80  }
0xd4: {  	_ =	swait.ge @!p0 [sflag:s19], $0x80  }
0xd5: {  	s25 =	sadd.s32 $0x40, s25;
	[sflag:s19] =	ssyncset.done @!p0 $0x0  }
0xd6: {  	s17 =	sadd.s32 $0x40, s17;
	s11 =	simm.s32 @!p0 $0x5400;
	[sflag:s19] =	ssyncadd.s32 @!p0 $0xFFFFFF80  }
0xd7: {  	[tilespmem:s11], [sflag:$0x1] =	stream.indirect.gather @!p0 [hbm4b:s2+s28], $0x80, s12, s28, $0xb8;
	[tilespmem:$0x1E000] =	vst v63  }
0xd8: {  	_ =	swait.ge [sflag:s9], $0x2800  }
0xd9: {  	[sflag:s9] =	ssyncset.done $0x0  }
0xda: {  	[sflag:s9] =	ssyncadd.s32 $0xFFFFD800  }
0xdb: {  	[spmem:s4] =	stream.indirect.scatter.add.f32 [tilespmem:s8], [sflag:$0x3], $0x80, s30, s3, $0xb8;
	[tilespmem:$0x1E000] =	vst v63  }
0xdc: {  	_ =	swait.ge [sflag:s23], $0x2800  }
0xdd: {  	p0 =	seq.s32 s16, $0x300;
	[sflag:s23] =	ssyncset.done $0x0  }
0xde: {  	s5 =	simm.s32 @!p0 $0x0;
	s10 =	simm.s32 @!p0 $0x180;
	[sflag:s23] =	ssyncadd.s32 $0xFFFFD800  }
0xdf: {  	[tilespmem:s10], [sflag:$0x2] =	stream.linear.gather @!p0 [hbm4b:s17+s5], $0x80, $0x38;
	[tilespmem:$0x1E000] =	vst v63  }
0xe0: {  	s10 =	simm.s32 @!p0 $0x380  }
0xe1: {  	[tilespmem:s10], [sflag:$0x2] =	stream.linear.gather @!p0 [hbm4b:s25+s5], $0x80, $0x38;
	[tilespmem:$0x1E000] =	vst v63  }
0xe2: {  	_ =	swait.ge [sflag:s31], $0x80  }
0xe3: {  	[sflag:s31] =	ssyncset.done $0x0  }
0xe4: {  	[sflag:s31] =	ssyncadd.s32 $0xFFFFFF80  }
0xe5: {  	_ =	swait.ge [sflag:s31], $0x80  }
0xe6: {  	[sflag:s31] =	ssyncset.done $0x0  }
0xe7: {  	[sflag:s31] =	ssyncadd.s32 $0xFFFFFF80  }
0xe8: {  	[tilespmem:s8], [sflag:$0x1] =	stream.indirect.gather [hbm4b:s2+s3], $0x80, s29, s3, $0xb8;
	[tilespmem:$0x1E000] =	vst v63  }
0xe9: {  	_ =	swait.ge [sflag:s9], $0x2800  }
0xea: {  	[sflag:s9] =	ssyncset.done $0x0  }
0xeb: {  	[sflag:s9] =	ssyncadd.s32 $0xFFFFD800  }
0xec: {  	[spmem:s4] =	stream.indirect.scatter.add.f32 [tilespmem:s1], [sflag:$0x3], $0x80, s24, s3, $0xb8;
	[tilespmem:$0x1E000] =	vst v63  }
0xed: {  	p0 =	seq.s32 s16, $0x4100;
	_ =	swait.ge [sflag:s23], $0x2800  }
0xee: {  	s5 =	simm.s32 @p0 $0x1;
	[sflag:s23] =	ssyncset.done $0x0  }
0xef: {  	s10 =	sadd.s32 @!p0 $0xFFFFFF00, s16;
	s11 =	simm.s32 @p0 $0x50;
	[sflag:s23] =	ssyncadd.s32 $0xFFFFD800  }
0xf0: {  	s12 =	simm.s32 @p0 $0x3;
	s17 =	simm.s32 @p0 $0x2C00;
	_ =	swait.ge @p0 [sflag:s5], $0x2800  }
0xf1: {  	s15 =	sand.u32 @!p0 $0x7C00, s10;
	s10 =	sand.u32 @!p0 $0x200, s10;
	[sflag:s5] =	ssyncset.done @p0 $0x0  }
0xf2: {  	s15 =	sadd.s32 @!p0 s7, s15;
	[sflag:s5] =	ssyncadd.s32 @p0 $0xFFFFD800;
	s5 =	simm.s32 @p0 $0x280  }
0xf3: {  	[spmem:s4] =	stream.indirect.scatter.add.f32 @p0 [tilespmem:s17], [sflag:$0x3], $0x80, s5, s11, $0xb8;
	[tilespmem:$0x1E000] =	vst v63  }
0xf4: {  	s5 =	sor.u32 @!p0 s10, s15;
	_ =	swait.ge @p0 [sflag:s12], $0x2800  }
0xf5: {  	s5 =	sshrl.u32 @!p0 s5, $0x3;
	[sflag:s12] =	ssyncset.done @p0 $0x0  }
0xf6: {  	s10 =	sadd.s32 @!p0 s0, s5;
	[sflag:s12] =	ssyncadd.s32 @p0 $0xFFFFD800;
	s12 =	simm.s32 @!p0 $0x0  }
0xf7: {  	[tilespmem:s12], [sflag:$0x2] =	stream.linear.gather @!p0 [hbm4b:s10+s12], $0x80, $0x38;
	[tilespmem:$0x1E000] =	vst v63  }
0xf8: {  	s11 =	simm.s32 @!p0 $0x2;
	s5 =	sadd.s32 @!p0 s6, s5;
	s10 =	simm.s32 @!p0 $0x200  }
0xf9: {  	[tilespmem:s10], [sflag:$0x2] =	stream.linear.gather @!p0 [hbm4b:s5+s12], $0x80, $0x38;
	[tilespmem:$0x1E000] =	vst v63  }
0xfa: {  	_ =	swait.ge @!p0 [sflag:s11], $0x80  }
0xfb: {  	[sflag:s11] =	ssyncset.done @!p0 $0x0  }
0xfc: {  	[sflag:s11] =	ssyncadd.s32 @!p0 $0xFFFFFF80  }
0xfd: {  	_ =	swait.ge @!p0 [sflag:s11], $0x80  }
0xfe: {  	s18 =	simm.s32 @!p0 $0x3;
	s15 =	simm.s32 @!p0 $0x50;
	[sflag:s11] =	ssyncset.done @!p0 $0x0  }
0xff: {  	s17 =	simm.s32 @!p0 $0x1;
	s10 =	simm.s32 @!p0 $0x400;
	[sflag:s11] =	ssyncadd.s32 @!p0 $0xFFFFFF80  }
0x100: {  	[tilespmem:s10], [sflag:$0x1] =	stream.indirect.gather @!p0 [hbm4b:s2+s15], $0x80, s12, s15, $0xb8;
	[tilespmem:$0x1E000] =	vst v63  }
0x101: {  	s19 =	simm.s32 @!p0 $0x2C00;
	s5 =	sadd.s32 @!p0 $0xFFFFFF80, s16;
	_ =	swait.ge @!p0 [sflag:s17], $0x2800  }
0x102: {  	s10 =	sand.u32 @!p0 $0x7C00, s5;
	s5 =	sand.u32 @!p0 $0x280, s5;
	[sflag:s17] =	ssyncset.done @!p0 $0x0  }
0x103: {  	s10 =	sadd.s32 @!p0 s7, s10;
	[sflag:s17] =	ssyncadd.s32 @!p0 $0xFFFFD800;
	s17 =	simm.s32 @!p0 $0x280  }
0x104: {  	[spmem:s4] =	stream.indirect.scatter.add.f32 @!p0 [tilespmem:s19], [sflag:$0x3], $0x80, s17, s15, $0xb8;
	[tilespmem:$0x1E000] =	vst v63  }
0x105: {  	s5 =	sor.u32 @!p0 s5, s10;
	_ =	swait.ge @!p0 [sflag:s18], $0x2800  }
0x106: {  	s5 =	sshrl.u32 @!p0 s5, $0x3;
	[sflag:s18] =	ssyncset.done @!p0 $0x0  }
0x107: {  	s10 =	sadd.s32 @!p0 s0, s5;
	[sflag:s18] =	ssyncadd.s32 @!p0 $0xFFFFD800;
	s18 =	simm.s32 @!p0 $0x80  }
0x108: {  	[tilespmem:s18], [sflag:$0x2] =	stream.linear.gather @!p0 [hbm4b:s10+s12], $0x80, $0x38;
	[tilespmem:$0x1E000] =	vst v63  }
0x109: {  	s5 =	sadd.s32 @!p0 s6, s5  }
0x10a: {  	[tilespmem:s17], [sflag:$0x2] =	stream.linear.gather @!p0 [hbm4b:s5+s12], $0x80, $0x38;
	[tilespmem:$0x1E000] =	vst v63  }
0x10b: {  	_ =	swait.ge @!p0 [sflag:s11], $0x80  }
0x10c: {  	[sflag:s11] =	ssyncset.done @!p0 $0x0  }
0x10d: {  	[sflag:s11] =	ssyncadd.s32 @!p0 $0xFFFFFF80  }
0x10e: {  	_ =	swait.ge @!p0 [sflag:s11], $0x80  }
0x10f: {  	[sflag:s11] =	ssyncset.done @!p0 $0x0  }
0x110: {  	[sflag:s11] =	ssyncadd.s32 @!p0 $0xFFFFFF80  }
0x111: {  	[tilespmem:s19], [sflag:$0x1] =	stream.indirect.gather @!p0 [hbm4b:s2+s15], $0x80, s18, s15, $0xb8;
	[tilespmem:$0x1E000] =	vst v63  }
0x112: {  	_ =	swait.ge [sflag:s9], $0x2800  }
0x113: {  	s5 =	sand.u32 @!p0 $0x7C00, s16;
	[sflag:s9] =	ssyncset.done $0x0  }
0x114: {  	s10 =	sand.u32 @!p0 $0x300, s16;
	s5 =	sadd.s32 @!p0 s7, s5;
	[sflag:s9] =	ssyncadd.s32 $0xFFFFD800  }
0x115: {  	[spmem:s4] =	stream.indirect.scatter.add.f32 [tilespmem:s26], [sflag:$0x3], $0x80, s13, s3, $0xb8;
	[tilespmem:$0x1E000] =	vst v63  }
0x116: {  	s5 =	sor.u32 @!p0 s10, s5;
	_ =	swait.ge [sflag:s23], $0x2800  }
0x117: {  	s5 =	sshrl.u32 @!p0 s5, $0x3;
	[sflag:s23] =	ssyncset.done $0x0  }
0x118: {  	s16 =	simm.s32 @!p0 $0x100;
	s10 =	sadd.s32 @!p0 s0, s5;
	[sflag:s23] =	ssyncadd.s32 $0xFFFFD800  }
0x119: {  	[tilespmem:s16], [sflag:$0x2] =	stream.linear.gather @!p0 [hbm4b:s10+s12], $0x80, $0x38;
	[tilespmem:$0x1E000] =	vst v63  }
0x11a: {  	s5 =	sadd.s32 @!p0 s6, s5;
	s10 =	simm.s32 @!p0 $0x300  }
0x11b: {  	[tilespmem:s10], [sflag:$0x2] =	stream.linear.gather @!p0 [hbm4b:s5+s12], $0x80, $0x38;
	[tilespmem:$0x1E000] =	vst v63  }
0x11c: {  	_ =	swait.ge @!p0 [sflag:s11], $0x80  }
0x11d: {  	[sflag:s11] =	ssyncset.done @!p0 $0x0  }
0x11e: {  	[sflag:s11] =	ssyncadd.s32 @!p0 $0xFFFFFF80  }
0x11f: {  	_ =	swait.ge @!p0 [sflag:s11], $0x80  }
0x120: {  	[sflag:s11] =	ssyncset.done @!p0 $0x0  }
0x121: {  	s5 =	simm.s32 @!p0 $0x5400;
	[sflag:s11] =	ssyncadd.s32 @!p0 $0xFFFFFF80  }
0x122: {  	[tilespmem:s5], [sflag:$0x1] =	stream.indirect.gather @!p0 [hbm4b:s2+s15], $0x80, s16, s15, $0xb8;
	[tilespmem:$0x1E000] =	vst v63  }
0x123: {  	_ =	swait.ge [sflag:s9], $0x2800  }
0x124: {  	[sflag:s9] =	ssyncset.done $0x0  }
0x125: {  	[sflag:s9] =	ssyncadd.s32 $0xFFFFD800  }
0x126: {  	[spmem:s4] =	stream.indirect.scatter.add.f32 [tilespmem:s8], [sflag:$0x3], $0x80, s30, s3, $0xb8;
	[tilespmem:$0x1E000] =	vst v63  }
0x127: {  	_ =	swait.ge [sflag:s23], $0x2800  }
0x128: {  	[sflag:s23] =	ssyncset.done $0x0  }
0x129: {  	[sflag:s23] =	ssyncadd.s32 $0xFFFFD800  }
0x12a: {  	[bflag:$0x0] =	sbarrier.arrive $0xFFFF  }
0x12b: {  	s10 =	rddreg [dreg:$0x8]  }
0x12c: {  	s22 =	rddreg [dreg:$0x11]  }
0x12d: {  	s25 =	rddreg [dreg:$0x15]  }
0x12e: {  	[hbm:s22], [sflag:s10] =	dma.local [spmem:s25], $0x2780  }
0x12f: {  	_ =	swait.ge [sflag:s23], $0x2780  }
0x130: {  	s14 =	sadd.s32 $0x1, s14;
	s28 =	rddreg [dreg:$0x12]  }
0x131: {  	p0 =	sne.s32 s14, s28  }
.Ltmp1:
0x132: {  	_ = 	snop;
	(pc) =	sbr.rel @p0 .LBB2_1-.Ltmp1, $3  }
0x133: {  	_ =	sdelay $0x1  }
0x134: {  	[sflag:s23] =	ssyncset.done $0x0  }
0x135: {  	[sflag:s23] =	ssyncadd.s32 $0xFFFFD880  }
0x136: {  	_ =	sfence.sel $0x180000  }
0x137: {  	[bflag:$0x0] =	sbarrier.arrive $0xFFFF  }
0x138: {  	_ =	strace $0x9000004A  }
0x139: {  	s0 =	stileid.u32;
	[bflag:$0x2] =	sbarrier.arrive $0xFFFF  }
0x13a: {  	p0 =	sne.s32 s0, $0x0;
	s0 =	rddreg [dreg:$0x5]  }
0x13b: {  	s0 =	sadd.s32 @!p0 $0x100000, s0  }
0x13c: {  	[sflag:s0] =	ssyncadd.tile.s32 @!p0 $0x1;
	_ =	shalt  }
.Lfunc_end2:
_tile_overlayer_lowered:
.L_overlay_start_2:
0x13d: {  	(tag) =	ssettag $0x2  }
0x13e: {  	s0 =	rddreg [dreg:$0x0];
	s2 =	stileid.u32  }
0x13f: {  	s1 =	rddreg [dreg:$0x1];
	p0 =	sne.s32 s2, $0x0  }
0x140: {  	s3 =	rddreg [dreg:$0x2];
	[bflag:$0x3] =	sbarrier.arrive $0xFFFF;
	s2 =	simm.s32 @!p0 $0x1C03  }
0x141: {  	[timem:s3], [sflag:s2] =	dma.local @!p0 [hbm:s0], s1  }
0x142: {  	s0 =	simm.s32 @!p0 $0x3  }
0x143: {  	_ =	swait.ge @!p0 [sflag:s0], s1  }
0x144: {  	s1 =	ssub.s32 @!p0 $0x0, s1;
	[sflag:s0] =	ssyncset.done @!p0 $0x0  }
0x145: {  	[sflag:s0] =	ssyncadd.s32 @!p0 s1  }
0x146: {  	[bflag:$0x3] =	sbarrier.arrive $0xFFFF  }
0x147: {  	_ =	shalt  }

// kernel: kernel.16.cloned.1.call-start
scs
__scs_entry_jumppad:
0x0: {  	(pc) =	sbr.rel $0x88, $3  }
0x1: {  	(tag) =	ssettag $0x0;
	lr =	simm.s32 $0x1  }
0x2: {  	[smem:$0x3F94] =	sst lr;
	_ =	strace $0xD0000000  }
0x3: {  	_ = 	snop  }
0x4: {  	_ = 	snop  }
0x5: {  	_ = 	snop  }
0x6: {  	_ = 	snop  }
0x7: {  	_ = 	snop  }
__scs_overlays_trampoline_lowered:
0x8: {  	[smem:$0x3FA3] =	sst s0  }
0x9: {  	[smem:$0x3FA4] =	sst s1  }
0xa: {  	[smem:$0x3FA5] =	sst s2  }
0xb: {  	[smem:$0x3FA6] =	sst s3  }
0xc: {  	[smem:$0x3FA7] =	sst s4  }
0xd: {  	[smem:$0x3FA8] =	sst s5  }
0xe: {  	[smem:$0x3FA9] =	sst s6  }
0xf: {  	[smem:$0x3FAA] =	sst s7  }
0x10: {  	[smem:$0x3FAB] =	sst s8  }
0x11: {  	[smem:$0x3FAC] =	sst s9;
	s0 =	simm.s32 @!p0 $0x0  }
0x12: {  	s1 =	sld [smem:$0x3F92];
	s0 =	simm.s32 @p0 $0x1  }
0x13: {  	[smem:$0x3FAD] =	sst s0;
	s0 =	simm.s32 @!p1 $0x0  }
0x14: {  	s2 =	sld [smem:$0x3F91];
	s0 =	simm.s32 @p1 $0x1  }
0x15: {  	[smem:$0x3FAE] =	sst s0;
	s0 =	simm.s32 @!p2 $0x0  }
0x16: {  	s3 =	sld [smem:$0x3FDB];
	s0 =	simm.s32 @p2 $0x1  }
0x17: {  	s4 =	simm.s32 $0x1BF5;
	[smem:$0x3FB0] =	sst s0  }
0x18: {  	s0 =	sld [smem:$0x3F93];
	_ =	swait.ge [sflag:s4], $0x0  }
0x19: {  	s7 =	sld [smem:$0x3F94]  }
0x1a: {  	s8 =	sadd.s32 $0xFFFFE003, lr  }
0x1b: {  	s9 =	sadd.s32 $0xFFFFFEF7, lr;
	s5 =	simm.s32 $0xFFFFFFFF;
	p2 =	slt.u32 s8, $0xFFFFF086  }
0x1c: {  	p1 =	slt.u32 s9, $0xF7A;
	s5 =	simm.s32 @!p2 $0x0  }
0x1d: {  	s5 =	simm.s32 @p1 $0x1;
	p0 =	seq.s32 s7, s2  }
0x1e: {  	s7 =	smul.u32 @!p0 $0xF7A, s2;
	p2 =	seq.s32 @!p0 s5, $0x0  }
0x1f: {  	s9 =	smul.u32 $0xF7A, s1;
	s8 =	simm.s32 @!p0 $0x1BF5;
	p2 =	por !p2, p0  }
0x20: {  	[sflag:s8] =	ssyncset.s32 @!p0 $0xFFFFF086;
	s6 =	sadd.s32 @!p0 s3, s7;
	s7 =	simm.s32 @!p0 $0x108  }
0x21: {  	s3 =	sadd.s32 s3, s9;
	s6 =	sadd.s32 @!p0 $0x88, s6;
	s7 =	simm.s32 @p2 $0x1082  }
0x22: {  	[simem:s7], [sflag:s8] =	dma.local @!p0 [hbm:s6], $0xF7A  }
0x23: {  	s9 =	sor.u32 $0xD0000000, s2;
	s6 =	simm.s32 $0x108;
	_ =	swait.ge @!p0 [sflag:s8], $0x0  }
0x24: {  	s3 =	sadd.s32 $0x88, s3;
	s6 =	simm.s32 @!p1 $0x1082;
	[sflag:s4] =	ssyncset.s32 $0xFFFFF086  }
0x25: {  	[simem:s6], [sflag:s4] =	dma.local [hbm:s3], $0xF7A  }
0x26: {  	[smem:$0x3F94] =	sst s1;
	(tag) =	ssettag s2;
	_ =	strace s9  }
0x27: {  	s1 =	sld [smem:$0x3FA4]  }
0x28: {  	s2 =	sld [smem:$0x3FA5]  }
0x29: {  	s4 =	sld [smem:$0x3FA7]  }
0x2a: {  	p0 =	seq.s32 s5, $0x0;
	s5 =	sld [smem:$0x3FA8]  }
0x2b: {  	s6 =	sld [smem:$0x3FA9]  }
0x2c: {  	s7 =	sld [smem:$0x3FAA]  }
0x2d: {  	s3 =	simm.s32 $0x108;
	s8 =	sld [smem:$0x3FAB]  }
0x2e: {  	s3 =	simm.s32 @!p0 $0x1082;
	s9 =	sld [smem:$0x3FAC]  }
0x2f: {  	lr =	sadd.s32 s0, s3;
	s0 =	sld [smem:$0x3FA3]  }
0x30: {  	s3 =	sld [smem:$0x3FA6]  }
0x31: {  	[smem:$0x3FAF] =	sst s10  }
0x32: {  	s10 =	sld [smem:$0x3FAD];
	_ =	sdelay $0x3  }
0x33: {  	p0 =	seq.s32 s10, $0x1;
	s10 =	sld [smem:$0x3FAF];
	_ =	sdelay $0x3  }
0x34: {  	[smem:$0x3FAF] =	sst s10  }
0x35: {  	s10 =	sld [smem:$0x3FAE];
	_ =	sdelay $0x3  }
0x36: {  	p1 =	seq.s32 s10, $0x1;
	s10 =	sld [smem:$0x3FAF];
	_ =	sdelay $0x3  }
0x37: {  	[smem:$0x3FAF] =	sst s10  }
0x38: {  	s10 =	sld [smem:$0x3FB0]  }
0x39: {  	_ = 	snop;
	(pc) =	sbr.ind lr, $3  }
0x3a: {  	_ = 	snop  }
0x3b: {  	_ = 	snop  }
0x3c: {  	p2 =	seq.s32 s10, $0x1;
	s10 =	sld [smem:$0x3FAF]  }
0x3d: {  	_ =	shalt  }
0x3e: {  	_ =	shalt  }
0x3f: {  	_ =	shalt  }
0x40: {  	_ =	shalt  }
0x41: {  	_ =	shalt  }
0x42: {  	_ =	shalt  }
0x43: {  	_ =	shalt  }
0x44: {  	_ =	shalt  }
0x45: {  	_ =	shalt  }
0x46: {  	_ =	shalt  }
0x47: {  	_ =	shalt  }
0x48: {  	_ =	shalt  }
0x49: {  	_ =	shalt  }
0x4a: {  	_ =	shalt  }
0x4b: {  	_ =	shalt  }
0x4c: {  	_ =	shalt  }
0x4d: {  	_ =	shalt  }
0x4e: {  	_ =	shalt  }
0x4f: {  	_ =	shalt  }
0x50: {  	_ =	shalt  }
0x51: {  	_ =	shalt  }
0x52: {  	_ =	shalt  }
0x53: {  	_ =	shalt  }
0x54: {  	_ =	shalt  }
0x55: {  	_ =	shalt  }
0x56: {  	_ =	shalt  }
0x57: {  	_ =	shalt  }
0x58: {  	_ =	shalt  }
0x59: {  	_ =	shalt  }
0x5a: {  	_ =	shalt  }
0x5b: {  	_ =	shalt  }
0x5c: {  	_ =	shalt  }
0x5d: {  	_ =	shalt  }
0x5e: {  	_ =	shalt  }
0x5f: {  	_ =	shalt  }
0x60: {  	_ =	shalt  }
0x61: {  	_ =	shalt  }
0x62: {  	_ =	shalt  }
0x63: {  	_ =	shalt  }
0x64: {  	_ =	shalt  }
0x65: {  	_ =	shalt  }
0x66: {  	_ =	shalt  }
0x67: {  	_ =	shalt  }
0x68: {  	_ =	shalt  }
0x69: {  	_ =	shalt  }
0x6a: {  	_ =	shalt  }
0x6b: {  	_ =	shalt  }
0x6c: {  	_ =	shalt  }
0x6d: {  	_ =	shalt  }
0x6e: {  	_ =	shalt  }
0x6f: {  	_ =	shalt  }
0x70: {  	_ =	shalt  }
0x71: {  	_ =	shalt  }
0x72: {  	_ =	shalt  }
0x73: {  	_ =	shalt  }
0x74: {  	_ =	shalt  }
0x75: {  	_ =	shalt  }
0x76: {  	_ =	shalt  }
0x77: {  	_ =	shalt  }
0x78: {  	_ =	shalt  }
0x79: {  	_ =	shalt  }
0x7a: {  	_ =	shalt  }
0x7b: {  	_ =	shalt  }
0x7c: {  	_ =	shalt  }
0x7d: {  	_ =	shalt  }
0x7e: {  	_ =	shalt  }
0x7f: {  	_ =	shalt  }
0x80: {  	_ =	shalt  }
0x81: {  	_ =	shalt  }
0x82: {  	_ =	shalt  }
0x83: {  	_ =	shalt  }
0x84: {  	_ =	shalt  }
0x85: {  	_ =	shalt  }
0x86: {  	_ =	shalt  }
0x87: {  	_ =	shalt  }
.Lfunc_end0:
.L_simem_size_0:
called_computation.2_lowered:
.L_overlay_start_0:
0x88: {  	s2 =	sld [smem:$0x3FD9]  }
0x89: {  	s3 =	sld [smem:$0x3FFE];
	_ =	sdelay $0x1  }
0x8a: {  	s1 =	srdreg.scid  }
0x8b: {  	s0 =	sand.u32 $0x1, s1  }
0x8c: {  	s14 =	sshll.u32 s0, $0xA;
	s2 =	sadd.s32 s3, s2  }
0x8d: {  	s2 =	sadd.s32 s2, s14  }
0x8e: {  	[smem:$0x3FBB] =	sst s2  }
0x8f: {  	_ = 	snop  }
0x90: {  	s2 =	sld [smem:$0x3FD0];
	_ =	sdelay $0x2  }
0x91: {  	s15 =	simm.s32 $0xA;
	s4 =	simm.s32 $0x10  }
0x92: {  	[smem:s4], [sflag:s15] =	dma.local [hbm:s2], $0x1  }
0x93: {  	_ =	swait.eq [sflag:s15], $0x1  }
0x94: {  	s16 =	sld [smem:$0x11];
	[sflag:s15] =	ssyncset.done $0x0  }
0x95: {  	s17 =	sld [smem:$0x12];
	[sflag:s15] =	ssyncadd.s32 $0xFFFFFFFF  }
0x96: {  	s18 =	sld [smem:$0x13];
	(tm) =	ssettm $0x1  }
0x97: {  	s5 =	sld [smem:$0x3FFB];
	_ =	sdelay $0x3  }
0x98: {  	_ =	strace s5  }
0x99: {  	s5 =	sld [smem:$0x3FFC];
	_ =	sdelay $0x3  }
0x9a: {  	_ =	strace s5  }
0x9b: {  	s5 =	sld [smem:$0x3FFD];
	_ =	sdelay $0x3  }
0x9c: {  	_ =	strace s5  }
0x9d: {  	_ =	strace $0x8FFFFFFF  }
0x9e: {  	s19 =	sld [smem:$0x3FDB];
	_ =	sdelay $0x1  }
0x9f: {  	s6 =	simm.s32 $_scs_section_size  }
0xa0: {  	s7 =	simm.s32 $_size__tile_overlayer_lowered;
	s8 =	simm.s32 $_tile_overlayer_lowered  }
0xa1: {  	s22 =	simm.s32 $0x1BFF;
	s21 =	sshll.u32 s8, $0x1;
	s5 =	sadd.s32 s6, s19  }
0xa2: {  	s9 =	simm.s32 $0x0;
	s20 =	sshll.u32 s7, $0x1;
	s7 =	sadd.s32 s21, s5  }
0xa3: {  	[timem:s9], [sflag:s22] =	dma.local [hbm:s7], s20  }
0xa4: {  	_ =	swait.ge [sflag:s22], s20  }
0xa5: {  	s6 =	ssub.s32 $0x0, s20;
	[sflag:s22] =	ssyncset.done $0x0  }
0xa6: {  	[sflag:s22] =	ssyncadd.s32 s6;
	_ =	sdelay $0x1  }
0xa7: {  	s23 =	simm.s32 $0x1B8B  }
0xa8: {  	_ =	swait.ge [sflag:s23], $0x1  }
0xa9: {  	[sflag:s23] =	ssyncset.done $0x0  }
0xaa: {  	s25 =	simm.s32 $0x1B8E;
	s24 =	sld [smem:$0x3FFE];
	[sflag:s23] =	ssyncadd.s32 $0xFFFFFFFF  }
0xab: {  	s26 =	simm.s32 $execute0_lowered;
	[smem:$0x3FD2] =	sst s25  }
0xac: {  	s7 =	sshll.u32 s26, $0x1;
	_ =	strace $0x8000004C;
	[dreg:$0x1] =	wrdreg $0xFFFFFFFF  }
0xad: {  	s28 =	simm.s32 $_size_execute0_lowered;
	s5 =	sadd.s32 s5, s7;
	[dreg:$0x0] =	wrdreg $0x0  }
0xae: {  	s7 =	sshll.u32 s28, $0x1;
	[dreg:$0x2] =	wrdreg s5  }
0xaf: {  	[dreg:$0x3] =	wrdreg s7  }
0xb0: {  	[dreg:$0x4] =	wrdreg $0xC0  }
0xb1: {  	_ =	task [dreg:s9], $0x5FFFF  }
0xb2: {  	[dreg:$0x1] =	wrdreg $0xFFFFFFFF  }
0xb3: {  	[dreg:$0x0] =	wrdreg $0x60  }
0xb4: {  	[dreg:$0x2] =	wrdreg s16  }
0xb5: {  	[dreg:$0x3] =	wrdreg s24  }
0xb6: {  	[dreg:$0x4] =	wrdreg s18  }
0xb7: {  	[dreg:$0x5] =	wrdreg s17  }
0xb8: {  	[dreg:$0x6] =	wrdreg $0xA4000  }
0xb9: {  	[dreg:$0x7] =	wrdreg $0x9  }
0xba: {  	_ =	task.clear_ibuf [dreg:s9], $0x8FFFF;
	_ =	strace $0x9000004C  }
0xbb: {  	s29 =	simm.s32 $0x9;
	_ =	strace $0x8000004E  }
0xbc: {  	_ =	swait.ge [sflag:s29], $0x1  }
0xbd: {  	[sflag:s29] =	ssyncadd.s32 $0xFFFFFFFF  }
0xbe: {  	_ =	strace $0x9000004E  }
0xbf: {  	_ =	sfence  }
0xc0: {  	s30 =	sld [smem:$0x0];
	_ =	sdelay $0x2  }
0xc1: {  	s31 =	sshll.u32 s1, $0xD;
	s1 =	sshrl.u32 s1, $0x2  }
0xc2: {  	s3 =	sand.u32 $0x4000, s31;
	s1 =	sadd.s32 s1, s30  }
0xc3: {  	s0 =	sor.u32 s3, s0;
	s1 =	sshll.u32 s1, $0x11  }
0xc4: {  	s0 =	sor.u32 s1, s0  }
0xc5: {  	s0 =	sadd.s32 $0x8F2B, s0  }
0xc6: {  	[sflag:s0] =	ssyncadd.remote.s32 $0x1  }
0xc7: {  	_ =	sfence.sel $0xFFFF  }
0xc8: {  	[dreg:$0x0] =	wrdreg $0xFFFFFFFF;
	(pc) =	sbr.abs _section_cstart, $3  }
0xc9: {  	[dreg:$0x1] =	wrdreg $0xFFFFFFFF  }
0xca: {  	_ =	task.clear_ibuf [dreg:s9], $0x2FFFF;
	_ =	strace $0x9FFFFFFF  }
0xcb: {  	(tm) =	ssettm $0x7FFFFFFF  }
tec
execute0_lowered:
.L_overlay_start_1:
0x0: {  	(tag) =	ssettag $0x1  }
0x1: {  	s0 =	rddreg [dreg:$0x0]  }
0x2: {  	s1 =	rddreg [dreg:$0x1]  }
0x3: {  	s2 =	rddreg [dreg:$0x2]  }
0x4: {  	s3 =	rddreg [dreg:$0x3];
	s5 =	srdreg.scid  }
0x5: {  	s13 =	stileid.u32;
	s4 =	rddreg [dreg:$0x4];
	s28 =	simm.s32 $0x0  }
0x6: {  	s29 =	simm.s32 $0x180;
	s30 =	simm.s32 $0x380;
	s31 =	simm.s32 $0x2  }
0x7: {  	s7 =	sand.u32 $0x1, s5;
	s8 =	smul.u32 $0x2780, s13;
	[smem:$0x7FF] =	sst s28  }
0x8: {  	s10 =	smul.u32 $0x4F000, s13;
	s12 =	sshll.u32 s13, $0xF;
	s14 =	sshll.u32 s13, $0x6  }
0x9: {  	s9 =	smul.u32 $0x27800, s7;
	_ =	strace $0x8000004D;
	s5 =	ssub.s32 $0x2, s7  }
0xa: {  	s7 =	sshll.u32 s7, $0xE;
	s10 =	sshrl.u32 s10, $0x2;
	s3 =	sadd.s32 s3, s8  }
0xb: {  	s7 =	sor.u32 s7, s12;
	s12 =	sadd.s32 s10, s4;
	[dreg:$0x7] =	wrdreg s3  }
0xc: {  	s15 =	sshrl.u32 s7, $0x3;
	s10 =	sor.u32 $0x1C03, s14;
	[dreg:$0x6] =	wrdreg s12  }
0xd: {  	s6 =	sadd.s32 $0x5600, s1;
	s17 =	sadd.s32 s15, s0;
	[dreg:$0x8] =	wrdreg s10  }
0xe: {  	s16 =	sor.u32 $0x10, s15;
	s18 =	sadd.s32 s15, s6;
	[dreg:$0x9] =	wrdreg s17  }
0xf: {  	s11 =	sshrl.u32 s5, $0x1;
	s19 =	sadd.s32 s0, s16;
	[dreg:$0xa] =	wrdreg s18  }
0x10: {  	s20 =	sor.u32 $0x20, s15;
	s3 =	sadd.s32 s6, s16;
	[dreg:$0xb] =	wrdreg s19  }
0x11: {  	s21 =	sor.u32 $0x30, s15;
	s22 =	sadd.s32 s0, s20;
	[dreg:$0xc] =	wrdreg s3  }
0x12: {  	s9 =	sadd.s32 s8, s9;
	s23 =	sadd.s32 s0, s21;
	[dreg:$0xd] =	wrdreg s22  }
0x13: {  	s1 =	sadd.s32 s9, s1;
	s24 =	sadd.s32 s6, s21;
	[dreg:$0xf] =	wrdreg s23  }
0x14: {  	s9 =	ssub.s32 s5, s11;
	s1 =	sadd.s32 $0x15600, s1;
	[dreg:$0x10] =	wrdreg s24  }
0x15: {  	s13 =	simm.s32 $0x300;
	s25 =	smax.u32 s9, $0x1;
	[dreg:$0x11] =	wrdreg s1  }
0x16: {  	s8 =	simm.s32 $0x7C00;
	s26 =	sadd.s32 $0x30, s17;
	[dreg:$0x12] =	wrdreg s25  }
0x17: {  	s14 =	simm.s32 $0x0;
	s28 =	sadd.s32 $0x30, s18;
	[dreg:$0x13] =	wrdreg s26  }
0x18: {  	s9 =	simm.s32 $0x1;
	s3 =	sadd.s32 s6, s20;
	[dreg:$0x14] =	wrdreg s28  }
0x19: {  	s23 =	simm.s32 $0x3;
	s24 =	simm.s32 $0x200;
	s1 =	simm.s32 $0x400  }
0x1a: {  	s26 =	simm.s32 $0x5400;
	[dreg:$0xe] =	wrdreg s3;
	s3 =	simm.s32 $0x50  }
.LBB2_1:
0x1b: {  	s5 =	rddreg [dreg:$0x6]  }
0x1c: {  	s22 =	rddreg [dreg:$0x7];
	s11 =	sshrl.u32 s5, $0x3  }
0x1d: {  	[dreg:$0x15] =	wrdreg s11  }
0x1e: {  	[spmem:s11], [sflag:s10] =	dma.local [hbm:s22], $0x2780  }
0x1f: {  	_ =	swait.ge [sflag:s23], $0x2780  }
0x20: {  	[sflag:s23] =	ssyncset.done $0x0  }
0x21: {  	s25 =	simm.s32 $0x0;
	s11 =	rddreg [dreg:$0x9];
	[sflag:s23] =	ssyncadd.s32 $0xFFFFD880  }
0x22: {  	[tilespmem:s25], [sflag:$0x2] =	stream.linear.gather [hbm4b:s11+s25], $0x80, $0x38;
	[tilespmem:$0x1E000] =	vst v63  }
0x23: {  	s12 =	rddreg [dreg:$0xa]  }
0x24: {  	[tilespmem:s24], [sflag:$0x2] =	stream.linear.gather [hbm4b:s12+s25], $0x80, $0x38;
	[tilespmem:$0x1E000] =	vst v63  }
0x25: {  	s16 =	simm.s32 $0x80;
	s15 =	rddreg [dreg:$0xb]  }
0x26: {  	[tilespmem:s16], [sflag:$0x2] =	stream.linear.gather [hbm4b:s15+s25], $0x80, $0x38;
	[tilespmem:$0x1E000] =	vst v63  }
0x27: {  	s17 =	rddreg [dreg:$0xc];
	s12 =	simm.s32 $0x280  }
0x28: {  	[tilespmem:s12], [sflag:$0x2] =	stream.linear.gather [hbm4b:s17+s25], $0x80, $0x38;
	[tilespmem:$0x1E000] =	vst v63  }
0x29: {  	s19 =	simm.s32 $0x100;
	s18 =	rddreg [dreg:$0xd]  }
0x2a: {  	[tilespmem:s19], [sflag:$0x2] =	stream.linear.gather [hbm4b:s18+s25], $0x80, $0x38;
	[tilespmem:$0x1E000] =	vst v63  }
0x2b: {  	s20 =	rddreg [dreg:$0xe]  }
0x2c: {  	[tilespmem:s13], [sflag:$0x2] =	stream.linear.gather [hbm4b:s20+s25], $0x80, $0x38;
	[tilespmem:$0x1E000] =	vst v63  }
0x2d: {  	s21 =	rddreg [dreg:$0xf]  }
0x2e: {  	[tilespmem:s29], [sflag:$0x2] =	stream.linear.gather [hbm4b:s21+s25], $0x80, $0x38;
	[tilespmem:$0x1E000] =	vst v63  }
0x2f: {  	s22 =	rddreg [dreg:$0x10]  }
0x30: {  	[tilespmem:s30], [sflag:$0x2] =	stream.linear.gather [hbm4b:s22+s25], $0x80, $0x38;
	[tilespmem:$0x1E000] =	vst v63  }
0x31: {  	_ =	swait.ge [sflag:s31], $0x80  }
0x32: {  	[sflag:s31] =	ssyncset.done $0x0  }
0x33: {  	[sflag:s31] =	ssyncadd.s32 $0xFFFFFF80  }
0x34: {  	_ =	swait.ge [sflag:s31], $0x80  }
0x35: {  	[sflag:s31] =	ssyncset.done $0x0  }
0x36: {  	[sflag:s31] =	ssyncadd.s32 $0xFFFFFF80  }
0x37: {  	[tilespmem:s1], [sflag:$0x1] =	stream.indirect.gather [hbm4b:s2+s3], $0x80, s25, s3, $0xb8;
	[tilespmem:$0x1E000] =	vst v63  }
0x38: {  	_ =	swait.ge [sflag:s31], $0x80  }
0x39: {  	[sflag:s31] =	ssyncset.done $0x0  }
0x3a: {  	[sflag:s31] =	ssyncadd.s32 $0xFFFFFF80  }
0x3b: {  	_ =	swait.ge [sflag:s31], $0x80  }
0x3c: {  	[sflag:s31] =	ssyncset.done $0x0  }
0x3d: {  	s25 =	simm.s32 $0x2C00;
	[sflag:s31] =	ssyncadd.s32 $0xFFFFFF80  }
0x3e: {  	[tilespmem:s25], [sflag:$0x1] =	stream.indirect.gather [hbm4b:s2+s3], $0x80, s16, s3, $0xb8;
	[tilespmem:$0x1E000] =	vst v63  }
0x3f: {  	_ =	swait.ge [sflag:s31], $0x80  }
0x40: {  	[sflag:s31] =	ssyncset.done $0x0  }
0x41: {  	[sflag:s31] =	ssyncadd.s32 $0xFFFFFF80  }
0x42: {  	_ =	swait.ge [sflag:s31], $0x80  }
0x43: {  	[sflag:s31] =	ssyncset.done $0x0  }
0x44: {  	[sflag:s31] =	ssyncadd.s32 $0xFFFFFF80  }
0x45: {  	[tilespmem:s26], [sflag:$0x1] =	stream.indirect.gather [hbm4b:s2+s3], $0x80, s19, s3, $0xb8;
	[tilespmem:$0x1E000] =	vst v63  }
0x46: {  	p0 =	por $0x1, $0x1;
	[bflag:$0x0] =	sbarrier.arrive $0xFFFF  }
0x47: {  	s11 =	simm.s32 @!p0 $0x0;
	s12 =	simm.s32 @!p0 $0x180;
	s5 =	rddreg [dreg:$0x13]  }
0x48: {  	[tilespmem:s12], [sflag:$0x2] =	stream.linear.gather @!p0 [hbm4b:s5+s11], $0x80, $0x38;
	[tilespmem:$0x1E000] =	vst v63  }
0x49: {  	s10 =	rddreg [dreg:$0x14];
	s12 =	simm.s32 @!p0 $0x380  }
0x4a: {  	[tilespmem:s12], [sflag:$0x2] =	stream.linear.gather @!p0 [hbm4b:s10+s11], $0x80, $0x38;
	[tilespmem:$0x1E000] =	vst v63  }
0x4b: {  	_ =	swait.ge [sflag:s31], $0x80  }
0x4c: {  	[sflag:s31] =	ssyncset.done $0x0  }
0x4d: {  	[sflag:s31] =	ssyncadd.s32 $0xFFFFFF80  }
0x4e: {  	_ =	swait.ge [sflag:s31], $0x80  }
0x4f: {  	[sflag:s31] =	ssyncset.done $0x0  }
0x50: {  	[sflag:s31] =	ssyncadd.s32 $0xFFFFFF80  }
0x51: {  	[tilespmem:s8], [sflag:$0x1] =	stream.indirect.gather [hbm4b:s2+s3], $0x80, s29, s3, $0xb8;
	[tilespmem:$0x1E000] =	vst v63  }
0x52: {  	_ =	swait.ge [sflag:s9], $0x2800  }
0x53: {  	[sflag:s9] =	ssyncset.done $0x0  }
0x54: {  	[sflag:s9] =	ssyncadd.s32 $0xFFFFD800  }
0x55: {  	[spmem:s4] =	stream.indirect.scatter.add.f32 [tilespmem:s1], [sflag:$0x3], $0x80, s24, s3, $0xb8;
	[tilespmem:$0x1E000] =	vst v63  }
0x56: {  	p0 =	por $0x0, $0x0;
	_ =	swait.ge [sflag:s23], $0x2800  }
0x57: {  	s11 =	simm.s32 @p0 $0x1;
	[sflag:s23] =	ssyncset.done $0x0  }
0x58: {  	s12 =	simm.s32 @!p0 $0x200;
	s16 =	simm.s32 @p0 $0x50;
	[sflag:s23] =	ssyncadd.s32 $0xFFFFD800  }
0x59: {  	s17 =	simm.s32 @p0 $0x3;
	s19 =	simm.s32 @p0 $0x2C00;
	_ =	swait.ge @p0 [sflag:s11], $0x2800  }
0x5a: {  	s18 =	sand.u32 @!p0 $0x7C00, s12;
	s12 =	sand.u32 @!p0 $0x200, s12;
	[sflag:s11] =	ssyncset.done @p0 $0x0  }
0x5b: {  	s18 =	sadd.s32 @!p0 s7, s18;
	[sflag:s11] =	ssyncadd.s32 @p0 $0xFFFFD800;
	s11 =	simm.s32 @p0 $0x280  }
0x5c: {  	[spmem:s4] =	stream.indirect.scatter.add.f32 @p0 [tilespmem:s19], [sflag:$0x3], $0x80, s11, s16, $0xb8;
	[tilespmem:$0x1E000] =	vst v63  }
0x5d: {  	s11 =	sor.u32 @!p0 s12, s18;
	_ =	swait.ge @p0 [sflag:s17], $0x2800  }
0x5e: {  	s11 =	sshrl.u32 @!p0 s11, $0x3;
	[sflag:s17] =	ssyncset.done @p0 $0x0  }
0x5f: {  	s16 =	simm.s32 @!p0 $0x0;
	s12 =	sadd.s32 @!p0 s0, s11;
	[sflag:s17] =	ssyncadd.s32 @p0 $0xFFFFD800  }
0x60: {  	[tilespmem:s16], [sflag:$0x2] =	stream.linear.gather @!p0 [hbm4b:s12+s16], $0x80, $0x38;
	[tilespmem:$0x1E000] =	vst v63  }
0x61: {  	s17 =	simm.s32 @!p0 $0x200;
	s12 =	sadd.s32 @!p0 s6, s11;
	s11 =	simm.s32 @!p0 $0x2  }
0x62: {  	[tilespmem:s17], [sflag:$0x2] =	stream.linear.gather @!p0 [hbm4b:s12+s16], $0x80, $0x38;
	[tilespmem:$0x1E000] =	vst v63  }
0x63: {  	_ =	swait.ge @!p0 [sflag:s11], $0x80  }
0x64: {  	[sflag:s11] =	ssyncset.done @!p0 $0x0  }
0x65: {  	[sflag:s11] =	ssyncadd.s32 @!p0 $0xFFFFFF80  }
0x66: {  	_ =	swait.ge @!p0 [sflag:s11], $0x80  }
0x67: {  	s28 =	simm.s32 @!p0 $0x50;
	s20 =	simm.s32 @!p0 $0x2C00;
	[sflag:s11] =	ssyncset.done @!p0 $0x0  }
0x68: {  	s18 =	simm.s32 @!p0 $0x1;
	s17 =	simm.s32 @!p0 $0x400;
	[sflag:s11] =	ssyncadd.s32 @!p0 $0xFFFFFF80  }
0x69: {  	[tilespmem:s17], [sflag:$0x1] =	stream.indirect.gather @!p0 [hbm4b:s2+s28], $0x80, s16, s28, $0xb8;
	[tilespmem:$0x1E000] =	vst v63  }
0x6a: {  	s19 =	simm.s32 @!p0 $0x3;
	s12 =	simm.s32 @!p0 $0x280;
	_ =	swait.ge @!p0 [sflag:s18], $0x2800  }
0x6b: {  	s17 =	sand.u32 @!p0 $0x7C00, s12;
	s12 =	sand.u32 @!p0 $0x280, s12;
	[sflag:s18] =	ssyncset.done @!p0 $0x0  }
0x6c: {  	s17 =	sadd.s32 @!p0 s7, s17;
	[sflag:s18] =	ssyncadd.s32 @!p0 $0xFFFFD800;
	s18 =	simm.s32 @!p0 $0x280  }
0x6d: {  	[spmem:s4] =	stream.indirect.scatter.add.f32 @!p0 [tilespmem:s20], [sflag:$0x3], $0x80, s18, s28, $0xb8;
	[tilespmem:$0x1E000] =	vst v63  }
0x6e: {  	s12 =	sor.u32 @!p0 s12, s17;
	_ =	swait.ge @!p0 [sflag:s19], $0x2800  }
0x6f: {  	s12 =	sshrl.u32 @!p0 s12, $0x3;
	[sflag:s19] =	ssyncset.done @!p0 $0x0  }
0x70: {  	s17 =	sadd.s32 @!p0 s0, s12;
	[sflag:s19] =	ssyncadd.s32 @!p0 $0xFFFFD800;
	s19 =	simm.s32 @!p0 $0x80  }
0x71: {  	[tilespmem:s19], [sflag:$0x2] =	stream.linear.gather @!p0 [hbm4b:s17+s16], $0x80, $0x38;
	[tilespmem:$0x1E000] =	vst v63  }
0x72: {  	s12 =	sadd.s32 @!p0 s6, s12  }
0x73: {  	[tilespmem:s18], [sflag:$0x2] =	stream.linear.gather @!p0 [hbm4b:s12+s16], $0x80, $0x38;
	[tilespmem:$0x1E000] =	vst v63  }
0x74: {  	_ =	swait.ge @!p0 [sflag:s11], $0x80  }
0x75: {  	[sflag:s11] =	ssyncset.done @!p0 $0x0  }
0x76: {  	[sflag:s11] =	ssyncadd.s32 @!p0 $0xFFFFFF80  }
0x77: {  	_ =	swait.ge @!p0 [sflag:s11], $0x80  }
0x78: {  	[sflag:s11] =	ssyncset.done @!p0 $0x0  }
0x79: {  	[sflag:s11] =	ssyncadd.s32 @!p0 $0xFFFFFF80  }
0x7a: {  	[tilespmem:s20], [sflag:$0x1] =	stream.indirect.gather @!p0 [hbm4b:s2+s28], $0x80, s19, s28, $0xb8;
	[tilespmem:$0x1E000] =	vst v63  }
0x7b: {  	_ =	swait.ge [sflag:s9], $0x2800  }
0x7c: {  	s12 =	sand.u32 @!p0 $0x7C00, s13;
	[sflag:s9] =	ssyncset.done $0x0  }
0x7d: {  	s17 =	sand.u32 @!p0 $0x300, s13;
	s12 =	sadd.s32 @!p0 s7, s12;
	[sflag:s9] =	ssyncadd.s32 $0xFFFFD800  }
0x7e: {  	[spmem:s4] =	stream.indirect.scatter.add.f32 [tilespmem:s26], [sflag:$0x3], $0x80, s13, s3, $0xb8;
	[tilespmem:$0x1E000] =	vst v63  }
0x7f: {  	s12 =	sor.u32 @!p0 s17, s12;
	_ =	swait.ge [sflag:s23], $0x2800  }
0x80: {  	s17 =	sshrl.u32 @!p0 s12, $0x3;
	[sflag:s23] =	ssyncset.done $0x0  }
0x81: {  	s12 =	simm.s32 @!p0 $0x100;
	s18 =	sadd.s32 @!p0 s0, s17;
	[sflag:s23] =	ssyncadd.s32 $0xFFFFD800  }
0x82: {  	[tilespmem:s12], [sflag:$0x2] =	stream.linear.gather @!p0 [hbm4b:s18+s16], $0x80, $0x38;
	[tilespmem:$0x1E000] =	vst v63  }
0x83: {  	s17 =	sadd.s32 @!p0 s6, s17;
	s18 =	simm.s32 @!p0 $0x300  }
0x84: {  	[tilespmem:s18], [sflag:$0x2] =	stream.linear.gather @!p0 [hbm4b:s17+s16], $0x80, $0x38;
	[tilespmem:$0x1E000] =	vst v63  }
0x85: {  	_ =	swait.ge @!p0 [sflag:s11], $0x80  }
0x86: {  	[sflag:s11] =	ssyncset.done @!p0 $0x0  }
0x87: {  	[sflag:s11] =	ssyncadd.s32 @!p0 $0xFFFFFF80  }
0x88: {  	s25 =	sadd.s32 $0x40, s10;
	_ =	swait.ge @!p0 [sflag:s11], $0x80  }
0x89: {  	s16 =	simm.s32 $0x500;
	s18 =	simm.s32 $0x700;
	[sflag:s11] =	ssyncset.done @!p0 $0x0  }
0x8a: {  	s17 =	sadd.s32 $0x40, s5;
	[sflag:s11] =	ssyncadd.s32 @!p0 $0xFFFFFF80;
	s11 =	simm.s32 @!p0 $0x5400  }
.LBB2_2:
0x8b: {  	[tilespmem:s11], [sflag:$0x1] =	stream.indirect.gather @!p0 [hbm4b:s2+s28], $0x80, s12, s28, $0xb8;
	[tilespmem:$0x1E000] =	vst v63  }
0x8c: {  	s19 =	smov.u32 s18;
	s18 =	sadd.s32 $0x200, s18;
	_ =	swait.ge [sflag:s9], $0x2800  }
0x8d: {  	p1 =	sne.s32 s18, $0x4300;
	[sflag:s9] =	ssyncset.done $0x0  }
0x8e: {  	[sflag:s9] =	ssyncadd.s32 $0xFFFFD800  }
0x8f: {  	[spmem:s4] =	stream.indirect.scatter.add.f32 [tilespmem:s8], [sflag:$0x3], $0x80, s30, s3, $0xb8;
	[tilespmem:$0x1E000] =	vst v63  }
0x90: {  	_ =	swait.ge [sflag:s23], $0x2800  }
0x91: {  	p0 =	seq.s32 s16, $0x300;
	[sflag:s23] =	ssyncset.done $0x0  }
0x92: {  	s11 =	simm.s32 @!p0 $0x0;
	s12 =	simm.s32 @!p0 $0x180;
	[sflag:s23] =	ssyncadd.s32 $0xFFFFD800  }
0x93: {  	[tilespmem:s12], [sflag:$0x2] =	stream.linear.gather @!p0 [hbm4b:s17+s11], $0x80, $0x38;
	[tilespmem:$0x1E000] =	vst v63  }
0x94: {  	s12 =	simm.s32 @!p0 $0x380  }
0x95: {  	[tilespmem:s12], [sflag:$0x2] =	stream.linear.gather @!p0 [hbm4b:s25+s11], $0x80, $0x38;
	[tilespmem:$0x1E000] =	vst v63  }
0x96: {  	_ =	swait.ge [sflag:s31], $0x80  }
0x97: {  	[sflag:s31] =	ssyncset.done $0x0  }
0x98: {  	[sflag:s31] =	ssyncadd.s32 $0xFFFFFF80  }
0x99: {  	_ =	swait.ge [sflag:s31], $0x80  }
0x9a: {  	[sflag:s31] =	ssyncset.done $0x0  }
0x9b: {  	p0 =	seq.s32 s16, $0x4100;
	[sflag:s31] =	ssyncadd.s32 $0xFFFFFF80  }
0x9c: {  	[tilespmem:s8], [sflag:$0x1] =	stream.indirect.gather [hbm4b:s2+s3], $0x80, s29, s3, $0xb8;
	[tilespmem:$0x1E000] =	vst v63  }
0x9d: {  	s11 =	simm.s32 @p0 $0x1;
	s12 =	sadd.s32 @!p0 $0xFFFFFF00, s16;
	_ =	swait.ge [sflag:s9], $0x2800  }
0x9e: {  	s20 =	simm.s32 @p0 $0x50;
	s28 =	sadd.s32 @!p0 $0xFFFFFF80, s16;
	[sflag:s9] =	ssyncset.done $0x0  }
0x9f: {  	s10 =	simm.s32 @p0 $0x3;
	s21 =	sand.u32 @!p0 $0x300, s16;
	[sflag:s9] =	ssyncadd.s32 $0xFFFFD800  }
0xa0: {  	[spmem:s4] =	stream.indirect.scatter.add.f32 [tilespmem:s1], [sflag:$0x3], $0x80, s24, s3, $0xb8;
	[tilespmem:$0x1E000] =	vst v63  }
0xa1: {  	s22 =	simm.s32 @p0 $0x2C00;
	s15 =	sand.u32 @!p0 $0x7C00, s12;
	_ =	swait.ge [sflag:s23], $0x2800  }
0xa2: {  	s5 =	sand.u32 @!p0 $0x7C00, s28;
	s15 =	sadd.s32 @!p0 s7, s15;
	[sflag:s23] =	ssyncset.done $0x0  }
0xa3: {  	s16 =	sand.u32 @!p0 $0x7C00, s16;
	s12 =	sand.u32 @!p0 $0x200, s12;
	[sflag:s23] =	ssyncadd.s32 $0xFFFFD800  }
0xa4: {  	s16 =	sadd.s32 @!p0 s7, s16;
	s12 =	sor.u32 @!p0 s12, s15;
	s15 =	sand.u32 @!p0 $0x280, s28  }
0xa5: {  	s5 =	sadd.s32 @!p0 s7, s5;
	s12 =	sshrl.u32 @!p0 s12, $0x3;
	_ =	swait.ge @p0 [sflag:s11], $0x2800  }
0xa6: {  	s28 =	sadd.s32 @!p0 s0, s12;
	s12 =	sadd.s32 @!p0 s6, s12;
	[sflag:s11] =	ssyncset.done @p0 $0x0  }
0xa7: {  	s5 =	sor.u32 @!p0 s15, s5;
	[sflag:s11] =	ssyncadd.s32 @p0 $0xFFFFD800;
	s11 =	simm.s32 @p0 $0x280  }
0xa8: {  	[spmem:s4] =	stream.indirect.scatter.add.f32 @p0 [tilespmem:s22], [sflag:$0x3], $0x80, s11, s20, $0xb8;
	[tilespmem:$0x1E000] =	vst v63  }
0xa9: {  	s5 =	sshrl.u32 @!p0 s5, $0x3;
	s11 =	sor.u32 @!p0 s21, s16;
	_ =	swait.ge @p0 [sflag:s10], $0x2800  }
0xaa: {  	s16 =	smov.u32 s19;
	s20 =	sshrl.u32 @!p0 s11, $0x3;
	[sflag:s10] =	ssyncset.done @p0 $0x0  }
0xab: {  	s11 =	simm.s32 @!p0 $0x0;
	[sflag:s10] =	ssyncadd.s32 @p0 $0xFFFFD800;
	s10 =	simm.s32 @!p0 $0x200  }
0xac: {  	[tilespmem:s11], [sflag:$0x2] =	stream.linear.gather @!p0 [hbm4b:s28+s11], $0x80, $0x38;
	[tilespmem:$0x1E000] =	vst v63  }
0xad: {  	s19 =	simm.s32 @!p0 $0x2  }
0xae: {  	[tilespmem:s10], [sflag:$0x2] =	stream.linear.gather @!p0 [hbm4b:s12+s11], $0x80, $0x38;
	[tilespmem:$0x1E000] =	vst v63  }
0xaf: {  	_ =	swait.ge @!p0 [sflag:s19], $0x80  }
0xb0: {  	[sflag:s19] =	ssyncset.done @!p0 $0x0  }
0xb1: {  	[sflag:s19] =	ssyncadd.s32 @!p0 $0xFFFFFF80  }
0xb2: {  	_ =	swait.ge @!p0 [sflag:s19], $0x80  }
0xb3: {  	s10 =	simm.s32 @!p0 $0x400;
	[sflag:s19] =	ssyncset.done @!p0 $0x0  }
0xb4: {  	s28 =	simm.s32 @!p0 $0x50;
	s12 =	simm.s32 @!p0 $0x1;
	[sflag:s19] =	ssyncadd.s32 @!p0 $0xFFFFFF80  }
0xb5: {  	[tilespmem:s10], [sflag:$0x1] =	stream.indirect.gather @!p0 [hbm4b:s2+s28], $0x80, s11, s28, $0xb8;
	[tilespmem:$0x1E000] =	vst v63  }
0xb6: {  	_ =	swait.ge @!p0 [sflag:s12], $0x2800  }
0xb7: {  	s10 =	simm.s32 @!p0 $0x3;
	[sflag:s12] =	ssyncset.done @!p0 $0x0  }
0xb8: {  	s15 =	simm.s32 @!p0 $0x2C00;
	[sflag:s12] =	ssyncadd.s32 @!p0 $0xFFFFD800;
	s12 =	simm.s32 @!p0 $0x280  }
0xb9: {  	[spmem:s4] =	stream.indirect.scatter.add.f32 @!p0 [tilespmem:s15], [sflag:$0x3], $0x80, s12, s28, $0xb8;
	[tilespmem:$0x1E000] =	vst v63  }
0xba: {  	_ =	swait.ge @!p0 [sflag:s10], $0x2800  }
0xbb: {  	[sflag:s10] =	ssyncset.done @!p0 $0x0  }
0xbc: {  	s21 =	simm.s32 @!p0 $0x80;
	[sflag:s10] =	ssyncadd.s32 @!p0 $0xFFFFD800;
	s10 =	sadd.s32 @!p0 s0, s5  }
0xbd: {  	[tilespmem:s21], [sflag:$0x2] =	stream.linear.gather @!p0 [hbm4b:s10+s11], $0x80, $0x38;
	[tilespmem:$0x1E000] =	vst v63  }
0xbe: {  	s5 =	sadd.s32 @!p0 s6, s5  }
0xbf: {  	[tilespmem:s12], [sflag:$0x2] =	stream.linear.gather @!p0 [hbm4b:s5+s11], $0x80, $0x38;
	[tilespmem:$0x1E000] =	vst v63  }
0xc0: {  	_ =	swait.ge @!p0 [sflag:s19], $0x80  }
0xc1: {  	[sflag:s19] =	ssyncset.done @!p0 $0x0  }
0xc2: {  	[sflag:s19] =	ssyncadd.s32 @!p0 $0xFFFFFF80  }
0xc3: {  	_ =	swait.ge @!p0 [sflag:s19], $0x80  }
0xc4: {  	[sflag:s19] =	ssyncset.done @!p0 $0x0  }
0xc5: {  	[sflag:s19] =	ssyncadd.s32 @!p0 $0xFFFFFF80  }
0xc6: {  	[tilespmem:s15], [sflag:$0x1] =	stream.indirect.gather @!p0 [hbm4b:s2+s28], $0x80, s21, s28, $0xb8;
	[tilespmem:$0x1E000] =	vst v63  }
0xc7: {  	_ =	swait.ge [sflag:s9], $0x2800  }
0xc8: {  	[sflag:s9] =	ssyncset.done $0x0  }
0xc9: {  	[sflag:s9] =	ssyncadd.s32 $0xFFFFD800  }
0xca: {  	[spmem:s4] =	stream.indirect.scatter.add.f32 [tilespmem:s26], [sflag:$0x3], $0x80, s13, s3, $0xb8;
	[tilespmem:$0x1E000] =	vst v63  }
0xcb: {  	_ =	swait.ge [sflag:s23], $0x2800  }
0xcc: {  	[sflag:s23] =	ssyncset.done $0x0  }
0xcd: {  	s5 =	sadd.s32 @!p0 s0, s20;
	s12 =	simm.s32 @!p0 $0x100;
	[sflag:s23] =	ssyncadd.s32 $0xFFFFD800  }
0xce: {  	[tilespmem:s12], [sflag:$0x2] =	stream.linear.gather @!p0 [hbm4b:s5+s11], $0x80, $0x38;
	[tilespmem:$0x1E000] =	vst v63  }
0xcf: {  	s10 =	simm.s32 @!p0 $0x300;
	s5 =	sadd.s32 @!p0 s6, s20  }
0xd0: {  	[tilespmem:s10], [sflag:$0x2] =	stream.linear.gather @!p0 [hbm4b:s5+s11], $0x80, $0x38;
	[tilespmem:$0x1E000] =	vst v63  }
0xd1: {  	_ =	swait.ge @!p0 [sflag:s19], $0x80  }
.Ltmp0:
0xd2: {  	[sflag:s19] =	ssyncset.done @!p0 $0x0;
	(pc) =	sbr.rel @p1 .LBB2_2-.Ltmp0, $4  }
0xd3: {  	[sflag:s19] =	ssyncadd.s32 @!p0 $0xFFFFFF80  }
0xd4: {  	_ =	swait.ge @!p0 [sflag:s19], $0x80  }
0xd5: {  	s25 =	sadd.s32 $0x40, s25;
	[sflag:s19] =	ssyncset.done @!p0 $0x0  }
0xd6: {  	s17 =	sadd.s32 $0x40, s17;
	s11 =	simm.s32 @!p0 $0x5400;
	[sflag:s19] =	ssyncadd.s32 @!p0 $0xFFFFFF80  }
0xd7: {  	[tilespmem:s11], [sflag:$0x1] =	stream.indirect.gather @!p0 [hbm4b:s2+s28], $0x80, s12, s28, $0xb8;
	[tilespmem:$0x1E000] =	vst v63  }
0xd8: {  	_ =	swait.ge [sflag:s9], $0x2800  }
0xd9: {  	[sflag:s9] =	ssyncset.done $0x0  }
0xda: {  	[sflag:s9] =	ssyncadd.s32 $0xFFFFD800  }
0xdb: {  	[spmem:s4] =	stream.indirect.scatter.add.f32 [tilespmem:s8], [sflag:$0x3], $0x80, s30, s3, $0xb8;
	[tilespmem:$0x1E000] =	vst v63  }
0xdc: {  	_ =	swait.ge [sflag:s23], $0x2800  }
0xdd: {  	p0 =	seq.s32 s16, $0x300;
	[sflag:s23] =	ssyncset.done $0x0  }
0xde: {  	s5 =	simm.s32 @!p0 $0x0;
	s10 =	simm.s32 @!p0 $0x180;
	[sflag:s23] =	ssyncadd.s32 $0xFFFFD800  }
0xdf: {  	[tilespmem:s10], [sflag:$0x2] =	stream.linear.gather @!p0 [hbm4b:s17+s5], $0x80, $0x38;
	[tilespmem:$0x1E000] =	vst v63  }
0xe0: {  	s10 =	simm.s32 @!p0 $0x380  }
0xe1: {  	[tilespmem:s10], [sflag:$0x2] =	stream.linear.gather @!p0 [hbm4b:s25+s5], $0x80, $0x38;
	[tilespmem:$0x1E000] =	vst v63  }
0xe2: {  	_ =	swait.ge [sflag:s31], $0x80  }
0xe3: {  	[sflag:s31] =	ssyncset.done $0x0  }
0xe4: {  	[sflag:s31] =	ssyncadd.s32 $0xFFFFFF80  }
0xe5: {  	_ =	swait.ge [sflag:s31], $0x80  }
0xe6: {  	[sflag:s31] =	ssyncset.done $0x0  }
0xe7: {  	[sflag:s31] =	ssyncadd.s32 $0xFFFFFF80  }
0xe8: {  	[tilespmem:s8], [sflag:$0x1] =	stream.indirect.gather [hbm4b:s2+s3], $0x80, s29, s3, $0xb8;
	[tilespmem:$0x1E000] =	vst v63  }
0xe9: {  	_ =	swait.ge [sflag:s9], $0x2800  }
0xea: {  	[sflag:s9] =	ssyncset.done $0x0  }
0xeb: {  	[sflag:s9] =	ssyncadd.s32 $0xFFFFD800  }
0xec: {  	[spmem:s4] =	stream.indirect.scatter.add.f32 [tilespmem:s1], [sflag:$0x3], $0x80, s24, s3, $0xb8;
	[tilespmem:$0x1E000] =	vst v63  }
0xed: {  	p0 =	seq.s32 s16, $0x4100;
	_ =	swait.ge [sflag:s23], $0x2800  }
0xee: {  	s5 =	simm.s32 @p0 $0x1;
	[sflag:s23] =	ssyncset.done $0x0  }
0xef: {  	s10 =	sadd.s32 @!p0 $0xFFFFFF00, s16;
	s11 =	simm.s32 @p0 $0x50;
	[sflag:s23] =	ssyncadd.s32 $0xFFFFD800  }
0xf0: {  	s12 =	simm.s32 @p0 $0x3;
	s17 =	simm.s32 @p0 $0x2C00;
	_ =	swait.ge @p0 [sflag:s5], $0x2800  }
0xf1: {  	s15 =	sand.u32 @!p0 $0x7C00, s10;
	s10 =	sand.u32 @!p0 $0x200, s10;
	[sflag:s5] =	ssyncset.done @p0 $0x0  }
0xf2: {  	s15 =	sadd.s32 @!p0 s7, s15;
	[sflag:s5] =	ssyncadd.s32 @p0 $0xFFFFD800;
	s5 =	simm.s32 @p0 $0x280  }
0xf3: {  	[spmem:s4] =	stream.indirect.scatter.add.f32 @p0 [tilespmem:s17], [sflag:$0x3], $0x80, s5, s11, $0xb8;
	[tilespmem:$0x1E000] =	vst v63  }
0xf4: {  	s5 =	sor.u32 @!p0 s10, s15;
	_ =	swait.ge @p0 [sflag:s12], $0x2800  }
0xf5: {  	s5 =	sshrl.u32 @!p0 s5, $0x3;
	[sflag:s12] =	ssyncset.done @p0 $0x0  }
0xf6: {  	s10 =	sadd.s32 @!p0 s0, s5;
	[sflag:s12] =	ssyncadd.s32 @p0 $0xFFFFD800;
	s12 =	simm.s32 @!p0 $0x0  }
0xf7: {  	[tilespmem:s12], [sflag:$0x2] =	stream.linear.gather @!p0 [hbm4b:s10+s12], $0x80, $0x38;
	[tilespmem:$0x1E000] =	vst v63  }
0xf8: {  	s11 =	simm.s32 @!p0 $0x2;
	s5 =	sadd.s32 @!p0 s6, s5;
	s10 =	simm.s32 @!p0 $0x200  }
0xf9: {  	[tilespmem:s10], [sflag:$0x2] =	stream.linear.gather @!p0 [hbm4b:s5+s12], $0x80, $0x38;
	[tilespmem:$0x1E000] =	vst v63  }
0xfa: {  	_ =	swait.ge @!p0 [sflag:s11], $0x80  }
0xfb: {  	[sflag:s11] =	ssyncset.done @!p0 $0x0  }
0xfc: {  	[sflag:s11] =	ssyncadd.s32 @!p0 $0xFFFFFF80  }
0xfd: {  	_ =	swait.ge @!p0 [sflag:s11], $0x80  }
0xfe: {  	s18 =	simm.s32 @!p0 $0x3;
	s15 =	simm.s32 @!p0 $0x50;
	[sflag:s11] =	ssyncset.done @!p0 $0x0  }
0xff: {  	s17 =	simm.s32 @!p0 $0x1;
	s10 =	simm.s32 @!p0 $0x400;
	[sflag:s11] =	ssyncadd.s32 @!p0 $0xFFFFFF80  }
0x100: {  	[tilespmem:s10], [sflag:$0x1] =	stream.indirect.gather @!p0 [hbm4b:s2+s15], $0x80, s12, s15, $0xb8;
	[tilespmem:$0x1E000] =	vst v63  }
0x101: {  	s19 =	simm.s32 @!p0 $0x2C00;
	s5 =	sadd.s32 @!p0 $0xFFFFFF80, s16;
	_ =	swait.ge @!p0 [sflag:s17], $0x2800  }
0x102: {  	s10 =	sand.u32 @!p0 $0x7C00, s5;
	s5 =	sand.u32 @!p0 $0x280, s5;
	[sflag:s17] =	ssyncset.done @!p0 $0x0  }
0x103: {  	s10 =	sadd.s32 @!p0 s7, s10;
	[sflag:s17] =	ssyncadd.s32 @!p0 $0xFFFFD800;
	s17 =	simm.s32 @!p0 $0x280  }
0x104: {  	[spmem:s4] =	stream.indirect.scatter.add.f32 @!p0 [tilespmem:s19], [sflag:$0x3], $0x80, s17, s15, $0xb8;
	[tilespmem:$0x1E000] =	vst v63  }
0x105: {  	s5 =	sor.u32 @!p0 s5, s10;
	_ =	swait.ge @!p0 [sflag:s18], $0x2800  }
0x106: {  	s5 =	sshrl.u32 @!p0 s5, $0x3;
	[sflag:s18] =	ssyncset.done @!p0 $0x0  }
0x107: {  	s10 =	sadd.s32 @!p0 s0, s5;
	[sflag:s18] =	ssyncadd.s32 @!p0 $0xFFFFD800;
	s18 =	simm.s32 @!p0 $0x80  }
0x108: {  	[tilespmem:s18], [sflag:$0x2] =	stream.linear.gather @!p0 [hbm4b:s10+s12], $0x80, $0x38;
	[tilespmem:$0x1E000] =	vst v63  }
0x109: {  	s5 =	sadd.s32 @!p0 s6, s5  }
0x10a: {  	[tilespmem:s17], [sflag:$0x2] =	stream.linear.gather @!p0 [hbm4b:s5+s12], $0x80, $0x38;
	[tilespmem:$0x1E000] =	vst v63  }
0x10b: {  	_ =	swait.ge @!p0 [sflag:s11], $0x80  }
0x10c: {  	[sflag:s11] =	ssyncset.done @!p0 $0x0  }
0x10d: {  	[sflag:s11] =	ssyncadd.s32 @!p0 $0xFFFFFF80  }
0x10e: {  	_ =	swait.ge @!p0 [sflag:s11], $0x80  }
0x10f: {  	[sflag:s11] =	ssyncset.done @!p0 $0x0  }
0x110: {  	[sflag:s11] =	ssyncadd.s32 @!p0 $0xFFFFFF80  }
0x111: {  	[tilespmem:s19], [sflag:$0x1] =	stream.indirect.gather @!p0 [hbm4b:s2+s15], $0x80, s18, s15, $0xb8;
	[tilespmem:$0x1E000] =	vst v63  }
0x112: {  	_ =	swait.ge [sflag:s9], $0x2800  }
0x113: {  	s5 =	sand.u32 @!p0 $0x7C00, s16;
	[sflag:s9] =	ssyncset.done $0x0  }
0x114: {  	s10 =	sand.u32 @!p0 $0x300, s16;
	s5 =	sadd.s32 @!p0 s7, s5;
	[sflag:s9] =	ssyncadd.s32 $0xFFFFD800  }
0x115: {  	[spmem:s4] =	stream.indirect.scatter.add.f32 [tilespmem:s26], [sflag:$0x3], $0x80, s13, s3, $0xb8;
	[tilespmem:$0x1E000] =	vst v63  }
0x116: {  	s5 =	sor.u32 @!p0 s10, s5;
	_ =	swait.ge [sflag:s23], $0x2800  }
0x117: {  	s5 =	sshrl.u32 @!p0 s5, $0x3;
	[sflag:s23] =	ssyncset.done $0x0  }
0x118: {  	s16 =	simm.s32 @!p0 $0x100;
	s10 =	sadd.s32 @!p0 s0, s5;
	[sflag:s23] =	ssyncadd.s32 $0xFFFFD800  }
0x119: {  	[tilespmem:s16], [sflag:$0x2] =	stream.linear.gather @!p0 [hbm4b:s10+s12], $0x80, $0x38;
	[tilespmem:$0x1E000] =	vst v63  }
0x11a: {  	s5 =	sadd.s32 @!p0 s6, s5;
	s10 =	simm.s32 @!p0 $0x300  }
0x11b: {  	[tilespmem:s10], [sflag:$0x2] =	stream.linear.gather @!p0 [hbm4b:s5+s12], $0x80, $0x38;
	[tilespmem:$0x1E000] =	vst v63  }
0x11c: {  	_ =	swait.ge @!p0 [sflag:s11], $0x80  }
0x11d: {  	[sflag:s11] =	ssyncset.done @!p0 $0x0  }
0x11e: {  	[sflag:s11] =	ssyncadd.s32 @!p0 $0xFFFFFF80  }
0x11f: {  	_ =	swait.ge @!p0 [sflag:s11], $0x80  }
0x120: {  	[sflag:s11] =	ssyncset.done @!p0 $0x0  }
0x121: {  	s5 =	simm.s32 @!p0 $0x5400;
	[sflag:s11] =	ssyncadd.s32 @!p0 $0xFFFFFF80  }
0x122: {  	[tilespmem:s5], [sflag:$0x1] =	stream.indirect.gather @!p0 [hbm4b:s2+s15], $0x80, s16, s15, $0xb8;
	[tilespmem:$0x1E000] =	vst v63  }
0x123: {  	_ =	swait.ge [sflag:s9], $0x2800  }
0x124: {  	[sflag:s9] =	ssyncset.done $0x0  }
0x125: {  	[sflag:s9] =	ssyncadd.s32 $0xFFFFD800  }
0x126: {  	[spmem:s4] =	stream.indirect.scatter.add.f32 [tilespmem:s8], [sflag:$0x3], $0x80, s30, s3, $0xb8;
	[tilespmem:$0x1E000] =	vst v63  }
0x127: {  	_ =	swait.ge [sflag:s23], $0x2800  }
0x128: {  	[sflag:s23] =	ssyncset.done $0x0  }
0x129: {  	[sflag:s23] =	ssyncadd.s32 $0xFFFFD800  }
0x12a: {  	[bflag:$0x0] =	sbarrier.arrive $0xFFFF  }
0x12b: {  	s10 =	rddreg [dreg:$0x8]  }
0x12c: {  	s22 =	rddreg [dreg:$0x11]  }
0x12d: {  	s25 =	rddreg [dreg:$0x15]  }
0x12e: {  	[hbm:s22], [sflag:s10] =	dma.local [spmem:s25], $0x2780  }
0x12f: {  	_ =	swait.ge [sflag:s23], $0x2780  }
0x130: {  	s14 =	sadd.s32 $0x1, s14;
	s28 =	rddreg [dreg:$0x12]  }
0x131: {  	p0 =	sne.s32 s14, s28  }
.Ltmp1:
0x132: {  	_ = 	snop;
	(pc) =	sbr.rel @p0 .LBB2_1-.Ltmp1, $3  }
0x133: {  	_ =	sdelay $0x1  }
0x134: {  	[sflag:s23] =	ssyncset.done $0x0  }
0x135: {  	[sflag:s23] =	ssyncadd.s32 $0xFFFFD880  }
0x136: {  	_ =	sfence.sel $0x180000  }
0x137: {  	[bflag:$0x0] =	sbarrier.arrive $0xFFFF  }
0x138: {  	_ =	strace $0x9000004D  }
0x139: {  	s0 =	stileid.u32;
	[bflag:$0x2] =	sbarrier.arrive $0xFFFF  }
0x13a: {  	p0 =	sne.s32 s0, $0x0;
	s0 =	rddreg [dreg:$0x5]  }
0x13b: {  	s0 =	sadd.s32 @!p0 $0x100000, s0  }
0x13c: {  	[sflag:s0] =	ssyncadd.tile.s32 @!p0 $0x1;
	_ =	shalt  }
.Lfunc_end2:
_tile_overlayer_lowered:
.L_overlay_start_2:
0x13d: {  	(tag) =	ssettag $0x2  }
0x13e: {  	s0 =	rddreg [dreg:$0x0];
	s2 =	stileid.u32  }
0x13f: {  	s1 =	rddreg [dreg:$0x1];
	p0 =	sne.s32 s2, $0x0  }
0x140: {  	s3 =	rddreg [dreg:$0x2];
	[bflag:$0x3] =	sbarrier.arrive $0xFFFF;
	s2 =	simm.s32 @!p0 $0x1C03  }
0x141: {  	[timem:s3], [sflag:s2] =	dma.local @!p0 [hbm:s0], s1  }
0x142: {  	s0 =	simm.s32 @!p0 $0x3  }
0x143: {  	_ =	swait.ge @!p0 [sflag:s0], s1  }
0x144: {  	s1 =	ssub.s32 @!p0 $0x0, s1;
	[sflag:s0] =	ssyncset.done @!p0 $0x0  }
0x145: {  	[sflag:s0] =	ssyncadd.s32 @!p0 s1  }
0x146: {  	[bflag:$0x3] =	sbarrier.arrive $0xFFFF  }
0x147: {  	_ =	shalt  }

// kernel: kernel.8.cloned.1.call-start
scs
__scs_entry_jumppad:
0x0: {  	(pc) =	sbr.rel $0x88, $3  }
0x1: {  	(tag) =	ssettag $0x0;
	lr =	simm.s32 $0x1  }
0x2: {  	[smem:$0x3F94] =	sst lr;
	_ =	strace $0xD0000000  }
0x3: {  	_ = 	snop  }
0x4: {  	_ = 	snop  }
0x5: {  	_ = 	snop  }
0x6: {  	_ = 	snop  }
0x7: {  	_ = 	snop  }
__scs_overlays_trampoline_lowered:
0x8: {  	[smem:$0x3FA3] =	sst s0  }
0x9: {  	[smem:$0x3FA4] =	sst s1  }
0xa: {  	[smem:$0x3FA5] =	sst s2  }
0xb: {  	[smem:$0x3FA6] =	sst s3  }
0xc: {  	[smem:$0x3FA7] =	sst s4  }
0xd: {  	[smem:$0x3FA8] =	sst s5  }
0xe: {  	[smem:$0x3FA9] =	sst s6  }
0xf: {  	[smem:$0x3FAA] =	sst s7  }
0x10: {  	[smem:$0x3FAB] =	sst s8  }
0x11: {  	[smem:$0x3FAC] =	sst s9;
	s0 =	simm.s32 @!p0 $0x0  }
0x12: {  	s1 =	sld [smem:$0x3F92];
	s0 =	simm.s32 @p0 $0x1  }
0x13: {  	[smem:$0x3FAD] =	sst s0;
	s0 =	simm.s32 @!p1 $0x0  }
0x14: {  	s2 =	sld [smem:$0x3F91];
	s0 =	simm.s32 @p1 $0x1  }
0x15: {  	[smem:$0x3FAE] =	sst s0;
	s0 =	simm.s32 @!p2 $0x0  }
0x16: {  	s3 =	sld [smem:$0x3FDB];
	s0 =	simm.s32 @p2 $0x1  }
0x17: {  	s4 =	simm.s32 $0x1BF5;
	[smem:$0x3FB0] =	sst s0  }
0x18: {  	s0 =	sld [smem:$0x3F93];
	_ =	swait.ge [sflag:s4], $0x0  }
0x19: {  	s7 =	sld [smem:$0x3F94]  }
0x1a: {  	s8 =	sadd.s32 $0xFFFFE003, lr  }
0x1b: {  	s9 =	sadd.s32 $0xFFFFFEF7, lr;
	s5 =	simm.s32 $0xFFFFFFFF;
	p2 =	slt.u32 s8, $0xFFFFF086  }
0x1c: {  	p1 =	slt.u32 s9, $0xF7A;
	s5 =	simm.s32 @!p2 $0x0  }
0x1d: {  	s5 =	simm.s32 @p1 $0x1;
	p0 =	seq.s32 s7, s2  }
0x1e: {  	s7 =	smul.u32 @!p0 $0xF7A, s2;
	p2 =	seq.s32 @!p0 s5, $0x0  }
0x1f: {  	s9 =	smul.u32 $0xF7A, s1;
	s8 =	simm.s32 @!p0 $0x1BF5;
	p2 =	por !p2, p0  }
0x20: {  	[sflag:s8] =	ssyncset.s32 @!p0 $0xFFFFF086;
	s6 =	sadd.s32 @!p0 s3, s7;
	s7 =	simm.s32 @!p0 $0x108  }
0x21: {  	s3 =	sadd.s32 s3, s9;
	s6 =	sadd.s32 @!p0 $0x88, s6;
	s7 =	simm.s32 @p2 $0x1082  }
0x22: {  	[simem:s7], [sflag:s8] =	dma.local @!p0 [hbm:s6], $0xF7A  }
0x23: {  	s9 =	sor.u32 $0xD0000000, s2;
	s6 =	simm.s32 $0x108;
	_ =	swait.ge @!p0 [sflag:s8], $0x0  }
0x24: {  	s3 =	sadd.s32 $0x88, s3;
	s6 =	simm.s32 @!p1 $0x1082;
	[sflag:s4] =	ssyncset.s32 $0xFFFFF086  }
0x25: {  	[simem:s6], [sflag:s4] =	dma.local [hbm:s3], $0xF7A  }
0x26: {  	[smem:$0x3F94] =	sst s1;
	(tag) =	ssettag s2;
	_ =	strace s9  }
0x27: {  	s1 =	sld [smem:$0x3FA4]  }
0x28: {  	s2 =	sld [smem:$0x3FA5]  }
0x29: {  	s4 =	sld [smem:$0x3FA7]  }
0x2a: {  	p0 =	seq.s32 s5, $0x0;
	s5 =	sld [smem:$0x3FA8]  }
0x2b: {  	s6 =	sld [smem:$0x3FA9]  }
0x2c: {  	s7 =	sld [smem:$0x3FAA]  }
0x2d: {  	s3 =	simm.s32 $0x108;
	s8 =	sld [smem:$0x3FAB]  }
0x2e: {  	s3 =	simm.s32 @!p0 $0x1082;
	s9 =	sld [smem:$0x3FAC]  }
0x2f: {  	lr =	sadd.s32 s0, s3;
	s0 =	sld [smem:$0x3FA3]  }
0x30: {  	s3 =	sld [smem:$0x3FA6]  }
0x31: {  	[smem:$0x3FAF] =	sst s10  }
0x32: {  	s10 =	sld [smem:$0x3FAD];
	_ =	sdelay $0x3  }
0x33: {  	p0 =	seq.s32 s10, $0x1;
	s10 =	sld [smem:$0x3FAF];
	_ =	sdelay $0x3  }
0x34: {  	[smem:$0x3FAF] =	sst s10  }
0x35: {  	s10 =	sld [smem:$0x3FAE];
	_ =	sdelay $0x3  }
0x36: {  	p1 =	seq.s32 s10, $0x1;
	s10 =	sld [smem:$0x3FAF];
	_ =	sdelay $0x3  }
0x37: {  	[smem:$0x3FAF] =	sst s10  }
0x38: {  	s10 =	sld [smem:$0x3FB0]  }
0x39: {  	_ = 	snop;
	(pc) =	sbr.ind lr, $3  }
0x3a: {  	_ = 	snop  }
0x3b: {  	_ = 	snop  }
0x3c: {  	p2 =	seq.s32 s10, $0x1;
	s10 =	sld [smem:$0x3FAF]  }
0x3d: {  	_ =	shalt  }
0x3e: {  	_ =	shalt  }
0x3f: {  	_ =	shalt  }
0x40: {  	_ =	shalt  }
0x41: {  	_ =	shalt  }
0x42: {  	_ =	shalt  }
0x43: {  	_ =	shalt  }
0x44: {  	_ =	shalt  }
0x45: {  	_ =	shalt  }
0x46: {  	_ =	shalt  }
0x47: {  	_ =	shalt  }
0x48: {  	_ =	shalt  }
0x49: {  	_ =	shalt  }
0x4a: {  	_ =	shalt  }
0x4b: {  	_ =	shalt  }
0x4c: {  	_ =	shalt  }
0x4d: {  	_ =	shalt  }
0x4e: {  	_ =	shalt  }
0x4f: {  	_ =	shalt  }
0x50: {  	_ =	shalt  }
0x51: {  	_ =	shalt  }
0x52: {  	_ =	shalt  }
0x53: {  	_ =	shalt  }
0x54: {  	_ =	shalt  }
0x55: {  	_ =	shalt  }
0x56: {  	_ =	shalt  }
0x57: {  	_ =	shalt  }
0x58: {  	_ =	shalt  }
0x59: {  	_ =	shalt  }
0x5a: {  	_ =	shalt  }
0x5b: {  	_ =	shalt  }
0x5c: {  	_ =	shalt  }
0x5d: {  	_ =	shalt  }
0x5e: {  	_ =	shalt  }
0x5f: {  	_ =	shalt  }
0x60: {  	_ =	shalt  }
0x61: {  	_ =	shalt  }
0x62: {  	_ =	shalt  }
0x63: {  	_ =	shalt  }
0x64: {  	_ =	shalt  }
0x65: {  	_ =	shalt  }
0x66: {  	_ =	shalt  }
0x67: {  	_ =	shalt  }
0x68: {  	_ =	shalt  }
0x69: {  	_ =	shalt  }
0x6a: {  	_ =	shalt  }
0x6b: {  	_ =	shalt  }
0x6c: {  	_ =	shalt  }
0x6d: {  	_ =	shalt  }
0x6e: {  	_ =	shalt  }
0x6f: {  	_ =	shalt  }
0x70: {  	_ =	shalt  }
0x71: {  	_ =	shalt  }
0x72: {  	_ =	shalt  }
0x73: {  	_ =	shalt  }
0x74: {  	_ =	shalt  }
0x75: {  	_ =	shalt  }
0x76: {  	_ =	shalt  }
0x77: {  	_ =	shalt  }
0x78: {  	_ =	shalt  }
0x79: {  	_ =	shalt  }
0x7a: {  	_ =	shalt  }
0x7b: {  	_ =	shalt  }
0x7c: {  	_ =	shalt  }
0x7d: {  	_ =	shalt  }
0x7e: {  	_ =	shalt  }
0x7f: {  	_ =	shalt  }
0x80: {  	_ =	shalt  }
0x81: {  	_ =	shalt  }
0x82: {  	_ =	shalt  }
0x83: {  	_ =	shalt  }
0x84: {  	_ =	shalt  }
0x85: {  	_ =	shalt  }
0x86: {  	_ =	shalt  }
0x87: {  	_ =	shalt  }
.Lfunc_end0:
.L_simem_size_0:
called_computation_lowered:
.L_overlay_start_0:
0x88: {  	s2 =	sld [smem:$0x3FD9]  }
0x89: {  	s3 =	sld [smem:$0x3FFE];
	_ =	sdelay $0x1  }
0x8a: {  	s1 =	srdreg.scid  }
0x8b: {  	s0 =	sand.u32 $0x1, s1  }
0x8c: {  	s14 =	sshll.u32 s0, $0xA;
	s2 =	sadd.s32 s3, s2  }
0x8d: {  	s2 =	sadd.s32 s2, s14  }
0x8e: {  	[smem:$0x3FBB] =	sst s2  }
0x8f: {  	_ = 	snop  }
0x90: {  	s2 =	sld [smem:$0x3FD0];
	_ =	sdelay $0x2  }
0x91: {  	s15 =	simm.s32 $0xA;
	s4 =	simm.s32 $0x10  }
0x92: {  	[smem:s4], [sflag:s15] =	dma.local [hbm:s2], $0x1  }
0x93: {  	_ =	swait.eq [sflag:s15], $0x1  }
0x94: {  	[sflag:s15] =	ssyncset.done $0x0  }
0x95: {  	s16 =	sld [smem:$0x10];
	[sflag:s15] =	ssyncadd.s32 $0xFFFFFFFF  }
0x96: {  	s17 =	sld [smem:$0x14];
	(tm) =	ssettm $0x1  }
0x97: {  	s18 =	sld [smem:$0x3FFB];
	_ =	sdelay $0x3  }
0x98: {  	_ =	strace s18  }
0x99: {  	s4 =	sld [smem:$0x3FFC];
	_ =	sdelay $0x3  }
0x9a: {  	_ =	strace s4  }
0x9b: {  	s4 =	sld [smem:$0x3FFD];
	_ =	sdelay $0x3  }
0x9c: {  	_ =	strace s4  }
0x9d: {  	_ =	strace $0x8FFFFFFF  }
0x9e: {  	s19 =	sld [smem:$0x3FDB];
	_ =	sdelay $0x1  }
0x9f: {  	s5 =	simm.s32 $_scs_section_size  }
0xa0: {  	s6 =	simm.s32 $_size__tile_overlayer_lowered;
	s7 =	simm.s32 $_tile_overlayer_lowered  }
0xa1: {  	s22 =	simm.s32 $0x1BFF;
	s21 =	sshll.u32 s7, $0x1;
	s4 =	sadd.s32 s5, s19  }
0xa2: {  	s8 =	simm.s32 $0x0;
	s20 =	sshll.u32 s6, $0x1;
	s6 =	sadd.s32 s21, s4  }
0xa3: {  	[timem:s8], [sflag:s22] =	dma.local [hbm:s6], s20  }
0xa4: {  	_ =	swait.ge [sflag:s22], s20  }
0xa5: {  	s5 =	ssub.s32 $0x0, s20;
	[sflag:s22] =	ssyncset.done $0x0  }
0xa6: {  	[sflag:s22] =	ssyncadd.s32 s5;
	_ =	sdelay $0x1  }
0xa7: {  	s23 =	simm.s32 $0x1B8B  }
0xa8: {  	_ =	swait.ge [sflag:s23], $0x1  }
0xa9: {  	[sflag:s23] =	ssyncset.done $0x0  }
0xaa: {  	s25 =	simm.s32 $0x1B8E;
	s24 =	sld [smem:$0x3FFE];
	[sflag:s23] =	ssyncadd.s32 $0xFFFFFFFF  }
0xab: {  	s26 =	simm.s32 $execute0_lowered;
	[smem:$0x3FD2] =	sst s25  }
0xac: {  	s6 =	sshll.u32 s26, $0x1;
	_ =	strace $0x80000046;
	[dreg:$0x1] =	wrdreg $0xFFFFFFFF  }
0xad: {  	s28 =	simm.s32 $_size_execute0_lowered;
	s4 =	sadd.s32 s4, s6;
	[dreg:$0x0] =	wrdreg $0x0  }
0xae: {  	s6 =	sshll.u32 s28, $0x1;
	[dreg:$0x2] =	wrdreg s4  }
0xaf: {  	[dreg:$0x3] =	wrdreg s6  }
0xb0: {  	[dreg:$0x4] =	wrdreg $0xC0  }
0xb1: {  	_ =	task [dreg:s8], $0x5FFFF  }
0xb2: {  	[dreg:$0x1] =	wrdreg $0xFFFFFFFF  }
0xb3: {  	[dreg:$0x0] =	wrdreg $0x60  }
0xb4: {  	[dreg:$0x2] =	wrdreg s24  }
0xb5: {  	[dreg:$0x3] =	wrdreg s16  }
0xb6: {  	[dreg:$0x4] =	wrdreg s17  }
0xb7: {  	[dreg:$0x5] =	wrdreg $0x40800  }
0xb8: {  	[dreg:$0x6] =	wrdreg $0x9  }
0xb9: {  	_ =	task.clear_ibuf [dreg:s8], $0x7FFFF;
	_ =	strace $0x90000046  }
0xba: {  	s29 =	simm.s32 $0x9;
	_ =	strace $0x80000048  }
0xbb: {  	_ =	swait.ge [sflag:s29], $0x1  }
0xbc: {  	[sflag:s29] =	ssyncadd.s32 $0xFFFFFFFF  }
0xbd: {  	_ =	strace $0x90000048  }
0xbe: {  	_ =	sfence  }
0xbf: {  	s30 =	sld [smem:$0x0];
	_ =	sdelay $0x2  }
0xc0: {  	s31 =	sshll.u32 s1, $0xD;
	s1 =	sshrl.u32 s1, $0x2  }
0xc1: {  	s3 =	sand.u32 $0x4000, s31;
	s1 =	sadd.s32 s1, s30  }
0xc2: {  	s0 =	sor.u32 s3, s0;
	s1 =	sshll.u32 s1, $0x11  }
0xc3: {  	s0 =	sor.u32 s1, s0  }
0xc4: {  	s0 =	sadd.s32 $0x8F2B, s0  }
0xc5: {  	[sflag:s0] =	ssyncadd.remote.s32 $0x1  }
0xc6: {  	_ =	sfence.sel $0xFFFF  }
0xc7: {  	[dreg:$0x0] =	wrdreg $0xFFFFFFFF;
	(pc) =	sbr.abs _section_cstart, $3  }
0xc8: {  	[dreg:$0x1] =	wrdreg $0xFFFFFFFF  }
0xc9: {  	_ =	task.clear_ibuf [dreg:s8], $0x2FFFF;
	_ =	strace $0x9FFFFFFF  }
0xca: {  	(tm) =	ssettm $0x7FFFFFFF  }
0xcb: {  	_ =	shalt  }
tec
execute0_lowered:
.L_overlay_start_1:
0x0: {  	(tag) =	ssettag $0x1  }
0x1: {  	s4 =	rddreg [dreg:$0x0]  }
0x2: {  	s5 =	rddreg [dreg:$0x1]  }
0x3: {  	s6 =	rddreg [dreg:$0x2]  }
0x4: {  	s1 =	rddreg [dreg:$0x3]  }
0x5: {  	s0 =	rddreg [dreg:$0x4];
	s3 =	simm.s32 $0x0  }
0x6: {  	s7 =	srdreg.scid;
	s2 =	stileid.u32;
	s12 =	simm.s32 $0x4000  }
0x7: {  	s13 =	simm.s32 $0x1;
	s14 =	simm.s32 $0x0;
	[smem:$0x7FF] =	sst s3  }
0x8: {  	s7 =	sand.u32 $0x1, s7;
	s8 =	smul.u32 $0x280, s2;
	s11 =	sshll.u32 s2, $0xC  }
0x9: {  	s31 =	sshll.u32 s2, $0x6;
	_ =	strace $0x80000047;
	s9 =	sshll.u32 s7, $0xB  }
0xa: {  	s10 =	ssub.s32 $0x2, s7;
	s7 =	smul.u32 $0x2800, s7;
	s4 =	sadd.s32 s9, s4  }
0xb: {  	s28 =	sshrl.u32 s10, $0x1;
	s29 =	sshrl.u32 s8, $0x3;
	s30 =	sadd.s32 s8, s1  }
0xc: {  	s9 =	ssub.s32 s10, s28;
	s4 =	sadd.s32 s11, s4;
	s7 =	sadd.s32 s8, s7  }
0xd: {  	s5 =	sadd.s32 s5, s29;
	s8 =	simm.s32 $0x2;
	s10 =	sshrl.u32 s30, $0x3  }
0xe: {  	s11 =	simm.s32 $0x50;
	s4 =	sadd.s32 $0x5600, s4;
	s7 =	sshrl.u32 s7, $0x3  }
0xf: {  	v0 =	vimm.f32 $1.000000000e+00;
	s6 =	sadd.s32 s6, s7;
	s7 =	smax.u32 s9, $0x1;
	s9 =	sor.u32 $0x1C02, s31  }
.LBB2_1:
0x10: {  	[tilespmem:$0x4000] =	vst v0  }
0x11: {  	[tilespmem:$0x4010] =	vst v0  }
0x12: {  	[tilespmem:$0x4020] =	vst v0  }
0x13: {  	[tilespmem:$0x4030] =	vst v0  }
0x14: {  	[tilespmem:$0x4040] =	vst v0  }
0x15: {  	[tilespmem:s3], [sflag:$0x2] =	stream.linear.gather [hbm4b:s4+s3], $0x4000, $0x38;
	[tilespmem:$0x4300] =	vst v63  }
0x16: {  	_ =	swait.ge [sflag:s8], $0x4000  }
0x17: {  	[sflag:s8] =	ssyncset.done $0x0  }
0x18: {  	[sflag:s8] =	ssyncadd.s32 $0xFFFFC000  }
0x19: {  	[spmem:s10], [sflag:s9] =	dma.local [hbm:s5], $0x50  }
0x1a: {  	_ =	swait.ge [sflag:s8], $0x50  }
0x1b: {  	[sflag:s8] =	ssyncset.done $0x0  }
0x1c: {  	[sflag:s8] =	ssyncadd.s32 $0xFFFFFFB0  }
0x1d: {  	s15 =	simm.s32 $0x0;
	[bflag:$0x0] =	sbarrier.arrive $0xFFFF  }
0x1e: {  	[spmem:s1] =	stream.indirect.scatter.add.f32 [tilespmem:s12], [sflag:$0x1], $0x1, s15, s11, $0xb8;
	[tilespmem:$0x4300] =	vst v63  }
0x1f: {  	s24 =	simm.s32 $0x80  }
0x20: {  	[spmem:s1] =	stream.indirect.scatter.add.f32 [tilespmem:s12], [sflag:$0x1], $0x1, s24, s11, $0xb8;
	[tilespmem:$0x4300] =	vst v63  }
0x21: {  	s25 =	simm.s32 $0x100  }
0x22: {  	[spmem:s1] =	stream.indirect.scatter.add.f32 [tilespmem:s12], [sflag:$0x1], $0x1, s25, s11, $0xb8;
	[tilespmem:$0x4300] =	vst v63  }
0x23: {  	s26 =	simm.s32 $0x180  }
0x24: {  	[spmem:s1] =	stream.indirect.scatter.add.f32 [tilespmem:s12], [sflag:$0x1], $0x1, s26, s11, $0xb8;
	[tilespmem:$0x4300] =	vst v63  }
0x25: {  	s28 =	simm.s32 $0x200  }
0x26: {  	[spmem:s1] =	stream.indirect.scatter.add.f32 [tilespmem:s12], [sflag:$0x1], $0x1, s28, s11, $0xb8;
	[tilespmem:$0x4300] =	vst v63  }
0x27: {  	s29 =	simm.s32 $0x280  }
0x28: {  	[spmem:s1] =	stream.indirect.scatter.add.f32 [tilespmem:s12], [sflag:$0x1], $0x1, s29, s11, $0xb8;
	[tilespmem:$0x4300] =	vst v63  }
0x29: {  	s30 =	simm.s32 $0x300  }
0x2a: {  	[spmem:s1] =	stream.indirect.scatter.add.f32 [tilespmem:s12], [sflag:$0x1], $0x1, s30, s11, $0xb8;
	[tilespmem:$0x4300] =	vst v63  }
0x2b: {  	s31 =	simm.s32 $0x380  }
0x2c: {  	[spmem:s1] =	stream.indirect.scatter.add.f32 [tilespmem:s12], [sflag:$0x1], $0x1, s31, s11, $0xb8;
	[tilespmem:$0x4300] =	vst v63  }
0x2d: {  	_ =	swait.ge [sflag:s13], $0x50  }
0x2e: {  	[sflag:s13] =	ssyncset.done $0x0  }
0x2f: {  	[sflag:s13] =	ssyncadd.s32 $0xFFFFFFB0  }
0x30: {  	_ =	swait.ge [sflag:s13], $0x50  }
0x31: {  	[sflag:s13] =	ssyncset.done $0x0  }
0x32: {  	[sflag:s13] =	ssyncadd.s32 $0xFFFFFFB0  }
0x33: {  	_ =	swait.ge [sflag:s13], $0x50  }
0x34: {  	[sflag:s13] =	ssyncset.done $0x0  }
0x35: {  	[sflag:s13] =	ssyncadd.s32 $0xFFFFFFB0  }
0x36: {  	_ =	swait.ge [sflag:s13], $0x50  }
0x37: {  	[sflag:s13] =	ssyncset.done $0x0  }
0x38: {  	[sflag:s13] =	ssyncadd.s32 $0xFFFFFFB0  }
0x39: {  	_ =	swait.ge [sflag:s13], $0x50  }
0x3a: {  	[sflag:s13] =	ssyncset.done $0x0  }
0x3b: {  	[sflag:s13] =	ssyncadd.s32 $0xFFFFFFB0  }
0x3c: {  	_ =	swait.ge [sflag:s13], $0x50  }
0x3d: {  	[sflag:s13] =	ssyncset.done $0x0  }
0x3e: {  	[sflag:s13] =	ssyncadd.s32 $0xFFFFFFB0  }
0x3f: {  	_ =	swait.ge [sflag:s13], $0x50  }
0x40: {  	[sflag:s13] =	ssyncset.done $0x0  }
0x41: {  	[sflag:s13] =	ssyncadd.s32 $0xFFFFFFB0  }
0x42: {  	_ =	swait.ge [sflag:s13], $0x50  }
0x43: {  	s17 =	simm.s32 $0x2000;
	s15 =	simm.s32 $0x1000;
	[sflag:s13] =	ssyncset.done $0x0  }
.LBB2_2:
0x44: {  	s18 =	sshra.s32 s15, $0x2  }
0x45: {  	[sflag:s13] =	ssyncadd.s32 $0xFFFFFFB0;
	s15 =	smov.u32 s17;
	s16 =	sadd.s32 $0x1000, s17  }
0x46: {  	[spmem:s1] =	stream.indirect.scatter.add.f32 [tilespmem:s12], [sflag:$0x1], $0x1, s18, s11, $0xb8;
	[tilespmem:$0x4300] =	vst v63  }
0x47: {  	p0 =	sne.s32 s17, $0xF000;
	s17 =	sadd.s32 $0x80, s18  }
0x48: {  	[spmem:s1] =	stream.indirect.scatter.add.f32 [tilespmem:s12], [sflag:$0x1], $0x1, s17, s11, $0xb8;
	[tilespmem:$0x4300] =	vst v63  }
0x49: {  	s17 =	sadd.s32 $0x100, s18  }
0x4a: {  	[spmem:s1] =	stream.indirect.scatter.add.f32 [tilespmem:s12], [sflag:$0x1], $0x1, s17, s11, $0xb8;
	[tilespmem:$0x4300] =	vst v63  }
0x4b: {  	s17 =	sadd.s32 $0x180, s18  }
0x4c: {  	[spmem:s1] =	stream.indirect.scatter.add.f32 [tilespmem:s12], [sflag:$0x1], $0x1, s17, s11, $0xb8;
	[tilespmem:$0x4300] =	vst v63  }
0x4d: {  	s17 =	sadd.s32 $0x200, s18  }
0x4e: {  	[spmem:s1] =	stream.indirect.scatter.add.f32 [tilespmem:s12], [sflag:$0x1], $0x1, s17, s11, $0xb8;
	[tilespmem:$0x4300] =	vst v63  }
0x4f: {  	s17 =	sadd.s32 $0x280, s18  }
0x50: {  	[spmem:s1] =	stream.indirect.scatter.add.f32 [tilespmem:s12], [sflag:$0x1], $0x1, s17, s11, $0xb8;
	[tilespmem:$0x4300] =	vst v63  }
0x51: {  	s17 =	sadd.s32 $0x300, s18  }
0x52: {  	[spmem:s1] =	stream.indirect.scatter.add.f32 [tilespmem:s12], [sflag:$0x1], $0x1, s17, s11, $0xb8;
	[tilespmem:$0x4300] =	vst v63  }
0x53: {  	s17 =	sadd.s32 $0x380, s18  }
0x54: {  	[spmem:s1] =	stream.indirect.scatter.add.f32 [tilespmem:s12], [sflag:$0x1], $0x1, s17, s11, $0xb8;
	[tilespmem:$0x4300] =	vst v63  }
0x55: {  	_ =	swait.ge [sflag:s13], $0x50  }
0x56: {  	[sflag:s13] =	ssyncset.done $0x0  }
0x57: {  	[sflag:s13] =	ssyncadd.s32 $0xFFFFFFB0  }
0x58: {  	_ =	swait.ge [sflag:s13], $0x50  }
0x59: {  	[sflag:s13] =	ssyncset.done $0x0  }
0x5a: {  	[sflag:s13] =	ssyncadd.s32 $0xFFFFFFB0  }
0x5b: {  	_ =	swait.ge [sflag:s13], $0x50  }
0x5c: {  	[sflag:s13] =	ssyncset.done $0x0  }
0x5d: {  	[sflag:s13] =	ssyncadd.s32 $0xFFFFFFB0  }
0x5e: {  	_ =	swait.ge [sflag:s13], $0x50  }
0x5f: {  	[sflag:s13] =	ssyncset.done $0x0  }
0x60: {  	[sflag:s13] =	ssyncadd.s32 $0xFFFFFFB0  }
0x61: {  	_ =	swait.ge [sflag:s13], $0x50  }
0x62: {  	[sflag:s13] =	ssyncset.done $0x0  }
0x63: {  	[sflag:s13] =	ssyncadd.s32 $0xFFFFFFB0  }
0x64: {  	_ =	swait.ge [sflag:s13], $0x50  }
0x65: {  	[sflag:s13] =	ssyncset.done $0x0  }
0x66: {  	[sflag:s13] =	ssyncadd.s32 $0xFFFFFFB0  }
.Ltmp0:
0x67: {  	_ =	swait.ge [sflag:s13], $0x50;
	(pc) =	sbr.rel @p0 .LBB2_2-.Ltmp0, $4  }
0x68: {  	[sflag:s13] =	ssyncset.done $0x0  }
0x69: {  	[sflag:s13] =	ssyncadd.s32 $0xFFFFFFB0  }
0x6a: {  	_ =	swait.ge [sflag:s13], $0x50  }
0x6b: {  	s17 =	smov.u32 s16;
	[sflag:s13] =	ssyncset.done $0x0  }
0x6c: {  	s15 =	sshra.s32 s15, $0x2;
	[sflag:s13] =	ssyncadd.s32 $0xFFFFFFB0  }
0x6d: {  	[spmem:s1] =	stream.indirect.scatter.add.f32 [tilespmem:s12], [sflag:$0x1], $0x1, s15, s11, $0xb8;
	[tilespmem:$0x4300] =	vst v63  }
0x6e: {  	s16 =	sadd.s32 $0x80, s15  }
0x6f: {  	[spmem:s1] =	stream.indirect.scatter.add.f32 [tilespmem:s12], [sflag:$0x1], $0x1, s16, s11, $0xb8;
	[tilespmem:$0x4300] =	vst v63  }
0x70: {  	s26 =	sadd.s32 $0x100, s15  }
0x71: {  	[spmem:s1] =	stream.indirect.scatter.add.f32 [tilespmem:s12], [sflag:$0x1], $0x1, s26, s11, $0xb8;
	[tilespmem:$0x4300] =	vst v63  }
0x72: {  	s28 =	sadd.s32 $0x180, s15  }
0x73: {  	[spmem:s1] =	stream.indirect.scatter.add.f32 [tilespmem:s12], [sflag:$0x1], $0x1, s28, s11, $0xb8;
	[tilespmem:$0x4300] =	vst v63  }
0x74: {  	s29 =	sadd.s32 $0x200, s15  }
0x75: {  	[spmem:s1] =	stream.indirect.scatter.add.f32 [tilespmem:s12], [sflag:$0x1], $0x1, s29, s11, $0xb8;
	[tilespmem:$0x4300] =	vst v63  }
0x76: {  	s30 =	sadd.s32 $0x280, s15  }
0x77: {  	[spmem:s1] =	stream.indirect.scatter.add.f32 [tilespmem:s12], [sflag:$0x1], $0x1, s30, s11, $0xb8;
	[tilespmem:$0x4300] =	vst v63  }
0x78: {  	s31 =	sadd.s32 $0x300, s15  }
0x79: {  	[spmem:s1] =	stream.indirect.scatter.add.f32 [tilespmem:s12], [sflag:$0x1], $0x1, s31, s11, $0xb8;
	[tilespmem:$0x4300] =	vst v63  }
0x7a: {  	s15 =	sadd.s32 $0x380, s15  }
0x7b: {  	[spmem:s1] =	stream.indirect.scatter.add.f32 [tilespmem:s12], [sflag:$0x1], $0x1, s15, s11, $0xb8;
	[tilespmem:$0x4300] =	vst v63  }
0x7c: {  	_ =	swait.ge [sflag:s13], $0x50  }
0x7d: {  	[sflag:s13] =	ssyncset.done $0x0  }
0x7e: {  	[sflag:s13] =	ssyncadd.s32 $0xFFFFFFB0  }
0x7f: {  	_ =	swait.ge [sflag:s13], $0x50  }
0x80: {  	[sflag:s13] =	ssyncset.done $0x0  }
0x81: {  	[sflag:s13] =	ssyncadd.s32 $0xFFFFFFB0  }
0x82: {  	_ =	swait.ge [sflag:s13], $0x50  }
0x83: {  	[sflag:s13] =	ssyncset.done $0x0  }
0x84: {  	[sflag:s13] =	ssyncadd.s32 $0xFFFFFFB0  }
0x85: {  	_ =	swait.ge [sflag:s13], $0x50  }
0x86: {  	[sflag:s13] =	ssyncset.done $0x0  }
0x87: {  	[sflag:s13] =	ssyncadd.s32 $0xFFFFFFB0  }
0x88: {  	_ =	swait.ge [sflag:s13], $0x50  }
0x89: {  	[sflag:s13] =	ssyncset.done $0x0  }
0x8a: {  	[sflag:s13] =	ssyncadd.s32 $0xFFFFFFB0  }
0x8b: {  	_ =	swait.ge [sflag:s13], $0x50  }
0x8c: {  	[sflag:s13] =	ssyncset.done $0x0  }
0x8d: {  	[sflag:s13] =	ssyncadd.s32 $0xFFFFFFB0  }
0x8e: {  	_ =	swait.ge [sflag:s13], $0x50  }
0x8f: {  	[sflag:s13] =	ssyncset.done $0x0  }
0x90: {  	[sflag:s13] =	ssyncadd.s32 $0xFFFFFFB0  }
0x91: {  	_ =	swait.ge [sflag:s13], $0x50  }
0x92: {  	s14 =	sadd.s32 $0x1, s14;
	[sflag:s13] =	ssyncset.done $0x0  }
0x93: {  	p0 =	sne.s32 s14, s7;
	[sflag:s13] =	ssyncadd.s32 $0xFFFFFFB0  }
.Ltmp1:
0x94: {  	[bflag:$0x0] =	sbarrier.arrive $0xFFFF;
	(pc) =	sbr.rel @p0 .LBB2_1-.Ltmp1, $4  }
0x95: {  	[hbm:s6], [sflag:s9] =	dma.local [spmem:s10], $0x50  }
0x96: {  	_ =	swait.ge [sflag:s8], $0x50  }
0x97: {  	[sflag:s8] =	ssyncset.done $0x0  }
0x98: {  	[sflag:s8] =	ssyncadd.s32 $0xFFFFFFB0  }
0x99: {  	_ =	sfence.sel $0x180000  }
0x9a: {  	[bflag:$0x0] =	sbarrier.arrive $0xFFFF  }
0x9b: {  	p0 =	sne.s32 s2, $0x0;
	_ =	strace $0x90000047  }
0x9c: {  	s0 =	sadd.s32 @!p0 $0x100000, s0;
	[bflag:$0x2] =	sbarrier.arrive $0xFFFF  }
0x9d: {  	[sflag:s0] =	ssyncadd.tile.s32 @!p0 $0x1;
	_ =	shalt  }
.Lfunc_end2:
_tile_overlayer_lowered:
.L_overlay_start_2:
0x9e: {  	(tag) =	ssettag $0x2  }
0x9f: {  	s0 =	rddreg [dreg:$0x0];
	s2 =	stileid.u32  }
0xa0: {  	s1 =	rddreg [dreg:$0x1];
	p0 =	sne.s32 s2, $0x0  }
0xa1: {  	s3 =	rddreg [dreg:$0x2];
	[bflag:$0x3] =	sbarrier.arrive $0xFFFF;
	s2 =	simm.s32 @!p0 $0x1C02  }
0xa2: {  	[timem:s3], [sflag:s2] =	dma.local @!p0 [hbm:s0], s1  }
0xa3: {  	s0 =	simm.s32 @!p0 $0x2  }
0xa4: {  	_ =	swait.ge @!p0 [sflag:s0], s1  }
0xa5: {  	s1 =	ssub.s32 @!p0 $0x0, s1;
	[sflag:s0] =	ssyncset.done @!p0 $0x0  }
0xa6: {  	[sflag:s0] =	ssyncadd.s32 @!p0 s1  }
0xa7: {  	[bflag:$0x3] =	sbarrier.arrive $0xFFFF  }
0xa8: {  	_ =	shalt  }

</sc_bundles>
